<compile_context>
chip_gen: v7x
topology: tpu7x:2x2x1
jax: 0.10.2.dev20260603
libtpu: 0.0.44.dev20260713+nightly
codegen_flags: <defaults>
</compile_context>

<pallas_src>
import functools

import jax
import jax.numpy as jnp
from jax import lax
from jax.experimental import pallas as pl
from jax.experimental.pallas import tpu as pltpu
from jax.experimental.pallas import tpu_sc as plsc

N = 10000
E = 320000
F_IN = 128
H = 64
B = 64

EP = E + N
NC = 2
NS = 16
NW = NC * NS
CHUNK = 128
NCHUNK = 2 * (-(-EP // (NW * CHUNK * 2)))
EPT = NCHUNK * CHUNK
EPAD = EPT * NW
WROW = 80
NR = 624
NRLAST = N - 15 * NR
RZ = 208

_f32 = jnp.float32
_i32 = jnp.int32


def _tc_lin_body(x_ref, wl_ref, wr_ref, xl_ref, xr_ref):
    xb = x_ref[...].astype(jnp.bfloat16)
    xl_ref[...] = jnp.dot(xb, wl_ref[...].astype(jnp.bfloat16),
                          preferred_element_type=_f32)
    xr_ref[...] = jnp.dot(xb, wr_ref[...].astype(jnp.bfloat16),
                          preferred_element_type=_f32)


def _tc_lin(x, wl, wr):
    n, f = x.shape
    blk = 1000
    return pl.pallas_call(
        _tc_lin_body,
        grid=(n // blk,),
        in_specs=[
            pl.BlockSpec((blk, f), lambda i: (i, 0)),
            pl.BlockSpec((f, H), lambda i: (0, 0)),
            pl.BlockSpec((f, H), lambda i: (0, 0)),
        ],
        out_specs=[
            pl.BlockSpec((blk, H), lambda i: (i, 0)),
            pl.BlockSpec((blk, H), lambda i: (i, 0)),
        ],
        out_shape=[
            jax.ShapeDtypeStruct((n, H), _f32),
            jax.ShapeDtypeStruct((n, H), _f32),
        ],
    )(x, wl, wr)


def _sc_edge_body(xl_hbm, xr_hbm, src_hbm, dst_hbm, att_hbm, out_hbm,
                  att_v, sidxa, didxa, sidxb, didxb, ua, va, ub, vb, wa, wb,
                  zbuf, acc_sp, ga1, ga2, gb1, gb2, sca, scb):
    c = lax.axis_index("c")
    sid = lax.axis_index("s")
    wid = sid * NC + c

    iota = lax.iota(_i32, 16)
    cols = [iota + 16 * k for k in range(5)]

    def zrow(j, carry):
        rowj = jnp.full((16,), j, _i32)
        zero = jnp.zeros((16,), _f32)
        for k in range(5):
            plsc.store_scatter(zbuf, [rowj, cols[k]], zero)
        return carry

    lax.fori_loop(0, RZ, zrow, 0)
    r0 = sid * NR
    for q in range(NR // RZ):
        pltpu.sync_copy(zbuf, acc_sp.at[pl.ds(r0 + q * RZ, RZ)])

    @pl.when(sid == NS - 1)
    def _zero_tail():
        for q in range(-(-(NRLAST - NR) // RZ)):
            nrows = min(RZ, NRLAST - NR - q * RZ)
            pltpu.sync_copy(zbuf.at[pl.ds(0, nrows)],
                            acc_sp.at[pl.ds(15 * NR + NR + q * RZ, nrows)])

    plsc.subcore_barrier()

    pltpu.sync_copy(att_hbm, att_v)
    att_regs = [att_v[pl.ds(16 * k, 16)] for k in range(4)]

    def prefetch(t, sidx, didx, u, v, g1, g2):
        base = wid * EPT + t * CHUNK
        pltpu.sync_copy(src_hbm.at[pl.ds(base, CHUNK)], sidx)
        pltpu.sync_copy(dst_hbm.at[pl.ds(base, CHUNK)], didx)
        pltpu.async_copy(xl_hbm.at[sidx], u, g1)
        pltpu.async_copy(xr_hbm.at[didx], v, g2)

    def compute(t, u, v, w):
        base = wid * EPT + t * CHUNK

        @plsc.parallel_loop(0, CHUNK, unroll=4)
        def edge_body(i):
            rowi = jnp.full((16,), i, _i32)
            us = [plsc.load_gather(u, [rowi, cols[k]]) for k in range(4)]
            acc = jnp.zeros((16,), _f32)
            for k in range(4):
                vk = plsc.load_gather(v, [rowi, cols[k]])
                h = us[k] + vk
                lr = jnp.maximum(h, 0.0) + 0.2 * jnp.minimum(h, 0.0)
                lb = lax.bitcast_convert_type(lr, _i32)
                lb = lb + 32767 + ((lb >> 16) & 1)
                lr = lax.bitcast_convert_type(lb & _i32(-65536), _f32)
                acc = acc + att_regs[k] * lr
            tot = jnp.sum(acc)
            ok = (base + i) < EP
            scale = jnp.where(ok, 1.0, 0.0).astype(_f32)
            sb = jnp.exp(jnp.broadcast_to(tot, (16,))) * scale
            for k in range(4):
                plsc.store_scatter(w, [rowi, cols[k]], us[k] * sb)
            plsc.store_scatter(w, [rowi, cols[4]], sb)

    JMAX = NCHUNK // 2
    prefetch(0, sidxa, didxa, ua, va, ga1, ga2)
    prefetch(1, sidxb, didxb, ub, vb, gb1, gb2)

    def pair_body(j, carry):
        for (t0, sidx, didx, u, v, w, g1, g2, sc) in (
            (2 * j, sidxa, didxa, ua, va, wa, ga1, ga2, sca),
            (2 * j + 1, sidxb, didxb, ub, vb, wb, gb1, gb2, scb),
        ):
            pltpu.make_async_copy(xl_hbm.at[sidx], u, g1).wait()
            pltpu.make_async_copy(xr_hbm.at[didx], v, g2).wait()

            @pl.when(j > 0)
            def _wait_prev_scatter():
                pltpu.make_async_copy(w, acc_sp.at[didx], sc).wait()

            compute(t0, u, v, w)
            pltpu.async_copy(w, acc_sp.at[didx], sc, add=True)

            @pl.when(j < JMAX - 1)
            def _next():
                prefetch(t0 + 2, sidx, didx, u, v, g1, g2)

        return carry

    lax.fori_loop(0, JMAX, pair_body, 0)
    pltpu.make_async_copy(wa, acc_sp.at[didxa], sca).wait()
    pltpu.make_async_copy(wb, acc_sp.at[didxb], scb).wait()

    plsc.subcore_barrier()
    pltpu.sync_copy(acc_sp.at[pl.ds(r0, NR)], out_hbm.at[c, pl.ds(r0, NR)])

    @pl.when(sid == NS - 1)
    def _dump_tail():
        t0 = 16 * NR
        pltpu.sync_copy(acc_sp.at[pl.ds(t0, NRLAST - NR)],
                        out_hbm.at[c, pl.ds(t0, NRLAST - NR)])


def _sc_edge(xl, xr, src, dst, att):
    mesh = plsc.VectorSubcoreMesh(core_axis_name="c", subcore_axis_name="s")
    fn = pl.kernel(
        _sc_edge_body,
        out_type=jax.ShapeDtypeStruct((NC, N, WROW), _f32),
        mesh=mesh,
        compiler_params=pltpu.CompilerParams(
            needs_layout_passes=False, use_tc_tiling_on_sc=False),
        scratch_types=[
            pltpu.VMEM((H,), _f32),
            pltpu.VMEM((CHUNK,), _i32),
            pltpu.VMEM((CHUNK,), _i32),
            pltpu.VMEM((CHUNK,), _i32),
            pltpu.VMEM((CHUNK,), _i32),
            pltpu.VMEM((CHUNK, H), _f32),
            pltpu.VMEM((CHUNK, H), _f32),
            pltpu.VMEM((CHUNK, H), _f32),
            pltpu.VMEM((CHUNK, H), _f32),
            pltpu.VMEM((CHUNK, WROW), _f32),
            pltpu.VMEM((CHUNK, WROW), _f32),
            pltpu.VMEM((RZ, WROW), _f32),
            pltpu.VMEM_SHARED((N, WROW), _f32),
            pltpu.SemaphoreType.DMA,
            pltpu.SemaphoreType.DMA,
            pltpu.SemaphoreType.DMA,
            pltpu.SemaphoreType.DMA,
            pltpu.SemaphoreType.DMA,
            pltpu.SemaphoreType.DMA,
        ],
    )
    return fn(xl, xr, src, dst, att)


def _tc_mid_body(acc_ref, b_ref, wl_ref, wr_ref, xl_ref, xr_ref):
    acc = acc_ref[...]
    msg = acc[0, :, :H] + acc[1, :, :H]
    den = acc[0, :, H] + acc[1, :, H]
    hid = jnp.maximum(msg / den[:, None] + b_ref[...], 0.0)
    hidb = hid.astype(jnp.bfloat16)
    xl_ref[...] = jnp.dot(hidb, wl_ref[...].astype(jnp.bfloat16),
                          preferred_element_type=_f32)
    xr_ref[...] = jnp.dot(hidb, wr_ref[...].astype(jnp.bfloat16),
                          preferred_element_type=_f32)


def _tc_mid(acc, bvec, wl, wr):
    blk = 1000
    return pl.pallas_call(
        _tc_mid_body,
        grid=(N // blk,),
        in_specs=[
            pl.BlockSpec((NC, blk, WROW), lambda i: (0, i, 0)),
            pl.BlockSpec((1, H), lambda i: (0, 0)),
            pl.BlockSpec((H, H), lambda i: (0, 0)),
            pl.BlockSpec((H, H), lambda i: (0, 0)),
        ],
        out_specs=[
            pl.BlockSpec((blk, H), lambda i: (i, 0)),
            pl.BlockSpec((blk, H), lambda i: (i, 0)),
        ],
        out_shape=[
            jax.ShapeDtypeStruct((N, H), _f32),
            jax.ShapeDtypeStruct((N, H), _f32),
        ],
    )(acc, bvec, wl, wr)


def _tc_final_body(acc_ref, b_ref, batch_ref, wout_ref, bout_ref, out_ref):
    acc = acc_ref[...]
    msg = acc[0, :, :H] + acc[1, :, :H]
    den = acc[0, :, H] + acc[1, :, H]
    hid = jnp.maximum(msg / den[:, None] + b_ref[...], 0.0)
    bi = batch_ref[...]

    def body(bb, pooled):
        mask = bi == bb
        row = jnp.max(jnp.where(mask, hid, -jnp.inf), axis=0)
        sel = lax.broadcasted_iota(_i32, (B, H), 0) == bb
        return jnp.where(sel, row[None, :], pooled)

    pooled = lax.fori_loop(0, B, body, jnp.full((B, H), -jnp.inf, _f32))
    pooled = jnp.where(jnp.isfinite(pooled), pooled, 0.0)
    out_ref[...] = (
        jnp.dot(pooled.astype(jnp.bfloat16),
                wout_ref[...].astype(jnp.bfloat16),
                preferred_element_type=_f32)
        + bout_ref[...]
    )


def _tc_final(acc, bvec, batch2d, wout, bout):
    return pl.pallas_call(
        _tc_final_body,
        grid=(1,),
        in_specs=[
            pl.BlockSpec((NC, N, WROW), lambda i: (0, 0, 0)),
            pl.BlockSpec((1, H), lambda i: (0, 0)),
            pl.BlockSpec((N, 1), lambda i: (0, 0)),
            pl.BlockSpec((H, 1), lambda i: (0, 0)),
            pl.BlockSpec((1, 1), lambda i: (0, 0)),
        ],
        out_specs=pl.BlockSpec((B, 1), lambda i: (0, 0)),
        out_shape=jax.ShapeDtypeStruct((B, 1), _f32),
    )(acc, bvec, batch2d, wout, bout)


def kernel(x, edge_index, batch_index, W_l1, W_r1, att1, b1,
           W_l2, W_r2, att2, b2, W_out, b_out):
    loop = jnp.arange(N, dtype=_i32)
    padlen = EPAD - EP
    zpad = jnp.zeros((padlen,), _i32)
    src = jnp.concatenate([edge_index[0], loop, zpad])
    dst = jnp.concatenate([edge_index[1], loop, zpad])

    att1r = att1.astype(jnp.bfloat16).astype(_f32)
    att2r = att2.astype(jnp.bfloat16).astype(_f32)
    xl1, xr1 = _tc_lin(x, W_l1, W_r1)
    acc1 = _sc_edge(xl1, xr1, src, dst, att1r)
    xl2, xr2 = _tc_mid(acc1, b1.reshape(1, H), W_l2, W_r2)
    acc2 = _sc_edge(xl2, xr2, src, dst, att2r)
    out = _tc_final(acc2, b2.reshape(1, H), batch_index.reshape(N, 1),
                    W_out, b_out.reshape(1, 1))
    return out

# --- scband reference (transcript-rebuilt; emitter-appended) ---
"""Pipeline reference for scband-esolnet-14723147891348 (READ-ONLY COPY).

The authoritative reference and input builder live on the scoring server;
editing this copy changes nothing except your own understanding.
"""

import jax, jax.numpy as jnp
import numpy as np

N = 10000
E = 320000
F_IN = 128
H = 64
B = 64


def _glorot(key, shape):
    fan_in, fan_out = shape[0], shape[-1]
    lim = (6.0 / (fan_in + fan_out)) ** 0.5
    return jax.random.uniform(key, shape, dtype=jnp.float32, minval=-lim, maxval=lim)


def setup_inputs(seed: int = 0) -> dict:
    key = jax.random.key(seed)
    ks = jax.random.split(key, 16)
    x = jax.random.normal(ks[0], (N, F_IN), dtype=jnp.float32)
    edge_index = jax.random.randint(ks[1], (2, E), 0, N, dtype=jnp.int32)
    batch_index = jnp.sort(jax.random.randint(ks[2], (N,), 0, B, dtype=jnp.int32))
    # GATv2Conv layer 1 (in=128, out=64, heads=1)
    W_l1 = _glorot(ks[3], (F_IN, H))
    W_r1 = _glorot(ks[4], (F_IN, H))
    att1 = _glorot(ks[5], (H,))
    b1 = jnp.zeros((H,), dtype=jnp.float32)
    # GATv2Conv layer 2 (in=64, out=64, heads=1)
    W_l2 = _glorot(ks[6], (H, H))
    W_r2 = _glorot(ks[7], (H, H))
    att2 = _glorot(ks[8], (H,))
    b2 = jnp.zeros((H,), dtype=jnp.float32)
    # final Linear(64, 1)
    W_out = _glorot(ks[9], (H, 1))
    b_out = jnp.zeros((1,), dtype=jnp.float32)
    return {"x": x, "edge_index": edge_index, "batch_index": batch_index,
            "W_l1": W_l1, "W_r1": W_r1, "att1": att1, "b1": b1,
            "W_l2": W_l2, "W_r2": W_r2, "att2": att2, "b2": b2,
            "W_out": W_out, "b_out": b_out}


def _gatv2_conv(x, edge_index, W_l, W_r, att, bias, num_nodes):
    # PyG GATv2Conv, heads=1, concat=True, negative_slope=0.2, add_self_loops=True
    src = edge_index[0]
    dst = edge_index[1]
    loop = jnp.arange(num_nodes, dtype=src.dtype)
    src = jnp.concatenate([src, loop])
    dst = jnp.concatenate([dst, loop])
    x_l = x @ W_l  # messages come from lin_l(source)
    x_r = x @ W_r  # target side uses lin_r
    h = x_l[src] + x_r[dst]
    h = jax.nn.leaky_relu(h, negative_slope=0.2)
    e = h @ att  # [E'] attention logits
    # softmax over incoming edges per dst node
    e_max = jax.ops.segment_max(e, dst, num_segments=num_nodes)
    e_max = jnp.where(jnp.isfinite(e_max), e_max, 0.0)
    ex = jnp.exp(e - e_max[dst])
    denom = jax.ops.segment_sum(ex, dst, num_segments=num_nodes)
    alpha = ex / (denom[dst] + 1e-16)
    out = jax.ops.segment_sum(x_l[src] * alpha[:, None], dst, num_segments=num_nodes)
    return out + bias


def reference(x, edge_index, batch_index, W_l1, W_r1, att1, b1, W_l2, W_r2, att2, b2, W_out, b_out):
    hidden = _gatv2_conv(x, edge_index, W_l1, W_r1, att1, b1, N)
    hidden = jax.nn.relu(hidden)
    # dropout is identity in eval mode
    hidden = _gatv2_conv(hidden, edge_index, W_l2, W_r2, att2, b2, N)
    hidden = jax.nn.relu(hidden)
    # global max pool over each graph in the batch
    pooled = jax.ops.segment_max(hidden, batch_index, num_segments=B)
    pooled = jnp.where(jnp.isfinite(pooled), pooled, 0.0)
    out = pooled @ W_out + b_out
    return out

if __name__ == "__main__":
    import jax
    _d = setup_inputs()
    print(jax.jit(kernel)(*tuple(_d.values())))

</pallas_src>

<mosaic_0001>
#map = affine_map<(d0, d1) -> (0, 0)>
#map1 = affine_map<(d0, d1) -> (0)>
#map2 = affine_map<(d0, d1) -> (0, 0, 0)>
module attributes {stable_mosaic.version = 14 : i64} {
  func.func @_sc_edge_body(%arg0: i32, %arg1: i32, %arg2: memref<10000x64xf32, #tpu.memory_space<hbm>>, %arg3: memref<10000x64xf32, #tpu.memory_space<hbm>>, %arg4: memref<335872xi32, #tpu.memory_space<hbm>>, %arg5: memref<335872xi32, #tpu.memory_space<hbm>>, %arg6: memref<64xf32, #tpu.memory_space<hbm>>, %arg7: memref<2x10000x80xf32, #tpu.memory_space<hbm>>, %arg8: memref<64xf32, #tpu.memory_space<vmem>>, %arg9: memref<128xi32, #tpu.memory_space<vmem>>, %arg10: memref<128xi32, #tpu.memory_space<vmem>>, %arg11: memref<128xi32, #tpu.memory_space<vmem>>, %arg12: memref<128xi32, #tpu.memory_space<vmem>>, %arg13: memref<128x64xf32, #tpu.memory_space<vmem>>, %arg14: memref<128x64xf32, #tpu.memory_space<vmem>>, %arg15: memref<128x64xf32, #tpu.memory_space<vmem>>, %arg16: memref<128x64xf32, #tpu.memory_space<vmem>>, %arg17: memref<128x80xf32, #tpu.memory_space<vmem>>, %arg18: memref<128x80xf32, #tpu.memory_space<vmem>>, %arg19: memref<208x80xf32, #tpu.memory_space<vmem>>, %arg20: memref<10000x80xf32, #tpu.memory_space<vmem_shared>>, %arg21: memref<!tpu.dma_semaphore, #tpu.memory_space<semaphore_mem>>, %arg22: memref<!tpu.dma_semaphore, #tpu.memory_space<semaphore_mem>>, %arg23: memref<!tpu.dma_semaphore, #tpu.memory_space<semaphore_mem>>, %arg24: memref<!tpu.dma_semaphore, #tpu.memory_space<semaphore_mem>>, %arg25: memref<!tpu.dma_semaphore, #tpu.memory_space<semaphore_mem>>, %arg26: memref<!tpu.dma_semaphore, #tpu.memory_space<semaphore_mem>>) attributes {dimension_semantics = [#tpu.dimension_semantics<core_parallel>, #tpu.dimension_semantics<subcore_parallel>], iteration_bounds = array<i64: 2, 16>, scalar_prefetch = 0 : i64, scratch_operands = 19 : i64, tpu.core_type = #tpu.core_type<sc_vector_subcore>, window_params = [{transform_indices = #map}, {transform_indices = #map}, {transform_indices = #map1}, {transform_indices = #map1}, {transform_indices = #map1}, {transform_indices = #map2}]} {
    %mul3A = arith.constant 2 : i32
    %mul3A_0 = arith.muli %arg1, %mul3A : i32
    %add3A = arith.addi %mul3A_0, %arg0 : i32
    %iota3A = tpu.iota {dimensions = array<i32: 0>} : vector<16xi32>
    %add3A_1 = arith.constant 0 : i32
    %add3A_2 = vector.broadcast %add3A_1 : i32 to vector<16xi32>
    %add3A_3 = arith.addi %iota3A, %add3A_2 : vector<16xi32>
    %add3A_4 = arith.constant 16 : i32
    %add3A_5 = vector.broadcast %add3A_4 : i32 to vector<16xi32>
    %add3A_6 = arith.addi %iota3A, %add3A_5 : vector<16xi32>
    %add3A_7 = arith.constant 32 : i32
    %add3A_8 = vector.broadcast %add3A_7 : i32 to vector<16xi32>
    %add3A_9 = arith.addi %iota3A, %add3A_8 : vector<16xi32>
    %add3A_10 = arith.constant 48 : i32
    %add3A_11 = vector.broadcast %add3A_10 : i32 to vector<16xi32>
    %add3A_12 = arith.addi %iota3A, %add3A_11 : vector<16xi32>
    %add3A_13 = arith.constant 64 : i32
    %add3A_14 = vector.broadcast %add3A_13 : i32 to vector<16xi32>
    %add3A_15 = arith.addi %iota3A, %add3A_14 : vector<16xi32>
    %scan3A = arith.constant 0 : i32
    %scan3A_16 = arith.constant 0 : i32
    %scan3A_17 = arith.constant 208 : i32
    %scan3A_18 = arith.addi %scan3A_16, %scan3A_17 : i32
    %scan3A_19 = arith.constant 1 : i32
    scf.for %scan3A_74 = %scan3A_16 to %scan3A_18 step %scan3A_19  : i32 {
      %broadcast_in_dim3A = vector.broadcast %scan3A_74 : i32 to vector<16xi32>
      %broadcast_in_dim3A_75 = arith.constant 0.000000e+00 : f32
      %broadcast_in_dim3A_76 = vector.broadcast %broadcast_in_dim3A_75 : f32 to vector<16xf32>
      tpu.vector_store_idx %arg19[%broadcast_in_dim3A, %add3A_3], %broadcast_in_dim3A_76 : memref<208x80xf32, #tpu.memory_space<vmem>>[vector<16xi32>, vector<16xi32>], vector<16xf32>,
      tpu.vector_store_idx %arg19[%broadcast_in_dim3A, %add3A_6], %broadcast_in_dim3A_76 : memref<208x80xf32, #tpu.memory_space<vmem>>[vector<16xi32>, vector<16xi32>], vector<16xf32>,
      tpu.vector_store_idx %arg19[%broadcast_in_dim3A, %add3A_9], %broadcast_in_dim3A_76 : memref<208x80xf32, #tpu.memory_space<vmem>>[vector<16xi32>, vector<16xi32>], vector<16xf32>,
      tpu.vector_store_idx %arg19[%broadcast_in_dim3A, %add3A_12], %broadcast_in_dim3A_76 : memref<208x80xf32, #tpu.memory_space<vmem>>[vector<16xi32>, vector<16xi32>], vector<16xf32>,
      tpu.vector_store_idx %arg19[%broadcast_in_dim3A, %add3A_15], %broadcast_in_dim3A_76 : memref<208x80xf32, #tpu.memory_space<vmem>>[vector<16xi32>, vector<16xi32>], vector<16xf32>,
    }
    %scan3A_20 = arith.constant 208 : i32
    %mul3A_21 = arith.constant 624 : i32
    %mul3A_22 = arith.muli %arg1, %mul3A_21 : i32
    %add3A_23 = arith.constant 0 : i32
    %add3A_24 = arith.addi %mul3A_22, %add3A_23 : i32
    "tpu.region"() ({
      %run_scoped3A = tpu.sem_alloc : memref<!tpu.dma_semaphore, #tpu.memory_space<semaphore_mem>>
      %dma_start3A_74 = arith.constant 0 : i32
      %dma_start3A_75 = tpu.memref_slice %arg20[%add3A_24, %dma_start3A_74] : memref<10000x80xf32, #tpu.memory_space<vmem_shared>> -> memref<208x80xf32, #tpu.memory_space<vmem_shared>>
      %dma_start3A_76 = arith.constant 0 : i32
      %dma_start3A_77 = tpu.memref_slice %arg20[%add3A_24, %dma_start3A_76] : memref<10000x80xf32, #tpu.memory_space<vmem_shared>> -> memref<208x80xf32, #tpu.memory_space<vmem_shared>>
      tpu.enqueue_dma source(%arg19 : memref<208x80xf32, #tpu.memory_space<vmem>>) target(%dma_start3A_77 : memref<208x80xf32, #tpu.memory_space<vmem_shared>>) target_semaphore(%run_scoped3A : memref<!tpu.dma_semaphore, #tpu.memory_space<semaphore_mem>>)
      %dma_wait3A_78 = arith.constant 0 : i32
      %dma_wait3A_79 = tpu.memref_slice %arg20[%add3A_24, %dma_wait3A_78] : memref<10000x80xf32, #tpu.memory_space<vmem_shared>> -> memref<208x80xf32, #tpu.memory_space<vmem_shared>>
      %dma_wait3A_80 = arith.constant 0 : i32
      %dma_wait3A_81 = tpu.memref_slice %arg20[%add3A_24, %dma_wait3A_80] : memref<10000x80xf32, #tpu.memory_space<vmem_shared>> -> memref<208x80xf32, #tpu.memory_space<vmem_shared>>
      tpu.wait_dma2 semaphore(%run_scoped3A : memref<!tpu.dma_semaphore, #tpu.memory_space<semaphore_mem>>) src(%arg19 : memref<208x80xf32, #tpu.memory_space<vmem>>) dst(%dma_wait3A_81 : memref<208x80xf32, #tpu.memory_space<vmem_shared>>)
      tpu.yield
    }) : () -> ()
    %add3A_25 = arith.constant 208 : i32
    %add3A_26 = arith.addi %mul3A_22, %add3A_25 : i32
    "tpu.region"() ({
      %run_scoped3A = tpu.sem_alloc : memref<!tpu.dma_semaphore, #tpu.memory_space<semaphore_mem>>
      %dma_start3A_74 = arith.constant 0 : i32
      %dma_start3A_75 = tpu.memref_slice %arg20[%add3A_26, %dma_start3A_74] : memref<10000x80xf32, #tpu.memory_space<vmem_shared>> -> memref<208x80xf32, #tpu.memory_space<vmem_shared>>
      %dma_start3A_76 = arith.constant 0 : i32
      %dma_start3A_77 = tpu.memref_slice %arg20[%add3A_26, %dma_start3A_76] : memref<10000x80xf32, #tpu.memory_space<vmem_shared>> -> memref<208x80xf32, #tpu.memory_space<vmem_shared>>
      tpu.enqueue_dma source(%arg19 : memref<208x80xf32, #tpu.memory_space<vmem>>) target(%dma_start3A_77 : memref<208x80xf32, #tpu.memory_space<vmem_shared>>) target_semaphore(%run_scoped3A : memref<!tpu.dma_semaphore, #tpu.memory_space<semaphore_mem>>)
      %dma_wait3A_78 = arith.constant 0 : i32
      %dma_wait3A_79 = tpu.memref_slice %arg20[%add3A_26, %dma_wait3A_78] : memref<10000x80xf32, #tpu.memory_space<vmem_shared>> -> memref<208x80xf32, #tpu.memory_space<vmem_shared>>
      %dma_wait3A_80 = arith.constant 0 : i32
      %dma_wait3A_81 = tpu.memref_slice %arg20[%add3A_26, %dma_wait3A_80] : memref<10000x80xf32, #tpu.memory_space<vmem_shared>> -> memref<208x80xf32, #tpu.memory_space<vmem_shared>>
      tpu.wait_dma2 semaphore(%run_scoped3A : memref<!tpu.dma_semaphore, #tpu.memory_space<semaphore_mem>>) src(%arg19 : memref<208x80xf32, #tpu.memory_space<vmem>>) dst(%dma_wait3A_81 : memref<208x80xf32, #tpu.memory_space<vmem_shared>>)
      tpu.yield
    }) : () -> ()
    %add3A_27 = arith.constant 416 : i32
    %add3A_28 = arith.addi %mul3A_22, %add3A_27 : i32
    "tpu.region"() ({
      %run_scoped3A = tpu.sem_alloc : memref<!tpu.dma_semaphore, #tpu.memory_space<semaphore_mem>>
      %dma_start3A_74 = arith.constant 0 : i32
      %dma_start3A_75 = tpu.memref_slice %arg20[%add3A_28, %dma_start3A_74] : memref<10000x80xf32, #tpu.memory_space<vmem_shared>> -> memref<208x80xf32, #tpu.memory_space<vmem_shared>>
      %dma_start3A_76 = arith.constant 0 : i32
      %dma_start3A_77 = tpu.memref_slice %arg20[%add3A_28, %dma_start3A_76] : memref<10000x80xf32, #tpu.memory_space<vmem_shared>> -> memref<208x80xf32, #tpu.memory_space<vmem_shared>>
      tpu.enqueue_dma source(%arg19 : memref<208x80xf32, #tpu.memory_space<vmem>>) target(%dma_start3A_77 : memref<208x80xf32, #tpu.memory_space<vmem_shared>>) target_semaphore(%run_scoped3A : memref<!tpu.dma_semaphore, #tpu.memory_space<semaphore_mem>>)
      %dma_wait3A_78 = arith.constant 0 : i32
      %dma_wait3A_79 = tpu.memref_slice %arg20[%add3A_28, %dma_wait3A_78] : memref<10000x80xf32, #tpu.memory_space<vmem_shared>> -> memref<208x80xf32, #tpu.memory_space<vmem_shared>>
      %dma_wait3A_80 = arith.constant 0 : i32
      %dma_wait3A_81 = tpu.memref_slice %arg20[%add3A_28, %dma_wait3A_80] : memref<10000x80xf32, #tpu.memory_space<vmem_shared>> -> memref<208x80xf32, #tpu.memory_space<vmem_shared>>
      tpu.wait_dma2 semaphore(%run_scoped3A : memref<!tpu.dma_semaphore, #tpu.memory_space<semaphore_mem>>) src(%arg19 : memref<208x80xf32, #tpu.memory_space<vmem>>) dst(%dma_wait3A_81 : memref<208x80xf32, #tpu.memory_space<vmem_shared>>)
      tpu.yield
    }) : () -> ()
    %eq3A = arith.constant 15 : i32
    %eq3A_29 = arith.cmpi eq, %arg1, %eq3A : i32
    %convert_element_type3A = arith.extui %eq3A_29 : i1 to i32
    %cond3A = arith.constant 0 : i32
    %cond3A_30 = arith.cmpi ne, %convert_element_type3A, %cond3A : i32
    scf.if %cond3A_30 {
      "tpu.region"() ({
        %run_scoped3A = tpu.sem_alloc : memref<!tpu.dma_semaphore, #tpu.memory_space<semaphore_mem>>
        %dma_start3A_74 = arith.constant 0 : i32
        %dma_start3A_75 = arith.constant 0 : i32
        %dma_start3A_76 = tpu.memref_slice %arg19[%dma_start3A_74, %dma_start3A_75] : memref<208x80xf32, #tpu.memory_space<vmem>> -> memref<16x80xf32, #tpu.memory_space<vmem>>
        %dma_start3A_77 = arith.constant 9984 : i32
        %dma_start3A_78 = arith.constant 0 : i32
        %dma_start3A_79 = tpu.memref_slice %arg20[%dma_start3A_77, %dma_start3A_78] : memref<10000x80xf32, #tpu.memory_space<vmem_shared>> -> memref<16x80xf32, #tpu.memory_space<vmem_shared>>
        %dma_start3A_80 = arith.constant 9984 : i32
        %dma_start3A_81 = arith.constant 0 : i32
        %dma_start3A_82 = tpu.memref_slice %arg20[%dma_start3A_80, %dma_start3A_81] : memref<10000x80xf32, #tpu.memory_space<vmem_shared>> -> memref<16x80xf32, #tpu.memory_space<vmem_shared>>
        %dma_start3A_83 = arith.constant 0 : i32
        %dma_start3A_84 = arith.constant 0 : i32
        %dma_start3A_85 = tpu.memref_slice %arg19[%dma_start3A_83, %dma_start3A_84] : memref<208x80xf32, #tpu.memory_space<vmem>> -> memref<16x80xf32, #tpu.memory_space<vmem>>
        tpu.enqueue_dma source(%dma_start3A_85 : memref<16x80xf32, #tpu.memory_space<vmem>>) target(%dma_start3A_82 : memref<16x80xf32, #tpu.memory_space<vmem_shared>>) target_semaphore(%run_scoped3A : memref<!tpu.dma_semaphore, #tpu.memory_space<semaphore_mem>>)
        %dma_wait3A_86 = arith.constant 0 : i32
        %dma_wait3A_87 = arith.constant 0 : i32
        %dma_wait3A_88 = tpu.memref_slice %arg19[%dma_wait3A_86, %dma_wait3A_87] : memref<208x80xf32, #tpu.memory_space<vmem>> -> memref<16x80xf32, #tpu.memory_space<vmem>>
        %dma_wait3A_89 = arith.constant 9984 : i32
        %dma_wait3A_90 = arith.constant 0 : i32
        %dma_wait3A_91 = tpu.memref_slice %arg20[%dma_wait3A_89, %dma_wait3A_90] : memref<10000x80xf32, #tpu.memory_space<vmem_shared>> -> memref<16x80xf32, #tpu.memory_space<vmem_shared>>
        %dma_wait3A_92 = arith.constant 9984 : i32
        %dma_wait3A_93 = arith.constant 0 : i32
        %dma_wait3A_94 = tpu.memref_slice %arg20[%dma_wait3A_92, %dma_wait3A_93] : memref<10000x80xf32, #tpu.memory_space<vmem_shared>> -> memref<16x80xf32, #tpu.memory_space<vmem_shared>>
        %dma_wait3A_95 = arith.constant 0 : i32
        %dma_wait3A_96 = arith.constant 0 : i32
        %dma_wait3A_97 = tpu.memref_slice %arg19[%dma_wait3A_95, %dma_wait3A_96] : memref<208x80xf32, #tpu.memory_space<vmem>> -> memref<16x80xf32, #tpu.memory_space<vmem>>
        tpu.wait_dma2 semaphore(%run_scoped3A : memref<!tpu.dma_semaphore, #tpu.memory_space<semaphore_mem>>) src(%dma_wait3A_97 : memref<16x80xf32, #tpu.memory_space<vmem>>) dst(%dma_wait3A_94 : memref<16x80xf32, #tpu.memory_space<vmem_shared>>)
        tpu.yield
      }) : () -> ()
    } else {
    }
    %barrier3A = arith.constant 0 : index
    tpu.barrier barrier_id(%barrier3A)
    "tpu.region"() ({
      %run_scoped3A = tpu.sem_alloc : memref<!tpu.dma_semaphore, #tpu.memory_space<semaphore_mem>>
      tpu.enqueue_dma source(%arg6 : memref<64xf32, #tpu.memory_space<hbm>>) target(%arg8 : memref<64xf32, #tpu.memory_space<vmem>>) target_semaphore(%run_scoped3A : memref<!tpu.dma_semaphore, #tpu.memory_space<semaphore_mem>>)
      tpu.wait_dma2 semaphore(%run_scoped3A : memref<!tpu.dma_semaphore, #tpu.memory_space<semaphore_mem>>) src(%arg6 : memref<64xf32, #tpu.memory_space<hbm>>) dst(%arg8 : memref<64xf32, #tpu.memory_space<vmem>>)
      tpu.yield
    }) : () -> ()
    %get3A = arith.constant 0 : index
    %get3A_31 = tpu.vector_load %arg8[%get3A] {strides = array<i32>} : memref<64xf32, #tpu.memory_space<vmem>>, vector<16xf32>,
    %get3A_32 = arith.constant 16 : index
    %get3A_33 = tpu.vector_load %arg8[%get3A_32] {strides = array<i32>} : memref<64xf32, #tpu.memory_space<vmem>>, vector<16xf32>,
    %get3A_34 = arith.constant 32 : index
    %get3A_35 = tpu.vector_load %arg8[%get3A_34] {strides = array<i32>} : memref<64xf32, #tpu.memory_space<vmem>>, vector<16xf32>,
    %get3A_36 = arith.constant 48 : index
    %get3A_37 = tpu.vector_load %arg8[%get3A_36] {strides = array<i32>} : memref<64xf32, #tpu.memory_space<vmem>>, vector<16xf32>,
    %mul3A_38 = arith.constant 10496 : i32
    %mul3A_39 = arith.muli %add3A, %mul3A_38 : i32
    %add3A_40 = arith.constant 0 : i32
    %add3A_41 = arith.addi %mul3A_39, %add3A_40 : i32
    "tpu.region"() ({
      %run_scoped3A = tpu.sem_alloc : memref<!tpu.dma_semaphore, #tpu.memory_space<semaphore_mem>>
      %dma_start3A_74 = tpu.memref_slice %arg4[%add3A_41] : memref<335872xi32, #tpu.memory_space<hbm>> -> memref<128xi32, #tpu.memory_space<hbm>>
      %dma_start3A_75 = tpu.memref_slice %arg4[%add3A_41] : memref<335872xi32, #tpu.memory_space<hbm>> -> memref<128xi32, #tpu.memory_space<hbm>>
      tpu.enqueue_dma source(%dma_start3A_75 : memref<128xi32, #tpu.memory_space<hbm>>) target(%arg9 : memref<128xi32, #tpu.memory_space<vmem>>) target_semaphore(%run_scoped3A : memref<!tpu.dma_semaphore, #tpu.memory_space<semaphore_mem>>)
      %dma_wait3A_76 = tpu.memref_slice %arg4[%add3A_41] : memref<335872xi32, #tpu.memory_space<hbm>> -> memref<128xi32, #tpu.memory_space<hbm>>
      %dma_wait3A_77 = tpu.memref_slice %arg4[%add3A_41] : memref<335872xi32, #tpu.memory_space<hbm>> -> memref<128xi32, #tpu.memory_space<hbm>>
      tpu.wait_dma2 semaphore(%run_scoped3A : memref<!tpu.dma_semaphore, #tpu.memory_space<semaphore_mem>>) src(%dma_wait3A_77 : memref<128xi32, #tpu.memory_space<hbm>>) dst(%arg9 : memref<128xi32, #tpu.memory_space<vmem>>)
      tpu.yield
    }) : () -> ()
    "tpu.region"() ({
      %run_scoped3A = tpu.sem_alloc : memref<!tpu.dma_semaphore, #tpu.memory_space<semaphore_mem>>
      %dma_start3A_74 = tpu.memref_slice %arg5[%add3A_41] : memref<335872xi32, #tpu.memory_space<hbm>> -> memref<128xi32, #tpu.memory_space<hbm>>
      %dma_start3A_75 = tpu.memref_slice %arg5[%add3A_41] : memref<335872xi32, #tpu.memory_space<hbm>> -> memref<128xi32, #tpu.memory_space<hbm>>
      tpu.enqueue_dma source(%dma_start3A_75 : memref<128xi32, #tpu.memory_space<hbm>>) target(%arg10 : memref<128xi32, #tpu.memory_space<vmem>>) target_semaphore(%run_scoped3A : memref<!tpu.dma_semaphore, #tpu.memory_space<semaphore_mem>>)
      %dma_wait3A_76 = tpu.memref_slice %arg5[%add3A_41] : memref<335872xi32, #tpu.memory_space<hbm>> -> memref<128xi32, #tpu.memory_space<hbm>>
      %dma_wait3A_77 = tpu.memref_slice %arg5[%add3A_41] : memref<335872xi32, #tpu.memory_space<hbm>> -> memref<128xi32, #tpu.memory_space<hbm>>
      tpu.wait_dma2 semaphore(%run_scoped3A : memref<!tpu.dma_semaphore, #tpu.memory_space<semaphore_mem>>) src(%dma_wait3A_77 : memref<128xi32, #tpu.memory_space<hbm>>) dst(%arg10 : memref<128xi32, #tpu.memory_space<vmem>>)
      tpu.yield
    }) : () -> ()
    %dma_start3A = arith.constant 0 : i32
    %dma_start3A_42 = arith.constant 0 : i32
    %dma_start3A_43 = tpu.memref_slice %arg2[%dma_start3A, %dma_start3A_42] : memref<10000x64xf32, #tpu.memory_space<hbm>> -> memref<10000x64xf32, #tpu.memory_space<hbm>>
    tpu.enqueue_indirect_dma source(%dma_start3A_43 : memref<10000x64xf32, #tpu.memory_space<hbm>>) target(%arg13 : memref<128x64xf32, #tpu.memory_space<vmem>>) offsets(%arg9 : memref<128xi32, #tpu.memory_space<vmem>>) semaphore(%arg21 : memref<!tpu.dma_semaphore, #tpu.memory_space<semaphore_mem>>)
    %dma_start3A_44 = arith.constant 0 : i32
    %dma_start3A_45 = arith.constant 0 : i32
    %dma_start3A_46 = tpu.memref_slice %arg3[%dma_start3A_44, %dma_start3A_45] : memref<10000x64xf32, #tpu.memory_space<hbm>> -> memref<10000x64xf32, #tpu.memory_space<hbm>>
    tpu.enqueue_indirect_dma source(%dma_start3A_46 : memref<10000x64xf32, #tpu.memory_space<hbm>>) target(%arg14 : memref<128x64xf32, #tpu.memory_space<vmem>>) offsets(%arg10 : memref<128xi32, #tpu.memory_space<vmem>>) semaphore(%arg22 : memref<!tpu.dma_semaphore, #tpu.memory_space<semaphore_mem>>)
    %mul3A_47 = arith.constant 10496 : i32
    %mul3A_48 = arith.muli %add3A, %mul3A_47 : i32
    %add3A_49 = arith.constant 128 : i32
    %add3A_50 = arith.addi %mul3A_48, %add3A_49 : i32
    "tpu.region"() ({
      %run_scoped3A = tpu.sem_alloc : memref<!tpu.dma_semaphore, #tpu.memory_space<semaphore_mem>>
      %dma_start3A_74 = tpu.memref_slice %arg4[%add3A_50] : memref<335872xi32, #tpu.memory_space<hbm>> -> memref<128xi32, #tpu.memory_space<hbm>>
      %dma_start3A_75 = tpu.memref_slice %arg4[%add3A_50] : memref<335872xi32, #tpu.memory_space<hbm>> -> memref<128xi32, #tpu.memory_space<hbm>>
      tpu.enqueue_dma source(%dma_start3A_75 : memref<128xi32, #tpu.memory_space<hbm>>) target(%arg11 : memref<128xi32, #tpu.memory_space<vmem>>) target_semaphore(%run_scoped3A : memref<!tpu.dma_semaphore, #tpu.memory_space<semaphore_mem>>)
      %dma_wait3A_76 = tpu.memref_slice %arg4[%add3A_50] : memref<335872xi32, #tpu.memory_space<hbm>> -> memref<128xi32, #tpu.memory_space<hbm>>
      %dma_wait3A_77 = tpu.memref_slice %arg4[%add3A_50] : memref<335872xi32, #tpu.memory_space<hbm>> -> memref<128xi32, #tpu.memory_space<hbm>>
      tpu.wait_dma2 semaphore(%run_scoped3A : memref<!tpu.dma_semaphore, #tpu.memory_space<semaphore_mem>>) src(%dma_wait3A_77 : memref<128xi32, #tpu.memory_space<hbm>>) dst(%arg11 : memref<128xi32, #tpu.memory_space<vmem>>)
      tpu.yield
    }) : () -> ()
    "tpu.region"() ({
      %run_scoped3A = tpu.sem_alloc : memref<!tpu.dma_semaphore, #tpu.memory_space<semaphore_mem>>
      %dma_start3A_74 = tpu.memref_slice %arg5[%add3A_50] : memref<335872xi32, #tpu.memory_space<hbm>> -> memref<128xi32, #tpu.memory_space<hbm>>
      %dma_start3A_75 = tpu.memref_slice %arg5[%add3A_50] : memref<335872xi32, #tpu.memory_space<hbm>> -> memref<128xi32, #tpu.memory_space<hbm>>
      tpu.enqueue_dma source(%dma_start3A_75 : memref<128xi32, #tpu.memory_space<hbm>>) target(%arg12 : memref<128xi32, #tpu.memory_space<vmem>>) target_semaphore(%run_scoped3A : memref<!tpu.dma_semaphore, #tpu.memory_space<semaphore_mem>>)
      %dma_wait3A_76 = tpu.memref_slice %arg5[%add3A_50] : memref<335872xi32, #tpu.memory_space<hbm>> -> memref<128xi32, #tpu.memory_space<hbm>>
      %dma_wait3A_77 = tpu.memref_slice %arg5[%add3A_50] : memref<335872xi32, #tpu.memory_space<hbm>> -> memref<128xi32, #tpu.memory_space<hbm>>
      tpu.wait_dma2 semaphore(%run_scoped3A : memref<!tpu.dma_semaphore, #tpu.memory_space<semaphore_mem>>) src(%dma_wait3A_77 : memref<128xi32, #tpu.memory_space<hbm>>) dst(%arg12 : memref<128xi32, #tpu.memory_space<vmem>>)
      tpu.yield
    }) : () -> ()
    %dma_start3A_51 = arith.constant 0 : i32
    %dma_start3A_52 = arith.constant 0 : i32
    %dma_start3A_53 = tpu.memref_slice %arg2[%dma_start3A_51, %dma_start3A_52] : memref<10000x64xf32, #tpu.memory_space<hbm>> -> memref<10000x64xf32, #tpu.memory_space<hbm>>
    tpu.enqueue_indirect_dma source(%dma_start3A_53 : memref<10000x64xf32, #tpu.memory_space<hbm>>) target(%arg15 : memref<128x64xf32, #tpu.memory_space<vmem>>) offsets(%arg11 : memref<128xi32, #tpu.memory_space<vmem>>) semaphore(%arg23 : memref<!tpu.dma_semaphore, #tpu.memory_space<semaphore_mem>>)
    %dma_start3A_54 = arith.constant 0 : i32
    %dma_start3A_55 = arith.constant 0 : i32
    %dma_start3A_56 = tpu.memref_slice %arg3[%dma_start3A_54, %dma_start3A_55] : memref<10000x64xf32, #tpu.memory_space<hbm>> -> memref<10000x64xf32, #tpu.memory_space<hbm>>
    tpu.enqueue_indirect_dma source(%dma_start3A_56 : memref<10000x64xf32, #tpu.memory_space<hbm>>) target(%arg16 : memref<128x64xf32, #tpu.memory_space<vmem>>) offsets(%arg12 : memref<128xi32, #tpu.memory_space<vmem>>) semaphore(%arg24 : memref<!tpu.dma_semaphore, #tpu.memory_space<semaphore_mem>>)
    %scan3A_57 = arith.constant 0 : i32
    %scan3A_58 = arith.constant 0 : i32
    %scan3A_59 = arith.constant 41 : i32
    %scan3A_60 = arith.addi %scan3A_58, %scan3A_59 : i32
    %scan3A_61 = arith.constant 1 : i32
    scf.for %scan3A_74 = %scan3A_58 to %scan3A_60 step %scan3A_61  : i32 {
      %mul3A_75 = arith.constant 2 : i32
      %mul3A_76 = arith.muli %mul3A_75, %scan3A_74 : i32
      %mul3A_77 = arith.constant 2 : i32
      %mul3A_78 = arith.muli %mul3A_77, %scan3A_74 : i32
      %add3A_79 = arith.constant 1 : i32
      %add3A_80 = arith.addi %mul3A_78, %add3A_79 : i32
      %dma_wait3A_81 = arith.constant 0 : i32
      %dma_wait3A_82 = arith.constant 0 : i32
      %dma_wait3A_83 = tpu.memref_slice %arg2[%dma_wait3A_81, %dma_wait3A_82] : memref<10000x64xf32, #tpu.memory_space<hbm>> -> memref<10000x64xf32, #tpu.memory_space<hbm>>
      tpu.wait_indirect_dma semaphore(%arg21 : memref<!tpu.dma_semaphore, #tpu.memory_space<semaphore_mem>>) src(%dma_wait3A_83 : memref<10000x64xf32, #tpu.memory_space<hbm>>) dst(%arg13 : memref<128x64xf32, #tpu.memory_space<vmem>>)
      %dma_wait3A_84 = arith.constant 0 : i32
      %dma_wait3A_85 = arith.constant 0 : i32
      %dma_wait3A_86 = tpu.memref_slice %arg3[%dma_wait3A_84, %dma_wait3A_85] : memref<10000x64xf32, #tpu.memory_space<hbm>> -> memref<10000x64xf32, #tpu.memory_space<hbm>>
      tpu.wait_indirect_dma semaphore(%arg22 : memref<!tpu.dma_semaphore, #tpu.memory_space<semaphore_mem>>) src(%dma_wait3A_86 : memref<10000x64xf32, #tpu.memory_space<hbm>>) dst(%arg14 : memref<128x64xf32, #tpu.memory_space<vmem>>)
      %gt3A = arith.constant 0 : i32
      %gt3A_87 = arith.cmpi sgt, %scan3A_74, %gt3A : i32
      %convert_element_type3A_88 = arith.extui %gt3A_87 : i1 to i32
      %cond3A_89 = arith.constant 0 : i32
      %cond3A_90 = arith.cmpi ne, %convert_element_type3A_88, %cond3A_89 : i32
      scf.if %cond3A_90 {
        %dma_wait3A_132 = arith.constant 0 : i32
        %dma_wait3A_133 = arith.constant 0 : i32
        %dma_wait3A_134 = tpu.memref_slice %arg20[%dma_wait3A_132, %dma_wait3A_133] : memref<10000x80xf32, #tpu.memory_space<vmem_shared>> -> memref<10000x80xf32, #tpu.memory_space<vmem_shared>>
        tpu.wait_indirect_dma semaphore(%arg25 : memref<!tpu.dma_semaphore, #tpu.memory_space<semaphore_mem>>) src(%arg17 : memref<128x80xf32, #tpu.memory_space<vmem>>) dst(%dma_wait3A_134 : memref<10000x80xf32, #tpu.memory_space<vmem_shared>>)
      } else {
      }
      %mul3A_91 = arith.constant 10496 : i32
      %mul3A_92 = arith.muli %add3A, %mul3A_91 : i32
      %mul3A_93 = arith.constant 128 : i32
      %mul3A_94 = arith.muli %mul3A_76, %mul3A_93 : i32
      %add3A_95 = arith.addi %mul3A_92, %mul3A_94 : i32
      %parallel_loop3A = arith.constant 0 : i32
      %parallel_loop3A_96 = arith.constant 128 : i32
      %parallel_loop3A_97 = arith.constant 1 : i32
      scf.for %parallel_loop3A_132 = %parallel_loop3A to %parallel_loop3A_96 step %parallel_loop3A_97  : i32 {
        %parallel_loop3A_133 = vector.broadcast %parallel_loop3A_132 : i32 to vector<16xi32>
        %parallel_loop3A_134 = tpu.vector_load_idx %arg13[%parallel_loop3A_133, %add3A_3] : memref<128x64xf32, #tpu.memory_space<vmem>>[vector<16xi32>, vector<16xi32>], vector<16xf32>,
        %parallel_loop3A_135 = tpu.vector_load_idx %arg13[%parallel_loop3A_133, %add3A_6] : memref<128x64xf32, #tpu.memory_space<vmem>>[vector<16xi32>, vector<16xi32>], vector<16xf32>,
        %parallel_loop3A_136 = tpu.vector_load_idx %arg13[%parallel_loop3A_133, %add3A_9] : memref<128x64xf32, #tpu.memory_space<vmem>>[vector<16xi32>, vector<16xi32>], vector<16xf32>,
        %parallel_loop3A_137 = tpu.vector_load_idx %arg13[%parallel_loop3A_133, %add3A_12] : memref<128x64xf32, #tpu.memory_space<vmem>>[vector<16xi32>, vector<16xi32>], vector<16xf32>,
        %parallel_loop3A_138 = arith.constant 0.000000e+00 : f32
        %parallel_loop3A_139 = vector.broadcast %parallel_loop3A_138 : f32 to vector<16xf32>
        %parallel_loop3A_140 = tpu.vector_load_idx %arg14[%parallel_loop3A_133, %add3A_3] : memref<128x64xf32, #tpu.memory_space<vmem>>[vector<16xi32>, vector<16xi32>], vector<16xf32>,
        %parallel_loop3A_141 = arith.addf %parallel_loop3A_134, %parallel_loop3A_140 : vector<16xf32>
        %parallel_loop3A_142 = arith.constant 0.000000e+00 : f32
        %parallel_loop3A_143 = vector.broadcast %parallel_loop3A_142 : f32 to vector<16xf32>
        %parallel_loop3A_144 = arith.maximumf %parallel_loop3A_141, %parallel_loop3A_143 : vector<16xf32>
        %parallel_loop3A_145 = arith.constant 0.000000e+00 : f32
        %parallel_loop3A_146 = vector.broadcast %parallel_loop3A_145 : f32 to vector<16xf32>
        %parallel_loop3A_147 = arith.minimumf %parallel_loop3A_141, %parallel_loop3A_146 : vector<16xf32>
        %parallel_loop3A_148 = arith.constant 2.000000e-01 : f32
        %parallel_loop3A_149 = vector.broadcast %parallel_loop3A_148 : f32 to vector<16xf32>
        %parallel_loop3A_150 = arith.mulf %parallel_loop3A_149, %parallel_loop3A_147 : vector<16xf32>
        %parallel_loop3A_151 = arith.addf %parallel_loop3A_144, %parallel_loop3A_150 : vector<16xf32>
        %parallel_loop3A_152 = tpu.bitcast %parallel_loop3A_151 : vector<16xf32> -> vector<16xi32>
        %parallel_loop3A_153 = arith.constant 32767 : i32
        %parallel_loop3A_154 = vector.broadcast %parallel_loop3A_153 : i32 to vector<16xi32>
        %parallel_loop3A_155 = arith.addi %parallel_loop3A_152, %parallel_loop3A_154 : vector<16xi32>
        %parallel_loop3A_156 = arith.constant 16 : i32
        %parallel_loop3A_157 = vector.broadcast %parallel_loop3A_156 : i32 to vector<16xi32>
        %parallel_loop3A_158 = arith.shrsi %parallel_loop3A_152, %parallel_loop3A_157 : vector<16xi32>
        %parallel_loop3A_159 = arith.constant 1 : i32
        %parallel_loop3A_160 = vector.broadcast %parallel_loop3A_159 : i32 to vector<16xi32>
        %parallel_loop3A_161 = arith.andi %parallel_loop3A_158, %parallel_loop3A_160 : vector<16xi32>
        %parallel_loop3A_162 = arith.addi %parallel_loop3A_155, %parallel_loop3A_161 : vector<16xi32>
        %parallel_loop3A_163 = arith.constant -65536 : i32
        %parallel_loop3A_164 = vector.broadcast %parallel_loop3A_163 : i32 to vector<16xi32>
        %parallel_loop3A_165 = arith.andi %parallel_loop3A_162, %parallel_loop3A_164 : vector<16xi32>
        %parallel_loop3A_166 = tpu.bitcast %parallel_loop3A_165 : vector<16xi32> -> vector<16xf32>
        %parallel_loop3A_167 = arith.mulf %get3A_31, %parallel_loop3A_166 : vector<16xf32>
        %parallel_loop3A_168 = arith.addf %parallel_loop3A_139, %parallel_loop3A_167 : vector<16xf32>
        %parallel_loop3A_169 = tpu.vector_load_idx %arg14[%parallel_loop3A_133, %add3A_6] : memref<128x64xf32, #tpu.memory_space<vmem>>[vector<16xi32>, vector<16xi32>], vector<16xf32>,
        %parallel_loop3A_170 = arith.addf %parallel_loop3A_135, %parallel_loop3A_169 : vector<16xf32>
        %parallel_loop3A_171 = arith.constant 0.000000e+00 : f32
        %parallel_loop3A_172 = vector.broadcast %parallel_loop3A_171 : f32 to vector<16xf32>
        %parallel_loop3A_173 = arith.maximumf %parallel_loop3A_170, %parallel_loop3A_172 : vector<16xf32>
        %parallel_loop3A_174 = arith.constant 0.000000e+00 : f32
        %parallel_loop3A_175 = vector.broadcast %parallel_loop3A_174 : f32 to vector<16xf32>
        %parallel_loop3A_176 = arith.minimumf %parallel_loop3A_170, %parallel_loop3A_175 : vector<16xf32>
        %parallel_loop3A_177 = arith.constant 2.000000e-01 : f32
        %parallel_loop3A_178 = vector.broadcast %parallel_loop3A_177 : f32 to vector<16xf32>
        %parallel_loop3A_179 = arith.mulf %parallel_loop3A_178, %parallel_loop3A_176 : vector<16xf32>
        %parallel_loop3A_180 = arith.addf %parallel_loop3A_173, %parallel_loop3A_179 : vector<16xf32>
        %parallel_loop3A_181 = tpu.bitcast %parallel_loop3A_180 : vector<16xf32> -> vector<16xi32>
        %parallel_loop3A_182 = arith.constant 32767 : i32
        %parallel_loop3A_183 = vector.broadcast %parallel_loop3A_182 : i32 to vector<16xi32>
        %parallel_loop3A_184 = arith.addi %parallel_loop3A_181, %parallel_loop3A_183 : vector<16xi32>
        %parallel_loop3A_185 = arith.constant 16 : i32
        %parallel_loop3A_186 = vector.broadcast %parallel_loop3A_185 : i32 to vector<16xi32>
        %parallel_loop3A_187 = arith.shrsi %parallel_loop3A_181, %parallel_loop3A_186 : vector<16xi32>
        %parallel_loop3A_188 = arith.constant 1 : i32
        %parallel_loop3A_189 = vector.broadcast %parallel_loop3A_188 : i32 to vector<16xi32>
        %parallel_loop3A_190 = arith.andi %parallel_loop3A_187, %parallel_loop3A_189 : vector<16xi32>
        %parallel_loop3A_191 = arith.addi %parallel_loop3A_184, %parallel_loop3A_190 : vector<16xi32>
        %parallel_loop3A_192 = arith.constant -65536 : i32
        %parallel_loop3A_193 = vector.broadcast %parallel_loop3A_192 : i32 to vector<16xi32>
        %parallel_loop3A_194 = arith.andi %parallel_loop3A_191, %parallel_loop3A_193 : vector<16xi32>
        %parallel_loop3A_195 = tpu.bitcast %parallel_loop3A_194 : vector<16xi32> -> vector<16xf32>
        %parallel_loop3A_196 = arith.mulf %get3A_33, %parallel_loop3A_195 : vector<16xf32>
        %parallel_loop3A_197 = arith.addf %parallel_loop3A_168, %parallel_loop3A_196 : vector<16xf32>
        %parallel_loop3A_198 = tpu.vector_load_idx %arg14[%parallel_loop3A_133, %add3A_9] : memref<128x64xf32, #tpu.memory_space<vmem>>[vector<16xi32>, vector<16xi32>], vector<16xf32>,
        %parallel_loop3A_199 = arith.addf %parallel_loop3A_136, %parallel_loop3A_198 : vector<16xf32>
        %parallel_loop3A_200 = arith.constant 0.000000e+00 : f32
        %parallel_loop3A_201 = vector.broadcast %parallel_loop3A_200 : f32 to vector<16xf32>
        %parallel_loop3A_202 = arith.maximumf %parallel_loop3A_199, %parallel_loop3A_201 : vector<16xf32>
        %parallel_loop3A_203 = arith.constant 0.000000e+00 : f32
        %parallel_loop3A_204 = vector.broadcast %parallel_loop3A_203 : f32 to vector<16xf32>
        %parallel_loop3A_205 = arith.minimumf %parallel_loop3A_199, %parallel_loop3A_204 : vector<16xf32>
        %parallel_loop3A_206 = arith.constant 2.000000e-01 : f32
        %parallel_loop3A_207 = vector.broadcast %parallel_loop3A_206 : f32 to vector<16xf32>
        %parallel_loop3A_208 = arith.mulf %parallel_loop3A_207, %parallel_loop3A_205 : vector<16xf32>
        %parallel_loop3A_209 = arith.addf %parallel_loop3A_202, %parallel_loop3A_208 : vector<16xf32>
        %parallel_loop3A_210 = tpu.bitcast %parallel_loop3A_209 : vector<16xf32> -> vector<16xi32>
        %parallel_loop3A_211 = arith.constant 32767 : i32
        %parallel_loop3A_212 = vector.broadcast %parallel_loop3A_211 : i32 to vector<16xi32>
        %parallel_loop3A_213 = arith.addi %parallel_loop3A_210, %parallel_loop3A_212 : vector<16xi32>
        %parallel_loop3A_214 = arith.constant 16 : i32
        %parallel_loop3A_215 = vector.broadcast %parallel_loop3A_214 : i32 to vector<16xi32>
        %parallel_loop3A_216 = arith.shrsi %parallel_loop3A_210, %parallel_loop3A_215 : vector<16xi32>
        %parallel_loop3A_217 = arith.constant 1 : i32
        %parallel_loop3A_218 = vector.broadcast %parallel_loop3A_217 : i32 to vector<16xi32>
        %parallel_loop3A_219 = arith.andi %parallel_loop3A_216, %parallel_loop3A_218 : vector<16xi32>
        %parallel_loop3A_220 = arith.addi %parallel_loop3A_213, %parallel_loop3A_219 : vector<16xi32>
        %parallel_loop3A_221 = arith.constant -65536 : i32
        %parallel_loop3A_222 = vector.broadcast %parallel_loop3A_221 : i32 to vector<16xi32>
        %parallel_loop3A_223 = arith.andi %parallel_loop3A_220, %parallel_loop3A_222 : vector<16xi32>
        %parallel_loop3A_224 = tpu.bitcast %parallel_loop3A_223 : vector<16xi32> -> vector<16xf32>
        %parallel_loop3A_225 = arith.mulf %get3A_35, %parallel_loop3A_224 : vector<16xf32>
        %parallel_loop3A_226 = arith.addf %parallel_loop3A_197, %parallel_loop3A_225 : vector<16xf32>
        %parallel_loop3A_227 = tpu.vector_load_idx %arg14[%parallel_loop3A_133, %add3A_12] : memref<128x64xf32, #tpu.memory_space<vmem>>[vector<16xi32>, vector<16xi32>], vector<16xf32>,
        %parallel_loop3A_228 = arith.addf %parallel_loop3A_137, %parallel_loop3A_227 : vector<16xf32>
        %parallel_loop3A_229 = arith.constant 0.000000e+00 : f32
        %parallel_loop3A_230 = vector.broadcast %parallel_loop3A_229 : f32 to vector<16xf32>
        %parallel_loop3A_231 = arith.maximumf %parallel_loop3A_228, %parallel_loop3A_230 : vector<16xf32>
        %parallel_loop3A_232 = arith.constant 0.000000e+00 : f32
        %parallel_loop3A_233 = vector.broadcast %parallel_loop3A_232 : f32 to vector<16xf32>
        %parallel_loop3A_234 = arith.minimumf %parallel_loop3A_228, %parallel_loop3A_233 : vector<16xf32>
        %parallel_loop3A_235 = arith.constant 2.000000e-01 : f32
        %parallel_loop3A_236 = vector.broadcast %parallel_loop3A_235 : f32 to vector<16xf32>
        %parallel_loop3A_237 = arith.mulf %parallel_loop3A_236, %parallel_loop3A_234 : vector<16xf32>
        %parallel_loop3A_238 = arith.addf %parallel_loop3A_231, %parallel_loop3A_237 : vector<16xf32>
        %parallel_loop3A_239 = tpu.bitcast %parallel_loop3A_238 : vector<16xf32> -> vector<16xi32>
        %parallel_loop3A_240 = arith.constant 32767 : i32
        %parallel_loop3A_241 = vector.broadcast %parallel_loop3A_240 : i32 to vector<16xi32>
        %parallel_loop3A_242 = arith.addi %parallel_loop3A_239, %parallel_loop3A_241 : vector<16xi32>
        %parallel_loop3A_243 = arith.constant 16 : i32
        %parallel_loop3A_244 = vector.broadcast %parallel_loop3A_243 : i32 to vector<16xi32>
        %parallel_loop3A_245 = arith.shrsi %parallel_loop3A_239, %parallel_loop3A_244 : vector<16xi32>
        %parallel_loop3A_246 = arith.constant 1 : i32
        %parallel_loop3A_247 = vector.broadcast %parallel_loop3A_246 : i32 to vector<16xi32>
        %parallel_loop3A_248 = arith.andi %parallel_loop3A_245, %parallel_loop3A_247 : vector<16xi32>
        %parallel_loop3A_249 = arith.addi %parallel_loop3A_242, %parallel_loop3A_248 : vector<16xi32>
        %parallel_loop3A_250 = arith.constant -65536 : i32
        %parallel_loop3A_251 = vector.broadcast %parallel_loop3A_250 : i32 to vector<16xi32>
        %parallel_loop3A_252 = arith.andi %parallel_loop3A_249, %parallel_loop3A_251 : vector<16xi32>
        %parallel_loop3A_253 = tpu.bitcast %parallel_loop3A_252 : vector<16xi32> -> vector<16xf32>
        %parallel_loop3A_254 = arith.mulf %get3A_37, %parallel_loop3A_253 : vector<16xf32>
        %parallel_loop3A_255 = arith.addf %parallel_loop3A_226, %parallel_loop3A_254 : vector<16xf32>
        %parallel_loop3A_256 = arith.constant true
        %parallel_loop3A_257 = vector.broadcast %parallel_loop3A_256 : i1 to vector<16xi1>
        %parallel_loop3A_258 = tpu.scan <sum>, %parallel_loop3A_255 masked %parallel_loop3A_257 : vector<16xf32>, vector<16xi1> -> vector<16xf32>
        %parallel_loop3A_259 = vector.extract %parallel_loop3A_258[15] : f32 from vector<16xf32>
        %parallel_loop3A_260 = arith.addi %add3A_95, %parallel_loop3A_132 : i32
        %parallel_loop3A_261 = arith.constant 330000 : i32
        %parallel_loop3A_262 = arith.cmpi slt, %parallel_loop3A_260, %parallel_loop3A_261 : i32
        %parallel_loop3A_263 = arith.constant 1.000000e+00 : f32
        %parallel_loop3A_264 = arith.constant 0.000000e+00 : f32
        %parallel_loop3A_265 = arith.select %parallel_loop3A_262, %parallel_loop3A_263, %parallel_loop3A_264 : f32
        %parallel_loop3A_266 = vector.broadcast %parallel_loop3A_259 : f32 to vector<16xf32>
        %parallel_loop3A_267 = math.exp %parallel_loop3A_266 : vector<16xf32>
        %parallel_loop3A_268 = vector.broadcast %parallel_loop3A_265 : f32 to vector<16xf32>
        %parallel_loop3A_269 = arith.mulf %parallel_loop3A_267, %parallel_loop3A_268 : vector<16xf32>
        %parallel_loop3A_270 = arith.mulf %parallel_loop3A_134, %parallel_loop3A_269 : vector<16xf32>
        tpu.vector_store_idx %arg17[%parallel_loop3A_133, %add3A_3], %parallel_loop3A_270 : memref<128x80xf32, #tpu.memory_space<vmem>>[vector<16xi32>, vector<16xi32>], vector<16xf32>,
        %parallel_loop3A_271 = arith.mulf %parallel_loop3A_135, %parallel_loop3A_269 : vector<16xf32>
        tpu.vector_store_idx %arg17[%parallel_loop3A_133, %add3A_6], %parallel_loop3A_271 : memref<128x80xf32, #tpu.memory_space<vmem>>[vector<16xi32>, vector<16xi32>], vector<16xf32>,
        %parallel_loop3A_272 = arith.mulf %parallel_loop3A_136, %parallel_loop3A_269 : vector<16xf32>
        tpu.vector_store_idx %arg17[%parallel_loop3A_133, %add3A_9], %parallel_loop3A_272 : memref<128x80xf32, #tpu.memory_space<vmem>>[vector<16xi32>, vector<16xi32>], vector<16xf32>,
        %parallel_loop3A_273 = arith.mulf %parallel_loop3A_137, %parallel_loop3A_269 : vector<16xf32>
        tpu.vector_store_idx %arg17[%parallel_loop3A_133, %add3A_12], %parallel_loop3A_273 : memref<128x80xf32, #tpu.memory_space<vmem>>[vector<16xi32>, vector<16xi32>], vector<16xf32>,
        tpu.vector_store_idx %arg17[%parallel_loop3A_133, %add3A_15], %parallel_loop3A_269 : memref<128x80xf32, #tpu.memory_space<vmem>>[vector<16xi32>, vector<16xi32>], vector<16xf32>,
      } {sc.loop_unroll_factor = 4 : i64, sc.parallel_access}
      %dma_start3A_98 = arith.constant 0 : i32
      %dma_start3A_99 = arith.constant 0 : i32
      %dma_start3A_100 = tpu.memref_slice %arg20[%dma_start3A_98, %dma_start3A_99] : memref<10000x80xf32, #tpu.memory_space<vmem_shared>> -> memref<10000x80xf32, #tpu.memory_space<vmem_shared>>
      tpu.enqueue_indirect_dma source(%arg17 : memref<128x80xf32, #tpu.memory_space<vmem>>) target(%dma_start3A_100 : memref<10000x80xf32, #tpu.memory_space<vmem_shared>>) offsets(%arg10 : memref<128xi32, #tpu.memory_space<vmem>>) semaphore(%arg25 : memref<!tpu.dma_semaphore, #tpu.memory_space<semaphore_mem>>) {add = true}
      %lt3A = arith.constant 40 : i32
      %lt3A_101 = arith.cmpi slt, %scan3A_74, %lt3A : i32
      %convert_element_type3A_102 = arith.extui %lt3A_101 : i1 to i32
      %cond3A_103 = arith.constant 0 : i32
      %cond3A_104 = arith.cmpi ne, %convert_element_type3A_102, %cond3A_103 : i32
      scf.if %cond3A_104 {
        %add3A_132 = arith.constant 2 : i32
        %add3A_133 = arith.addi %mul3A_76, %add3A_132 : i32
        %mul3A_134 = arith.constant 10496 : i32
        %mul3A_135 = arith.muli %add3A, %mul3A_134 : i32
        %mul3A_136 = arith.constant 128 : i32
        %mul3A_137 = arith.muli %add3A_133, %mul3A_136 : i32
        %add3A_138 = arith.addi %mul3A_135, %mul3A_137 : i32
        "tpu.region"() ({
          %run_scoped3A = tpu.sem_alloc : memref<!tpu.dma_semaphore, #tpu.memory_space<semaphore_mem>>
          %dma_start3A_145 = tpu.memref_slice %arg4[%add3A_138] : memref<335872xi32, #tpu.memory_space<hbm>> -> memref<128xi32, #tpu.memory_space<hbm>>
          %dma_start3A_146 = tpu.memref_slice %arg4[%add3A_138] : memref<335872xi32, #tpu.memory_space<hbm>> -> memref<128xi32, #tpu.memory_space<hbm>>
          tpu.enqueue_dma source(%dma_start3A_146 : memref<128xi32, #tpu.memory_space<hbm>>) target(%arg9 : memref<128xi32, #tpu.memory_space<vmem>>) target_semaphore(%run_scoped3A : memref<!tpu.dma_semaphore, #tpu.memory_space<semaphore_mem>>)
          %dma_wait3A_147 = tpu.memref_slice %arg4[%add3A_138] : memref<335872xi32, #tpu.memory_space<hbm>> -> memref<128xi32, #tpu.memory_space<hbm>>
          %dma_wait3A_148 = tpu.memref_slice %arg4[%add3A_138] : memref<335872xi32, #tpu.memory_space<hbm>> -> memref<128xi32, #tpu.memory_space<hbm>>
          tpu.wait_dma2 semaphore(%run_scoped3A : memref<!tpu.dma_semaphore, #tpu.memory_space<semaphore_mem>>) src(%dma_wait3A_148 : memref<128xi32, #tpu.memory_space<hbm>>) dst(%arg9 : memref<128xi32, #tpu.memory_space<vmem>>)
          tpu.yield
        }) : () -> ()
        "tpu.region"() ({
          %run_scoped3A = tpu.sem_alloc : memref<!tpu.dma_semaphore, #tpu.memory_space<semaphore_mem>>
          %dma_start3A_145 = tpu.memref_slice %arg5[%add3A_138] : memref<335872xi32, #tpu.memory_space<hbm>> -> memref<128xi32, #tpu.memory_space<hbm>>
          %dma_start3A_146 = tpu.memref_slice %arg5[%add3A_138] : memref<335872xi32, #tpu.memory_space<hbm>> -> memref<128xi32, #tpu.memory_space<hbm>>
          tpu.enqueue_dma source(%dma_start3A_146 : memref<128xi32, #tpu.memory_space<hbm>>) target(%arg10 : memref<128xi32, #tpu.memory_space<vmem>>) target_semaphore(%run_scoped3A : memref<!tpu.dma_semaphore, #tpu.memory_space<semaphore_mem>>)
          %dma_wait3A_147 = tpu.memref_slice %arg5[%add3A_138] : memref<335872xi32, #tpu.memory_space<hbm>> -> memref<128xi32, #tpu.memory_space<hbm>>
          %dma_wait3A_148 = tpu.memref_slice %arg5[%add3A_138] : memref<335872xi32, #tpu.memory_space<hbm>> -> memref<128xi32, #tpu.memory_space<hbm>>
          tpu.wait_dma2 semaphore(%run_scoped3A : memref<!tpu.dma_semaphore, #tpu.memory_space<semaphore_mem>>) src(%dma_wait3A_148 : memref<128xi32, #tpu.memory_space<hbm>>) dst(%arg10 : memref<128xi32, #tpu.memory_space<vmem>>)
          tpu.yield
        }) : () -> ()
        %dma_start3A_139 = arith.constant 0 : i32
        %dma_start3A_140 = arith.constant 0 : i32
        %dma_start3A_141 = tpu.memref_slice %arg2[%dma_start3A_139, %dma_start3A_140] : memref<10000x64xf32, #tpu.memory_space<hbm>> -> memref<10000x64xf32, #tpu.memory_space<hbm>>
        tpu.enqueue_indirect_dma source(%dma_start3A_141 : memref<10000x64xf32, #tpu.memory_space<hbm>>) target(%arg13 : memref<128x64xf32, #tpu.memory_space<vmem>>) offsets(%arg9 : memref<128xi32, #tpu.memory_space<vmem>>) semaphore(%arg21 : memref<!tpu.dma_semaphore, #tpu.memory_space<semaphore_mem>>)
        %dma_start3A_142 = arith.constant 0 : i32
        %dma_start3A_143 = arith.constant 0 : i32
        %dma_start3A_144 = tpu.memref_slice %arg3[%dma_start3A_142, %dma_start3A_143] : memref<10000x64xf32, #tpu.memory_space<hbm>> -> memref<10000x64xf32, #tpu.memory_space<hbm>>
        tpu.enqueue_indirect_dma source(%dma_start3A_144 : memref<10000x64xf32, #tpu.memory_space<hbm>>) target(%arg14 : memref<128x64xf32, #tpu.memory_space<vmem>>) offsets(%arg10 : memref<128xi32, #tpu.memory_space<vmem>>) semaphore(%arg22 : memref<!tpu.dma_semaphore, #tpu.memory_space<semaphore_mem>>)
      } else {
      }
      %dma_wait3A_105 = arith.constant 0 : i32
      %dma_wait3A_106 = arith.constant 0 : i32
      %dma_wait3A_107 = tpu.memref_slice %arg2[%dma_wait3A_105, %dma_wait3A_106] : memref<10000x64xf32, #tpu.memory_space<hbm>> -> memref<10000x64xf32, #tpu.memory_space<hbm>>
      tpu.wait_indirect_dma semaphore(%arg23 : memref<!tpu.dma_semaphore, #tpu.memory_space<semaphore_mem>>) src(%dma_wait3A_107 : memref<10000x64xf32, #tpu.memory_space<hbm>>) dst(%arg15 : memref<128x64xf32, #tpu.memory_space<vmem>>)
      %dma_wait3A_108 = arith.constant 0 : i32
      %dma_wait3A_109 = arith.constant 0 : i32
      %dma_wait3A_110 = tpu.memref_slice %arg3[%dma_wait3A_108, %dma_wait3A_109] : memref<10000x64xf32, #tpu.memory_space<hbm>> -> memref<10000x64xf32, #tpu.memory_space<hbm>>
      tpu.wait_indirect_dma semaphore(%arg24 : memref<!tpu.dma_semaphore, #tpu.memory_space<semaphore_mem>>) src(%dma_wait3A_110 : memref<10000x64xf32, #tpu.memory_space<hbm>>) dst(%arg16 : memref<128x64xf32, #tpu.memory_space<vmem>>)
      %gt3A_111 = arith.constant 0 : i32
      %gt3A_112 = arith.cmpi sgt, %scan3A_74, %gt3A_111 : i32
      %convert_element_type3A_113 = arith.extui %gt3A_112 : i1 to i32
      %cond3A_114 = arith.constant 0 : i32
      %cond3A_115 = arith.cmpi ne, %convert_element_type3A_113, %cond3A_114 : i32
      scf.if %cond3A_115 {
        %dma_wait3A_132 = arith.constant 0 : i32
        %dma_wait3A_133 = arith.constant 0 : i32
        %dma_wait3A_134 = tpu.memref_slice %arg20[%dma_wait3A_132, %dma_wait3A_133] : memref<10000x80xf32, #tpu.memory_space<vmem_shared>> -> memref<10000x80xf32, #tpu.memory_space<vmem_shared>>
        tpu.wait_indirect_dma semaphore(%arg26 : memref<!tpu.dma_semaphore, #tpu.memory_space<semaphore_mem>>) src(%arg18 : memref<128x80xf32, #tpu.memory_space<vmem>>) dst(%dma_wait3A_134 : memref<10000x80xf32, #tpu.memory_space<vmem_shared>>)
      } else {
      }
      %mul3A_116 = arith.constant 10496 : i32
      %mul3A_117 = arith.muli %add3A, %mul3A_116 : i32
      %mul3A_118 = arith.constant 128 : i32
      %mul3A_119 = arith.muli %add3A_80, %mul3A_118 : i32
      %add3A_120 = arith.addi %mul3A_117, %mul3A_119 : i32
      %parallel_loop3A_121 = arith.constant 0 : i32
      %parallel_loop3A_122 = arith.constant 128 : i32
      %parallel_loop3A_123 = arith.constant 1 : i32
      scf.for %parallel_loop3A_132 = %parallel_loop3A_121 to %parallel_loop3A_122 step %parallel_loop3A_123  : i32 {
        %parallel_loop3A_133 = vector.broadcast %parallel_loop3A_132 : i32 to vector<16xi32>
        %parallel_loop3A_134 = tpu.vector_load_idx %arg15[%parallel_loop3A_133, %add3A_3] : memref<128x64xf32, #tpu.memory_space<vmem>>[vector<16xi32>, vector<16xi32>], vector<16xf32>,
        %parallel_loop3A_135 = tpu.vector_load_idx %arg15[%parallel_loop3A_133, %add3A_6] : memref<128x64xf32, #tpu.memory_space<vmem>>[vector<16xi32>, vector<16xi32>], vector<16xf32>,
        %parallel_loop3A_136 = tpu.vector_load_idx %arg15[%parallel_loop3A_133, %add3A_9] : memref<128x64xf32, #tpu.memory_space<vmem>>[vector<16xi32>, vector<16xi32>], vector<16xf32>,
        %parallel_loop3A_137 = tpu.vector_load_idx %arg15[%parallel_loop3A_133, %add3A_12] : memref<128x64xf32, #tpu.memory_space<vmem>>[vector<16xi32>, vector<16xi32>], vector<16xf32>,
        %parallel_loop3A_138 = arith.constant 0.000000e+00 : f32
        %parallel_loop3A_139 = vector.broadcast %parallel_loop3A_138 : f32 to vector<16xf32>
        %parallel_loop3A_140 = tpu.vector_load_idx %arg16[%parallel_loop3A_133, %add3A_3] : memref<128x64xf32, #tpu.memory_space<vmem>>[vector<16xi32>, vector<16xi32>], vector<16xf32>,
        %parallel_loop3A_141 = arith.addf %parallel_loop3A_134, %parallel_loop3A_140 : vector<16xf32>
        %parallel_loop3A_142 = arith.constant 0.000000e+00 : f32
        %parallel_loop3A_143 = vector.broadcast %parallel_loop3A_142 : f32 to vector<16xf32>
        %parallel_loop3A_144 = arith.maximumf %parallel_loop3A_141, %parallel_loop3A_143 : vector<16xf32>
        %parallel_loop3A_145 = arith.constant 0.000000e+00 : f32
        %parallel_loop3A_146 = vector.broadcast %parallel_loop3A_145 : f32 to vector<16xf32>
        %parallel_loop3A_147 = arith.minimumf %parallel_loop3A_141, %parallel_loop3A_146 : vector<16xf32>
        %parallel_loop3A_148 = arith.constant 2.000000e-01 : f32
        %parallel_loop3A_149 = vector.broadcast %parallel_loop3A_148 : f32 to vector<16xf32>
        %parallel_loop3A_150 = arith.mulf %parallel_loop3A_149, %parallel_loop3A_147 : vector<16xf32>
        %parallel_loop3A_151 = arith.addf %parallel_loop3A_144, %parallel_loop3A_150 : vector<16xf32>
        %parallel_loop3A_152 = tpu.bitcast %parallel_loop3A_151 : vector<16xf32> -> vector<16xi32>
        %parallel_loop3A_153 = arith.constant 32767 : i32
        %parallel_loop3A_154 = vector.broadcast %parallel_loop3A_153 : i32 to vector<16xi32>
        %parallel_loop3A_155 = arith.addi %parallel_loop3A_152, %parallel_loop3A_154 : vector<16xi32>
        %parallel_loop3A_156 = arith.constant 16 : i32
        %parallel_loop3A_157 = vector.broadcast %parallel_loop3A_156 : i32 to vector<16xi32>
        %parallel_loop3A_158 = arith.shrsi %parallel_loop3A_152, %parallel_loop3A_157 : vector<16xi32>
        %parallel_loop3A_159 = arith.constant 1 : i32
        %parallel_loop3A_160 = vector.broadcast %parallel_loop3A_159 : i32 to vector<16xi32>
        %parallel_loop3A_161 = arith.andi %parallel_loop3A_158, %parallel_loop3A_160 : vector<16xi32>
        %parallel_loop3A_162 = arith.addi %parallel_loop3A_155, %parallel_loop3A_161 : vector<16xi32>
        %parallel_loop3A_163 = arith.constant -65536 : i32
        %parallel_loop3A_164 = vector.broadcast %parallel_loop3A_163 : i32 to vector<16xi32>
        %parallel_loop3A_165 = arith.andi %parallel_loop3A_162, %parallel_loop3A_164 : vector<16xi32>
        %parallel_loop3A_166 = tpu.bitcast %parallel_loop3A_165 : vector<16xi32> -> vector<16xf32>
        %parallel_loop3A_167 = arith.mulf %get3A_31, %parallel_loop3A_166 : vector<16xf32>
        %parallel_loop3A_168 = arith.addf %parallel_loop3A_139, %parallel_loop3A_167 : vector<16xf32>
        %parallel_loop3A_169 = tpu.vector_load_idx %arg16[%parallel_loop3A_133, %add3A_6] : memref<128x64xf32, #tpu.memory_space<vmem>>[vector<16xi32>, vector<16xi32>], vector<16xf32>,
        %parallel_loop3A_170 = arith.addf %parallel_loop3A_135, %parallel_loop3A_169 : vector<16xf32>
        %parallel_loop3A_171 = arith.constant 0.000000e+00 : f32
        %parallel_loop3A_172 = vector.broadcast %parallel_loop3A_171 : f32 to vector<16xf32>
        %parallel_loop3A_173 = arith.maximumf %parallel_loop3A_170, %parallel_loop3A_172 : vector<16xf32>
        %parallel_loop3A_174 = arith.constant 0.000000e+00 : f32
        %parallel_loop3A_175 = vector.broadcast %parallel_loop3A_174 : f32 to vector<16xf32>
        %parallel_loop3A_176 = arith.minimumf %parallel_loop3A_170, %parallel_loop3A_175 : vector<16xf32>
        %parallel_loop3A_177 = arith.constant 2.000000e-01 : f32
        %parallel_loop3A_178 = vector.broadcast %parallel_loop3A_177 : f32 to vector<16xf32>
        %parallel_loop3A_179 = arith.mulf %parallel_loop3A_178, %parallel_loop3A_176 : vector<16xf32>
        %parallel_loop3A_180 = arith.addf %parallel_loop3A_173, %parallel_loop3A_179 : vector<16xf32>
        %parallel_loop3A_181 = tpu.bitcast %parallel_loop3A_180 : vector<16xf32> -> vector<16xi32>
        %parallel_loop3A_182 = arith.constant 32767 : i32
        %parallel_loop3A_183 = vector.broadcast %parallel_loop3A_182 : i32 to vector<16xi32>
        %parallel_loop3A_184 = arith.addi %parallel_loop3A_181, %parallel_loop3A_183 : vector<16xi32>
        %parallel_loop3A_185 = arith.constant 16 : i32
        %parallel_loop3A_186 = vector.broadcast %parallel_loop3A_185 : i32 to vector<16xi32>
        %parallel_loop3A_187 = arith.shrsi %parallel_loop3A_181, %parallel_loop3A_186 : vector<16xi32>
        %parallel_loop3A_188 = arith.constant 1 : i32
        %parallel_loop3A_189 = vector.broadcast %parallel_loop3A_188 : i32 to vector<16xi32>
        %parallel_loop3A_190 = arith.andi %parallel_loop3A_187, %parallel_loop3A_189 : vector<16xi32>
        %parallel_loop3A_191 = arith.addi %parallel_loop3A_184, %parallel_loop3A_190 : vector<16xi32>
        %parallel_loop3A_192 = arith.constant -65536 : i32
        %parallel_loop3A_193 = vector.broadcast %parallel_loop3A_192 : i32 to vector<16xi32>
        %parallel_loop3A_194 = arith.andi %parallel_loop3A_191, %parallel_loop3A_193 : vector<16xi32>
        %parallel_loop3A_195 = tpu.bitcast %parallel_loop3A_194 : vector<16xi32> -> vector<16xf32>
        %parallel_loop3A_196 = arith.mulf %get3A_33, %parallel_loop3A_195 : vector<16xf32>
        %parallel_loop3A_197 = arith.addf %parallel_loop3A_168, %parallel_loop3A_196 : vector<16xf32>
        %parallel_loop3A_198 = tpu.vector_load_idx %arg16[%parallel_loop3A_133, %add3A_9] : memref<128x64xf32, #tpu.memory_space<vmem>>[vector<16xi32>, vector<16xi32>], vector<16xf32>,
        %parallel_loop3A_199 = arith.addf %parallel_loop3A_136, %parallel_loop3A_198 : vector<16xf32>
        %parallel_loop3A_200 = arith.constant 0.000000e+00 : f32
        %parallel_loop3A_201 = vector.broadcast %parallel_loop3A_200 : f32 to vector<16xf32>
        %parallel_loop3A_202 = arith.maximumf %parallel_loop3A_199, %parallel_loop3A_201 : vector<16xf32>
        %parallel_loop3A_203 = arith.constant 0.000000e+00 : f32
        %parallel_loop3A_204 = vector.broadcast %parallel_loop3A_203 : f32 to vector<16xf32>
        %parallel_loop3A_205 = arith.minimumf %parallel_loop3A_199, %parallel_loop3A_204 : vector<16xf32>
        %parallel_loop3A_206 = arith.constant 2.000000e-01 : f32
        %parallel_loop3A_207 = vector.broadcast %parallel_loop3A_206 : f32 to vector<16xf32>
        %parallel_loop3A_208 = arith.mulf %parallel_loop3A_207, %parallel_loop3A_205 : vector<16xf32>
        %parallel_loop3A_209 = arith.addf %parallel_loop3A_202, %parallel_loop3A_208 : vector<16xf32>
        %parallel_loop3A_210 = tpu.bitcast %parallel_loop3A_209 : vector<16xf32> -> vector<16xi32>
        %parallel_loop3A_211 = arith.constant 32767 : i32
        %parallel_loop3A_212 = vector.broadcast %parallel_loop3A_211 : i32 to vector<16xi32>
        %parallel_loop3A_213 = arith.addi %parallel_loop3A_210, %parallel_loop3A_212 : vector<16xi32>
        %parallel_loop3A_214 = arith.constant 16 : i32
        %parallel_loop3A_215 = vector.broadcast %parallel_loop3A_214 : i32 to vector<16xi32>
        %parallel_loop3A_216 = arith.shrsi %parallel_loop3A_210, %parallel_loop3A_215 : vector<16xi32>
        %parallel_loop3A_217 = arith.constant 1 : i32
        %parallel_loop3A_218 = vector.broadcast %parallel_loop3A_217 : i32 to vector<16xi32>
        %parallel_loop3A_219 = arith.andi %parallel_loop3A_216, %parallel_loop3A_218 : vector<16xi32>
        %parallel_loop3A_220 = arith.addi %parallel_loop3A_213, %parallel_loop3A_219 : vector<16xi32>
        %parallel_loop3A_221 = arith.constant -65536 : i32
        %parallel_loop3A_222 = vector.broadcast %parallel_loop3A_221 : i32 to vector<16xi32>
        %parallel_loop3A_223 = arith.andi %parallel_loop3A_220, %parallel_loop3A_222 : vector<16xi32>
        %parallel_loop3A_224 = tpu.bitcast %parallel_loop3A_223 : vector<16xi32> -> vector<16xf32>
        %parallel_loop3A_225 = arith.mulf %get3A_35, %parallel_loop3A_224 : vector<16xf32>
        %parallel_loop3A_226 = arith.addf %parallel_loop3A_197, %parallel_loop3A_225 : vector<16xf32>
        %parallel_loop3A_227 = tpu.vector_load_idx %arg16[%parallel_loop3A_133, %add3A_12] : memref<128x64xf32, #tpu.memory_space<vmem>>[vector<16xi32>, vector<16xi32>], vector<16xf32>,
        %parallel_loop3A_228 = arith.addf %parallel_loop3A_137, %parallel_loop3A_227 : vector<16xf32>
        %parallel_loop3A_229 = arith.constant 0.000000e+00 : f32
        %parallel_loop3A_230 = vector.broadcast %parallel_loop3A_229 : f32 to vector<16xf32>
        %parallel_loop3A_231 = arith.maximumf %parallel_loop3A_228, %parallel_loop3A_230 : vector<16xf32>
        %parallel_loop3A_232 = arith.constant 0.000000e+00 : f32
        %parallel_loop3A_233 = vector.broadcast %parallel_loop3A_232 : f32 to vector<16xf32>
        %parallel_loop3A_234 = arith.minimumf %parallel_loop3A_228, %parallel_loop3A_233 : vector<16xf32>
        %parallel_loop3A_235 = arith.constant 2.000000e-01 : f32
        %parallel_loop3A_236 = vector.broadcast %parallel_loop3A_235 : f32 to vector<16xf32>
        %parallel_loop3A_237 = arith.mulf %parallel_loop3A_236, %parallel_loop3A_234 : vector<16xf32>
        %parallel_loop3A_238 = arith.addf %parallel_loop3A_231, %parallel_loop3A_237 : vector<16xf32>
        %parallel_loop3A_239 = tpu.bitcast %parallel_loop3A_238 : vector<16xf32> -> vector<16xi32>
        %parallel_loop3A_240 = arith.constant 32767 : i32
        %parallel_loop3A_241 = vector.broadcast %parallel_loop3A_240 : i32 to vector<16xi32>
        %parallel_loop3A_242 = arith.addi %parallel_loop3A_239, %parallel_loop3A_241 : vector<16xi32>
        %parallel_loop3A_243 = arith.constant 16 : i32
        %parallel_loop3A_244 = vector.broadcast %parallel_loop3A_243 : i32 to vector<16xi32>
        %parallel_loop3A_245 = arith.shrsi %parallel_loop3A_239, %parallel_loop3A_244 : vector<16xi32>
        %parallel_loop3A_246 = arith.constant 1 : i32
        %parallel_loop3A_247 = vector.broadcast %parallel_loop3A_246 : i32 to vector<16xi32>
        %parallel_loop3A_248 = arith.andi %parallel_loop3A_245, %parallel_loop3A_247 : vector<16xi32>
        %parallel_loop3A_249 = arith.addi %parallel_loop3A_242, %parallel_loop3A_248 : vector<16xi32>
        %parallel_loop3A_250 = arith.constant -65536 : i32
        %parallel_loop3A_251 = vector.broadcast %parallel_loop3A_250 : i32 to vector<16xi32>
        %parallel_loop3A_252 = arith.andi %parallel_loop3A_249, %parallel_loop3A_251 : vector<16xi32>
        %parallel_loop3A_253 = tpu.bitcast %parallel_loop3A_252 : vector<16xi32> -> vector<16xf32>
        %parallel_loop3A_254 = arith.mulf %get3A_37, %parallel_loop3A_253 : vector<16xf32>
        %parallel_loop3A_255 = arith.addf %parallel_loop3A_226, %parallel_loop3A_254 : vector<16xf32>
        %parallel_loop3A_256 = arith.constant true
        %parallel_loop3A_257 = vector.broadcast %parallel_loop3A_256 : i1 to vector<16xi1>
        %parallel_loop3A_258 = tpu.scan <sum>, %parallel_loop3A_255 masked %parallel_loop3A_257 : vector<16xf32>, vector<16xi1> -> vector<16xf32>
        %parallel_loop3A_259 = vector.extract %parallel_loop3A_258[15] : f32 from vector<16xf32>
        %parallel_loop3A_260 = arith.addi %add3A_120, %parallel_loop3A_132 : i32
        %parallel_loop3A_261 = arith.constant 330000 : i32
        %parallel_loop3A_262 = arith.cmpi slt, %parallel_loop3A_260, %parallel_loop3A_261 : i32
        %parallel_loop3A_263 = arith.constant 1.000000e+00 : f32
        %parallel_loop3A_264 = arith.constant 0.000000e+00 : f32
        %parallel_loop3A_265 = arith.select %parallel_loop3A_262, %parallel_loop3A_263, %parallel_loop3A_264 : f32
        %parallel_loop3A_266 = vector.broadcast %parallel_loop3A_259 : f32 to vector<16xf32>
        %parallel_loop3A_267 = math.exp %parallel_loop3A_266 : vector<16xf32>
        %parallel_loop3A_268 = vector.broadcast %parallel_loop3A_265 : f32 to vector<16xf32>
        %parallel_loop3A_269 = arith.mulf %parallel_loop3A_267, %parallel_loop3A_268 : vector<16xf32>
        %parallel_loop3A_270 = arith.mulf %parallel_loop3A_134, %parallel_loop3A_269 : vector<16xf32>
        tpu.vector_store_idx %arg18[%parallel_loop3A_133, %add3A_3], %parallel_loop3A_270 : memref<128x80xf32, #tpu.memory_space<vmem>>[vector<16xi32>, vector<16xi32>], vector<16xf32>,
        %parallel_loop3A_271 = arith.mulf %parallel_loop3A_135, %parallel_loop3A_269 : vector<16xf32>
        tpu.vector_store_idx %arg18[%parallel_loop3A_133, %add3A_6], %parallel_loop3A_271 : memref<128x80xf32, #tpu.memory_space<vmem>>[vector<16xi32>, vector<16xi32>], vector<16xf32>,
        %parallel_loop3A_272 = arith.mulf %parallel_loop3A_136, %parallel_loop3A_269 : vector<16xf32>
        tpu.vector_store_idx %arg18[%parallel_loop3A_133, %add3A_9], %parallel_loop3A_272 : memref<128x80xf32, #tpu.memory_space<vmem>>[vector<16xi32>, vector<16xi32>], vector<16xf32>,
        %parallel_loop3A_273 = arith.mulf %parallel_loop3A_137, %parallel_loop3A_269 : vector<16xf32>
        tpu.vector_store_idx %arg18[%parallel_loop3A_133, %add3A_12], %parallel_loop3A_273 : memref<128x80xf32, #tpu.memory_space<vmem>>[vector<16xi32>, vector<16xi32>], vector<16xf32>,
        tpu.vector_store_idx %arg18[%parallel_loop3A_133, %add3A_15], %parallel_loop3A_269 : memref<128x80xf32, #tpu.memory_space<vmem>>[vector<16xi32>, vector<16xi32>], vector<16xf32>,
      } {sc.loop_unroll_factor = 4 : i64, sc.parallel_access}
      %dma_start3A_124 = arith.constant 0 : i32
      %dma_start3A_125 = arith.constant 0 : i32
      %dma_start3A_126 = tpu.memref_slice %arg20[%dma_start3A_124, %dma_start3A_125] : memref<10000x80xf32, #tpu.memory_space<vmem_shared>> -> memref<10000x80xf32, #tpu.memory_space<vmem_shared>>
      tpu.enqueue_indirect_dma source(%arg18 : memref<128x80xf32, #tpu.memory_space<vmem>>) target(%dma_start3A_126 : memref<10000x80xf32, #tpu.memory_space<vmem_shared>>) offsets(%arg12 : memref<128xi32, #tpu.memory_space<vmem>>) semaphore(%arg26 : memref<!tpu.dma_semaphore, #tpu.memory_space<semaphore_mem>>) {add = true}
      %lt3A_127 = arith.constant 40 : i32
      %lt3A_128 = arith.cmpi slt, %scan3A_74, %lt3A_127 : i32
      %convert_element_type3A_129 = arith.extui %lt3A_128 : i1 to i32
      %cond3A_130 = arith.constant 0 : i32
      %cond3A_131 = arith.cmpi ne, %convert_element_type3A_129, %cond3A_130 : i32
      scf.if %cond3A_131 {
        %add3A_132 = arith.constant 2 : i32
        %add3A_133 = arith.addi %add3A_80, %add3A_132 : i32
        %mul3A_134 = arith.constant 10496 : i32
        %mul3A_135 = arith.muli %add3A, %mul3A_134 : i32
        %mul3A_136 = arith.constant 128 : i32
        %mul3A_137 = arith.muli %add3A_133, %mul3A_136 : i32
        %add3A_138 = arith.addi %mul3A_135, %mul3A_137 : i32
        "tpu.region"() ({
          %run_scoped3A = tpu.sem_alloc : memref<!tpu.dma_semaphore, #tpu.memory_space<semaphore_mem>>
          %dma_start3A_145 = tpu.memref_slice %arg4[%add3A_138] : memref<335872xi32, #tpu.memory_space<hbm>> -> memref<128xi32, #tpu.memory_space<hbm>>
          %dma_start3A_146 = tpu.memref_slice %arg4[%add3A_138] : memref<335872xi32, #tpu.memory_space<hbm>> -> memref<128xi32, #tpu.memory_space<hbm>>
          tpu.enqueue_dma source(%dma_start3A_146 : memref<128xi32, #tpu.memory_space<hbm>>) target(%arg11 : memref<128xi32, #tpu.memory_space<vmem>>) target_semaphore(%run_scoped3A : memref<!tpu.dma_semaphore, #tpu.memory_space<semaphore_mem>>)
          %dma_wait3A_147 = tpu.memref_slice %arg4[%add3A_138] : memref<335872xi32, #tpu.memory_space<hbm>> -> memref<128xi32, #tpu.memory_space<hbm>>
          %dma_wait3A_148 = tpu.memref_slice %arg4[%add3A_138] : memref<335872xi32, #tpu.memory_space<hbm>> -> memref<128xi32, #tpu.memory_space<hbm>>
          tpu.wait_dma2 semaphore(%run_scoped3A : memref<!tpu.dma_semaphore, #tpu.memory_space<semaphore_mem>>) src(%dma_wait3A_148 : memref<128xi32, #tpu.memory_space<hbm>>) dst(%arg11 : memref<128xi32, #tpu.memory_space<vmem>>)
          tpu.yield
        }) : () -> ()
        "tpu.region"() ({
          %run_scoped3A = tpu.sem_alloc : memref<!tpu.dma_semaphore, #tpu.memory_space<semaphore_mem>>
          %dma_start3A_145 = tpu.memref_slice %arg5[%add3A_138] : memref<335872xi32, #tpu.memory_space<hbm>> -> memref<128xi32, #tpu.memory_space<hbm>>
          %dma_start3A_146 = tpu.memref_slice %arg5[%add3A_138] : memref<335872xi32, #tpu.memory_space<hbm>> -> memref<128xi32, #tpu.memory_space<hbm>>
          tpu.enqueue_dma source(%dma_start3A_146 : memref<128xi32, #tpu.memory_space<hbm>>) target(%arg12 : memref<128xi32, #tpu.memory_space<vmem>>) target_semaphore(%run_scoped3A : memref<!tpu.dma_semaphore, #tpu.memory_space<semaphore_mem>>)
          %dma_wait3A_147 = tpu.memref_slice %arg5[%add3A_138] : memref<335872xi32, #tpu.memory_space<hbm>> -> memref<128xi32, #tpu.memory_space<hbm>>
          %dma_wait3A_148 = tpu.memref_slice %arg5[%add3A_138] : memref<335872xi32, #tpu.memory_space<hbm>> -> memref<128xi32, #tpu.memory_space<hbm>>
          tpu.wait_dma2 semaphore(%run_scoped3A : memref<!tpu.dma_semaphore, #tpu.memory_space<semaphore_mem>>) src(%dma_wait3A_148 : memref<128xi32, #tpu.memory_space<hbm>>) dst(%arg12 : memref<128xi32, #tpu.memory_space<vmem>>)
          tpu.yield
        }) : () -> ()
        %dma_start3A_139 = arith.constant 0 : i32
        %dma_start3A_140 = arith.constant 0 : i32
        %dma_start3A_141 = tpu.memref_slice %arg2[%dma_start3A_139, %dma_start3A_140] : memref<10000x64xf32, #tpu.memory_space<hbm>> -> memref<10000x64xf32, #tpu.memory_space<hbm>>
        tpu.enqueue_indirect_dma source(%dma_start3A_141 : memref<10000x64xf32, #tpu.memory_space<hbm>>) target(%arg15 : memref<128x64xf32, #tpu.memory_space<vmem>>) offsets(%arg11 : memref<128xi32, #tpu.memory_space<vmem>>) semaphore(%arg23 : memref<!tpu.dma_semaphore, #tpu.memory_space<semaphore_mem>>)
        %dma_start3A_142 = arith.constant 0 : i32
        %dma_start3A_143 = arith.constant 0 : i32
        %dma_start3A_144 = tpu.memref_slice %arg3[%dma_start3A_142, %dma_start3A_143] : memref<10000x64xf32, #tpu.memory_space<hbm>> -> memref<10000x64xf32, #tpu.memory_space<hbm>>
        tpu.enqueue_indirect_dma source(%dma_start3A_144 : memref<10000x64xf32, #tpu.memory_space<hbm>>) target(%arg16 : memref<128x64xf32, #tpu.memory_space<vmem>>) offsets(%arg12 : memref<128xi32, #tpu.memory_space<vmem>>) semaphore(%arg24 : memref<!tpu.dma_semaphore, #tpu.memory_space<semaphore_mem>>)
      } else {
      }
    }
    %scan3A_62 = arith.constant 41 : i32
    %dma_wait3A = arith.constant 0 : i32
    %dma_wait3A_63 = arith.constant 0 : i32
    %dma_wait3A_64 = tpu.memref_slice %arg20[%dma_wait3A, %dma_wait3A_63] : memref<10000x80xf32, #tpu.memory_space<vmem_shared>> -> memref<10000x80xf32, #tpu.memory_space<vmem_shared>>
    tpu.wait_indirect_dma semaphore(%arg25 : memref<!tpu.dma_semaphore, #tpu.memory_space<semaphore_mem>>) src(%arg17 : memref<128x80xf32, #tpu.memory_space<vmem>>) dst(%dma_wait3A_64 : memref<10000x80xf32, #tpu.memory_space<vmem_shared>>)
    %dma_wait3A_65 = arith.constant 0 : i32
    %dma_wait3A_66 = arith.constant 0 : i32
    %dma_wait3A_67 = tpu.memref_slice %arg20[%dma_wait3A_65, %dma_wait3A_66] : memref<10000x80xf32, #tpu.memory_space<vmem_shared>> -> memref<10000x80xf32, #tpu.memory_space<vmem_shared>>
    tpu.wait_indirect_dma semaphore(%arg26 : memref<!tpu.dma_semaphore, #tpu.memory_space<semaphore_mem>>) src(%arg18 : memref<128x80xf32, #tpu.memory_space<vmem>>) dst(%dma_wait3A_67 : memref<10000x80xf32, #tpu.memory_space<vmem_shared>>)
    %barrier3A_68 = arith.constant 0 : index
    tpu.barrier barrier_id(%barrier3A_68)
    "tpu.region"() ({
      %run_scoped3A = tpu.sem_alloc : memref<!tpu.dma_semaphore, #tpu.memory_space<semaphore_mem>>
      %dma_start3A_74 = arith.constant 0 : i32
      %dma_start3A_75 = tpu.memref_slice %arg7[%arg0, %mul3A_22, %dma_start3A_74] : memref<2x10000x80xf32, #tpu.memory_space<hbm>> -> memref<1x624x80xf32, #tpu.memory_space<hbm>>
      %dma_start3A_76 = tpu.memref_squeeze %dma_start3A_75 : memref<1x624x80xf32, #tpu.memory_space<hbm>> -> memref<624x80xf32, #tpu.memory_space<hbm>>
      %dma_start3A_77 = arith.constant 0 : i32
      %dma_start3A_78 = tpu.memref_slice %arg20[%mul3A_22, %dma_start3A_77] : memref<10000x80xf32, #tpu.memory_space<vmem_shared>> -> memref<624x80xf32, #tpu.memory_space<vmem_shared>>
      tpu.enqueue_dma source(%dma_start3A_78 : memref<624x80xf32, #tpu.memory_space<vmem_shared>>) target(%dma_start3A_76 : memref<624x80xf32, #tpu.memory_space<hbm>>) target_semaphore(%run_scoped3A : memref<!tpu.dma_semaphore, #tpu.memory_space<semaphore_mem>>)
      %dma_wait3A_79 = arith.constant 0 : i32
      %dma_wait3A_80 = tpu.memref_slice %arg7[%arg0, %mul3A_22, %dma_wait3A_79] : memref<2x10000x80xf32, #tpu.memory_space<hbm>> -> memref<1x624x80xf32, #tpu.memory_space<hbm>>
      %dma_wait3A_81 = tpu.memref_squeeze %dma_wait3A_80 : memref<1x624x80xf32, #tpu.memory_space<hbm>> -> memref<624x80xf32, #tpu.memory_space<hbm>>
      %dma_wait3A_82 = arith.constant 0 : i32
      %dma_wait3A_83 = tpu.memref_slice %arg20[%mul3A_22, %dma_wait3A_82] : memref<10000x80xf32, #tpu.memory_space<vmem_shared>> -> memref<624x80xf32, #tpu.memory_space<vmem_shared>>
      tpu.wait_dma2 semaphore(%run_scoped3A : memref<!tpu.dma_semaphore, #tpu.memory_space<semaphore_mem>>) src(%dma_wait3A_83 : memref<624x80xf32, #tpu.memory_space<vmem_shared>>) dst(%dma_wait3A_81 : memref<624x80xf32, #tpu.memory_space<hbm>>)
      tpu.yield
    }) : () -> ()
    %eq3A_69 = arith.constant 15 : i32
    %eq3A_70 = arith.cmpi eq, %arg1, %eq3A_69 : i32
    %convert_element_type3A_71 = arith.extui %eq3A_70 : i1 to i32
    %cond3A_72 = arith.constant 0 : i32
    %cond3A_73 = arith.cmpi ne, %convert_element_type3A_71, %cond3A_72 : i32
    scf.if %cond3A_73 {
      "tpu.region"() ({
        %run_scoped3A = tpu.sem_alloc : memref<!tpu.dma_semaphore, #tpu.memory_space<semaphore_mem>>
        %dma_start3A_74 = arith.constant 9984 : i32
        %dma_start3A_75 = arith.constant 0 : i32
        %dma_start3A_76 = tpu.memref_slice %arg7[%arg0, %dma_start3A_74, %dma_start3A_75] : memref<2x10000x80xf32, #tpu.memory_space<hbm>> -> memref<1x16x80xf32, #tpu.memory_space<hbm>>
        %dma_start3A_77 = tpu.memref_squeeze %dma_start3A_76 : memref<1x16x80xf32, #tpu.memory_space<hbm>> -> memref<16x80xf32, #tpu.memory_space<hbm>>
        %dma_start3A_78 = arith.constant 9984 : i32
        %dma_start3A_79 = arith.constant 0 : i32
        %dma_start3A_80 = tpu.memref_slice %arg20[%dma_start3A_78, %dma_start3A_79] : memref<10000x80xf32, #tpu.memory_space<vmem_shared>> -> memref<16x80xf32, #tpu.memory_space<vmem_shared>>
        tpu.enqueue_dma source(%dma_start3A_80 : memref<16x80xf32, #tpu.memory_space<vmem_shared>>) target(%dma_start3A_77 : memref<16x80xf32, #tpu.memory_space<hbm>>) target_semaphore(%run_scoped3A : memref<!tpu.dma_semaphore, #tpu.memory_space<semaphore_mem>>)
        %dma_wait3A_81 = arith.constant 9984 : i32
        %dma_wait3A_82 = arith.constant 0 : i32
        %dma_wait3A_83 = tpu.memref_slice %arg7[%arg0, %dma_wait3A_81, %dma_wait3A_82] : memref<2x10000x80xf32, #tpu.memory_space<hbm>> -> memref<1x16x80xf32, #tpu.memory_space<hbm>>
        %dma_wait3A_84 = tpu.memref_squeeze %dma_wait3A_83 : memref<1x16x80xf32, #tpu.memory_space<hbm>> -> memref<16x80xf32, #tpu.memory_space<hbm>>
        %dma_wait3A_85 = arith.constant 9984 : i32
        %dma_wait3A_86 = arith.constant 0 : i32
        %dma_wait3A_87 = tpu.memref_slice %arg20[%dma_wait3A_85, %dma_wait3A_86] : memref<10000x80xf32, #tpu.memory_space<vmem_shared>> -> memref<16x80xf32, #tpu.memory_space<vmem_shared>>
        tpu.wait_dma2 semaphore(%run_scoped3A : memref<!tpu.dma_semaphore, #tpu.memory_space<semaphore_mem>>) src(%dma_wait3A_87 : memref<16x80xf32, #tpu.memory_space<vmem_shared>>) dst(%dma_wait3A_84 : memref<16x80xf32, #tpu.memory_space<hbm>>)
        tpu.yield
      }) : () -> ()
    } else {
    }
    return
  }
}

#map = affine_map<(d0, d1) -> (0, 0)>
#map1 = affine_map<(d0, d1) -> (0)>
#map2 = affine_map<(d0, d1) -> (0, 0, 0)>
module attributes {stable_mosaic.version = 14 : i64} {
  func.func @_sc_edge_body(%arg0: i32, %arg1: i32, %arg2: memref<10000x64xf32, #tpu.memory_space<hbm>>, %arg3: memref<10000x64xf32, #tpu.memory_space<hbm>>, %arg4: memref<335872xi32, #tpu.memory_space<hbm>>, %arg5: memref<335872xi32, #tpu.memory_space<hbm>>, %arg6: memref<64xf32, #tpu.memory_space<hbm>>, %arg7: memref<2x10000x80xf32, #tpu.memory_space<hbm>>, %arg8: memref<64xf32, #tpu.memory_space<vmem>>, %arg9: memref<128xi32, #tpu.memory_space<vmem>>, %arg10: memref<128xi32, #tpu.memory_space<vmem>>, %arg11: memref<128xi32, #tpu.memory_space<vmem>>, %arg12: memref<128xi32, #tpu.memory_space<vmem>>, %arg13: memref<128x64xf32, #tpu.memory_space<vmem>>, %arg14: memref<128x64xf32, #tpu.memory_space<vmem>>, %arg15: memref<128x64xf32, #tpu.memory_space<vmem>>, %arg16: memref<128x64xf32, #tpu.memory_space<vmem>>, %arg17: memref<128x80xf32, #tpu.memory_space<vmem>>, %arg18: memref<128x80xf32, #tpu.memory_space<vmem>>, %arg19: memref<208x80xf32, #tpu.memory_space<vmem>>, %arg20: memref<10000x80xf32, #tpu.memory_space<vmem_shared>>, %arg21: memref<!tpu.dma_semaphore, #tpu.memory_space<semaphore_mem>>, %arg22: memref<!tpu.dma_semaphore, #tpu.memory_space<semaphore_mem>>, %arg23: memref<!tpu.dma_semaphore, #tpu.memory_space<semaphore_mem>>, %arg24: memref<!tpu.dma_semaphore, #tpu.memory_space<semaphore_mem>>, %arg25: memref<!tpu.dma_semaphore, #tpu.memory_space<semaphore_mem>>, %arg26: memref<!tpu.dma_semaphore, #tpu.memory_space<semaphore_mem>>) attributes {dimension_semantics = [#tpu.dimension_semantics<core_parallel>, #tpu.dimension_semantics<subcore_parallel>], iteration_bounds = array<i64: 2, 16>, scalar_prefetch = 0 : i64, scratch_operands = 19 : i64, tpu.core_type = #tpu.core_type<sc_vector_subcore>, window_params = [{transform_indices = #map}, {transform_indices = #map}, {transform_indices = #map1}, {transform_indices = #map1}, {transform_indices = #map1}, {transform_indices = #map2}]} {
    %mul3A = arith.constant 2 : i32
    %mul3A_0 = arith.muli %arg1, %mul3A : i32
    %add3A = arith.addi %mul3A_0, %arg0 : i32
    %iota3A = tpu.iota {dimensions = array<i32: 0>} : vector<16xi32>
    %add3A_1 = arith.constant 0 : i32
    %add3A_2 = vector.broadcast %add3A_1 : i32 to vector<16xi32>
    %add3A_3 = arith.addi %iota3A, %add3A_2 : vector<16xi32>
    %add3A_4 = arith.constant 16 : i32
    %add3A_5 = vector.broadcast %add3A_4 : i32 to vector<16xi32>
    %add3A_6 = arith.addi %iota3A, %add3A_5 : vector<16xi32>
    %add3A_7 = arith.constant 32 : i32
    %add3A_8 = vector.broadcast %add3A_7 : i32 to vector<16xi32>
    %add3A_9 = arith.addi %iota3A, %add3A_8 : vector<16xi32>
    %add3A_10 = arith.constant 48 : i32
    %add3A_11 = vector.broadcast %add3A_10 : i32 to vector<16xi32>
    %add3A_12 = arith.addi %iota3A, %add3A_11 : vector<16xi32>
    %add3A_13 = arith.constant 64 : i32
    %add3A_14 = vector.broadcast %add3A_13 : i32 to vector<16xi32>
    %add3A_15 = arith.addi %iota3A, %add3A_14 : vector<16xi32>
    %scan3A = arith.constant 0 : i32
    %scan3A_16 = arith.constant 0 : i32
    %scan3A_17 = arith.constant 208 : i32
    %scan3A_18 = arith.addi %scan3A_16, %scan3A_17 : i32
    %scan3A_19 = arith.constant 1 : i32
    scf.for %scan3A_74 = %scan3A_16 to %scan3A_18 step %scan3A_19  : i32 {
      %broadcast_in_dim3A = vector.broadcast %scan3A_74 : i32 to vector<16xi32>
      %broadcast_in_dim3A_75 = arith.constant 0.000000e+00 : f32
      %broadcast_in_dim3A_76 = vector.broadcast %broadcast_in_dim3A_75 : f32 to vector<16xf32>
      tpu.vector_store_idx %arg19[%broadcast_in_dim3A, %add3A_3], %broadcast_in_dim3A_76 : memref<208x80xf32, #tpu.memory_space<vmem>>[vector<16xi32>, vector<16xi32>], vector<16xf32>,
      tpu.vector_store_idx %arg19[%broadcast_in_dim3A, %add3A_6], %broadcast_in_dim3A_76 : memref<208x80xf32, #tpu.memory_space<vmem>>[vector<16xi32>, vector<16xi32>], vector<16xf32>,
      tpu.vector_store_idx %arg19[%broadcast_in_dim3A, %add3A_9], %broadcast_in_dim3A_76 : memref<208x80xf32, #tpu.memory_space<vmem>>[vector<16xi32>, vector<16xi32>], vector<16xf32>,
      tpu.vector_store_idx %arg19[%broadcast_in_dim3A, %add3A_12], %broadcast_in_dim3A_76 : memref<208x80xf32, #tpu.memory_space<vmem>>[vector<16xi32>, vector<16xi32>], vector<16xf32>,
      tpu.vector_store_idx %arg19[%broadcast_in_dim3A, %add3A_15], %broadcast_in_dim3A_76 : memref<208x80xf32, #tpu.memory_space<vmem>>[vector<16xi32>, vector<16xi32>], vector<16xf32>,
    }
    %scan3A_20 = arith.constant 208 : i32
    %mul3A_21 = arith.constant 624 : i32
    %mul3A_22 = arith.muli %arg1, %mul3A_21 : i32
    %add3A_23 = arith.constant 0 : i32
    %add3A_24 = arith.addi %mul3A_22, %add3A_23 : i32
    "tpu.region"() ({
      %run_scoped3A = tpu.sem_alloc : memref<!tpu.dma_semaphore, #tpu.memory_space<semaphore_mem>>
      %dma_start3A_74 = arith.constant 0 : i32
      %dma_start3A_75 = tpu.memref_slice %arg20[%add3A_24, %dma_start3A_74] : memref<10000x80xf32, #tpu.memory_space<vmem_shared>> -> memref<208x80xf32, #tpu.memory_space<vmem_shared>>
      %dma_start3A_76 = arith.constant 0 : i32
      %dma_start3A_77 = tpu.memref_slice %arg20[%add3A_24, %dma_start3A_76] : memref<10000x80xf32, #tpu.memory_space<vmem_shared>> -> memref<208x80xf32, #tpu.memory_space<vmem_shared>>
      tpu.enqueue_dma source(%arg19 : memref<208x80xf32, #tpu.memory_space<vmem>>) target(%dma_start3A_77 : memref<208x80xf32, #tpu.memory_space<vmem_shared>>) target_semaphore(%run_scoped3A : memref<!tpu.dma_semaphore, #tpu.memory_space<semaphore_mem>>)
      %dma_wait3A_78 = arith.constant 0 : i32
      %dma_wait3A_79 = tpu.memref_slice %arg20[%add3A_24, %dma_wait3A_78] : memref<10000x80xf32, #tpu.memory_space<vmem_shared>> -> memref<208x80xf32, #tpu.memory_space<vmem_shared>>
      %dma_wait3A_80 = arith.constant 0 : i32
      %dma_wait3A_81 = tpu.memref_slice %arg20[%add3A_24, %dma_wait3A_80] : memref<10000x80xf32, #tpu.memory_space<vmem_shared>> -> memref<208x80xf32, #tpu.memory_space<vmem_shared>>
      tpu.wait_dma2 semaphore(%run_scoped3A : memref<!tpu.dma_semaphore, #tpu.memory_space<semaphore_mem>>) src(%arg19 : memref<208x80xf32, #tpu.memory_space<vmem>>) dst(%dma_wait3A_81 : memref<208x80xf32, #tpu.memory_space<vmem_shared>>)
      tpu.yield
    }) : () -> ()
    %add3A_25 = arith.constant 208 : i32
    %add3A_26 = arith.addi %mul3A_22, %add3A_25 : i32
    "tpu.region"() ({
      %run_scoped3A = tpu.sem_alloc : memref<!tpu.dma_semaphore, #tpu.memory_space<semaphore_mem>>
      %dma_start3A_74 = arith.constant 0 : i32
      %dma_start3A_75 = tpu.memref_slice %arg20[%add3A_26, %dma_start3A_74] : memref<10000x80xf32, #tpu.memory_space<vmem_shared>> -> memref<208x80xf32, #tpu.memory_space<vmem_shared>>
      %dma_start3A_76 = arith.constant 0 : i32
      %dma_start3A_77 = tpu.memref_slice %arg20[%add3A_26, %dma_start3A_76] : memref<10000x80xf32, #tpu.memory_space<vmem_shared>> -> memref<208x80xf32, #tpu.memory_space<vmem_shared>>
      tpu.enqueue_dma source(%arg19 : memref<208x80xf32, #tpu.memory_space<vmem>>) target(%dma_start3A_77 : memref<208x80xf32, #tpu.memory_space<vmem_shared>>) target_semaphore(%run_scoped3A : memref<!tpu.dma_semaphore, #tpu.memory_space<semaphore_mem>>)
      %dma_wait3A_78 = arith.constant 0 : i32
      %dma_wait3A_79 = tpu.memref_slice %arg20[%add3A_26, %dma_wait3A_78] : memref<10000x80xf32, #tpu.memory_space<vmem_shared>> -> memref<208x80xf32, #tpu.memory_space<vmem_shared>>
      %dma_wait3A_80 = arith.constant 0 : i32
      %dma_wait3A_81 = tpu.memref_slice %arg20[%add3A_26, %dma_wait3A_80] : memref<10000x80xf32, #tpu.memory_space<vmem_shared>> -> memref<208x80xf32, #tpu.memory_space<vmem_shared>>
      tpu.wait_dma2 semaphore(%run_scoped3A : memref<!tpu.dma_semaphore, #tpu.memory_space<semaphore_mem>>) src(%arg19 : memref<208x80xf32, #tpu.memory_space<vmem>>) dst(%dma_wait3A_81 : memref<208x80xf32, #tpu.memory_space<vmem_shared>>)
      tpu.yield
    }) : () -> ()
    %add3A_27 = arith.constant 416 : i32
    %add3A_28 = arith.addi %mul3A_22, %add3A_27 : i32
    "tpu.region"() ({
      %run_scoped3A = tpu.sem_alloc : memref<!tpu.dma_semaphore, #tpu.memory_space<semaphore_mem>>
      %dma_start3A_74 = arith.constant 0 : i32
      %dma_start3A_75 = tpu.memref_slice %arg20[%add3A_28, %dma_start3A_74] : memref<10000x80xf32, #tpu.memory_space<vmem_shared>> -> memref<208x80xf32, #tpu.memory_space<vmem_shared>>
      %dma_start3A_76 = arith.constant 0 : i32
      %dma_start3A_77 = tpu.memref_slice %arg20[%add3A_28, %dma_start3A_76] : memref<10000x80xf32, #tpu.memory_space<vmem_shared>> -> memref<208x80xf32, #tpu.memory_space<vmem_shared>>
      tpu.enqueue_dma source(%arg19 : memref<208x80xf32, #tpu.memory_space<vmem>>) target(%dma_start3A_77 : memref<208x80xf32, #tpu.memory_space<vmem_shared>>) target_semaphore(%run_scoped3A : memref<!tpu.dma_semaphore, #tpu.memory_space<semaphore_mem>>)
      %dma_wait3A_78 = arith.constant 0 : i32
      %dma_wait3A_79 = tpu.memref_slice %arg20[%add3A_28, %dma_wait3A_78] : memref<10000x80xf32, #tpu.memory_space<vmem_shared>> -> memref<208x80xf32, #tpu.memory_space<vmem_shared>>
      %dma_wait3A_80 = arith.constant 0 : i32
      %dma_wait3A_81 = tpu.memref_slice %arg20[%add3A_28, %dma_wait3A_80] : memref<10000x80xf32, #tpu.memory_space<vmem_shared>> -> memref<208x80xf32, #tpu.memory_space<vmem_shared>>
      tpu.wait_dma2 semaphore(%run_scoped3A : memref<!tpu.dma_semaphore, #tpu.memory_space<semaphore_mem>>) src(%arg19 : memref<208x80xf32, #tpu.memory_space<vmem>>) dst(%dma_wait3A_81 : memref<208x80xf32, #tpu.memory_space<vmem_shared>>)
      tpu.yield
    }) : () -> ()
    %eq3A = arith.constant 15 : i32
    %eq3A_29 = arith.cmpi eq, %arg1, %eq3A : i32
    %convert_element_type3A = arith.extui %eq3A_29 : i1 to i32
    %cond3A = arith.constant 0 : i32
    %cond3A_30 = arith.cmpi ne, %convert_element_type3A, %cond3A : i32
    scf.if %cond3A_30 {
      "tpu.region"() ({
        %run_scoped3A = tpu.sem_alloc : memref<!tpu.dma_semaphore, #tpu.memory_space<semaphore_mem>>
        %dma_start3A_74 = arith.constant 0 : i32
        %dma_start3A_75 = arith.constant 0 : i32
        %dma_start3A_76 = tpu.memref_slice %arg19[%dma_start3A_74, %dma_start3A_75] : memref<208x80xf32, #tpu.memory_space<vmem>> -> memref<16x80xf32, #tpu.memory_space<vmem>>
        %dma_start3A_77 = arith.constant 9984 : i32
        %dma_start3A_78 = arith.constant 0 : i32
        %dma_start3A_79 = tpu.memref_slice %arg20[%dma_start3A_77, %dma_start3A_78] : memref<10000x80xf32, #tpu.memory_space<vmem_shared>> -> memref<16x80xf32, #tpu.memory_space<vmem_shared>>
        %dma_start3A_80 = arith.constant 9984 : i32
        %dma_start3A_81 = arith.constant 0 : i32
        %dma_start3A_82 = tpu.memref_slice %arg20[%dma_start3A_80, %dma_start3A_81] : memref<10000x80xf32, #tpu.memory_space<vmem_shared>> -> memref<16x80xf32, #tpu.memory_space<vmem_shared>>
        %dma_start3A_83 = arith.constant 0 : i32
        %dma_start3A_84 = arith.constant 0 : i32
        %dma_start3A_85 = tpu.memref_slice %arg19[%dma_start3A_83, %dma_start3A_84] : memref<208x80xf32, #tpu.memory_space<vmem>> -> memref<16x80xf32, #tpu.memory_space<vmem>>
        tpu.enqueue_dma source(%dma_start3A_85 : memref<16x80xf32, #tpu.memory_space<vmem>>) target(%dma_start3A_82 : memref<16x80xf32, #tpu.memory_space<vmem_shared>>) target_semaphore(%run_scoped3A : memref<!tpu.dma_semaphore, #tpu.memory_space<semaphore_mem>>)
        %dma_wait3A_86 = arith.constant 0 : i32
        %dma_wait3A_87 = arith.constant 0 : i32
        %dma_wait3A_88 = tpu.memref_slice %arg19[%dma_wait3A_86, %dma_wait3A_87] : memref<208x80xf32, #tpu.memory_space<vmem>> -> memref<16x80xf32, #tpu.memory_space<vmem>>
        %dma_wait3A_89 = arith.constant 9984 : i32
        %dma_wait3A_90 = arith.constant 0 : i32
        %dma_wait3A_91 = tpu.memref_slice %arg20[%dma_wait3A_89, %dma_wait3A_90] : memref<10000x80xf32, #tpu.memory_space<vmem_shared>> -> memref<16x80xf32, #tpu.memory_space<vmem_shared>>
        %dma_wait3A_92 = arith.constant 9984 : i32
        %dma_wait3A_93 = arith.constant 0 : i32
        %dma_wait3A_94 = tpu.memref_slice %arg20[%dma_wait3A_92, %dma_wait3A_93] : memref<10000x80xf32, #tpu.memory_space<vmem_shared>> -> memref<16x80xf32, #tpu.memory_space<vmem_shared>>
        %dma_wait3A_95 = arith.constant 0 : i32
        %dma_wait3A_96 = arith.constant 0 : i32
        %dma_wait3A_97 = tpu.memref_slice %arg19[%dma_wait3A_95, %dma_wait3A_96] : memref<208x80xf32, #tpu.memory_space<vmem>> -> memref<16x80xf32, #tpu.memory_space<vmem>>
        tpu.wait_dma2 semaphore(%run_scoped3A : memref<!tpu.dma_semaphore, #tpu.memory_space<semaphore_mem>>) src(%dma_wait3A_97 : memref<16x80xf32, #tpu.memory_space<vmem>>) dst(%dma_wait3A_94 : memref<16x80xf32, #tpu.memory_space<vmem_shared>>)
        tpu.yield
      }) : () -> ()
    } else {
    }
    %barrier3A = arith.constant 0 : index
    tpu.barrier barrier_id(%barrier3A)
    "tpu.region"() ({
      %run_scoped3A = tpu.sem_alloc : memref<!tpu.dma_semaphore, #tpu.memory_space<semaphore_mem>>
      tpu.enqueue_dma source(%arg6 : memref<64xf32, #tpu.memory_space<hbm>>) target(%arg8 : memref<64xf32, #tpu.memory_space<vmem>>) target_semaphore(%run_scoped3A : memref<!tpu.dma_semaphore, #tpu.memory_space<semaphore_mem>>)
      tpu.wait_dma2 semaphore(%run_scoped3A : memref<!tpu.dma_semaphore, #tpu.memory_space<semaphore_mem>>) src(%arg6 : memref<64xf32, #tpu.memory_space<hbm>>) dst(%arg8 : memref<64xf32, #tpu.memory_space<vmem>>)
      tpu.yield
    }) : () -> ()
    %get3A = arith.constant 0 : index
    %get3A_31 = tpu.vector_load %arg8[%get3A] {strides = array<i32>} : memref<64xf32, #tpu.memory_space<vmem>>, vector<16xf32>,
    %get3A_32 = arith.constant 16 : index
    %get3A_33 = tpu.vector_load %arg8[%get3A_32] {strides = array<i32>} : memref<64xf32, #tpu.memory_space<vmem>>, vector<16xf32>,
    %get3A_34 = arith.constant 32 : index
    %get3A_35 = tpu.vector_load %arg8[%get3A_34] {strides = array<i32>} : memref<64xf32, #tpu.memory_space<vmem>>, vector<16xf32>,
    %get3A_36 = arith.constant 48 : index
    %get3A_37 = tpu.vector_load %arg8[%get3A_36] {strides = array<i32>} : memref<64xf32, #tpu.memory_space<vmem>>, vector<16xf32>,
    %mul3A_38 = arith.constant 10496 : i32
    %mul3A_39 = arith.muli %add3A, %mul3A_38 : i32
    %add3A_40 = arith.constant 0 : i32
    %add3A_41 = arith.addi %mul3A_39, %add3A_40 : i32
    "tpu.region"() ({
      %run_scoped3A = tpu.sem_alloc : memref<!tpu.dma_semaphore, #tpu.memory_space<semaphore_mem>>
      %dma_start3A_74 = tpu.memref_slice %arg4[%add3A_41] : memref<335872xi32, #tpu.memory_space<hbm>> -> memref<128xi32, #tpu.memory_space<hbm>>
      %dma_start3A_75 = tpu.memref_slice %arg4[%add3A_41] : memref<335872xi32, #tpu.memory_space<hbm>> -> memref<128xi32, #tpu.memory_space<hbm>>
      tpu.enqueue_dma source(%dma_start3A_75 : memref<128xi32, #tpu.memory_space<hbm>>) target(%arg9 : memref<128xi32, #tpu.memory_space<vmem>>) target_semaphore(%run_scoped3A : memref<!tpu.dma_semaphore, #tpu.memory_space<semaphore_mem>>)
      %dma_wait3A_76 = tpu.memref_slice %arg4[%add3A_41] : memref<335872xi32, #tpu.memory_space<hbm>> -> memref<128xi32, #tpu.memory_space<hbm>>
      %dma_wait3A_77 = tpu.memref_slice %arg4[%add3A_41] : memref<335872xi32, #tpu.memory_space<hbm>> -> memref<128xi32, #tpu.memory_space<hbm>>
      tpu.wait_dma2 semaphore(%run_scoped3A : memref<!tpu.dma_semaphore, #tpu.memory_space<semaphore_mem>>) src(%dma_wait3A_77 : memref<128xi32, #tpu.memory_space<hbm>>) dst(%arg9 : memref<128xi32, #tpu.memory_space<vmem>>)
      tpu.yield
    }) : () -> ()
    "tpu.region"() ({
      %run_scoped3A = tpu.sem_alloc : memref<!tpu.dma_semaphore, #tpu.memory_space<semaphore_mem>>
      %dma_start3A_74 = tpu.memref_slice %arg5[%add3A_41] : memref<335872xi32, #tpu.memory_space<hbm>> -> memref<128xi32, #tpu.memory_space<hbm>>
      %dma_start3A_75 = tpu.memref_slice %arg5[%add3A_41] : memref<335872xi32, #tpu.memory_space<hbm>> -> memref<128xi32, #tpu.memory_space<hbm>>
      tpu.enqueue_dma source(%dma_start3A_75 : memref<128xi32, #tpu.memory_space<hbm>>) target(%arg10 : memref<128xi32, #tpu.memory_space<vmem>>) target_semaphore(%run_scoped3A : memref<!tpu.dma_semaphore, #tpu.memory_space<semaphore_mem>>)
      %dma_wait3A_76 = tpu.memref_slice %arg5[%add3A_41] : memref<335872xi32, #tpu.memory_space<hbm>> -> memref<128xi32, #tpu.memory_space<hbm>>
      %dma_wait3A_77 = tpu.memref_slice %arg5[%add3A_41] : memref<335872xi32, #tpu.memory_space<hbm>> -> memref<128xi32, #tpu.memory_space<hbm>>
      tpu.wait_dma2 semaphore(%run_scoped3A : memref<!tpu.dma_semaphore, #tpu.memory_space<semaphore_mem>>) src(%dma_wait3A_77 : memref<128xi32, #tpu.memory_space<hbm>>) dst(%arg10 : memref<128xi32, #tpu.memory_space<vmem>>)
      tpu.yield
    }) : () -> ()
    %dma_start3A = arith.constant 0 : i32
    %dma_start3A_42 = arith.constant 0 : i32
    %dma_start3A_43 = tpu.memref_slice %arg2[%dma_start3A, %dma_start3A_42] : memref<10000x64xf32, #tpu.memory_space<hbm>> -> memref<10000x64xf32, #tpu.memory_space<hbm>>
    tpu.enqueue_indirect_dma source(%dma_start3A_43 : memref<10000x64xf32, #tpu.memory_space<hbm>>) target(%arg13 : memref<128x64xf32, #tpu.memory_space<vmem>>) offsets(%arg9 : memref<128xi32, #tpu.memory_space<vmem>>) semaphore(%arg21 : memref<!tpu.dma_semaphore, #tpu.memory_space<semaphore_mem>>)
    %dma_start3A_44 = arith.constant 0 : i32
    %dma_start3A_45 = arith.constant 0 : i32
    %dma_start3A_46 = tpu.memref_slice %arg3[%dma_start3A_44, %dma_start3A_45] : memref<10000x64xf32, #tpu.memory_space<hbm>> -> memref<10000x64xf32, #tpu.memory_space<hbm>>
    tpu.enqueue_indirect_dma source(%dma_start3A_46 : memref<10000x64xf32, #tpu.memory_space<hbm>>) target(%arg14 : memref<128x64xf32, #tpu.memory_space<vmem>>) offsets(%arg10 : memref<128xi32, #tpu.memory_space<vmem>>) semaphore(%arg22 : memref<!tpu.dma_semaphore, #tpu.memory_space<semaphore_mem>>)
    %mul3A_47 = arith.constant 10496 : i32
    %mul3A_48 = arith.muli %add3A, %mul3A_47 : i32
    %add3A_49 = arith.constant 128 : i32
    %add3A_50 = arith.addi %mul3A_48, %add3A_49 : i32
    "tpu.region"() ({
      %run_scoped3A = tpu.sem_alloc : memref<!tpu.dma_semaphore, #tpu.memory_space<semaphore_mem>>
      %dma_start3A_74 = tpu.memref_slice %arg4[%add3A_50] : memref<335872xi32, #tpu.memory_space<hbm>> -> memref<128xi32, #tpu.memory_space<hbm>>
      %dma_start3A_75 = tpu.memref_slice %arg4[%add3A_50] : memref<335872xi32, #tpu.memory_space<hbm>> -> memref<128xi32, #tpu.memory_space<hbm>>
      tpu.enqueue_dma source(%dma_start3A_75 : memref<128xi32, #tpu.memory_space<hbm>>) target(%arg11 : memref<128xi32, #tpu.memory_space<vmem>>) target_semaphore(%run_scoped3A : memref<!tpu.dma_semaphore, #tpu.memory_space<semaphore_mem>>)
      %dma_wait3A_76 = tpu.memref_slice %arg4[%add3A_50] : memref<335872xi32, #tpu.memory_space<hbm>> -> memref<128xi32, #tpu.memory_space<hbm>>
      %dma_wait3A_77 = tpu.memref_slice %arg4[%add3A_50] : memref<335872xi32, #tpu.memory_space<hbm>> -> memref<128xi32, #tpu.memory_space<hbm>>
      tpu.wait_dma2 semaphore(%run_scoped3A : memref<!tpu.dma_semaphore, #tpu.memory_space<semaphore_mem>>) src(%dma_wait3A_77 : memref<128xi32, #tpu.memory_space<hbm>>) dst(%arg11 : memref<128xi32, #tpu.memory_space<vmem>>)
      tpu.yield
    }) : () -> ()
    "tpu.region"() ({
      %run_scoped3A = tpu.sem_alloc : memref<!tpu.dma_semaphore, #tpu.memory_space<semaphore_mem>>
      %dma_start3A_74 = tpu.memref_slice %arg5[%add3A_50] : memref<335872xi32, #tpu.memory_space<hbm>> -> memref<128xi32, #tpu.memory_space<hbm>>
      %dma_start3A_75 = tpu.memref_slice %arg5[%add3A_50] : memref<335872xi32, #tpu.memory_space<hbm>> -> memref<128xi32, #tpu.memory_space<hbm>>
      tpu.enqueue_dma source(%dma_start3A_75 : memref<128xi32, #tpu.memory_space<hbm>>) target(%arg12 : memref<128xi32, #tpu.memory_space<vmem>>) target_semaphore(%run_scoped3A : memref<!tpu.dma_semaphore, #tpu.memory_space<semaphore_mem>>)
      %dma_wait3A_76 = tpu.memref_slice %arg5[%add3A_50] : memref<335872xi32, #tpu.memory_space<hbm>> -> memref<128xi32, #tpu.memory_space<hbm>>
      %dma_wait3A_77 = tpu.memref_slice %arg5[%add3A_50] : memref<335872xi32, #tpu.memory_space<hbm>> -> memref<128xi32, #tpu.memory_space<hbm>>
      tpu.wait_dma2 semaphore(%run_scoped3A : memref<!tpu.dma_semaphore, #tpu.memory_space<semaphore_mem>>) src(%dma_wait3A_77 : memref<128xi32, #tpu.memory_space<hbm>>) dst(%arg12 : memref<128xi32, #tpu.memory_space<vmem>>)
      tpu.yield
    }) : () -> ()
    %dma_start3A_51 = arith.constant 0 : i32
    %dma_start3A_52 = arith.constant 0 : i32
    %dma_start3A_53 = tpu.memref_slice %arg2[%dma_start3A_51, %dma_start3A_52] : memref<10000x64xf32, #tpu.memory_space<hbm>> -> memref<10000x64xf32, #tpu.memory_space<hbm>>
    tpu.enqueue_indirect_dma source(%dma_start3A_53 : memref<10000x64xf32, #tpu.memory_space<hbm>>) target(%arg15 : memref<128x64xf32, #tpu.memory_space<vmem>>) offsets(%arg11 : memref<128xi32, #tpu.memory_space<vmem>>) semaphore(%arg23 : memref<!tpu.dma_semaphore, #tpu.memory_space<semaphore_mem>>)
    %dma_start3A_54 = arith.constant 0 : i32
    %dma_start3A_55 = arith.constant 0 : i32
    %dma_start3A_56 = tpu.memref_slice %arg3[%dma_start3A_54, %dma_start3A_55] : memref<10000x64xf32, #tpu.memory_space<hbm>> -> memref<10000x64xf32, #tpu.memory_space<hbm>>
    tpu.enqueue_indirect_dma source(%dma_start3A_56 : memref<10000x64xf32, #tpu.memory_space<hbm>>) target(%arg16 : memref<128x64xf32, #tpu.memory_space<vmem>>) offsets(%arg12 : memref<128xi32, #tpu.memory_space<vmem>>) semaphore(%arg24 : memref<!tpu.dma_semaphore, #tpu.memory_space<semaphore_mem>>)
    %scan3A_57 = arith.constant 0 : i32
    %scan3A_58 = arith.constant 0 : i32
    %scan3A_59 = arith.constant 41 : i32
    %scan3A_60 = arith.addi %scan3A_58, %scan3A_59 : i32
    %scan3A_61 = arith.constant 1 : i32
    scf.for %scan3A_74 = %scan3A_58 to %scan3A_60 step %scan3A_61  : i32 {
      %mul3A_75 = arith.constant 2 : i32
      %mul3A_76 = arith.muli %mul3A_75, %scan3A_74 : i32
      %mul3A_77 = arith.constant 2 : i32
      %mul3A_78 = arith.muli %mul3A_77, %scan3A_74 : i32
      %add3A_79 = arith.constant 1 : i32
      %add3A_80 = arith.addi %mul3A_78, %add3A_79 : i32
      %dma_wait3A_81 = arith.constant 0 : i32
      %dma_wait3A_82 = arith.constant 0 : i32
      %dma_wait3A_83 = tpu.memref_slice %arg2[%dma_wait3A_81, %dma_wait3A_82] : memref<10000x64xf32, #tpu.memory_space<hbm>> -> memref<10000x64xf32, #tpu.memory_space<hbm>>
      tpu.wait_indirect_dma semaphore(%arg21 : memref<!tpu.dma_semaphore, #tpu.memory_space<semaphore_mem>>) src(%dma_wait3A_83 : memref<10000x64xf32, #tpu.memory_space<hbm>>) dst(%arg13 : memref<128x64xf32, #tpu.memory_space<vmem>>)
      %dma_wait3A_84 = arith.constant 0 : i32
      %dma_wait3A_85 = arith.constant 0 : i32
      %dma_wait3A_86 = tpu.memref_slice %arg3[%dma_wait3A_84, %dma_wait3A_85] : memref<10000x64xf32, #tpu.memory_space<hbm>> -> memref<10000x64xf32, #tpu.memory_space<hbm>>
      tpu.wait_indirect_dma semaphore(%arg22 : memref<!tpu.dma_semaphore, #tpu.memory_space<semaphore_mem>>) src(%dma_wait3A_86 : memref<10000x64xf32, #tpu.memory_space<hbm>>) dst(%arg14 : memref<128x64xf32, #tpu.memory_space<vmem>>)
      %gt3A = arith.constant 0 : i32
      %gt3A_87 = arith.cmpi sgt, %scan3A_74, %gt3A : i32
      %convert_element_type3A_88 = arith.extui %gt3A_87 : i1 to i32
      %cond3A_89 = arith.constant 0 : i32
      %cond3A_90 = arith.cmpi ne, %convert_element_type3A_88, %cond3A_89 : i32
      scf.if %cond3A_90 {
        %dma_wait3A_132 = arith.constant 0 : i32
        %dma_wait3A_133 = arith.constant 0 : i32
        %dma_wait3A_134 = tpu.memref_slice %arg20[%dma_wait3A_132, %dma_wait3A_133] : memref<10000x80xf32, #tpu.memory_space<vmem_shared>> -> memref<10000x80xf32, #tpu.memory_space<vmem_shared>>
        tpu.wait_indirect_dma semaphore(%arg25 : memref<!tpu.dma_semaphore, #tpu.memory_space<semaphore_mem>>) src(%arg17 : memref<128x80xf32, #tpu.memory_space<vmem>>) dst(%dma_wait3A_134 : memref<10000x80xf32, #tpu.memory_space<vmem_shared>>)
      } else {
      }
      %mul3A_91 = arith.constant 10496 : i32
      %mul3A_92 = arith.muli %add3A, %mul3A_91 : i32
      %mul3A_93 = arith.constant 128 : i32
      %mul3A_94 = arith.muli %mul3A_76, %mul3A_93 : i32
      %add3A_95 = arith.addi %mul3A_92, %mul3A_94 : i32
      %parallel_loop3A = arith.constant 0 : i32
      %parallel_loop3A_96 = arith.constant 128 : i32
      %parallel_loop3A_97 = arith.constant 1 : i32
      scf.for %parallel_loop3A_132 = %parallel_loop3A to %parallel_loop3A_96 step %parallel_loop3A_97  : i32 {
        %parallel_loop3A_133 = vector.broadcast %parallel_loop3A_132 : i32 to vector<16xi32>
        %parallel_loop3A_134 = tpu.vector_load_idx %arg13[%parallel_loop3A_133, %add3A_3] : memref<128x64xf32, #tpu.memory_space<vmem>>[vector<16xi32>, vector<16xi32>], vector<16xf32>,
        %parallel_loop3A_135 = tpu.vector_load_idx %arg13[%parallel_loop3A_133, %add3A_6] : memref<128x64xf32, #tpu.memory_space<vmem>>[vector<16xi32>, vector<16xi32>], vector<16xf32>,
        %parallel_loop3A_136 = tpu.vector_load_idx %arg13[%parallel_loop3A_133, %add3A_9] : memref<128x64xf32, #tpu.memory_space<vmem>>[vector<16xi32>, vector<16xi32>], vector<16xf32>,
        %parallel_loop3A_137 = tpu.vector_load_idx %arg13[%parallel_loop3A_133, %add3A_12] : memref<128x64xf32, #tpu.memory_space<vmem>>[vector<16xi32>, vector<16xi32>], vector<16xf32>,
        %parallel_loop3A_138 = arith.constant 0.000000e+00 : f32
        %parallel_loop3A_139 = vector.broadcast %parallel_loop3A_138 : f32 to vector<16xf32>
        %parallel_loop3A_140 = tpu.vector_load_idx %arg14[%parallel_loop3A_133, %add3A_3] : memref<128x64xf32, #tpu.memory_space<vmem>>[vector<16xi32>, vector<16xi32>], vector<16xf32>,
        %parallel_loop3A_141 = arith.addf %parallel_loop3A_134, %parallel_loop3A_140 : vector<16xf32>
        %parallel_loop3A_142 = arith.constant 0.000000e+00 : f32
        %parallel_loop3A_143 = vector.broadcast %parallel_loop3A_142 : f32 to vector<16xf32>
        %parallel_loop3A_144 = arith.maximumf %parallel_loop3A_141, %parallel_loop3A_143 : vector<16xf32>
        %parallel_loop3A_145 = arith.constant 0.000000e+00 : f32
        %parallel_loop3A_146 = vector.broadcast %parallel_loop3A_145 : f32 to vector<16xf32>
        %parallel_loop3A_147 = arith.minimumf %parallel_loop3A_141, %parallel_loop3A_146 : vector<16xf32>
        %parallel_loop3A_148 = arith.constant 2.000000e-01 : f32
        %parallel_loop3A_149 = vector.broadcast %parallel_loop3A_148 : f32 to vector<16xf32>
        %parallel_loop3A_150 = arith.mulf %parallel_loop3A_149, %parallel_loop3A_147 : vector<16xf32>
        %parallel_loop3A_151 = arith.addf %parallel_loop3A_144, %parallel_loop3A_150 : vector<16xf32>
        %parallel_loop3A_152 = tpu.bitcast %parallel_loop3A_151 : vector<16xf32> -> vector<16xi32>
        %parallel_loop3A_153 = arith.constant 32767 : i32
        %parallel_loop3A_154 = vector.broadcast %parallel_loop3A_153 : i32 to vector<16xi32>
        %parallel_loop3A_155 = arith.addi %parallel_loop3A_152, %parallel_loop3A_154 : vector<16xi32>
        %parallel_loop3A_156 = arith.constant 16 : i32
        %parallel_loop3A_157 = vector.broadcast %parallel_loop3A_156 : i32 to vector<16xi32>
        %parallel_loop3A_158 = arith.shrsi %parallel_loop3A_152, %parallel_loop3A_157 : vector<16xi32>
        %parallel_loop3A_159 = arith.constant 1 : i32
        %parallel_loop3A_160 = vector.broadcast %parallel_loop3A_159 : i32 to vector<16xi32>
        %parallel_loop3A_161 = arith.andi %parallel_loop3A_158, %parallel_loop3A_160 : vector<16xi32>
        %parallel_loop3A_162 = arith.addi %parallel_loop3A_155, %parallel_loop3A_161 : vector<16xi32>
        %parallel_loop3A_163 = arith.constant -65536 : i32
        %parallel_loop3A_164 = vector.broadcast %parallel_loop3A_163 : i32 to vector<16xi32>
        %parallel_loop3A_165 = arith.andi %parallel_loop3A_162, %parallel_loop3A_164 : vector<16xi32>
        %parallel_loop3A_166 = tpu.bitcast %parallel_loop3A_165 : vector<16xi32> -> vector<16xf32>
        %parallel_loop3A_167 = arith.mulf %get3A_31, %parallel_loop3A_166 : vector<16xf32>
        %parallel_loop3A_168 = arith.addf %parallel_loop3A_139, %parallel_loop3A_167 : vector<16xf32>
        %parallel_loop3A_169 = tpu.vector_load_idx %arg14[%parallel_loop3A_133, %add3A_6] : memref<128x64xf32, #tpu.memory_space<vmem>>[vector<16xi32>, vector<16xi32>], vector<16xf32>,
        %parallel_loop3A_170 = arith.addf %parallel_loop3A_135, %parallel_loop3A_169 : vector<16xf32>
        %parallel_loop3A_171 = arith.constant 0.000000e+00 : f32
        %parallel_loop3A_172 = vector.broadcast %parallel_loop3A_171 : f32 to vector<16xf32>
        %parallel_loop3A_173 = arith.maximumf %parallel_loop3A_170, %parallel_loop3A_172 : vector<16xf32>
        %parallel_loop3A_174 = arith.constant 0.000000e+00 : f32
        %parallel_loop3A_175 = vector.broadcast %parallel_loop3A_174 : f32 to vector<16xf32>
        %parallel_loop3A_176 = arith.minimumf %parallel_loop3A_170, %parallel_loop3A_175 : vector<16xf32>
        %parallel_loop3A_177 = arith.constant 2.000000e-01 : f32
        %parallel_loop3A_178 = vector.broadcast %parallel_loop3A_177 : f32 to vector<16xf32>
        %parallel_loop3A_179 = arith.mulf %parallel_loop3A_178, %parallel_loop3A_176 : vector<16xf32>
        %parallel_loop3A_180 = arith.addf %parallel_loop3A_173, %parallel_loop3A_179 : vector<16xf32>
        %parallel_loop3A_181 = tpu.bitcast %parallel_loop3A_180 : vector<16xf32> -> vector<16xi32>
        %parallel_loop3A_182 = arith.constant 32767 : i32
        %parallel_loop3A_183 = vector.broadcast %parallel_loop3A_182 : i32 to vector<16xi32>
        %parallel_loop3A_184 = arith.addi %parallel_loop3A_181, %parallel_loop3A_183 : vector<16xi32>
        %parallel_loop3A_185 = arith.constant 16 : i32
        %parallel_loop3A_186 = vector.broadcast %parallel_loop3A_185 : i32 to vector<16xi32>
        %parallel_loop3A_187 = arith.shrsi %parallel_loop3A_181, %parallel_loop3A_186 : vector<16xi32>
        %parallel_loop3A_188 = arith.constant 1 : i32
        %parallel_loop3A_189 = vector.broadcast %parallel_loop3A_188 : i32 to vector<16xi32>
        %parallel_loop3A_190 = arith.andi %parallel_loop3A_187, %parallel_loop3A_189 : vector<16xi32>
        %parallel_loop3A_191 = arith.addi %parallel_loop3A_184, %parallel_loop3A_190 : vector<16xi32>
        %parallel_loop3A_192 = arith.constant -65536 : i32
        %parallel_loop3A_193 = vector.broadcast %parallel_loop3A_192 : i32 to vector<16xi32>
        %parallel_loop3A_194 = arith.andi %parallel_loop3A_191, %parallel_loop3A_193 : vector<16xi32>
        %parallel_loop3A_195 = tpu.bitcast %parallel_loop3A_194 : vector<16xi32> -> vector<16xf32>
        %parallel_loop3A_196 = arith.mulf %get3A_33, %parallel_loop3A_195 : vector<16xf32>
        %parallel_loop3A_197 = arith.addf %parallel_loop3A_168, %parallel_loop3A_196 : vector<16xf32>
        %parallel_loop3A_198 = tpu.vector_load_idx %arg14[%parallel_loop3A_133, %add3A_9] : memref<128x64xf32, #tpu.memory_space<vmem>>[vector<16xi32>, vector<16xi32>], vector<16xf32>,
        %parallel_loop3A_199 = arith.addf %parallel_loop3A_136, %parallel_loop3A_198 : vector<16xf32>
        %parallel_loop3A_200 = arith.constant 0.000000e+00 : f32
        %parallel_loop3A_201 = vector.broadcast %parallel_loop3A_200 : f32 to vector<16xf32>
        %parallel_loop3A_202 = arith.maximumf %parallel_loop3A_199, %parallel_loop3A_201 : vector<16xf32>
        %parallel_loop3A_203 = arith.constant 0.000000e+00 : f32
        %parallel_loop3A_204 = vector.broadcast %parallel_loop3A_203 : f32 to vector<16xf32>
        %parallel_loop3A_205 = arith.minimumf %parallel_loop3A_199, %parallel_loop3A_204 : vector<16xf32>
        %parallel_loop3A_206 = arith.constant 2.000000e-01 : f32
        %parallel_loop3A_207 = vector.broadcast %parallel_loop3A_206 : f32 to vector<16xf32>
        %parallel_loop3A_208 = arith.mulf %parallel_loop3A_207, %parallel_loop3A_205 : vector<16xf32>
        %parallel_loop3A_209 = arith.addf %parallel_loop3A_202, %parallel_loop3A_208 : vector<16xf32>
        %parallel_loop3A_210 = tpu.bitcast %parallel_loop3A_209 : vector<16xf32> -> vector<16xi32>
        %parallel_loop3A_211 = arith.constant 32767 : i32
        %parallel_loop3A_212 = vector.broadcast %parallel_loop3A_211 : i32 to vector<16xi32>
        %parallel_loop3A_213 = arith.addi %parallel_loop3A_210, %parallel_loop3A_212 : vector<16xi32>
        %parallel_loop3A_214 = arith.constant 16 : i32
        %parallel_loop3A_215 = vector.broadcast %parallel_loop3A_214 : i32 to vector<16xi32>
        %parallel_loop3A_216 = arith.shrsi %parallel_loop3A_210, %parallel_loop3A_215 : vector<16xi32>
        %parallel_loop3A_217 = arith.constant 1 : i32
        %parallel_loop3A_218 = vector.broadcast %parallel_loop3A_217 : i32 to vector<16xi32>
        %parallel_loop3A_219 = arith.andi %parallel_loop3A_216, %parallel_loop3A_218 : vector<16xi32>
        %parallel_loop3A_220 = arith.addi %parallel_loop3A_213, %parallel_loop3A_219 : vector<16xi32>
        %parallel_loop3A_221 = arith.constant -65536 : i32
        %parallel_loop3A_222 = vector.broadcast %parallel_loop3A_221 : i32 to vector<16xi32>
        %parallel_loop3A_223 = arith.andi %parallel_loop3A_220, %parallel_loop3A_222 : vector<16xi32>
        %parallel_loop3A_224 = tpu.bitcast %parallel_loop3A_223 : vector<16xi32> -> vector<16xf32>
        %parallel_loop3A_225 = arith.mulf %get3A_35, %parallel_loop3A_224 : vector<16xf32>
        %parallel_loop3A_226 = arith.addf %parallel_loop3A_197, %parallel_loop3A_225 : vector<16xf32>
        %parallel_loop3A_227 = tpu.vector_load_idx %arg14[%parallel_loop3A_133, %add3A_12] : memref<128x64xf32, #tpu.memory_space<vmem>>[vector<16xi32>, vector<16xi32>], vector<16xf32>,
        %parallel_loop3A_228 = arith.addf %parallel_loop3A_137, %parallel_loop3A_227 : vector<16xf32>
        %parallel_loop3A_229 = arith.constant 0.000000e+00 : f32
        %parallel_loop3A_230 = vector.broadcast %parallel_loop3A_229 : f32 to vector<16xf32>
        %parallel_loop3A_231 = arith.maximumf %parallel_loop3A_228, %parallel_loop3A_230 : vector<16xf32>
        %parallel_loop3A_232 = arith.constant 0.000000e+00 : f32
        %parallel_loop3A_233 = vector.broadcast %parallel_loop3A_232 : f32 to vector<16xf32>
        %parallel_loop3A_234 = arith.minimumf %parallel_loop3A_228, %parallel_loop3A_233 : vector<16xf32>
        %parallel_loop3A_235 = arith.constant 2.000000e-01 : f32
        %parallel_loop3A_236 = vector.broadcast %parallel_loop3A_235 : f32 to vector<16xf32>
        %parallel_loop3A_237 = arith.mulf %parallel_loop3A_236, %parallel_loop3A_234 : vector<16xf32>
        %parallel_loop3A_238 = arith.addf %parallel_loop3A_231, %parallel_loop3A_237 : vector<16xf32>
        %parallel_loop3A_239 = tpu.bitcast %parallel_loop3A_238 : vector<16xf32> -> vector<16xi32>
        %parallel_loop3A_240 = arith.constant 32767 : i32
        %parallel_loop3A_241 = vector.broadcast %parallel_loop3A_240 : i32 to vector<16xi32>
        %parallel_loop3A_242 = arith.addi %parallel_loop3A_239, %parallel_loop3A_241 : vector<16xi32>
        %parallel_loop3A_243 = arith.constant 16 : i32
        %parallel_loop3A_244 = vector.broadcast %parallel_loop3A_243 : i32 to vector<16xi32>
        %parallel_loop3A_245 = arith.shrsi %parallel_loop3A_239, %parallel_loop3A_244 : vector<16xi32>
        %parallel_loop3A_246 = arith.constant 1 : i32
        %parallel_loop3A_247 = vector.broadcast %parallel_loop3A_246 : i32 to vector<16xi32>
        %parallel_loop3A_248 = arith.andi %parallel_loop3A_245, %parallel_loop3A_247 : vector<16xi32>
        %parallel_loop3A_249 = arith.addi %parallel_loop3A_242, %parallel_loop3A_248 : vector<16xi32>
        %parallel_loop3A_250 = arith.constant -65536 : i32
        %parallel_loop3A_251 = vector.broadcast %parallel_loop3A_250 : i32 to vector<16xi32>
        %parallel_loop3A_252 = arith.andi %parallel_loop3A_249, %parallel_loop3A_251 : vector<16xi32>
        %parallel_loop3A_253 = tpu.bitcast %parallel_loop3A_252 : vector<16xi32> -> vector<16xf32>
        %parallel_loop3A_254 = arith.mulf %get3A_37, %parallel_loop3A_253 : vector<16xf32>
        %parallel_loop3A_255 = arith.addf %parallel_loop3A_226, %parallel_loop3A_254 : vector<16xf32>
        %parallel_loop3A_256 = arith.constant true
        %parallel_loop3A_257 = vector.broadcast %parallel_loop3A_256 : i1 to vector<16xi1>
        %parallel_loop3A_258 = tpu.scan <sum>, %parallel_loop3A_255 masked %parallel_loop3A_257 : vector<16xf32>, vector<16xi1> -> vector<16xf32>
        %parallel_loop3A_259 = vector.extract %parallel_loop3A_258[15] : f32 from vector<16xf32>
        %parallel_loop3A_260 = arith.addi %add3A_95, %parallel_loop3A_132 : i32
        %parallel_loop3A_261 = arith.constant 330000 : i32
        %parallel_loop3A_262 = arith.cmpi slt, %parallel_loop3A_260, %parallel_loop3A_261 : i32
        %parallel_loop3A_263 = arith.constant 1.000000e+00 : f32
        %parallel_loop3A_264 = arith.constant 0.000000e+00 : f32
        %parallel_loop3A_265 = arith.select %parallel_loop3A_262, %parallel_loop3A_263, %parallel_loop3A_264 : f32
        %parallel_loop3A_266 = vector.broadcast %parallel_loop3A_259 : f32 to vector<16xf32>
        %parallel_loop3A_267 = math.exp %parallel_loop3A_266 : vector<16xf32>
        %parallel_loop3A_268 = vector.broadcast %parallel_loop3A_265 : f32 to vector<16xf32>
        %parallel_loop3A_269 = arith.mulf %parallel_loop3A_267, %parallel_loop3A_268 : vector<16xf32>
        %parallel_loop3A_270 = arith.mulf %parallel_loop3A_134, %parallel_loop3A_269 : vector<16xf32>
        tpu.vector_store_idx %arg17[%parallel_loop3A_133, %add3A_3], %parallel_loop3A_270 : memref<128x80xf32, #tpu.memory_space<vmem>>[vector<16xi32>, vector<16xi32>], vector<16xf32>,
        %parallel_loop3A_271 = arith.mulf %parallel_loop3A_135, %parallel_loop3A_269 : vector<16xf32>
        tpu.vector_store_idx %arg17[%parallel_loop3A_133, %add3A_6], %parallel_loop3A_271 : memref<128x80xf32, #tpu.memory_space<vmem>>[vector<16xi32>, vector<16xi32>], vector<16xf32>,
        %parallel_loop3A_272 = arith.mulf %parallel_loop3A_136, %parallel_loop3A_269 : vector<16xf32>
        tpu.vector_store_idx %arg17[%parallel_loop3A_133, %add3A_9], %parallel_loop3A_272 : memref<128x80xf32, #tpu.memory_space<vmem>>[vector<16xi32>, vector<16xi32>], vector<16xf32>,
        %parallel_loop3A_273 = arith.mulf %parallel_loop3A_137, %parallel_loop3A_269 : vector<16xf32>
        tpu.vector_store_idx %arg17[%parallel_loop3A_133, %add3A_12], %parallel_loop3A_273 : memref<128x80xf32, #tpu.memory_space<vmem>>[vector<16xi32>, vector<16xi32>], vector<16xf32>,
        tpu.vector_store_idx %arg17[%parallel_loop3A_133, %add3A_15], %parallel_loop3A_269 : memref<128x80xf32, #tpu.memory_space<vmem>>[vector<16xi32>, vector<16xi32>], vector<16xf32>,
      } {sc.loop_unroll_factor = 4 : i64, sc.parallel_access}
      %dma_start3A_98 = arith.constant 0 : i32
      %dma_start3A_99 = arith.constant 0 : i32
      %dma_start3A_100 = tpu.memref_slice %arg20[%dma_start3A_98, %dma_start3A_99] : memref<10000x80xf32, #tpu.memory_space<vmem_shared>> -> memref<10000x80xf32, #tpu.memory_space<vmem_shared>>
      tpu.enqueue_indirect_dma source(%arg17 : memref<128x80xf32, #tpu.memory_space<vmem>>) target(%dma_start3A_100 : memref<10000x80xf32, #tpu.memory_space<vmem_shared>>) offsets(%arg10 : memref<128xi32, #tpu.memory_space<vmem>>) semaphore(%arg25 : memref<!tpu.dma_semaphore, #tpu.memory_space<semaphore_mem>>) {add = true}
      %lt3A = arith.constant 40 : i32
      %lt3A_101 = arith.cmpi slt, %scan3A_74, %lt3A : i32
      %convert_element_type3A_102 = arith.extui %lt3A_101 : i1 to i32
      %cond3A_103 = arith.constant 0 : i32
      %cond3A_104 = arith.cmpi ne, %convert_element_type3A_102, %cond3A_103 : i32
      scf.if %cond3A_104 {
        %add3A_132 = arith.constant 2 : i32
        %add3A_133 = arith.addi %mul3A_76, %add3A_132 : i32
        %mul3A_134 = arith.constant 10496 : i32
        %mul3A_135 = arith.muli %add3A, %mul3A_134 : i32
        %mul3A_136 = arith.constant 128 : i32
        %mul3A_137 = arith.muli %add3A_133, %mul3A_136 : i32
        %add3A_138 = arith.addi %mul3A_135, %mul3A_137 : i32
        "tpu.region"() ({
          %run_scoped3A = tpu.sem_alloc : memref<!tpu.dma_semaphore, #tpu.memory_space<semaphore_mem>>
          %dma_start3A_145 = tpu.memref_slice %arg4[%add3A_138] : memref<335872xi32, #tpu.memory_space<hbm>> -> memref<128xi32, #tpu.memory_space<hbm>>
          %dma_start3A_146 = tpu.memref_slice %arg4[%add3A_138] : memref<335872xi32, #tpu.memory_space<hbm>> -> memref<128xi32, #tpu.memory_space<hbm>>
          tpu.enqueue_dma source(%dma_start3A_146 : memref<128xi32, #tpu.memory_space<hbm>>) target(%arg9 : memref<128xi32, #tpu.memory_space<vmem>>) target_semaphore(%run_scoped3A : memref<!tpu.dma_semaphore, #tpu.memory_space<semaphore_mem>>)
          %dma_wait3A_147 = tpu.memref_slice %arg4[%add3A_138] : memref<335872xi32, #tpu.memory_space<hbm>> -> memref<128xi32, #tpu.memory_space<hbm>>
          %dma_wait3A_148 = tpu.memref_slice %arg4[%add3A_138] : memref<335872xi32, #tpu.memory_space<hbm>> -> memref<128xi32, #tpu.memory_space<hbm>>
          tpu.wait_dma2 semaphore(%run_scoped3A : memref<!tpu.dma_semaphore, #tpu.memory_space<semaphore_mem>>) src(%dma_wait3A_148 : memref<128xi32, #tpu.memory_space<hbm>>) dst(%arg9 : memref<128xi32, #tpu.memory_space<vmem>>)
          tpu.yield
        }) : () -> ()
        "tpu.region"() ({
          %run_scoped3A = tpu.sem_alloc : memref<!tpu.dma_semaphore, #tpu.memory_space<semaphore_mem>>
          %dma_start3A_145 = tpu.memref_slice %arg5[%add3A_138] : memref<335872xi32, #tpu.memory_space<hbm>> -> memref<128xi32, #tpu.memory_space<hbm>>
          %dma_start3A_146 = tpu.memref_slice %arg5[%add3A_138] : memref<335872xi32, #tpu.memory_space<hbm>> -> memref<128xi32, #tpu.memory_space<hbm>>
          tpu.enqueue_dma source(%dma_start3A_146 : memref<128xi32, #tpu.memory_space<hbm>>) target(%arg10 : memref<128xi32, #tpu.memory_space<vmem>>) target_semaphore(%run_scoped3A : memref<!tpu.dma_semaphore, #tpu.memory_space<semaphore_mem>>)
          %dma_wait3A_147 = tpu.memref_slice %arg5[%add3A_138] : memref<335872xi32, #tpu.memory_space<hbm>> -> memref<128xi32, #tpu.memory_space<hbm>>
          %dma_wait3A_148 = tpu.memref_slice %arg5[%add3A_138] : memref<335872xi32, #tpu.memory_space<hbm>> -> memref<128xi32, #tpu.memory_space<hbm>>
          tpu.wait_dma2 semaphore(%run_scoped3A : memref<!tpu.dma_semaphore, #tpu.memory_space<semaphore_mem>>) src(%dma_wait3A_148 : memref<128xi32, #tpu.memory_space<hbm>>) dst(%arg10 : memref<128xi32, #tpu.memory_space<vmem>>)
          tpu.yield
        }) : () -> ()
        %dma_start3A_139 = arith.constant 0 : i32
        %dma_start3A_140 = arith.constant 0 : i32
        %dma_start3A_141 = tpu.memref_slice %arg2[%dma_start3A_139, %dma_start3A_140] : memref<10000x64xf32, #tpu.memory_space<hbm>> -> memref<10000x64xf32, #tpu.memory_space<hbm>>
        tpu.enqueue_indirect_dma source(%dma_start3A_141 : memref<10000x64xf32, #tpu.memory_space<hbm>>) target(%arg13 : memref<128x64xf32, #tpu.memory_space<vmem>>) offsets(%arg9 : memref<128xi32, #tpu.memory_space<vmem>>) semaphore(%arg21 : memref<!tpu.dma_semaphore, #tpu.memory_space<semaphore_mem>>)
        %dma_start3A_142 = arith.constant 0 : i32
        %dma_start3A_143 = arith.constant 0 : i32
        %dma_start3A_144 = tpu.memref_slice %arg3[%dma_start3A_142, %dma_start3A_143] : memref<10000x64xf32, #tpu.memory_space<hbm>> -> memref<10000x64xf32, #tpu.memory_space<hbm>>
        tpu.enqueue_indirect_dma source(%dma_start3A_144 : memref<10000x64xf32, #tpu.memory_space<hbm>>) target(%arg14 : memref<128x64xf32, #tpu.memory_space<vmem>>) offsets(%arg10 : memref<128xi32, #tpu.memory_space<vmem>>) semaphore(%arg22 : memref<!tpu.dma_semaphore, #tpu.memory_space<semaphore_mem>>)
      } else {
      }
      %dma_wait3A_105 = arith.constant 0 : i32
      %dma_wait3A_106 = arith.constant 0 : i32
      %dma_wait3A_107 = tpu.memref_slice %arg2[%dma_wait3A_105, %dma_wait3A_106] : memref<10000x64xf32, #tpu.memory_space<hbm>> -> memref<10000x64xf32, #tpu.memory_space<hbm>>
      tpu.wait_indirect_dma semaphore(%arg23 : memref<!tpu.dma_semaphore, #tpu.memory_space<semaphore_mem>>) src(%dma_wait3A_107 : memref<10000x64xf32, #tpu.memory_space<hbm>>) dst(%arg15 : memref<128x64xf32, #tpu.memory_space<vmem>>)
      %dma_wait3A_108 = arith.constant 0 : i32
      %dma_wait3A_109 = arith.constant 0 : i32
      %dma_wait3A_110 = tpu.memref_slice %arg3[%dma_wait3A_108, %dma_wait3A_109] : memref<10000x64xf32, #tpu.memory_space<hbm>> -> memref<10000x64xf32, #tpu.memory_space<hbm>>
      tpu.wait_indirect_dma semaphore(%arg24 : memref<!tpu.dma_semaphore, #tpu.memory_space<semaphore_mem>>) src(%dma_wait3A_110 : memref<10000x64xf32, #tpu.memory_space<hbm>>) dst(%arg16 : memref<128x64xf32, #tpu.memory_space<vmem>>)
      %gt3A_111 = arith.constant 0 : i32
      %gt3A_112 = arith.cmpi sgt, %scan3A_74, %gt3A_111 : i32
      %convert_element_type3A_113 = arith.extui %gt3A_112 : i1 to i32
      %cond3A_114 = arith.constant 0 : i32
      %cond3A_115 = arith.cmpi ne, %convert_element_type3A_113, %cond3A_114 : i32
      scf.if %cond3A_115 {
        %dma_wait3A_132 = arith.constant 0 : i32
        %dma_wait3A_133 = arith.constant 0 : i32
        %dma_wait3A_134 = tpu.memref_slice %arg20[%dma_wait3A_132, %dma_wait3A_133] : memref<10000x80xf32, #tpu.memory_space<vmem_shared>> -> memref<10000x80xf32, #tpu.memory_space<vmem_shared>>
        tpu.wait_indirect_dma semaphore(%arg26 : memref<!tpu.dma_semaphore, #tpu.memory_space<semaphore_mem>>) src(%arg18 : memref<128x80xf32, #tpu.memory_space<vmem>>) dst(%dma_wait3A_134 : memref<10000x80xf32, #tpu.memory_space<vmem_shared>>)
      } else {
      }
      %mul3A_116 = arith.constant 10496 : i32
      %mul3A_117 = arith.muli %add3A, %mul3A_116 : i32
      %mul3A_118 = arith.constant 128 : i32
      %mul3A_119 = arith.muli %add3A_80, %mul3A_118 : i32
      %add3A_120 = arith.addi %mul3A_117, %mul3A_119 : i32
      %parallel_loop3A_121 = arith.constant 0 : i32
      %parallel_loop3A_122 = arith.constant 128 : i32
      %parallel_loop3A_123 = arith.constant 1 : i32
      scf.for %parallel_loop3A_132 = %parallel_loop3A_121 to %parallel_loop3A_122 step %parallel_loop3A_123  : i32 {
        %parallel_loop3A_133 = vector.broadcast %parallel_loop3A_132 : i32 to vector<16xi32>
        %parallel_loop3A_134 = tpu.vector_load_idx %arg15[%parallel_loop3A_133, %add3A_3] : memref<128x64xf32, #tpu.memory_space<vmem>>[vector<16xi32>, vector<16xi32>], vector<16xf32>,
        %parallel_loop3A_135 = tpu.vector_load_idx %arg15[%parallel_loop3A_133, %add3A_6] : memref<128x64xf32, #tpu.memory_space<vmem>>[vector<16xi32>, vector<16xi32>], vector<16xf32>,
        %parallel_loop3A_136 = tpu.vector_load_idx %arg15[%parallel_loop3A_133, %add3A_9] : memref<128x64xf32, #tpu.memory_space<vmem>>[vector<16xi32>, vector<16xi32>], vector<16xf32>,
        %parallel_loop3A_137 = tpu.vector_load_idx %arg15[%parallel_loop3A_133, %add3A_12] : memref<128x64xf32, #tpu.memory_space<vmem>>[vector<16xi32>, vector<16xi32>], vector<16xf32>,
        %parallel_loop3A_138 = arith.constant 0.000000e+00 : f32
        %parallel_loop3A_139 = vector.broadcast %parallel_loop3A_138 : f32 to vector<16xf32>
        %parallel_loop3A_140 = tpu.vector_load_idx %arg16[%parallel_loop3A_133, %add3A_3] : memref<128x64xf32, #tpu.memory_space<vmem>>[vector<16xi32>, vector<16xi32>], vector<16xf32>,
        %parallel_loop3A_141 = arith.addf %parallel_loop3A_134, %parallel_loop3A_140 : vector<16xf32>
        %parallel_loop3A_142 = arith.constant 0.000000e+00 : f32
        %parallel_loop3A_143 = vector.broadcast %parallel_loop3A_142 : f32 to vector<16xf32>
        %parallel_loop3A_144 = arith.maximumf %parallel_loop3A_141, %parallel_loop3A_143 : vector<16xf32>
        %parallel_loop3A_145 = arith.constant 0.000000e+00 : f32
        %parallel_loop3A_146 = vector.broadcast %parallel_loop3A_145 : f32 to vector<16xf32>
        %parallel_loop3A_147 = arith.minimumf %parallel_loop3A_141, %parallel_loop3A_146 : vector<16xf32>
        %parallel_loop3A_148 = arith.constant 2.000000e-01 : f32
        %parallel_loop3A_149 = vector.broadcast %parallel_loop3A_148 : f32 to vector<16xf32>
        %parallel_loop3A_150 = arith.mulf %parallel_loop3A_149, %parallel_loop3A_147 : vector<16xf32>
        %parallel_loop3A_151 = arith.addf %parallel_loop3A_144, %parallel_loop3A_150 : vector<16xf32>
        %parallel_loop3A_152 = tpu.bitcast %parallel_loop3A_151 : vector<16xf32> -> vector<16xi32>
        %parallel_loop3A_153 = arith.constant 32767 : i32
        %parallel_loop3A_154 = vector.broadcast %parallel_loop3A_153 : i32 to vector<16xi32>
        %parallel_loop3A_155 = arith.addi %parallel_loop3A_152, %parallel_loop3A_154 : vector<16xi32>
        %parallel_loop3A_156 = arith.constant 16 : i32
        %parallel_loop3A_157 = vector.broadcast %parallel_loop3A_156 : i32 to vector<16xi32>
        %parallel_loop3A_158 = arith.shrsi %parallel_loop3A_152, %parallel_loop3A_157 : vector<16xi32>
        %parallel_loop3A_159 = arith.constant 1 : i32
        %parallel_loop3A_160 = vector.broadcast %parallel_loop3A_159 : i32 to vector<16xi32>
        %parallel_loop3A_161 = arith.andi %parallel_loop3A_158, %parallel_loop3A_160 : vector<16xi32>
        %parallel_loop3A_162 = arith.addi %parallel_loop3A_155, %parallel_loop3A_161 : vector<16xi32>
        %parallel_loop3A_163 = arith.constant -65536 : i32
        %parallel_loop3A_164 = vector.broadcast %parallel_loop3A_163 : i32 to vector<16xi32>
        %parallel_loop3A_165 = arith.andi %parallel_loop3A_162, %parallel_loop3A_164 : vector<16xi32>
        %parallel_loop3A_166 = tpu.bitcast %parallel_loop3A_165 : vector<16xi32> -> vector<16xf32>
        %parallel_loop3A_167 = arith.mulf %get3A_31, %parallel_loop3A_166 : vector<16xf32>
        %parallel_loop3A_168 = arith.addf %parallel_loop3A_139, %parallel_loop3A_167 : vector<16xf32>
        %parallel_loop3A_169 = tpu.vector_load_idx %arg16[%parallel_loop3A_133, %add3A_6] : memref<128x64xf32, #tpu.memory_space<vmem>>[vector<16xi32>, vector<16xi32>], vector<16xf32>,
        %parallel_loop3A_170 = arith.addf %parallel_loop3A_135, %parallel_loop3A_169 : vector<16xf32>
        %parallel_loop3A_171 = arith.constant 0.000000e+00 : f32
        %parallel_loop3A_172 = vector.broadcast %parallel_loop3A_171 : f32 to vector<16xf32>
        %parallel_loop3A_173 = arith.maximumf %parallel_loop3A_170, %parallel_loop3A_172 : vector<16xf32>
        %parallel_loop3A_174 = arith.constant 0.000000e+00 : f32
        %parallel_loop3A_175 = vector.broadcast %parallel_loop3A_174 : f32 to vector<16xf32>
        %parallel_loop3A_176 = arith.minimumf %parallel_loop3A_170, %parallel_loop3A_175 : vector<16xf32>
        %parallel_loop3A_177 = arith.constant 2.000000e-01 : f32
        %parallel_loop3A_178 = vector.broadcast %parallel_loop3A_177 : f32 to vector<16xf32>
        %parallel_loop3A_179 = arith.mulf %parallel_loop3A_178, %parallel_loop3A_176 : vector<16xf32>
        %parallel_loop3A_180 = arith.addf %parallel_loop3A_173, %parallel_loop3A_179 : vector<16xf32>
        %parallel_loop3A_181 = tpu.bitcast %parallel_loop3A_180 : vector<16xf32> -> vector<16xi32>
        %parallel_loop3A_182 = arith.constant 32767 : i32
        %parallel_loop3A_183 = vector.broadcast %parallel_loop3A_182 : i32 to vector<16xi32>
        %parallel_loop3A_184 = arith.addi %parallel_loop3A_181, %parallel_loop3A_183 : vector<16xi32>
        %parallel_loop3A_185 = arith.constant 16 : i32
        %parallel_loop3A_186 = vector.broadcast %parallel_loop3A_185 : i32 to vector<16xi32>
        %parallel_loop3A_187 = arith.shrsi %parallel_loop3A_181, %parallel_loop3A_186 : vector<16xi32>
        %parallel_loop3A_188 = arith.constant 1 : i32
        %parallel_loop3A_189 = vector.broadcast %parallel_loop3A_188 : i32 to vector<16xi32>
        %parallel_loop3A_190 = arith.andi %parallel_loop3A_187, %parallel_loop3A_189 : vector<16xi32>
        %parallel_loop3A_191 = arith.addi %parallel_loop3A_184, %parallel_loop3A_190 : vector<16xi32>
        %parallel_loop3A_192 = arith.constant -65536 : i32
        %parallel_loop3A_193 = vector.broadcast %parallel_loop3A_192 : i32 to vector<16xi32>
        %parallel_loop3A_194 = arith.andi %parallel_loop3A_191, %parallel_loop3A_193 : vector<16xi32>
        %parallel_loop3A_195 = tpu.bitcast %parallel_loop3A_194 : vector<16xi32> -> vector<16xf32>
        %parallel_loop3A_196 = arith.mulf %get3A_33, %parallel_loop3A_195 : vector<16xf32>
        %parallel_loop3A_197 = arith.addf %parallel_loop3A_168, %parallel_loop3A_196 : vector<16xf32>
        %parallel_loop3A_198 = tpu.vector_load_idx %arg16[%parallel_loop3A_133, %add3A_9] : memref<128x64xf32, #tpu.memory_space<vmem>>[vector<16xi32>, vector<16xi32>], vector<16xf32>,
        %parallel_loop3A_199 = arith.addf %parallel_loop3A_136, %parallel_loop3A_198 : vector<16xf32>
        %parallel_loop3A_200 = arith.constant 0.000000e+00 : f32
        %parallel_loop3A_201 = vector.broadcast %parallel_loop3A_200 : f32 to vector<16xf32>
        %parallel_loop3A_202 = arith.maximumf %parallel_loop3A_199, %parallel_loop3A_201 : vector<16xf32>
        %parallel_loop3A_203 = arith.constant 0.000000e+00 : f32
        %parallel_loop3A_204 = vector.broadcast %parallel_loop3A_203 : f32 to vector<16xf32>
        %parallel_loop3A_205 = arith.minimumf %parallel_loop3A_199, %parallel_loop3A_204 : vector<16xf32>
        %parallel_loop3A_206 = arith.constant 2.000000e-01 : f32
        %parallel_loop3A_207 = vector.broadcast %parallel_loop3A_206 : f32 to vector<16xf32>
        %parallel_loop3A_208 = arith.mulf %parallel_loop3A_207, %parallel_loop3A_205 : vector<16xf32>
        %parallel_loop3A_209 = arith.addf %parallel_loop3A_202, %parallel_loop3A_208 : vector<16xf32>
        %parallel_loop3A_210 = tpu.bitcast %parallel_loop3A_209 : vector<16xf32> -> vector<16xi32>
        %parallel_loop3A_211 = arith.constant 32767 : i32
        %parallel_loop3A_212 = vector.broadcast %parallel_loop3A_211 : i32 to vector<16xi32>
        %parallel_loop3A_213 = arith.addi %parallel_loop3A_210, %parallel_loop3A_212 : vector<16xi32>
        %parallel_loop3A_214 = arith.constant 16 : i32
        %parallel_loop3A_215 = vector.broadcast %parallel_loop3A_214 : i32 to vector<16xi32>
        %parallel_loop3A_216 = arith.shrsi %parallel_loop3A_210, %parallel_loop3A_215 : vector<16xi32>
        %parallel_loop3A_217 = arith.constant 1 : i32
        %parallel_loop3A_218 = vector.broadcast %parallel_loop3A_217 : i32 to vector<16xi32>
        %parallel_loop3A_219 = arith.andi %parallel_loop3A_216, %parallel_loop3A_218 : vector<16xi32>
        %parallel_loop3A_220 = arith.addi %parallel_loop3A_213, %parallel_loop3A_219 : vector<16xi32>
        %parallel_loop3A_221 = arith.constant -65536 : i32
        %parallel_loop3A_222 = vector.broadcast %parallel_loop3A_221 : i32 to vector<16xi32>
        %parallel_loop3A_223 = arith.andi %parallel_loop3A_220, %parallel_loop3A_222 : vector<16xi32>
        %parallel_loop3A_224 = tpu.bitcast %parallel_loop3A_223 : vector<16xi32> -> vector<16xf32>
        %parallel_loop3A_225 = arith.mulf %get3A_35, %parallel_loop3A_224 : vector<16xf32>
        %parallel_loop3A_226 = arith.addf %parallel_loop3A_197, %parallel_loop3A_225 : vector<16xf32>
        %parallel_loop3A_227 = tpu.vector_load_idx %arg16[%parallel_loop3A_133, %add3A_12] : memref<128x64xf32, #tpu.memory_space<vmem>>[vector<16xi32>, vector<16xi32>], vector<16xf32>,
        %parallel_loop3A_228 = arith.addf %parallel_loop3A_137, %parallel_loop3A_227 : vector<16xf32>
        %parallel_loop3A_229 = arith.constant 0.000000e+00 : f32
        %parallel_loop3A_230 = vector.broadcast %parallel_loop3A_229 : f32 to vector<16xf32>
        %parallel_loop3A_231 = arith.maximumf %parallel_loop3A_228, %parallel_loop3A_230 : vector<16xf32>
        %parallel_loop3A_232 = arith.constant 0.000000e+00 : f32
        %parallel_loop3A_233 = vector.broadcast %parallel_loop3A_232 : f32 to vector<16xf32>
        %parallel_loop3A_234 = arith.minimumf %parallel_loop3A_228, %parallel_loop3A_233 : vector<16xf32>
        %parallel_loop3A_235 = arith.constant 2.000000e-01 : f32
        %parallel_loop3A_236 = vector.broadcast %parallel_loop3A_235 : f32 to vector<16xf32>
        %parallel_loop3A_237 = arith.mulf %parallel_loop3A_236, %parallel_loop3A_234 : vector<16xf32>
        %parallel_loop3A_238 = arith.addf %parallel_loop3A_231, %parallel_loop3A_237 : vector<16xf32>
        %parallel_loop3A_239 = tpu.bitcast %parallel_loop3A_238 : vector<16xf32> -> vector<16xi32>
        %parallel_loop3A_240 = arith.constant 32767 : i32
        %parallel_loop3A_241 = vector.broadcast %parallel_loop3A_240 : i32 to vector<16xi32>
        %parallel_loop3A_242 = arith.addi %parallel_loop3A_239, %parallel_loop3A_241 : vector<16xi32>
        %parallel_loop3A_243 = arith.constant 16 : i32
        %parallel_loop3A_244 = vector.broadcast %parallel_loop3A_243 : i32 to vector<16xi32>
        %parallel_loop3A_245 = arith.shrsi %parallel_loop3A_239, %parallel_loop3A_244 : vector<16xi32>
        %parallel_loop3A_246 = arith.constant 1 : i32
        %parallel_loop3A_247 = vector.broadcast %parallel_loop3A_246 : i32 to vector<16xi32>
        %parallel_loop3A_248 = arith.andi %parallel_loop3A_245, %parallel_loop3A_247 : vector<16xi32>
        %parallel_loop3A_249 = arith.addi %parallel_loop3A_242, %parallel_loop3A_248 : vector<16xi32>
        %parallel_loop3A_250 = arith.constant -65536 : i32
        %parallel_loop3A_251 = vector.broadcast %parallel_loop3A_250 : i32 to vector<16xi32>
        %parallel_loop3A_252 = arith.andi %parallel_loop3A_249, %parallel_loop3A_251 : vector<16xi32>
        %parallel_loop3A_253 = tpu.bitcast %parallel_loop3A_252 : vector<16xi32> -> vector<16xf32>
        %parallel_loop3A_254 = arith.mulf %get3A_37, %parallel_loop3A_253 : vector<16xf32>
        %parallel_loop3A_255 = arith.addf %parallel_loop3A_226, %parallel_loop3A_254 : vector<16xf32>
        %parallel_loop3A_256 = arith.constant true
        %parallel_loop3A_257 = vector.broadcast %parallel_loop3A_256 : i1 to vector<16xi1>
        %parallel_loop3A_258 = tpu.scan <sum>, %parallel_loop3A_255 masked %parallel_loop3A_257 : vector<16xf32>, vector<16xi1> -> vector<16xf32>
        %parallel_loop3A_259 = vector.extract %parallel_loop3A_258[15] : f32 from vector<16xf32>
        %parallel_loop3A_260 = arith.addi %add3A_120, %parallel_loop3A_132 : i32
        %parallel_loop3A_261 = arith.constant 330000 : i32
        %parallel_loop3A_262 = arith.cmpi slt, %parallel_loop3A_260, %parallel_loop3A_261 : i32
        %parallel_loop3A_263 = arith.constant 1.000000e+00 : f32
        %parallel_loop3A_264 = arith.constant 0.000000e+00 : f32
        %parallel_loop3A_265 = arith.select %parallel_loop3A_262, %parallel_loop3A_263, %parallel_loop3A_264 : f32
        %parallel_loop3A_266 = vector.broadcast %parallel_loop3A_259 : f32 to vector<16xf32>
        %parallel_loop3A_267 = math.exp %parallel_loop3A_266 : vector<16xf32>
        %parallel_loop3A_268 = vector.broadcast %parallel_loop3A_265 : f32 to vector<16xf32>
        %parallel_loop3A_269 = arith.mulf %parallel_loop3A_267, %parallel_loop3A_268 : vector<16xf32>
        %parallel_loop3A_270 = arith.mulf %parallel_loop3A_134, %parallel_loop3A_269 : vector<16xf32>
        tpu.vector_store_idx %arg18[%parallel_loop3A_133, %add3A_3], %parallel_loop3A_270 : memref<128x80xf32, #tpu.memory_space<vmem>>[vector<16xi32>, vector<16xi32>], vector<16xf32>,
        %parallel_loop3A_271 = arith.mulf %parallel_loop3A_135, %parallel_loop3A_269 : vector<16xf32>
        tpu.vector_store_idx %arg18[%parallel_loop3A_133, %add3A_6], %parallel_loop3A_271 : memref<128x80xf32, #tpu.memory_space<vmem>>[vector<16xi32>, vector<16xi32>], vector<16xf32>,
        %parallel_loop3A_272 = arith.mulf %parallel_loop3A_136, %parallel_loop3A_269 : vector<16xf32>
        tpu.vector_store_idx %arg18[%parallel_loop3A_133, %add3A_9], %parallel_loop3A_272 : memref<128x80xf32, #tpu.memory_space<vmem>>[vector<16xi32>, vector<16xi32>], vector<16xf32>,
        %parallel_loop3A_273 = arith.mulf %parallel_loop3A_137, %parallel_loop3A_269 : vector<16xf32>
        tpu.vector_store_idx %arg18[%parallel_loop3A_133, %add3A_12], %parallel_loop3A_273 : memref<128x80xf32, #tpu.memory_space<vmem>>[vector<16xi32>, vector<16xi32>], vector<16xf32>,
        tpu.vector_store_idx %arg18[%parallel_loop3A_133, %add3A_15], %parallel_loop3A_269 : memref<128x80xf32, #tpu.memory_space<vmem>>[vector<16xi32>, vector<16xi32>], vector<16xf32>,
      } {sc.loop_unroll_factor = 4 : i64, sc.parallel_access}
      %dma_start3A_124 = arith.constant 0 : i32
      %dma_start3A_125 = arith.constant 0 : i32
      %dma_start3A_126 = tpu.memref_slice %arg20[%dma_start3A_124, %dma_start3A_125] : memref<10000x80xf32, #tpu.memory_space<vmem_shared>> -> memref<10000x80xf32, #tpu.memory_space<vmem_shared>>
      tpu.enqueue_indirect_dma source(%arg18 : memref<128x80xf32, #tpu.memory_space<vmem>>) target(%dma_start3A_126 : memref<10000x80xf32, #tpu.memory_space<vmem_shared>>) offsets(%arg12 : memref<128xi32, #tpu.memory_space<vmem>>) semaphore(%arg26 : memref<!tpu.dma_semaphore, #tpu.memory_space<semaphore_mem>>) {add = true}
      %lt3A_127 = arith.constant 40 : i32
      %lt3A_128 = arith.cmpi slt, %scan3A_74, %lt3A_127 : i32
      %convert_element_type3A_129 = arith.extui %lt3A_128 : i1 to i32
      %cond3A_130 = arith.constant 0 : i32
      %cond3A_131 = arith.cmpi ne, %convert_element_type3A_129, %cond3A_130 : i32
      scf.if %cond3A_131 {
        %add3A_132 = arith.constant 2 : i32
        %add3A_133 = arith.addi %add3A_80, %add3A_132 : i32
        %mul3A_134 = arith.constant 10496 : i32
        %mul3A_135 = arith.muli %add3A, %mul3A_134 : i32
        %mul3A_136 = arith.constant 128 : i32
        %mul3A_137 = arith.muli %add3A_133, %mul3A_136 : i32
        %add3A_138 = arith.addi %mul3A_135, %mul3A_137 : i32
        "tpu.region"() ({
          %run_scoped3A = tpu.sem_alloc : memref<!tpu.dma_semaphore, #tpu.memory_space<semaphore_mem>>
          %dma_start3A_145 = tpu.memref_slice %arg4[%add3A_138] : memref<335872xi32, #tpu.memory_space<hbm>> -> memref<128xi32, #tpu.memory_space<hbm>>
          %dma_start3A_146 = tpu.memref_slice %arg4[%add3A_138] : memref<335872xi32, #tpu.memory_space<hbm>> -> memref<128xi32, #tpu.memory_space<hbm>>
          tpu.enqueue_dma source(%dma_start3A_146 : memref<128xi32, #tpu.memory_space<hbm>>) target(%arg11 : memref<128xi32, #tpu.memory_space<vmem>>) target_semaphore(%run_scoped3A : memref<!tpu.dma_semaphore, #tpu.memory_space<semaphore_mem>>)
          %dma_wait3A_147 = tpu.memref_slice %arg4[%add3A_138] : memref<335872xi32, #tpu.memory_space<hbm>> -> memref<128xi32, #tpu.memory_space<hbm>>
          %dma_wait3A_148 = tpu.memref_slice %arg4[%add3A_138] : memref<335872xi32, #tpu.memory_space<hbm>> -> memref<128xi32, #tpu.memory_space<hbm>>
          tpu.wait_dma2 semaphore(%run_scoped3A : memref<!tpu.dma_semaphore, #tpu.memory_space<semaphore_mem>>) src(%dma_wait3A_148 : memref<128xi32, #tpu.memory_space<hbm>>) dst(%arg11 : memref<128xi32, #tpu.memory_space<vmem>>)
          tpu.yield
        }) : () -> ()
        "tpu.region"() ({
          %run_scoped3A = tpu.sem_alloc : memref<!tpu.dma_semaphore, #tpu.memory_space<semaphore_mem>>
          %dma_start3A_145 = tpu.memref_slice %arg5[%add3A_138] : memref<335872xi32, #tpu.memory_space<hbm>> -> memref<128xi32, #tpu.memory_space<hbm>>
          %dma_start3A_146 = tpu.memref_slice %arg5[%add3A_138] : memref<335872xi32, #tpu.memory_space<hbm>> -> memref<128xi32, #tpu.memory_space<hbm>>
          tpu.enqueue_dma source(%dma_start3A_146 : memref<128xi32, #tpu.memory_space<hbm>>) target(%arg12 : memref<128xi32, #tpu.memory_space<vmem>>) target_semaphore(%run_scoped3A : memref<!tpu.dma_semaphore, #tpu.memory_space<semaphore_mem>>)
          %dma_wait3A_147 = tpu.memref_slice %arg5[%add3A_138] : memref<335872xi32, #tpu.memory_space<hbm>> -> memref<128xi32, #tpu.memory_space<hbm>>
          %dma_wait3A_148 = tpu.memref_slice %arg5[%add3A_138] : memref<335872xi32, #tpu.memory_space<hbm>> -> memref<128xi32, #tpu.memory_space<hbm>>
          tpu.wait_dma2 semaphore(%run_scoped3A : memref<!tpu.dma_semaphore, #tpu.memory_space<semaphore_mem>>) src(%dma_wait3A_148 : memref<128xi32, #tpu.memory_space<hbm>>) dst(%arg12 : memref<128xi32, #tpu.memory_space<vmem>>)
          tpu.yield
        }) : () -> ()
        %dma_start3A_139 = arith.constant 0 : i32
        %dma_start3A_140 = arith.constant 0 : i32
        %dma_start3A_141 = tpu.memref_slice %arg2[%dma_start3A_139, %dma_start3A_140] : memref<10000x64xf32, #tpu.memory_space<hbm>> -> memref<10000x64xf32, #tpu.memory_space<hbm>>
        tpu.enqueue_indirect_dma source(%dma_start3A_141 : memref<10000x64xf32, #tpu.memory_space<hbm>>) target(%arg15 : memref<128x64xf32, #tpu.memory_space<vmem>>) offsets(%arg11 : memref<128xi32, #tpu.memory_space<vmem>>) semaphore(%arg23 : memref<!tpu.dma_semaphore, #tpu.memory_space<semaphore_mem>>)
        %dma_start3A_142 = arith.constant 0 : i32
        %dma_start3A_143 = arith.constant 0 : i32
        %dma_start3A_144 = tpu.memref_slice %arg3[%dma_start3A_142, %dma_start3A_143] : memref<10000x64xf32, #tpu.memory_space<hbm>> -> memref<10000x64xf32, #tpu.memory_space<hbm>>
        tpu.enqueue_indirect_dma source(%dma_start3A_144 : memref<10000x64xf32, #tpu.memory_space<hbm>>) target(%arg16 : memref<128x64xf32, #tpu.memory_space<vmem>>) offsets(%arg12 : memref<128xi32, #tpu.memory_space<vmem>>) semaphore(%arg24 : memref<!tpu.dma_semaphore, #tpu.memory_space<semaphore_mem>>)
      } else {
      }
    }
    %scan3A_62 = arith.constant 41 : i32
    %dma_wait3A = arith.constant 0 : i32
    %dma_wait3A_63 = arith.constant 0 : i32
    %dma_wait3A_64 = tpu.memref_slice %arg20[%dma_wait3A, %dma_wait3A_63] : memref<10000x80xf32, #tpu.memory_space<vmem_shared>> -> memref<10000x80xf32, #tpu.memory_space<vmem_shared>>
    tpu.wait_indirect_dma semaphore(%arg25 : memref<!tpu.dma_semaphore, #tpu.memory_space<semaphore_mem>>) src(%arg17 : memref<128x80xf32, #tpu.memory_space<vmem>>) dst(%dma_wait3A_64 : memref<10000x80xf32, #tpu.memory_space<vmem_shared>>)
    %dma_wait3A_65 = arith.constant 0 : i32
    %dma_wait3A_66 = arith.constant 0 : i32
    %dma_wait3A_67 = tpu.memref_slice %arg20[%dma_wait3A_65, %dma_wait3A_66] : memref<10000x80xf32, #tpu.memory_space<vmem_shared>> -> memref<10000x80xf32, #tpu.memory_space<vmem_shared>>
    tpu.wait_indirect_dma semaphore(%arg26 : memref<!tpu.dma_semaphore, #tpu.memory_space<semaphore_mem>>) src(%arg18 : memref<128x80xf32, #tpu.memory_space<vmem>>) dst(%dma_wait3A_67 : memref<10000x80xf32, #tpu.memory_space<vmem_shared>>)
    %barrier3A_68 = arith.constant 0 : index
    tpu.barrier barrier_id(%barrier3A_68)
    "tpu.region"() ({
      %run_scoped3A = tpu.sem_alloc : memref<!tpu.dma_semaphore, #tpu.memory_space<semaphore_mem>>
      %dma_start3A_74 = arith.constant 0 : i32
      %dma_start3A_75 = tpu.memref_slice %arg7[%arg0, %mul3A_22, %dma_start3A_74] : memref<2x10000x80xf32, #tpu.memory_space<hbm>> -> memref<1x624x80xf32, #tpu.memory_space<hbm>>
      %dma_start3A_76 = tpu.memref_squeeze %dma_start3A_75 : memref<1x624x80xf32, #tpu.memory_space<hbm>> -> memref<624x80xf32, #tpu.memory_space<hbm>>
      %dma_start3A_77 = arith.constant 0 : i32
      %dma_start3A_78 = tpu.memref_slice %arg20[%mul3A_22, %dma_start3A_77] : memref<10000x80xf32, #tpu.memory_space<vmem_shared>> -> memref<624x80xf32, #tpu.memory_space<vmem_shared>>
      tpu.enqueue_dma source(%dma_start3A_78 : memref<624x80xf32, #tpu.memory_space<vmem_shared>>) target(%dma_start3A_76 : memref<624x80xf32, #tpu.memory_space<hbm>>) target_semaphore(%run_scoped3A : memref<!tpu.dma_semaphore, #tpu.memory_space<semaphore_mem>>)
      %dma_wait3A_79 = arith.constant 0 : i32
      %dma_wait3A_80 = tpu.memref_slice %arg7[%arg0, %mul3A_22, %dma_wait3A_79] : memref<2x10000x80xf32, #tpu.memory_space<hbm>> -> memref<1x624x80xf32, #tpu.memory_space<hbm>>
      %dma_wait3A_81 = tpu.memref_squeeze %dma_wait3A_80 : memref<1x624x80xf32, #tpu.memory_space<hbm>> -> memref<624x80xf32, #tpu.memory_space<hbm>>
      %dma_wait3A_82 = arith.constant 0 : i32
      %dma_wait3A_83 = tpu.memref_slice %arg20[%mul3A_22, %dma_wait3A_82] : memref<10000x80xf32, #tpu.memory_space<vmem_shared>> -> memref<624x80xf32, #tpu.memory_space<vmem_shared>>
      tpu.wait_dma2 semaphore(%run_scoped3A : memref<!tpu.dma_semaphore, #tpu.memory_space<semaphore_mem>>) src(%dma_wait3A_83 : memref<624x80xf32, #tpu.memory_space<vmem_shared>>) dst(%dma_wait3A_81 : memref<624x80xf32, #tpu.memory_space<hbm>>)
      tpu.yield
    }) : () -> ()
    %eq3A_69 = arith.constant 15 : i32
    %eq3A_70 = arith.cmpi eq, %arg1, %eq3A_69 : i32
    %convert_element_type3A_71 = arith.extui %eq3A_70 : i1 to i32
    %cond3A_72 = arith.constant 0 : i32
    %cond3A_73 = arith.cmpi ne, %convert_element_type3A_71, %cond3A_72 : i32
    scf.if %cond3A_73 {
      "tpu.region"() ({
        %run_scoped3A = tpu.sem_alloc : memref<!tpu.dma_semaphore, #tpu.memory_space<semaphore_mem>>
        %dma_start3A_74 = arith.constant 9984 : i32
        %dma_start3A_75 = arith.constant 0 : i32
        %dma_start3A_76 = tpu.memref_slice %arg7[%arg0, %dma_start3A_74, %dma_start3A_75] : memref<2x10000x80xf32, #tpu.memory_space<hbm>> -> memref<1x16x80xf32, #tpu.memory_space<hbm>>
        %dma_start3A_77 = tpu.memref_squeeze %dma_start3A_76 : memref<1x16x80xf32, #tpu.memory_space<hbm>> -> memref<16x80xf32, #tpu.memory_space<hbm>>
        %dma_start3A_78 = arith.constant 9984 : i32
        %dma_start3A_79 = arith.constant 0 : i32
        %dma_start3A_80 = tpu.memref_slice %arg20[%dma_start3A_78, %dma_start3A_79] : memref<10000x80xf32, #tpu.memory_space<vmem_shared>> -> memref<16x80xf32, #tpu.memory_space<vmem_shared>>
        tpu.enqueue_dma source(%dma_start3A_80 : memref<16x80xf32, #tpu.memory_space<vmem_shared>>) target(%dma_start3A_77 : memref<16x80xf32, #tpu.memory_space<hbm>>) target_semaphore(%run_scoped3A : memref<!tpu.dma_semaphore, #tpu.memory_space<semaphore_mem>>)
        %dma_wait3A_81 = arith.constant 9984 : i32
        %dma_wait3A_82 = arith.constant 0 : i32
        %dma_wait3A_83 = tpu.memref_slice %arg7[%arg0, %dma_wait3A_81, %dma_wait3A_82] : memref<2x10000x80xf32, #tpu.memory_space<hbm>> -> memref<1x16x80xf32, #tpu.memory_space<hbm>>
        %dma_wait3A_84 = tpu.memref_squeeze %dma_wait3A_83 : memref<1x16x80xf32, #tpu.memory_space<hbm>> -> memref<16x80xf32, #tpu.memory_space<hbm>>
        %dma_wait3A_85 = arith.constant 9984 : i32
        %dma_wait3A_86 = arith.constant 0 : i32
        %dma_wait3A_87 = tpu.memref_slice %arg20[%dma_wait3A_85, %dma_wait3A_86] : memref<10000x80xf32, #tpu.memory_space<vmem_shared>> -> memref<16x80xf32, #tpu.memory_space<vmem_shared>>
        tpu.wait_dma2 semaphore(%run_scoped3A : memref<!tpu.dma_semaphore, #tpu.memory_space<semaphore_mem>>) src(%dma_wait3A_87 : memref<16x80xf32, #tpu.memory_space<vmem_shared>>) dst(%dma_wait3A_84 : memref<16x80xf32, #tpu.memory_space<hbm>>)
        tpu.yield
      }) : () -> ()
    } else {
    }
    return
  }
}

module attributes {stable_mosaic.version = 14 : i64} {
  func.func @_tc_lin_body(%arg0: i32, %arg1: memref<1000x128xf32, #tpu.memory_space<vmem>>, %arg2: memref<128x64xf32, #tpu.memory_space<vmem>>, %arg3: memref<128x64xf32, #tpu.memory_space<vmem>>, %arg4: memref<1000x64xf32, #tpu.memory_space<vmem>>, %arg5: memref<1000x64xf32, #tpu.memory_space<vmem>>) attributes {dimension_semantics = [#tpu.dimension_semantics<arbitrary>], iteration_bounds = array<i64: 10>, scalar_prefetch = 0 : i64, scratch_operands = 0 : i64, tpu.core_type = #tpu.core_type<tc>, window_params = [{transform_indices = @transform_0, window_bounds = array<i64: 1000, 128>}, {pipeline_mode = #tpu.pipeline_mode<synchronous>, transform_indices = @transform_1, window_bounds = array<i64: 128, 64>}, {pipeline_mode = #tpu.pipeline_mode<synchronous>, transform_indices = @transform_2, window_bounds = array<i64: 128, 64>}, {transform_indices = @transform_3, window_bounds = array<i64: 1000, 64>}, {transform_indices = @transform_4, window_bounds = array<i64: 1000, 64>}]} {
    %get3A = arith.constant 0 : index
    %get3A_0 = arith.constant 0 : index
    %get3A_1 = vector.load %arg1[%get3A, %get3A_0] : memref<1000x128xf32, #tpu.memory_space<vmem>>, vector<1000x128xf32>
    %convert_element_type3A = arith.truncf %get3A_1 : vector<1000x128xf32> to vector<1000x128xbf16>
    %get3A_2 = arith.constant 0 : index
    %get3A_3 = arith.constant 0 : index
    %get3A_4 = vector.load %arg2[%get3A_2, %get3A_3] : memref<128x64xf32, #tpu.memory_space<vmem>>, vector<128x64xf32>
    %convert_element_type3A_5 = arith.truncf %get3A_4 : vector<128x64xf32> to vector<128x64xbf16>
    %dot_general3A = arith.constant dense<0.000000e+00> : vector<1000x64xf32>
    %dot_general3A_6 = tpu.matmul %convert_element_type3A, %convert_element_type3A_5, %dot_general3A {dimension_numbers = #tpu.dot_dimension_numbers<[1], [0], [0], [1], [0, 0, 1, 1], [], []>, transpose_lhs_hint = false} : vector<1000x128xbf16>, vector<128x64xbf16>, vector<1000x64xf32> -> vector<1000x64xf32>
    %swap3A = arith.constant 0 : index
    %swap3A_7 = arith.constant 0 : index
    %swap3A_8 = vector.load %arg4[%swap3A, %swap3A_7] : memref<1000x64xf32, #tpu.memory_space<vmem>>, vector<1000x64xf32>
    tpu.vector_store %arg4[%swap3A, %swap3A_7], %dot_general3A_6 {strides = array<i32>} : memref<1000x64xf32, #tpu.memory_space<vmem>>, vector<1000x64xf32>,
    %get3A_9 = arith.constant 0 : index
    %get3A_10 = arith.constant 0 : index
    %get3A_11 = vector.load %arg3[%get3A_9, %get3A_10] : memref<128x64xf32, #tpu.memory_space<vmem>>, vector<128x64xf32>
    %convert_element_type3A_12 = arith.truncf %get3A_11 : vector<128x64xf32> to vector<128x64xbf16>
    %dot_general3A_13 = arith.constant dense<0.000000e+00> : vector<1000x64xf32>
    %dot_general3A_14 = tpu.matmul %convert_element_type3A, %convert_element_type3A_12, %dot_general3A_13 {dimension_numbers = #tpu.dot_dimension_numbers<[1], [0], [0], [1], [0, 0, 1, 1], [], []>, transpose_lhs_hint = false} : vector<1000x128xbf16>, vector<128x64xbf16>, vector<1000x64xf32> -> vector<1000x64xf32>
    %swap3A_15 = arith.constant 0 : index
    %swap3A_16 = arith.constant 0 : index
    %swap3A_17 = vector.load %arg5[%swap3A_15, %swap3A_16] : memref<1000x64xf32, #tpu.memory_space<vmem>>, vector<1000x64xf32>
    tpu.vector_store %arg5[%swap3A_15, %swap3A_16], %dot_general3A_14 {strides = array<i32>} : memref<1000x64xf32, #tpu.memory_space<vmem>>, vector<1000x64xf32>,
    return
  }
  func.func @transform_0(%arg0: i32) -> (i32, i32) {
    %c0_i32 = arith.constant 0 : i32
    %c0_i32_0 = arith.constant 0 : i32
    return %arg0, %c0_i32 : i32, i32
  }
  func.func @transform_1(%arg0: i32) -> (i32, i32) {
    %c0_i32 = arith.constant 0 : i32
    %c0_i32_0 = arith.constant 0 : i32
    %c0_i32_1 = arith.constant 0 : i32
    return %c0_i32, %c0_i32_0 : i32, i32
  }
  func.func @transform_2(%arg0: i32) -> (i32, i32) {
    %c0_i32 = arith.constant 0 : i32
    %c0_i32_0 = arith.constant 0 : i32
    %c0_i32_1 = arith.constant 0 : i32
    return %c0_i32, %c0_i32_0 : i32, i32
  }
  func.func @transform_3(%arg0: i32) -> (i32, i32) {
    %c0_i32 = arith.constant 0 : i32
    %c0_i32_0 = arith.constant 0 : i32
    return %arg0, %c0_i32 : i32, i32
  }
  func.func @transform_4(%arg0: i32) -> (i32, i32) {
    %c0_i32 = arith.constant 0 : i32
    %c0_i32_0 = arith.constant 0 : i32
    return %arg0, %c0_i32 : i32, i32
  }
}

module attributes {stable_mosaic.version = 14 : i64} {
  func.func @_tc_mid_body(%arg0: i32, %arg1: memref<2x1000x80xf32, #tpu.memory_space<vmem>>, %arg2: memref<1x64xf32, #tpu.memory_space<vmem>>, %arg3: memref<64x64xf32, #tpu.memory_space<vmem>>, %arg4: memref<64x64xf32, #tpu.memory_space<vmem>>, %arg5: memref<1000x64xf32, #tpu.memory_space<vmem>>, %arg6: memref<1000x64xf32, #tpu.memory_space<vmem>>) attributes {dimension_semantics = [#tpu.dimension_semantics<arbitrary>], iteration_bounds = array<i64: 10>, scalar_prefetch = 0 : i64, scratch_operands = 0 : i64, tpu.core_type = #tpu.core_type<tc>, window_params = [{transform_indices = @transform_0, window_bounds = array<i64: 2, 1000, 80>}, {pipeline_mode = #tpu.pipeline_mode<synchronous>, transform_indices = @transform_1, window_bounds = array<i64: 1, 64>}, {pipeline_mode = #tpu.pipeline_mode<synchronous>, transform_indices = @transform_2, window_bounds = array<i64: 64, 64>}, {pipeline_mode = #tpu.pipeline_mode<synchronous>, transform_indices = @transform_3, window_bounds = array<i64: 64, 64>}, {transform_indices = @transform_4, window_bounds = array<i64: 1000, 64>}, {transform_indices = @transform_5, window_bounds = array<i64: 1000, 64>}]} {
    %get3A = arith.constant 0 : index
    %get3A_0 = arith.constant 0 : index
    %get3A_1 = arith.constant 0 : index
    %get3A_2 = vector.load %arg1[%get3A, %get3A_0, %get3A_1] : memref<2x1000x80xf32, #tpu.memory_space<vmem>>, vector<2x1000x80xf32>
    %slice3A = vector.extract_strided_slice %get3A_2 {offsets = [0, 0, 0], sizes = [1, 1000, 64], strides = [1, 1, 1]} : vector<2x1000x80xf32> to vector<1x1000x64xf32>
    %squeeze3A = vector.shape_cast %slice3A : vector<1x1000x64xf32> to vector<1000x64xf32>
    %slice3A_3 = vector.extract_strided_slice %get3A_2 {offsets = [1, 0, 0], sizes = [1, 1000, 64], strides = [1, 1, 1]} : vector<2x1000x80xf32> to vector<1x1000x64xf32>
    %squeeze3A_4 = vector.shape_cast %slice3A_3 : vector<1x1000x64xf32> to vector<1000x64xf32>
    %add3A = arith.addf %squeeze3A, %squeeze3A_4 : vector<1000x64xf32>
    %slice3A_5 = vector.extract_strided_slice %get3A_2 {offsets = [0, 0, 64], sizes = [1, 1000, 1], strides = [1, 1, 1]} : vector<2x1000x80xf32> to vector<1x1000x1xf32>
    %squeeze3A_6 = vector.shape_cast %slice3A_5 : vector<1x1000x1xf32> to vector<1000xf32>
    %slice3A_7 = vector.extract_strided_slice %get3A_2 {offsets = [1, 0, 64], sizes = [1, 1000, 1], strides = [1, 1, 1]} : vector<2x1000x80xf32> to vector<1x1000x1xf32>
    %squeeze3A_8 = vector.shape_cast %slice3A_7 : vector<1x1000x1xf32> to vector<1000xf32>
    %add3A_9 = arith.addf %squeeze3A_6, %squeeze3A_8 : vector<1000xf32>
    %broadcast_in_dim3A = vector.shape_cast %add3A_9 : vector<1000xf32> to vector<1000x1xf32>
    %div3A = vector.broadcast %broadcast_in_dim3A : vector<1000x1xf32> to vector<1000x64xf32>
    %div3A_10 = arith.divf %add3A, %div3A : vector<1000x64xf32>
    %get3A_11 = arith.constant 0 : index
    %get3A_12 = arith.constant 0 : index
    %get3A_13 = vector.load %arg2[%get3A_11, %get3A_12] : memref<1x64xf32, #tpu.memory_space<vmem>>, vector<1x64xf32>
    %add3A_14 = vector.broadcast %get3A_13 : vector<1x64xf32> to vector<1000x64xf32>
    %add3A_15 = arith.addf %div3A_10, %add3A_14 : vector<1000x64xf32>
    %max3A = arith.constant 0.000000e+00 : f32
    %max3A_16 = vector.broadcast %max3A : f32 to vector<1000x64xf32>
    %max3A_17 = arith.maximumf %add3A_15, %max3A_16 : vector<1000x64xf32>
    %convert_element_type3A = arith.truncf %max3A_17 : vector<1000x64xf32> to vector<1000x64xbf16>
    %get3A_18 = arith.constant 0 : index
    %get3A_19 = arith.constant 0 : index
    %get3A_20 = vector.load %arg3[%get3A_18, %get3A_19] : memref<64x64xf32, #tpu.memory_space<vmem>>, vector<64x64xf32>
    %convert_element_type3A_21 = arith.truncf %get3A_20 : vector<64x64xf32> to vector<64x64xbf16>
    %dot_general3A = arith.constant dense<0.000000e+00> : vector<1000x64xf32>
    %dot_general3A_22 = tpu.matmul %convert_element_type3A, %convert_element_type3A_21, %dot_general3A {dimension_numbers = #tpu.dot_dimension_numbers<[1], [0], [0], [1], [0, 0, 1, 1], [], []>, transpose_lhs_hint = false} : vector<1000x64xbf16>, vector<64x64xbf16>, vector<1000x64xf32> -> vector<1000x64xf32>
    %swap3A = arith.constant 0 : index
    %swap3A_23 = arith.constant 0 : index
    %swap3A_24 = vector.load %arg5[%swap3A, %swap3A_23] : memref<1000x64xf32, #tpu.memory_space<vmem>>, vector<1000x64xf32>
    tpu.vector_store %arg5[%swap3A, %swap3A_23], %dot_general3A_22 {strides = array<i32>} : memref<1000x64xf32, #tpu.memory_space<vmem>>, vector<1000x64xf32>,
    %get3A_25 = arith.constant 0 : index
    %get3A_26 = arith.constant 0 : index
    %get3A_27 = vector.load %arg4[%get3A_25, %get3A_26] : memref<64x64xf32, #tpu.memory_space<vmem>>, vector<64x64xf32>
    %convert_element_type3A_28 = arith.truncf %get3A_27 : vector<64x64xf32> to vector<64x64xbf16>
    %dot_general3A_29 = arith.constant dense<0.000000e+00> : vector<1000x64xf32>
    %dot_general3A_30 = tpu.matmul %convert_element_type3A, %convert_element_type3A_28, %dot_general3A_29 {dimension_numbers = #tpu.dot_dimension_numbers<[1], [0], [0], [1], [0, 0, 1, 1], [], []>, transpose_lhs_hint = false} : vector<1000x64xbf16>, vector<64x64xbf16>, vector<1000x64xf32> -> vector<1000x64xf32>
    %swap3A_31 = arith.constant 0 : index
    %swap3A_32 = arith.constant 0 : index
    %swap3A_33 = vector.load %arg6[%swap3A_31, %swap3A_32] : memref<1000x64xf32, #tpu.memory_space<vmem>>, vector<1000x64xf32>
    tpu.vector_store %arg6[%swap3A_31, %swap3A_32], %dot_general3A_30 {strides = array<i32>} : memref<1000x64xf32, #tpu.memory_space<vmem>>, vector<1000x64xf32>,
    return
  }
  func.func @transform_0(%arg0: i32) -> (i32, i32, i32) {
    %c0_i32 = arith.constant 0 : i32
    %c0_i32_0 = arith.constant 0 : i32
    %c0_i32_1 = arith.constant 0 : i32
    return %c0_i32, %arg0, %c0_i32_0 : i32, i32, i32
  }
  func.func @transform_1(%arg0: i32) -> (i32, i32) {
    %c0_i32 = arith.constant 0 : i32
    %c0_i32_0 = arith.constant 0 : i32
    %c0_i32_1 = arith.constant 0 : i32
    return %c0_i32, %c0_i32_0 : i32, i32
  }
  func.func @transform_2(%arg0: i32) -> (i32, i32) {
    %c0_i32 = arith.constant 0 : i32
    %c0_i32_0 = arith.constant 0 : i32
    %c0_i32_1 = arith.constant 0 : i32
    return %c0_i32, %c0_i32_0 : i32, i32
  }
  func.func @transform_3(%arg0: i32) -> (i32, i32) {
    %c0_i32 = arith.constant 0 : i32
    %c0_i32_0 = arith.constant 0 : i32
    %c0_i32_1 = arith.constant 0 : i32
    return %c0_i32, %c0_i32_0 : i32, i32
  }
  func.func @transform_4(%arg0: i32) -> (i32, i32) {
    %c0_i32 = arith.constant 0 : i32
    %c0_i32_0 = arith.constant 0 : i32
    return %arg0, %c0_i32 : i32, i32
  }
  func.func @transform_5(%arg0: i32) -> (i32, i32) {
    %c0_i32 = arith.constant 0 : i32
    %c0_i32_0 = arith.constant 0 : i32
    return %arg0, %c0_i32 : i32, i32
  }
}

module attributes {stable_mosaic.version = 14 : i64} {
  func.func @_tc_final_body(%arg0: i32, %arg1: memref<2x10000x80xf32, #tpu.memory_space<vmem>>, %arg2: memref<1x64xf32, #tpu.memory_space<vmem>>, %arg3: memref<10000x1xi32, #tpu.memory_space<vmem>>, %arg4: memref<64x1xf32, #tpu.memory_space<vmem>>, %arg5: memref<1x1xf32, #tpu.memory_space<vmem>>, %arg6: memref<64x1xf32, #tpu.memory_space<vmem>>) attributes {dimension_semantics = [#tpu.dimension_semantics<arbitrary>], iteration_bounds = array<i64: 1>, scalar_prefetch = 0 : i64, scratch_operands = 0 : i64, tpu.core_type = #tpu.core_type<tc>, window_params = [{pipeline_mode = #tpu.pipeline_mode<synchronous>, transform_indices = @transform_0, window_bounds = array<i64: 2, 10000, 80>}, {pipeline_mode = #tpu.pipeline_mode<synchronous>, transform_indices = @transform_1, window_bounds = array<i64: 1, 64>}, {pipeline_mode = #tpu.pipeline_mode<synchronous>, transform_indices = @transform_2, window_bounds = array<i64: 10000, 1>}, {pipeline_mode = #tpu.pipeline_mode<synchronous>, transform_indices = @transform_3, window_bounds = array<i64: 64, 1>}, {pipeline_mode = #tpu.pipeline_mode<synchronous>, transform_indices = @transform_4, window_bounds = array<i64: 1, 1>}, {pipeline_mode = #tpu.pipeline_mode<synchronous>, transform_indices = @transform_5, window_bounds = array<i64: 64, 1>}]} {
    %get3A = arith.constant 0 : index
    %get3A_0 = arith.constant 0 : index
    %get3A_1 = arith.constant 0 : index
    %get3A_2 = vector.load %arg1[%get3A, %get3A_0, %get3A_1] : memref<2x10000x80xf32, #tpu.memory_space<vmem>>, vector<2x10000x80xf32>
    %slice3A = vector.extract_strided_slice %get3A_2 {offsets = [0, 0, 0], sizes = [1, 10000, 64], strides = [1, 1, 1]} : vector<2x10000x80xf32> to vector<1x10000x64xf32>
    %squeeze3A = vector.shape_cast %slice3A : vector<1x10000x64xf32> to vector<10000x64xf32>
    %slice3A_3 = vector.extract_strided_slice %get3A_2 {offsets = [1, 0, 0], sizes = [1, 10000, 64], strides = [1, 1, 1]} : vector<2x10000x80xf32> to vector<1x10000x64xf32>
    %squeeze3A_4 = vector.shape_cast %slice3A_3 : vector<1x10000x64xf32> to vector<10000x64xf32>
    %add3A = arith.addf %squeeze3A, %squeeze3A_4 : vector<10000x64xf32>
    %slice3A_5 = vector.extract_strided_slice %get3A_2 {offsets = [0, 0, 64], sizes = [1, 10000, 1], strides = [1, 1, 1]} : vector<2x10000x80xf32> to vector<1x10000x1xf32>
    %squeeze3A_6 = vector.shape_cast %slice3A_5 : vector<1x10000x1xf32> to vector<10000xf32>
    %slice3A_7 = vector.extract_strided_slice %get3A_2 {offsets = [1, 0, 64], sizes = [1, 10000, 1], strides = [1, 1, 1]} : vector<2x10000x80xf32> to vector<1x10000x1xf32>
    %squeeze3A_8 = vector.shape_cast %slice3A_7 : vector<1x10000x1xf32> to vector<10000xf32>
    %add3A_9 = arith.addf %squeeze3A_6, %squeeze3A_8 : vector<10000xf32>
    %broadcast_in_dim3A = vector.shape_cast %add3A_9 : vector<10000xf32> to vector<10000x1xf32>
    %div3A = vector.broadcast %broadcast_in_dim3A : vector<10000x1xf32> to vector<10000x64xf32>
    %div3A_10 = arith.divf %add3A, %div3A : vector<10000x64xf32>
    %get3A_11 = arith.constant 0 : index
    %get3A_12 = arith.constant 0 : index
    %get3A_13 = vector.load %arg2[%get3A_11, %get3A_12] : memref<1x64xf32, #tpu.memory_space<vmem>>, vector<1x64xf32>
    %add3A_14 = vector.broadcast %get3A_13 : vector<1x64xf32> to vector<10000x64xf32>
    %add3A_15 = arith.addf %div3A_10, %add3A_14 : vector<10000x64xf32>
    %max3A = arith.constant 0.000000e+00 : f32
    %max3A_16 = vector.broadcast %max3A : f32 to vector<10000x64xf32>
    %max3A_17 = arith.maximumf %add3A_15, %max3A_16 : vector<10000x64xf32>
    %get3A_18 = arith.constant 0 : index
    %get3A_19 = arith.constant 0 : index
    %get3A_20 = vector.load %arg3[%get3A_18, %get3A_19] : memref<10000x1xi32, #tpu.memory_space<vmem>>, vector<10000x1xi32>
    %broadcast_in_dim3A_21 = arith.constant 0xFF800000 : f32
    %broadcast_in_dim3A_22 = vector.broadcast %broadcast_in_dim3A_21 : f32 to vector<64x64xf32>
    %scan3A = arith.constant 0 : i32
    %scan3A_23 = arith.constant 64 : i32
    %scan3A_24 = arith.addi %scan3A, %scan3A_23 : i32
    %scan3A_25 = arith.constant 1 : i32
    %scan3A_26 = scf.for %scan3A_43 = %scan3A to %scan3A_24 step %scan3A_25 iter_args(%scan3A_44 = %broadcast_in_dim3A_22) -> (vector<64x64xf32>)  : i32 {
      %eq3A = vector.broadcast %scan3A_43 : i32 to vector<10000x1xi32>
      %eq3A_45 = arith.cmpi eq, %get3A_20, %eq3A : vector<10000x1xi32>
      %jit3A_46 = arith.constant 0xFF800000 : f32
      %broadcast_in_dim3A_47 = vector.shape_cast %eq3A_45 : vector<10000x1xi1> to vector<10000x1xi1>
      %broadcast_in_dim3A_48 = vector.broadcast %broadcast_in_dim3A_47 : vector<10000x1xi1> to vector<10000x64xi1>
      %broadcast_in_dim3A_49 = vector.broadcast %jit3A_46 : f32 to vector<10000x64xf32>
      %select_n3A_50 = arith.select %broadcast_in_dim3A_48, %max3A_17, %broadcast_in_dim3A_49 : vector<10000x64xi1>, vector<10000x64xf32>
      %reduce_max3A = arith.constant dense<0xFF800000> : vector<64xf32>
      %reduce_max3A_51 = vector.multi_reduction <maximumf>, %select_n3A_50, %reduce_max3A [0] : vector<10000x64xf32> to vector<64xf32>
      %iota3A = tpu.iota {dimensions = array<i32: 0>} : vector<64x64xi32>
      %eq3A_52 = vector.broadcast %scan3A_43 : i32 to vector<64x64xi32>
      %eq3A_53 = arith.cmpi eq, %iota3A, %eq3A_52 : vector<64x64xi32>
      %broadcast_in_dim3A_54 = vector.shape_cast %reduce_max3A_51 : vector<64xf32> to vector<1x64xf32>
      %broadcast_in_dim3A_55 = vector.shape_cast %broadcast_in_dim3A_54 : vector<1x64xf32> to vector<1x64xf32>
      %broadcast_in_dim3A_56 = vector.broadcast %broadcast_in_dim3A_55 : vector<1x64xf32> to vector<64x64xf32>
      %select_n3A_57 = arith.select %eq3A_53, %broadcast_in_dim3A_56, %scan3A_44 : vector<64x64xi1>, vector<64x64xf32>
      scf.yield %select_n3A_57 : vector<64x64xf32>
    }
    %scan3A_27 = arith.constant 64 : i32
    %is_finite3A = tpu.weird %scan3A_26 : vector<64x64xf32> -> vector<64x64xi1>
    %is_finite3A_28 = arith.constant dense<true> : vector<64x64xi1>
    %is_finite3A_29 = arith.xori %is_finite3A, %is_finite3A_28 : vector<64x64xi1>
    %jit3A = arith.constant 0.000000e+00 : f32
    %broadcast_in_dim3A_30 = vector.broadcast %jit3A : f32 to vector<64x64xf32>
    %select_n3A = arith.select %is_finite3A_29, %scan3A_26, %broadcast_in_dim3A_30 : vector<64x64xi1>, vector<64x64xf32>
    %convert_element_type3A = arith.truncf %select_n3A : vector<64x64xf32> to vector<64x64xbf16>
    %get3A_31 = arith.constant 0 : index
    %get3A_32 = arith.constant 0 : index
    %get3A_33 = vector.load %arg4[%get3A_31, %get3A_32] : memref<64x1xf32, #tpu.memory_space<vmem>>, vector<64x1xf32>
    %convert_element_type3A_34 = arith.truncf %get3A_33 : vector<64x1xf32> to vector<64x1xbf16>
    %dot_general3A = arith.constant dense<0.000000e+00> : vector<64x1xf32>
    %dot_general3A_35 = tpu.matmul %convert_element_type3A, %convert_element_type3A_34, %dot_general3A {dimension_numbers = #tpu.dot_dimension_numbers<[1], [0], [0], [1], [0, 0, 1, 1], [], []>, transpose_lhs_hint = false} : vector<64x64xbf16>, vector<64x1xbf16>, vector<64x1xf32> -> vector<64x1xf32>
    %get3A_36 = arith.constant 0 : index
    %get3A_37 = arith.constant 0 : index
    %get3A_38 = vector.load %arg5[%get3A_36, %get3A_37] : memref<1x1xf32, #tpu.memory_space<vmem>>, vector<1x1xf32>
    %add3A_39 = vector.broadcast %get3A_38 : vector<1x1xf32> to vector<64x1xf32>
    %add3A_40 = arith.addf %dot_general3A_35, %add3A_39 : vector<64x1xf32>
    %swap3A = arith.constant 0 : index
    %swap3A_41 = arith.constant 0 : index
    %swap3A_42 = vector.load %arg6[%swap3A, %swap3A_41] : memref<64x1xf32, #tpu.memory_space<vmem>>, vector<64x1xf32>
    tpu.vector_store %arg6[%swap3A, %swap3A_41], %add3A_40 {strides = array<i32>} : memref<64x1xf32, #tpu.memory_space<vmem>>, vector<64x1xf32>,
    return
  }
  func.func @transform_0(%arg0: i32) -> (i32, i32, i32) {
    %c0_i32 = arith.constant 0 : i32
    %c0_i32_0 = arith.constant 0 : i32
    %c0_i32_1 = arith.constant 0 : i32
    %c0_i32_2 = arith.constant 0 : i32
    return %c0_i32, %c0_i32_0, %c0_i32_1 : i32, i32, i32
  }
  func.func @transform_1(%arg0: i32) -> (i32, i32) {
    %c0_i32 = arith.constant 0 : i32
    %c0_i32_0 = arith.constant 0 : i32
    %c0_i32_1 = arith.constant 0 : i32
    return %c0_i32, %c0_i32_0 : i32, i32
  }
  func.func @transform_2(%arg0: i32) -> (i32, i32) {
    %c0_i32 = arith.constant 0 : i32
    %c0_i32_0 = arith.constant 0 : i32
    %c0_i32_1 = arith.constant 0 : i32
    return %c0_i32, %c0_i32_0 : i32, i32
  }
  func.func @transform_3(%arg0: i32) -> (i32, i32) {
    %c0_i32 = arith.constant 0 : i32
    %c0_i32_0 = arith.constant 0 : i32
    %c0_i32_1 = arith.constant 0 : i32
    return %c0_i32, %c0_i32_0 : i32, i32
  }
  func.func @transform_4(%arg0: i32) -> (i32, i32) {
    %c0_i32 = arith.constant 0 : i32
    %c0_i32_0 = arith.constant 0 : i32
    %c0_i32_1 = arith.constant 0 : i32
    return %c0_i32, %c0_i32_0 : i32, i32
  }
  func.func @transform_5(%arg0: i32) -> (i32, i32) {
    %c0_i32 = arith.constant 0 : i32
    %c0_i32_0 = arith.constant 0 : i32
    %c0_i32_1 = arith.constant 0 : i32
    return %c0_i32, %c0_i32_0 : i32, i32
  }
}

</mosaic_0001>

<sc_bundles>
// kernel: kernel.10.cloned.1.call-start
scs
__scs_entry_jumppad:
0x0: {  	(pc) =	sbr.rel $0x88, $3  }
0x1: {  	(tag) =	ssettag $0x0;
	lr =	simm.s32 $0x1  }
0x2: {  	[smem:$0x3F94] =	sst lr;
	_ =	strace $0xD0000000  }
0x3: {  	_ = 	snop  }
0x4: {  	_ = 	snop  }
0x5: {  	_ = 	snop  }
0x6: {  	_ = 	snop  }
0x7: {  	_ = 	snop  }
__scs_overlays_trampoline_lowered:
0x8: {  	[smem:$0x3FA3] =	sst s0  }
0x9: {  	[smem:$0x3FA4] =	sst s1  }
0xa: {  	[smem:$0x3FA5] =	sst s2  }
0xb: {  	[smem:$0x3FA6] =	sst s3  }
0xc: {  	[smem:$0x3FA7] =	sst s4  }
0xd: {  	[smem:$0x3FA8] =	sst s5  }
0xe: {  	[smem:$0x3FA9] =	sst s6  }
0xf: {  	[smem:$0x3FAA] =	sst s7  }
0x10: {  	[smem:$0x3FAB] =	sst s8  }
0x11: {  	[smem:$0x3FAC] =	sst s9;
	s0 =	simm.s32 @!p0 $0x0  }
0x12: {  	s1 =	sld [smem:$0x3F92];
	s0 =	simm.s32 @p0 $0x1  }
0x13: {  	[smem:$0x3FAD] =	sst s0;
	s0 =	simm.s32 @!p1 $0x0  }
0x14: {  	s2 =	sld [smem:$0x3F91];
	s0 =	simm.s32 @p1 $0x1  }
0x15: {  	[smem:$0x3FAE] =	sst s0;
	s0 =	simm.s32 @!p2 $0x0  }
0x16: {  	s3 =	sld [smem:$0x3FDB];
	s0 =	simm.s32 @p2 $0x1  }
0x17: {  	s4 =	simm.s32 $0x1BF5;
	[smem:$0x3FB0] =	sst s0  }
0x18: {  	s0 =	sld [smem:$0x3F93];
	_ =	swait.ge [sflag:s4], $0x0  }
0x19: {  	s7 =	sld [smem:$0x3F94]  }
0x1a: {  	s8 =	sadd.s32 $0xFFFFE003, lr  }
0x1b: {  	s9 =	sadd.s32 $0xFFFFFEF7, lr;
	s5 =	simm.s32 $0xFFFFFFFF;
	p2 =	slt.u32 s8, $0xFFFFF086  }
0x1c: {  	p1 =	slt.u32 s9, $0xF7A;
	s5 =	simm.s32 @!p2 $0x0  }
0x1d: {  	s5 =	simm.s32 @p1 $0x1;
	p0 =	seq.s32 s7, s2  }
0x1e: {  	s7 =	smul.u32 @!p0 $0xF7A, s2;
	p2 =	seq.s32 @!p0 s5, $0x0  }
0x1f: {  	s9 =	smul.u32 $0xF7A, s1;
	s8 =	simm.s32 @!p0 $0x1BF5;
	p2 =	por !p2, p0  }
0x20: {  	[sflag:s8] =	ssyncset.s32 @!p0 $0xFFFFF086;
	s6 =	sadd.s32 @!p0 s3, s7;
	s7 =	simm.s32 @!p0 $0x108  }
0x21: {  	s3 =	sadd.s32 s3, s9;
	s6 =	sadd.s32 @!p0 $0x88, s6;
	s7 =	simm.s32 @p2 $0x1082  }
0x22: {  	[simem:s7], [sflag:s8] =	dma.local @!p0 [hbm:s6], $0xF7A  }
0x23: {  	s9 =	sor.u32 $0xD0000000, s2;
	s6 =	simm.s32 $0x108;
	_ =	swait.ge @!p0 [sflag:s8], $0x0  }
0x24: {  	s3 =	sadd.s32 $0x88, s3;
	s6 =	simm.s32 @!p1 $0x1082;
	[sflag:s4] =	ssyncset.s32 $0xFFFFF086  }
0x25: {  	[simem:s6], [sflag:s4] =	dma.local [hbm:s3], $0xF7A  }
0x26: {  	[smem:$0x3F94] =	sst s1;
	(tag) =	ssettag s2;
	_ =	strace s9  }
0x27: {  	s1 =	sld [smem:$0x3FA4]  }
0x28: {  	s2 =	sld [smem:$0x3FA5]  }
0x29: {  	s4 =	sld [smem:$0x3FA7]  }
0x2a: {  	p0 =	seq.s32 s5, $0x0;
	s5 =	sld [smem:$0x3FA8]  }
0x2b: {  	s6 =	sld [smem:$0x3FA9]  }
0x2c: {  	s7 =	sld [smem:$0x3FAA]  }
0x2d: {  	s3 =	simm.s32 $0x108;
	s8 =	sld [smem:$0x3FAB]  }
0x2e: {  	s3 =	simm.s32 @!p0 $0x1082;
	s9 =	sld [smem:$0x3FAC]  }
0x2f: {  	lr =	sadd.s32 s0, s3;
	s0 =	sld [smem:$0x3FA3]  }
0x30: {  	s3 =	sld [smem:$0x3FA6]  }
0x31: {  	[smem:$0x3FAF] =	sst s10  }
0x32: {  	s10 =	sld [smem:$0x3FAD];
	_ =	sdelay $0x3  }
0x33: {  	p0 =	seq.s32 s10, $0x1;
	s10 =	sld [smem:$0x3FAF];
	_ =	sdelay $0x3  }
0x34: {  	[smem:$0x3FAF] =	sst s10  }
0x35: {  	s10 =	sld [smem:$0x3FAE];
	_ =	sdelay $0x3  }
0x36: {  	p1 =	seq.s32 s10, $0x1;
	s10 =	sld [smem:$0x3FAF];
	_ =	sdelay $0x3  }
0x37: {  	[smem:$0x3FAF] =	sst s10  }
0x38: {  	s10 =	sld [smem:$0x3FB0]  }
0x39: {  	_ = 	snop;
	(pc) =	sbr.ind lr, $3  }
0x3a: {  	_ = 	snop  }
0x3b: {  	_ = 	snop  }
0x3c: {  	p2 =	seq.s32 s10, $0x1;
	s10 =	sld [smem:$0x3FAF]  }
0x3d: {  	_ =	shalt  }
0x3e: {  	_ =	shalt  }
0x3f: {  	_ =	shalt  }
0x40: {  	_ =	shalt  }
0x41: {  	_ =	shalt  }
0x42: {  	_ =	shalt  }
0x43: {  	_ =	shalt  }
0x44: {  	_ =	shalt  }
0x45: {  	_ =	shalt  }
0x46: {  	_ =	shalt  }
0x47: {  	_ =	shalt  }
0x48: {  	_ =	shalt  }
0x49: {  	_ =	shalt  }
0x4a: {  	_ =	shalt  }
0x4b: {  	_ =	shalt  }
0x4c: {  	_ =	shalt  }
0x4d: {  	_ =	shalt  }
0x4e: {  	_ =	shalt  }
0x4f: {  	_ =	shalt  }
0x50: {  	_ =	shalt  }
0x51: {  	_ =	shalt  }
0x52: {  	_ =	shalt  }
0x53: {  	_ =	shalt  }
0x54: {  	_ =	shalt  }
0x55: {  	_ =	shalt  }
0x56: {  	_ =	shalt  }
0x57: {  	_ =	shalt  }
0x58: {  	_ =	shalt  }
0x59: {  	_ =	shalt  }
0x5a: {  	_ =	shalt  }
0x5b: {  	_ =	shalt  }
0x5c: {  	_ =	shalt  }
0x5d: {  	_ =	shalt  }
0x5e: {  	_ =	shalt  }
0x5f: {  	_ =	shalt  }
0x60: {  	_ =	shalt  }
0x61: {  	_ =	shalt  }
0x62: {  	_ =	shalt  }
0x63: {  	_ =	shalt  }
0x64: {  	_ =	shalt  }
0x65: {  	_ =	shalt  }
0x66: {  	_ =	shalt  }
0x67: {  	_ =	shalt  }
0x68: {  	_ =	shalt  }
0x69: {  	_ =	shalt  }
0x6a: {  	_ =	shalt  }
0x6b: {  	_ =	shalt  }
0x6c: {  	_ =	shalt  }
0x6d: {  	_ =	shalt  }
0x6e: {  	_ =	shalt  }
0x6f: {  	_ =	shalt  }
0x70: {  	_ =	shalt  }
0x71: {  	_ =	shalt  }
0x72: {  	_ =	shalt  }
0x73: {  	_ =	shalt  }
0x74: {  	_ =	shalt  }
0x75: {  	_ =	shalt  }
0x76: {  	_ =	shalt  }
0x77: {  	_ =	shalt  }
0x78: {  	_ =	shalt  }
0x79: {  	_ =	shalt  }
0x7a: {  	_ =	shalt  }
0x7b: {  	_ =	shalt  }
0x7c: {  	_ =	shalt  }
0x7d: {  	_ =	shalt  }
0x7e: {  	_ =	shalt  }
0x7f: {  	_ =	shalt  }
0x80: {  	_ =	shalt  }
0x81: {  	_ =	shalt  }
0x82: {  	_ =	shalt  }
0x83: {  	_ =	shalt  }
0x84: {  	_ =	shalt  }
0x85: {  	_ =	shalt  }
0x86: {  	_ =	shalt  }
0x87: {  	_ =	shalt  }
.Lfunc_end0:
.L_simem_size_0:
called_computation.1_lowered:
.L_overlay_start_0:
0x88: {  	s2 =	sld [smem:$0x3FD9]  }
0x89: {  	s3 =	sld [smem:$0x3FFE];
	_ =	sdelay $0x1  }
0x8a: {  	s1 =	srdreg.scid  }
0x8b: {  	s0 =	sand.u32 $0x1, s1  }
0x8c: {  	s16 =	sshll.u32 s0, $0xA;
	s2 =	sadd.s32 s3, s2  }
0x8d: {  	s2 =	sadd.s32 s2, s16  }
0x8e: {  	[smem:$0x3FBB] =	sst s2  }
0x8f: {  	_ = 	snop  }
0x90: {  	(tm) =	ssettm $0x1  }
0x91: {  	s17 =	sld [smem:$0x3FFB];
	_ =	sdelay $0x3  }
0x92: {  	_ =	strace s17  }
0x93: {  	s2 =	sld [smem:$0x3FFC];
	_ =	sdelay $0x3  }
0x94: {  	_ =	strace s2  }
0x95: {  	s2 =	sld [smem:$0x3FFD];
	_ =	sdelay $0x3  }
0x96: {  	_ =	strace s2  }
0x97: {  	_ =	strace $0x8FFFFFFF  }
0x98: {  	s18 =	sld [smem:$0x3FDB];
	_ =	sdelay $0x1  }
0x99: {  	s19 =	simm.s32 $_scs_section_size  }
0x9a: {  	s4 =	simm.s32 $_size__tile_overlayer_lowered;
	s5 =	simm.s32 $_tile_overlayer_lowered  }
0x9b: {  	s22 =	simm.s32 $0x1BFF;
	s21 =	sshll.u32 s5, $0x1;
	s2 =	sadd.s32 s19, s18  }
0x9c: {  	s6 =	simm.s32 $0x0;
	s20 =	sshll.u32 s4, $0x1;
	s4 =	sadd.s32 s21, s2  }
0x9d: {  	[timem:s6], [sflag:s22] =	dma.local [hbm:s4], s20  }
0x9e: {  	_ =	swait.ge [sflag:s22], s20  }
0x9f: {  	s3 =	ssub.s32 $0x0, s20;
	[sflag:s22] =	ssyncset.done $0x0  }
0xa0: {  	[sflag:s22] =	ssyncadd.s32 s3;
	_ =	sdelay $0x1  }
0xa1: {  	s23 =	simm.s32 $0x1B8B  }
0xa2: {  	_ =	swait.ge [sflag:s23], $0x1  }
0xa3: {  	[sflag:s23] =	ssyncset.done $0x0  }
0xa4: {  	s25 =	simm.s32 $0x1B8E;
	s24 =	sld [smem:$0x3FFE];
	[sflag:s23] =	ssyncadd.s32 $0xFFFFFFFF  }
0xa5: {  	s26 =	simm.s32 $execute0_lowered;
	[smem:$0x3FD2] =	sst s25  }
0xa6: {  	s4 =	sshll.u32 s26, $0x1;
	_ =	strace $0x80000049;
	[dreg:$0x1] =	wrdreg $0xFFFFFFFF  }
0xa7: {  	s28 =	simm.s32 $_size_execute0_lowered;
	s2 =	sadd.s32 s2, s4;
	[dreg:$0x0] =	wrdreg $0x0  }
0xa8: {  	s4 =	sshll.u32 s28, $0x1;
	[dreg:$0x2] =	wrdreg s2  }
0xa9: {  	[dreg:$0x3] =	wrdreg s4  }
0xaa: {  	[dreg:$0x4] =	wrdreg $0xC0  }
0xab: {  	_ =	task [dreg:s6], $0x5FFFF  }
0xac: {  	[dreg:$0x1] =	wrdreg $0xFFFFFFFF  }
0xad: {  	[dreg:$0x0] =	wrdreg $0x60  }
0xae: {  	[dreg:$0x2] =	wrdreg s24  }
0xaf: {  	[dreg:$0x3] =	wrdreg $0x113400  }
0xb0: {  	[dreg:$0x4] =	wrdreg $0x9  }
0xb1: {  	_ =	task.clear_ibuf [dreg:s6], $0x5FFFF;
	_ =	strace $0x90000049  }
0xb2: {  	s29 =	simm.s32 $0x9;
	_ =	strace $0x8000004B  }
0xb3: {  	_ =	swait.ge [sflag:s29], $0x1  }
0xb4: {  	[sflag:s29] =	ssyncadd.s32 $0xFFFFFFFF  }
0xb5: {  	_ =	strace $0x9000004B  }
0xb6: {  	_ =	sfence  }
0xb7: {  	s30 =	sld [smem:$0x0];
	_ =	sdelay $0x2  }
0xb8: {  	s31 =	sshll.u32 s1, $0xD;
	s1 =	sshrl.u32 s1, $0x2  }
0xb9: {  	s3 =	sand.u32 $0x4000, s31;
	s1 =	sadd.s32 s1, s30  }
0xba: {  	s0 =	sor.u32 s3, s0;
	s1 =	sshll.u32 s1, $0x11  }
0xbb: {  	s0 =	sor.u32 s1, s0  }
0xbc: {  	s0 =	sadd.s32 $0x8F2B, s0  }
0xbd: {  	[sflag:s0] =	ssyncadd.remote.s32 $0x1  }
0xbe: {  	_ =	sfence.sel $0xFFFF  }
0xbf: {  	[dreg:$0x0] =	wrdreg $0xFFFFFFFF;
	(pc) =	sbr.abs _section_cstart, $3  }
0xc0: {  	[dreg:$0x1] =	wrdreg $0xFFFFFFFF  }
0xc1: {  	_ =	task.clear_ibuf [dreg:s6], $0x2FFFF;
	_ =	strace $0x9FFFFFFF  }
0xc2: {  	(tm) =	ssettm $0x7FFFFFFF  }
0xc3: {  	_ =	shalt  }
tec
execute0_lowered:
.L_overlay_start_1:
0x0: {  	(tag) =	ssettag $0x1  }
0x1: {  	s0 =	rddreg [dreg:$0x0]  }
0x2: {  	s1 =	rddreg [dreg:$0x1];
	s2 =	simm.s32 $0x0;
	s18 =	simm.s32 $0x0  }
0x3: {  	s5 =	srdreg.scid;
	s29 =	simm.s32 $0x80;
	s30 =	simm.s32 $0x240  }
0x4: {  	s31 =	simm.s32 $0x2240;
	[smem:$0x7FF] =	sst s2;
	s3 =	sadd.s32 $0x29C00, s0  }
0x5: {  	s4 =	sadd.s32 $0x16200, s0;
	s6 =	sadd.s32 $0xBE00, s0;
	s7 =	sadd.s32 $0x1A00, s0  }
0x6: {  	s13 =	sadd.s32 $0x6E400, s0;
	s2 =	stileid.u32;
	s5 =	sand.u32 $0x1, s5  }
0x7: {  	s0 =	sadd.s32 $0x3D600, s0;
	s20 =	sadd.s32 $0xC3000, s1;
	s9 =	smul.u32 $0x30C00, s2  }
0x8: {  	_ =	strace $0x8000004A;
	[dreg:$0x3] =	wrdreg s13;
	s11 =	smul.u32 $0xC300, s2  }
0x9: {  	s8 =	sshll.u32 s2, $0x1;
	s10 =	ssub.s32 $0x2, s5;
	s22 =	smul.u32 $0xC3500, s5  }
0xa: {  	s23 =	smul.u32 $0x5200, s2;
	p0 =	sne.s32 s2, $0xF;
	[dreg:$0x7] =	wrdreg s20  }
0xb: {  	s8 =	sor.u32 s5, s8;
	s12 =	sshrl.u32 s10, $0x1;
	s5 =	smul.u32 $0x2900, s5  }
0xc: {  	s9 =	sshrl.u32 s9, $0x2;
	s8 =	smul.u32 $0x2900, s8;
	s10 =	ssub.s32 s10, s12  }
0xd: {  	s19 =	sadd.s32 s11, s1;
	s11 =	sadd.s32 s11, s22;
	s25 =	sshrl.u32 s22, $0x3  }
0xe: {  	s12 =	simm.s32 $0x0;
	s9 =	sadd.s32 s9, s1;
	s24 =	sshrl.u32 s11, $0x3  }
0xf: {  	s5 =	sadd.s32 s5, s23;
	s26 =	smax.u32 s10, $0x1;
	[dreg:$0x4] =	wrdreg s19  }
0x10: {  	s10 =	simm.s32 $0x1;
	s11 =	simm.s32 $0x2;
	[dreg:$0x10] =	wrdreg s26  }
0x11: {  	s14 =	sadd.s32 $0x4100, s9;
	s15 =	sshrl.u32 s8, $0x3;
	[dreg:$0xe] =	wrdreg s5  }
0x12: {  	s9 =	sadd.s32 $0x8200, s9;
	s28 =	sor.u32 $0x80, s5;
	[dreg:$0x5] =	wrdreg s14  }
0x13: {  	s5 =	simm.s32 $0x1C0;
	s26 =	simm.s32 $0x6240;
	[dreg:$0x6] =	wrdreg s9  }
0x14: {  	s16 =	sadd.s32 s6, s15;
	s17 =	sadd.s32 s7, s15;
	[dreg:$0x11] =	wrdreg s28  }
0x15: {  	s21 =	sor.u32 $0x10, s15;
	s14 =	simm.s32 $0x3;
	[dreg:$0x8] =	wrdreg s16  }
0x16: {  	s15 =	simm.s32 $0x4;
	[dreg:$0x9] =	wrdreg s17;
	s13 =	sadd.s32 s6, s21  }
0x17: {  	v49 =	vlaneseq.u32;
	s9 =	sadd.s32 s7, s21;
	s17 =	sadd.s32 $0x100, s8;
	[dreg:$0xa] =	wrdreg s13  }
.Ltmp0:
0x18: {  	v1 =	vor.u32 $0x10, v49;
	s8 =	sadd.s32 $0x180, s8;
	[dreg:$0xb] =	wrdreg s9;
	(pc) =	sbr.rel .LBB2_1-.Ltmp0, $4  }
0x19: {  	v16 =	vor.u32 $0x40, v49;
	[tilespmem:$0x1FFC0] =	vst v1;
	s16 =	simm.s32 $0xAA40;
	[dreg:$0xc] =	wrdreg s8;
	s8 =	sadd.s32 s0, s24  }
0x1a: {  	v1 =	vor.u32 $0x20, v49;
	[tilespmem:$0x1FFF0] =	vst v16;
	s0 =	sadd.s32 s0, s25;
	s24 =	simm.s32 $0xD240;
	s25 =	simm.s32 $0x7  }
0x1b: {  	[tilespmem:$0x1FFD0] =	vst v1;
	v1 =	vor.u32 $0x30, v49;
	s13 =	simm.s32 $0x8240;
	[dreg:$0xd] =	wrdreg s8;
	s0 =	sadd.s32 $0x18600, s0  }
0x1c: {  	v0 =	vimm.f32 $0.0e+00;
	[tilespmem:$0x1FFE0] =	vst v1;
	s8 =	simm.s32 $0x4240;
	[dreg:$0xf] =	wrdreg s0;
	s0 =	simm.s32 $0x140  }
.LBB2_10:
0x1d: {  	s2 =	simm.s32 $0x5  }
0x1e: {  	_ =	swait.ge [sflag:s2], $0x2800  }
0x1f: {  	[sflag:s2] =	ssyncset.done $0x0  }
0x20: {  	s21 =	simm.s32 $0x6;
	[sflag:s2] =	ssyncadd.s32 $0xFFFFD800  }
0x21: {  	_ =	swait.ge [sflag:s21], $0x2800  }
0x22: {  	[sflag:s21] =	ssyncset.done $0x0  }
0x23: {  	[sflag:s21] =	ssyncadd.s32 $0xFFFFD800  }
0x24: {  	s22 =	stileid.u32;
	[bflag:$0x0] =	sbarrier.arrive $0xFFFF  }
0x25: {  	s2 =	sshll.u32 s22, $0x6;
	s19 =	rddreg [dreg:$0x4]  }
0x26: {  	s2 =	sor.u32 $0x1C07, s2;
	s12 =	rddreg [dreg:$0xd];
	s9 =	sshrl.u32 s19, $0x3  }
0x27: {  	[hbm:s12], [sflag:s2] =	dma.local [spmem:s9], $0x1860  }
0x28: {  	_ =	swait.ge [sflag:s25], $0x1860  }
0x29: {  	[sflag:s25] =	ssyncset.done $0x0;
	s20 =	rddreg [dreg:$0x7]  }
0x2a: {  	s12 =	rddreg [dreg:$0xf];
	[sflag:s25] =	ssyncadd.s32 $0xFFFFE7A0;
	s9 =	sshrl.u32 @!p0 s20, $0x3  }
0x2b: {  	[hbm:s12], [sflag:s2] =	dma.local @!p0 [spmem:s9], $0xA0  }
0x2c: {  	s2 =	simm.s32 @!p0 $0x7  }
0x2d: {  	_ =	swait.ge @!p0 [sflag:s2], $0xA0  }
0x2e: {  	s23 =	rddreg [dreg:$0x12]  }
0x2f: {  	s28 =	rddreg [dreg:$0x10];
	s12 =	sadd.s32 $0x1, s23  }
0x30: {  	p1 =	sne.s32 s12, s28  }
.Ltmp1:
0x31: {  	_ = 	snop;
	(pc) =	sbr.rel @!p1 .LBB2_11-.Ltmp1, $3  }
0x32: {  	_ =	sdelay $0x1  }
0x33: {  	[sflag:s2] =	ssyncset.done @!p0 $0x0  }
0x34: {  	v0 =	vimm.f32 $0.0e+00;
	[sflag:s2] =	ssyncadd.s32 @!p0 $0xFFFFFF60  }
.LBB2_1:
0x35: {  	v6 =	vmov s18;
	v1 =	vld [tilespmem:$0x1FFC0]  }
0x36: {  	v6 =	vmul.u32 $0x50, v6;
	_ =	sdelay $0x1  }
0x37: {  	v7 =	vbroadcast v6, $0x0;
	_ =	sdelay $0x1  }
0x38: {  	v11 =	vadd.s32 v1, v7;
	v1 =	vld [tilespmem:$0x1FFD0];
	_ =	sdelay $0x3  }
0x39: {  	s9 =	simm.s32 $0x1;
	v10 =	vor.u32 v49, v7  }
0x3a: {  	v6 =	vmov s9;
	v8 =	vadd.s32 v1, v7;
	v1 =	vld [tilespmem:$0x1FFE0]  }
0x3b: {  	v6 =	vmul.u32 $0x50, v6;
	_ =	sdelay $0x1  }
0x3c: {  	v6 =	vbroadcast v6, $0x0  }
0x3d: {  	[tilespmem:v10+s24+$0x0] =	vst.idx.msk $0xffff, v0  }
0x3e: {  	[dreg:$0x12] =	wrdreg s12;
	s9 =	simm.s32 $0x2;
	v10 =	vadd.s32 v16, v7;
	v9 =	vadd.s32 v1, v7;
	v7 =	vor.u32 v49, v6  }
.LBB2_2:
0x3f: {  	v1 =	vld [tilespmem:$0x1FFC0];
	_ =	sdelay $0x4  }
0x40: {  	[tilespmem:v11+s24+$0x0] =	vst.idx.msk $0xffff, v0;
	v11 =	vadd.s32 v1, v6;
	v1 =	vld [tilespmem:$0x1FFD0];
	_ =	sdelay $0x4  }
0x41: {  	v12 =	vmov s9;
	p1 =	sne.s32 s9, $0xCF;
	[tilespmem:v8+s24+$0x0] =	vst.idx.msk $0xffff, v0;
	v8 =	vadd.s32 v1, v6;
	v1 =	vld [tilespmem:$0x1FFE0]  }
.Ltmp2:
0x42: {  	v12 =	vmul.u32 $0x50, v12;
	(pc) =	sbr.rel @p1 .LBB2_2-.Ltmp2, $4  }
0x43: {  	_ = 	snop  }
0x44: {  	[tilespmem:v9+s24+$0x0] =	vst.idx.msk $0xffff, v0;
	v12 =	vbroadcast v12, $0x0  }
0x45: {  	[tilespmem:v10+s24+$0x0] =	vst.idx.msk $0xffff, v0;
	v10 =	vadd.s32 v16, v6  }
0x46: {  	s9 =	sadd.s32 $0x1, s9;
	[tilespmem:v7+s24+$0x0] =	vst.idx.msk $0xffff, v0;
	v7 =	vor.u32 v49, v12;
	v9 =	vadd.s32 v1, v6;
	v6 =	vmov v12  }
0x47: {  	v1 =	vld [tilespmem:$0x1FFC0]  }
0x48: {  	v59 =	vld [tilespmem:$0x1FFD0]  }
0x49: {  	v61 =	vld [tilespmem:$0x1FFE0];
	_ =	sdelay $0x2  }
0x4a: {  	[tilespmem:v11+s24+$0x0] =	vst.idx.msk $0xffff, v0;
	v58 =	vadd.s32 v1, v6  }
0x4b: {  	[tilespmem:v8+s24+$0x0] =	vst.idx.msk $0xffff, v0;
	v60 =	vadd.s32 v59, v6  }
0x4c: {  	[tilespmem:v9+s24+$0x0] =	vst.idx.msk $0xffff, v0;
	v62 =	vadd.s32 v61, v6  }
0x4d: {  	v63 =	vadd.s32 v16, v6;
	[tilespmem:v10+s24+$0x0] =	vst.idx.msk $0xffff, v0  }
0x4e: {  	[tilespmem:v7+s24+$0x0] =	vst.idx.msk $0xffff, v0  }
0x4f: {  	[tilespmem:v58+s24+$0x0] =	vst.idx.msk $0xffff, v0  }
0x50: {  	[tilespmem:v60+s24+$0x0] =	vst.idx.msk $0xffff, v0  }
0x51: {  	[tilespmem:v62+s24+$0x0] =	vst.idx.msk $0xffff, v0  }
0x52: {  	[tilespmem:v63+s24+$0x0] =	vst.idx.msk $0xffff, v0  }
0x53: {  	[spmem:s19] =	stream.linear.scatter [tilespmem:s24], [sflag:$0x7], $0x4100, $0x38;
	[tilespmem:$0x1D690] =	vst v63  }
0x54: {  	_ =	swait.ge [sflag:s25], $0x4100  }
0x55: {  	[sflag:s25] =	ssyncset.done $0x0  }
0x56: {  	s2 =	rddreg [dreg:$0x5];
	[sflag:s25] =	ssyncadd.s32 $0xFFFFBF00  }
0x57: {  	[spmem:s2] =	stream.linear.scatter [tilespmem:s24], [sflag:$0x7], $0x4100, $0x38;
	[tilespmem:$0x1D690] =	vst v63  }
0x58: {  	_ =	swait.ge [sflag:s25], $0x4100  }
0x59: {  	[sflag:s25] =	ssyncset.done $0x0  }
0x5a: {  	s9 =	rddreg [dreg:$0x6];
	[sflag:s25] =	ssyncadd.s32 $0xFFFFBF00  }
0x5b: {  	[spmem:s9] =	stream.linear.scatter [tilespmem:s24], [sflag:$0x7], $0x4100, $0x38;
	[tilespmem:$0x1D690] =	vst v63  }
0x5c: {  	_ =	swait.ge [sflag:s25], $0x4100  }
0x5d: {  	[sflag:s25] =	ssyncset.done $0x0  }
0x5e: {  	s9 =	simm.s32 @!p0 $0xD240;
	[sflag:s25] =	ssyncadd.s32 $0xFFFFBF00  }
0x5f: {  	[spmem:s20] =	stream.linear.scatter @!p0 [tilespmem:s9], [sflag:$0x7], $0x500, $0x38;
	[tilespmem:$0x1D690] =	vst v63  }
0x60: {  	s9 =	simm.s32 @!p0 $0x7  }
0x61: {  	_ =	swait.ge @!p0 [sflag:s9], $0x500  }
0x62: {  	[sflag:s9] =	ssyncset.done @!p0 $0x0  }
0x63: {  	[sflag:s9] =	ssyncadd.s32 @!p0 $0xFFFFFB00  }
0x64: {  	[bflag:$0x0] =	sbarrier.arrive $0xFFFF  }
0x65: {  	s19 =	simm.s32 $0x0;
	s12 =	rddreg [dreg:$0x3]  }
0x66: {  	[tilespmem:s19], [sflag:$0x7] =	stream.linear.gather [hbm4b:s12+s19], $0x40, $0x38;
	[tilespmem:$0x1D690] =	vst v63  }
0x67: {  	_ =	swait.ge [sflag:s25], $0x40  }
0x68: {  	[sflag:s25] =	ssyncset.done $0x0  }
0x69: {  	[sflag:s25] =	ssyncadd.s32 $0xFFFFFFC0  }
0x6a: {  	v50 =	vld [tilespmem:$0x0]  }
0x6b: {  	v51 =	vld [tilespmem:$0x10]  }
0x6c: {  	s21 =	simm.s32 $0x40;
	s20 =	rddreg [dreg:$0x8];
	v52 =	vld [tilespmem:$0x20]  }
0x6d: {  	v53 =	vld [tilespmem:$0x30];
	[tilespmem:s21], [sflag:$0x7] =	stream.linear.gather [hbm4b:s20+s19], $0x80, $0x38  }
0x6e: {  	_ =	swait.ge [sflag:s25], $0x80  }
0x6f: {  	[sflag:s25] =	ssyncset.done $0x0  }
0x70: {  	s12 =	simm.s32 $0xC0;
	s22 =	rddreg [dreg:$0x9];
	[sflag:s25] =	ssyncadd.s32 $0xFFFFFF80  }
0x71: {  	[tilespmem:s12], [sflag:$0x7] =	stream.linear.gather [hbm4b:s22+s19], $0x80, $0x38;
	[tilespmem:$0x1D690] =	vst v63  }
0x72: {  	_ =	swait.ge [sflag:s25], $0x80  }
0x73: {  	[sflag:s25] =	ssyncset.done $0x0  }
0x74: {  	[sflag:s25] =	ssyncadd.s32 $0xFFFFFF80  }
0x75: {  	[tilespmem:s30], [sflag:$0x1] =	stream.indirect.gather [hbm4b:s3+s29], $0x40, s21, s29, $0xb8;
	[tilespmem:$0x1D690] =	vst v63  }
0x76: {  	_ = 	snop  }
0x77: {  	[tilespmem:s31], [sflag:$0x2] =	stream.indirect.gather [hbm4b:s4+s29], $0x40, s12, s29, $0xb8;
	[tilespmem:$0x1D690] =	vst v63  }
0x78: {  	s23 =	rddreg [dreg:$0xa]  }
0x79: {  	[tilespmem:s0], [sflag:$0x7] =	stream.linear.gather [hbm4b:s23+s19], $0x80, $0x38;
	[tilespmem:$0x1D690] =	vst v63  }
0x7a: {  	_ =	swait.ge [sflag:s25], $0x80  }
0x7b: {  	[sflag:s25] =	ssyncset.done $0x0  }
0x7c: {  	s28 =	rddreg [dreg:$0xb];
	[sflag:s25] =	ssyncadd.s32 $0xFFFFFF80  }
0x7d: {  	[tilespmem:s5], [sflag:$0x7] =	stream.linear.gather [hbm4b:s28+s19], $0x80, $0x38;
	[tilespmem:$0x1D690] =	vst v63  }
0x7e: {  	_ =	swait.ge [sflag:s25], $0x80  }
0x7f: {  	[tilespmem:$0x1FF80] =	vst v50  }
0x80: {  	[sflag:s25] =	ssyncset.done $0x0;
	[tilespmem:$0x1FF90] =	vst v51  }
0x81: {  	s20 =	rddreg [dreg:$0x11];
	[tilespmem:$0x1FFA0] =	vst v52;
	[sflag:s25] =	ssyncadd.s32 $0xFFFFFF80  }
0x82: {  	[tilespmem:s8], [sflag:$0x3] =	stream.indirect.gather [hbm4b:s3+s29], $0x40, s0, s29, $0xb8;
	[tilespmem:$0x1D690] =	vst v63  }
0x83: {  	s21 =	simm.s32 $0x0;
	s19 =	rddreg [dreg:$0xe];
	[tilespmem:$0x1FFB0] =	vst v53  }
0x84: {  	[tilespmem:s26], [sflag:$0x4] =	stream.indirect.gather [hbm4b:s4+s29], $0x40, s5, s29, $0xb8;
	[tilespmem:$0x1D690] =	vst v63  }
.LBB2_4:
0x85: {  	_ =	swait.ge [sflag:s10], $0x2000  }
0x86: {  	[sflag:s10] =	ssyncset.done $0x0  }
0x87: {  	s2 =	simm.s32 $0x0;
	[sflag:s10] =	ssyncadd.s32 $0xFFFFE000  }
0x88: {  	v18 =	vmov s2;
	_ =	swait.ge [sflag:s11], $0x2000  }
0x89: {  	s22 =	simm.s32 $0x1;
	v11 =	vshll.u32 v18, $0x6;
	v4 =	vld [tilespmem:$0x1FFE0]  }
0x8a: {  	p1 =	seq.s32 s21, $0x0;
	v54 =	vmov s22;
	v16 =	vor.u32 v49, v11;
	[sflag:s11] =	ssyncset.done $0x0  }
0x8b: {  	s9 =	simm.s32 @!p1 $0x5;
	v19 =	vshll.u32 v54, $0x6;
	[sflag:s11] =	ssyncadd.s32 $0xFFFFE000  }
0x8c: {  	v33 =	vor.u32 v49, v19;
	_ =	swait.ge @!p1 [sflag:s9], $0x2800  }
0x8d: {  	v3 =	vld [tilespmem:$0x1FFD0];
	[sflag:s9] =	ssyncset.done @!p1 $0x0  }
0x8e: {  	v2 =	vld [tilespmem:$0x1FFC0];
	[sflag:s9] =	ssyncadd.s32 @!p1 $0xFFFFD800;
	v12 =	vor.u32 v4, v11  }
0x8f: {  	s23 =	simm.s32 $0x2;
	v58 =	vld.idx.msk [tilespmem:v16+s30+$0x0], $0xffff  }
0x90: {  	v55 =	vmov s23;
	v63 =	vor.u32 v4, v19;
	v28 =	vld.idx.msk [tilespmem:v16+s31+$0x0], $0xffff  }
0x91: {  	v21 =	vshll.u32 v55, $0x6;
	v6 =	vld.idx.msk [tilespmem:v33+s30+$0x0], $0xffff  }
0x92: {  	v20 =	vor.u32 v4, v21;
	v33 =	vld.idx.msk [tilespmem:v33+s31+$0x0], $0xffff  }
0x93: {  	v57 =	vld.idx.msk [tilespmem:v12+s30+$0x0], $0xffff  }
0x94: {  	v14 =	vor.u32 v3, v11;
	v25 =	vld.idx.msk [tilespmem:v12+s31+$0x0], $0xffff  }
0x95: {  	v5 =	vld.idx.msk [tilespmem:v63+s30+$0x0], $0xffff  }
0x96: {  	v15 =	vor.u32 v2, v11;
	v29 =	vld.idx.msk [tilespmem:v63+s31+$0x0], $0xffff  }
0x97: {  	v1 =	vld.idx.msk [tilespmem:v20+s30+$0x0], $0xffff  }
0x98: {  	v23 =	vor.u32 v3, v19;
	v30 =	vld.idx.msk [tilespmem:v20+s31+$0x0], $0xffff  }
0x99: {  	v17 =	vld.idx.msk [tilespmem:v14+s30+$0x0], $0xffff  }
0x9a: {  	v24 =	vor.u32 v3, v21;
	v26 =	vld.idx.msk [tilespmem:v14+s31+$0x0], $0xffff  }
0x9b: {  	v0 =	vld.idx.msk [tilespmem:v15+s30+$0x0], $0xffff  }
0x9c: {  	v31 =	vor.u32 v2, v19;
	v28 =	vadd.f32 v28, v58;
	v27 =	vld.idx.msk [tilespmem:v15+s31+$0x0], $0xffff  }
0x9d: {  	v33 =	vadd.f32 v33, v6;
	v59 =	vld.idx.msk [tilespmem:v23+s30+$0x0], $0xffff  }
0x9e: {  	v40 =	vmax.f32 v28, $0.0e+00;
	v28 =	vmin.f32 v28, $0.0e+00;
	v32 =	vld.idx.msk [tilespmem:v23+s31+$0x0], $0xffff  }
0x9f: {  	v47 =	vmax.f32 v33, $0.0e+00;
	v33 =	vmin.f32 v33, $0.0e+00;
	v23 =	vor.u32 v2, v21;
	v20 =	vld.idx.msk [tilespmem:v24+s30+$0x0], $0xffff  }
0xa0: {  	v34 =	vld.idx.msk [tilespmem:v24+s31+$0x0], $0xffff;
	v28 =	vmul.f32 $2.000000030e-01, v28;
	v33 =	vmul.f32 $2.000000030e-01, v33;
	v25 =	vadd.f32 v25, v57  }
0xa1: {  	v22 =	vld.idx.msk [tilespmem:v31+s30+$0x0], $0xffff;
	v29 =	vadd.f32 v29, v5;
	v30 =	vadd.f32 v30, v1  }
0xa2: {  	v35 =	vor.u32 v49, v21;
	v31 =	vld.idx.msk [tilespmem:v31+s31+$0x0], $0xffff;
	v28 =	vadd.f32 v28, v40;
	v33 =	vadd.f32 v33, v47  }
0xa3: {  	v37 =	vmax.f32 v25, $0.0e+00;
	v25 =	vmin.f32 v25, $0.0e+00;
	v41 =	vmax.f32 v29, $0.0e+00  }
0xa4: {  	v42 =	vmax.f32 v30, $0.0e+00;
	v29 =	vmin.f32 v29, $0.0e+00;
	v30 =	vmin.f32 v30, $0.0e+00  }
0xa5: {  	v47 =	vshrl.u32 v33, $0x10;
	v21 =	vld.idx.msk [tilespmem:v23+s30+$0x0], $0xffff;
	v26 =	vadd.f32 v26, v17;
	v27 =	vadd.f32 v27, v0  }
0xa6: {  	v36 =	vld.idx.msk [tilespmem:v23+s31+$0x0], $0xffff;
	v32 =	vadd.f32 v32, v59;
	v34 =	vadd.f32 v34, v20;
	v25 =	vmul.f32 $2.000000030e-01, v25  }
0xa7: {  	v23 =	vld.idx.msk [tilespmem:v35+s30+$0x0], $0xffff;
	v31 =	vadd.f32 v31, v22;
	v29 =	vmul.f32 $2.000000030e-01, v29;
	v30 =	vmul.f32 $2.000000030e-01, v30  }
0xa8: {  	v35 =	vld.idx.msk [tilespmem:v35+s31+$0x0], $0xffff;
	[tilespmem:$0x1FF50] =	vst v5;
	v5 =	vshrl.u32 v28, $0x10;
	v56 =	vand.u32 $0x1, v47;
	v38 =	vmax.f32 v27, $0.0e+00  }
0xa9: {  	v39 =	vmax.f32 v26, $0.0e+00;
	v27 =	vmin.f32 v27, $0.0e+00;
	v26 =	vmin.f32 v26, $0.0e+00  }
0xaa: {  	v43 =	vmax.f32 v32, $0.0e+00;
	v44 =	vmax.f32 v34, $0.0e+00;
	v45 =	vmax.f32 v31, $0.0e+00  }
0xab: {  	v32 =	vmin.f32 v32, $0.0e+00;
	v34 =	vmin.f32 v34, $0.0e+00;
	v31 =	vmin.f32 v31, $0.0e+00  }
0xac: {  	v25 =	vadd.f32 v25, v37;
	v29 =	vadd.f32 v29, v41;
	v26 =	vmul.f32 $2.000000030e-01, v26  }
0xad: {  	v30 =	vadd.f32 v30, v42;
	v27 =	vmul.f32 $2.000000030e-01, v27;
	v32 =	vmul.f32 $2.000000030e-01, v32  }
0xae: {  	v37 =	vand.u32 $0x1, v5;
	v34 =	vmul.f32 $2.000000030e-01, v34;
	v31 =	vmul.f32 $2.000000030e-01, v31  }
0xaf: {  	[tilespmem:$0x1FF60] =	vst v1;
	v28 =	vadd.s32 v37, v28;
	v1 =	vshrl.u32 v25, $0x10;
	v36 =	vadd.f32 v36, v21  }
0xb0: {  	v41 =	vshrl.u32 v29, $0x10;
	v35 =	vadd.f32 v35, v23;
	v26 =	vadd.f32 v26, v39  }
0xb1: {  	v42 =	vshrl.u32 v30, $0x10;
	v27 =	vadd.f32 v27, v38;
	v32 =	vadd.f32 v32, v43  }
0xb2: {  	v34 =	vadd.f32 v34, v44;
	v31 =	vadd.f32 v31, v45;
	v38 =	vand.u32 $0x1, v1  }
0xb3: {  	v9 =	vand.u32 $0x1, v41;
	v10 =	vand.u32 $0x1, v42;
	v25 =	vadd.s32 v38, v25  }
0xb4: {  	v29 =	vadd.s32 v9, v29;
	v41 =	vadd.s32 v10, v30;
	v38 =	vadd.s32 $0x7FFF, v28  }
0xb5: {  	v46 =	vmax.f32 v36, $0.0e+00;
	v36 =	vmin.f32 v36, $0.0e+00;
	v48 =	vmin.f32 v35, $0.0e+00  }
0xb6: {  	[tilespmem:$0x1FF70] =	vst v6;
	v35 =	vmax.f32 v35, $0.0e+00;
	v6 =	vshrl.u32 v27, $0x10;
	v7 =	vshrl.u32 v26, $0x10  }
0xb7: {  	v43 =	vshrl.u32 v32, $0x10;
	v44 =	vshrl.u32 v34, $0x10;
	v45 =	vshrl.u32 v31, $0x10  }
0xb8: {  	v25 =	vadd.s32 $0x7FFF, v25;
	v37 =	vadd.s32 $0x7FFF, v29;
	v41 =	vadd.s32 $0x7FFF, v41  }
0xb9: {  	[tilespmem:$0x1FF40] =	vst v0;
	v36 =	vmul.f32 $2.000000030e-01, v36;
	v0 =	vmul.f32 $2.000000030e-01, v48;
	v40 =	vand.u32 $0x1, v7  }
0xba: {  	v39 =	vand.u32 $0x1, v6;
	v11 =	vand.u32 $0x1, v43;
	v12 =	vand.u32 $0x1, v44  }
0xbb: {  	v13 =	vand.u32 $0x1, v45;
	v26 =	vadd.s32 v40, v26;
	v27 =	vadd.s32 v39, v27  }
0xbc: {  	s28 =	simm.s32 $0x3;
	v32 =	vadd.s32 v11, v32;
	v34 =	vadd.s32 v12, v34;
	v31 =	vadd.s32 v13, v31  }
0xbd: {  	v39 =	vadd.s32 v56, v33;
	v61 =	vadd.s32 $0x7FFF, v26;
	v26 =	vmov s28  }
0xbe: {  	v36 =	vadd.f32 v36, v46;
	v35 =	vadd.f32 v0, v35;
	v63 =	vshll.u32 v26, $0x6  }
0xbf: {  	v62 =	vadd.s32 $0x7FFF, v27;
	v42 =	vadd.s32 $0x7FFF, v32;
	v27 =	vor.u32 v4, v63  }
0xc0: {  	v34 =	vadd.s32 $0x7FFF, v34;
	v33 =	vadd.s32 $0x7FFF, v31;
	v28 =	vand.u32 $0xFFFF0000, v61  }
0xc1: {  	v46 =	vshrl.u32 v36, $0x10;
	v8 =	vshrl.u32 v35, $0x10;
	v30 =	vor.u32 v3, v63  }
0xc2: {  	v29 =	vor.u32 v49, v63;
	v14 =	vand.u32 $0x1, v46;
	v60 =	vand.u32 $0x1, v8  }
0xc3: {  	v32 =	vor.u32 v2, v63;
	v43 =	vadd.s32 v14, v36;
	v40 =	vadd.s32 v60, v35  }
0xc4: {  	s12 =	simm.s32 $0x0;
	s22 =	simm.s32 $0x4;
	s9 =	sshll.u32 s21, $0x8;
	v36 =	vand.u32 $0xFFFF0000, v25;
	v35 =	vand.u32 $0xFFFF0000, v62;
	v31 =	vadd.s32 $0x7FFF, v43;
	v25 =	vld.idx.msk [tilespmem:v27+s30+$0x0], $0xffff  }
.LBB2_5:
0xc5: {  	_ = 	snop  }
0xc6: {  	v38 =	vand.u32 $0xFFFF0000, v38;
	v39 =	vadd.s32 $0x7FFF, v39;
	v40 =	vadd.s32 $0x7FFF, v40;
	v43 =	vld.idx.msk [tilespmem:v27+s31+$0x0], $0xffff  }
0xc7: {  	v37 =	vand.u32 $0xFFFF0000, v37;
	v41 =	vand.u32 $0xFFFF0000, v41;
	v27 =	vld.idx.msk [tilespmem:v30+s30+$0x0], $0xffff;
	v42 =	vand.u32 $0xFFFF0000, v42  }
0xc8: {  	v34 =	vand.u32 $0xFFFF0000, v34;
	v33 =	vand.u32 $0xFFFF0000, v33;
	v30 =	vld.idx.msk [tilespmem:v30+s31+$0x0], $0xffff;
	v36 =	vmul.f32 v36, v53  }
0xc9: {  	v45 =	vld.idx.msk [tilespmem:v29+s31+$0x0], $0xffff;
	v39 =	vand.u32 $0xFFFF0000, v39;
	v38 =	vmul.f32 v38, v50;
	v44 =	vmul.f32 v28, v52  }
0xca: {  	v40 =	vand.u32 $0xFFFF0000, v40;
	v28 =	vld.idx.msk [tilespmem:v29+s30+$0x0], $0xffff;
	v35 =	vmul.f32 v35, v51;
	v39 =	vmul.f32 v39, v50  }
0xcb: {  	v31 =	vand.u32 $0xFFFF0000, v31;
	v63 =	vld.idx.msk [tilespmem:v32+s31+$0x0], $0xffff;
	v40 =	vmul.f32 v40, v50;
	v33 =	vmul.f32 v33, v51  }
0xcc: {  	v29 =	vld.idx.msk [tilespmem:v32+s30+$0x0], $0xffff;
	v37 =	vmul.f32 v37, v53;
	v31 =	vmul.f32 v31, v51;
	v38 =	vadd.f32 $0.0e+00, v38  }
0xcd: {  	v2 =	vmul.f32 v42, v52;
	v6 =	vadd.f32 v43, v25;
	v30 =	vadd.f32 v30, v27  }
0xce: {  	v3 =	vmul.f32 v41, v53;
	v0 =	vadd.f32 $0.0e+00, v39;
	v35 =	vadd.f32 v35, v38  }
0xcf: {  	v34 =	vmul.f32 v34, v52;
	v1 =	vadd.f32 $0.0e+00, v40;
	v4 =	vadd.f32 v45, v28  }
0xd0: {  	v9 =	vmax.f32 v6, $0.0e+00;
	v11 =	vmin.f32 v30, $0.0e+00;
	v35 =	vadd.f32 v44, v35  }
0xd1: {  	v30 =	vmax.f32 v30, $0.0e+00;
	v32 =	vadd.f32 v63, v29;
	v5 =	vmin.f32 v4, $0.0e+00  }
0xd2: {  	v33 =	vadd.f32 v33, v0;
	v35 =	vadd.f32 v36, v35;
	v36 =	vmul.f32 $2.000000030e-01, v5  }
0xd3: {  	v31 =	vadd.f32 v31, v1;
	v7 =	vmax.f32 v4, $0.0e+00;
	v8 =	vmin.f32 v32, $0.0e+00  }
0xd4: {  	v38 =	vmin.f32 v6, $0.0e+00;
	v10 =	vmul.f32 $2.000000030e-01, v8;
	v36 =	vadd.f32 v36, v7  }
0xd5: {  	v13 =	vmul.f32 $2.000000030e-01, v11;
	v38 =	vmul.f32 $2.000000030e-01, v38;
	v32 =	vmax.f32 v32, $0.0e+00  }
0xd6: {  	v33 =	vadd.f32 v2, v33;
	v32 =	vadd.f32 v10, v32;
	v12 =	vshrl.u32 v36, $0x10  }
0xd7: {  	v30 =	vadd.f32 v13, v30;
	v38 =	vadd.f32 v38, v9;
	v14 =	vand.u32 $0x1, v12  }
0xd8: {  	v33 =	vadd.f32 v37, v33;
	v44 =	vshrl.u32 v32, $0x10;
	v36 =	vadd.s32 v14, v36  }
0xd9: {  	v47 =	vshrl.u32 v30, $0x10;
	v45 =	vand.u32 $0x1, v44;
	v36 =	vadd.s32 $0x7FFF, v36  }
0xda: {  	v46 =	vshrl.u32 v38, $0x10;
	v32 =	vadd.s32 v45, v32;
	v36 =	vand.u32 $0xFFFF0000, v36  }
0xdb: {  	v37 =	vand.u32 $0x1, v47;
	v32 =	vadd.s32 $0x7FFF, v32;
	v36 =	vmul.f32 v36, v50  }
0xdc: {  	v30 =	vadd.s32 v37, v30;
	v48 =	vand.u32 $0x1, v46;
	v32 =	vand.u32 $0xFFFF0000, v32  }
0xdd: {  	v2 =	vld [tilespmem:$0x1FFE0];
	v30 =	vadd.s32 $0x7FFF, v30;
	v32 =	vmul.f32 v32, v51;
	v50 =	vadd.f32 $0.0e+00, v36  }
0xde: {  	v31 =	vadd.f32 v34, v31;
	v30 =	vand.u32 $0xFFFF0000, v30;
	v51 =	vadd.s32 v48, v38  }
0xdf: {  	v30 =	vmul.f32 v30, v52;
	v34 =	vadd.s32 $0x7FFF, v51;
	v32 =	vadd.f32 v32, v50  }
0xe0: {  	v56 =	vmov s22;
	v31 =	vadd.f32 v3, v31;
	(xrf2) =	vadd.scan.msk.f32 $0xffff, v35;
	v52 =	vand.u32 $0xFFFF0000, v34  }
0xe1: {  	v62 =	vshll.u32 v56, $0x6;
	(xrf2) =	vadd.scan.msk.f32 $0xffff, v33;
	v61 =	vmul.f32 v52, v53;
	v30 =	vadd.f32 v30, v32  }
0xe2: {  	v3 =	vld [tilespmem:$0x1FFD0];
	(xrf2) =	vadd.scan.msk.f32 $0xffff, v31;
	v31 =	vor.u32 v2, v62  }
0xe3: {  	v0 =	vadd.f32 v61, v30;
	_ =	sdelay $0x1  }
0xe4: {  	v33 =	vor.u32 v49, v62;
	(xrf2) =	vadd.scan.msk.f32 $0xffff, v0  }
0xe5: {  	s23 =	sadd.s32 $0x2, s22  }
0xe6: {  	s28 =	sadd.s32 $0x1, s22;
	v10 =	vmov s23;
	v63 =	vor.u32 v3, v62;
	v35 =	vld.idx.msk [tilespmem:v31+s30+$0x0], $0xffff  }
0xe7: {  	v44 =	vshll.u32 v10, $0x6;
	v39 =	vld.idx.msk [tilespmem:v31+s31+$0x0], $0xffff;
	v31 =	vmov s28  }
0xe8: {  	v4 =	vld [tilespmem:$0x1FFC0];
	v47 =	vor.u32 v2, v44;
	v41 =	vshll.u32 v31, $0x6  }
0xe9: {  	v37 =	vld.idx.msk [tilespmem:v33+s30+$0x0], $0xffff;
	v9 =	vor.u32 v2, v41  }
0xea: {  	v48 =	vld.idx.msk [tilespmem:v33+s31+$0x0], $0xffff  }
0xeb: {  	v42 =	vld.idx.msk [tilespmem:v63+s31+$0x0], $0xffff;
	v30, _, _ =	vpop (xrf2)  }
0xec: {  	v36 =	vld.idx.msk [tilespmem:v63+s30+$0x0], $0xffff;
	v1, _, _ =	vpop (xrf2);
	v30 =	vmul.f32 $1.442695020e+00, v30  }
0xed: {  	v6 =	vor.u32 v3, v44;
	v45 =	vld.idx.msk [tilespmem:v47+s30+$0x0], $0xffff;
	v11, _, _ =	vpop (xrf2);
	v5 =	vmul.f32 $1.442695020e+00, v1  }
0xee: {  	v7 =	vlaneseq.u32;
	v60 =	vor.u32 v3, v41;
	v40 =	vld.idx.msk [tilespmem:v9+s30+$0x0], $0xffff;
	v30 =	vbroadcast v30, $0xF;
	v13, _, _ =	vpop (xrf2)  }
0xef: {  	v63 =	vmovc v31;
	v53 =	vld.idx.msk [tilespmem:v9+s31+$0x0], $0xffff;
	v0 =	vor.u32 v4, v62;
	v31 =	vbroadcast v5, $0xF;
	v62 =	vmul.f32 $1.442695020e+00, v13  }
0xf0: {  	v9 =	vld.idx.msk [tilespmem:v47+s31+$0x0], $0xffff;
	v47 =	vor.u32 v7, v41;
	(erf) = vpow2.f32 v30  }
0xf1: {  	v15 =	vld [tilespmem:$0x1FFF0];
	v51 =	vmul.u32 $0x50, v54;
	(erf) = vpow2.f32 v31;
	v52 =	vbroadcast v62, $0xF  }
0xf2: {  	v55 =	vmul.u32 $0x50, v55;
	v26 =	vmul.u32 $0x50, v26;
	v54 =	vld.idx.msk [tilespmem:v6+s31+$0x0], $0xffff;
	v8 =	vmul.f32 $1.442695020e+00, v11  }
0xf3: {  	[tilespmem:$0x1FF10] =	vst v63;
	v16 =	vadd.s32 v4, v51;
	v19 =	vor.u32 v3, v51;
	v49 =	vld.idx.msk [tilespmem:v60+s31+$0x0], $0xffff;
	(erf) = vpow2.f32 v52  }
0xf4: {  	v63 =	vadd.s32 v3, v55;
	v39 =	vadd.f32 v39, v35;
	v1 =	vmovc v56;
	v56 =	vld.idx.msk [tilespmem:v60+s30+$0x0], $0xffff;
	v11 =	vbroadcast v8, $0xF  }
0xf5: {  	v48 =	vadd.f32 v48, v37;
	v41 =	vor.u32 v4, v41;
	v61 =	vmul.u32 $0x50, v18;
	v24 =	vld.idx.msk [tilespmem:v47+s30+$0x0], $0xffff  }
0xf6: {  	v33 =	vmovc v10;
	v42 =	vadd.f32 v42, v36;
	v18 =	vor.u32 v7, v51;
	v47 =	vld.idx.msk [tilespmem:v47+s31+$0x0], $0xffff;
	(erf) = vpow2.f32 v11  }
0xf7: {  	v10 =	vor.u32 v7, v61;
	v34 =	vor.u32 v4, v61;
	[tilespmem:$0x1FF00] =	vst v1;
	v1 =	vld [tilespmem:$0x1FF70];
	v13 =	vor.u32 v4, v44  }
0xf8: {  	s2 =	sadd.s32 s12, s19;
	v32 =	vor.u32 v3, v61;
	v12 =	vadd.s32 v15, v61;
	[tilespmem:$0x1FF20] =	vst v10;
	v38 =	vld.idx.msk [tilespmem:v0+s30+$0x0], $0xffff  }
0xf9: {  	p3 =	slt.u32 s2, $0x50910;
	s28 =	simm.f32 $1.000000000e+00;
	[tilespmem:$0x1FF30] =	vst v12;
	v10 =	vadd.s32 v4, v26;
	v12 =	vadd.s32 v3, v26;
	v46 =	vld.idx.msk [tilespmem:v0+s31+$0x0], $0xffff;
	v14 =	vpop (erf)  }
0xfa: {  	s28 =	simm.s32 @!p3 $0x0;
	v60 =	vadd.s32 v2, v51;
	v51 =	vadd.s32 v15, v51;
	v53 =	vadd.f32 v53, v40;
	v52 =	vld.idx.msk [tilespmem:v6+s30+$0x0], $0xffff;
	v6 =	vpop (erf)  }
0xfb: {  	v43 =	vadd.f32 v9, v45;
	v5 =	vld.idx.msk [tilespmem:v41+s30+$0x0], $0xffff;
	v31 =	vor.u32 v2, v61;
	v6 =	vmul.f32 s28, v6  }
0xfc: {  	v61 =	vor.u32 v7, v55;
	v44 =	vor.u32 v7, v44;
	v7 =	vor.u32 v7, v26;
	v9 =	vld.idx.msk [tilespmem:v13+s30+$0x0], $0xffff;
	v8 =	vpop (erf)  }
0xfd: {  	v30 =	vadd.s32 v2, v55;
	v50 =	vld.idx.msk [tilespmem:v13+s31+$0x0], $0xffff;
	v13 =	vmul.f32 v6, v1;
	v8 =	vmul.f32 s28, v8  }
0xfe: {  	v41 =	vld.idx.msk [tilespmem:v41+s31+$0x0], $0xffff;
	v49 =	vadd.f32 v49, v56;
	v46 =	vadd.f32 v46, v38;
	v1 =	vmul.f32 v6, v22  }
0xff: {  	v62 =	vor.u32 v4, v55;
	v0 =	vmul.f32 s28, v14;
	[tilespmem:v18+s13+$0x0] =	vst.idx.msk $0xffff, v13;
	v11 =	vpop (erf);
	v28 =	vmul.f32 v8, v28  }
0x100: {  	v55 =	vadd.s32 v15, v55;
	[tilespmem:v16+s13+$0x0] =	vst.idx.msk $0xffff, v1;
	v11 =	vmul.f32 s28, v11;
	v29 =	vmul.f32 v8, v29  }
0x101: {  	v14 =	vadd.s32 v2, v26;
	v26 =	vadd.s32 v15, v26;
	v15 =	vld.idx.msk [tilespmem:v44+s30+$0x0], $0xffff;
	[tilespmem:v7+s13+$0x0] =	vst.idx.msk $0xffff, v28  }
0x102: {  	v22 =	vmul.f32 v6, v59;
	v59 =	vmov v38;
	v23 =	vmul.f32 v11, v23;
	[tilespmem:v10+s13+$0x0] =	vst.idx.msk $0xffff, v29  }
0x103: {  	v54 =	vadd.f32 v54, v52;
	v7 =	vmul.f32 v8, v27;
	v10 =	vmul.f32 v0, v58;
	v58 =	vld [tilespmem:$0x1FF40];
	[tilespmem:$0x1FF40] =	vst v59  }
0x104: {  	v1 =	vmin.f32 v46, $0.0e+00;
	v27 =	vld.idx.msk [tilespmem:v44+s31+$0x0], $0xffff;
	v29 =	vmul.f32 v8, v25;
	[tilespmem:v61+s13+$0x0] =	vst.idx.msk $0xffff, v23  }
0x105: {  	v38 =	vmax.f32 v46, $0.0e+00;
	v1 =	vmul.f32 $2.000000030e-01, v1;
	v25 =	vmul.f32 v11, v21;
	[tilespmem:v12+s13+$0x0] =	vst.idx.msk $0xffff, v7  }
0x106: {  	v13 =	vadd.f32 v41, v5;
	v41 =	vmax.f32 v54, $0.0e+00;
	v46 =	vmin.f32 v54, $0.0e+00;
	v28 =	vld [tilespmem:$0x1FF50];
	[tilespmem:v14+s13+$0x0] =	vst.idx.msk $0xffff, v29  }
0x107: {  	v1 =	vadd.f32 v1, v38;
	v59 =	vmovc v56;
	v56 =	vmin.f32 v42, $0.0e+00;
	v61 =	vmin.f32 v53, $0.0e+00;
	[tilespmem:v62+s13+$0x0] =	vst.idx.msk $0xffff, v25  }
0x108: {  	v16 =	vld [tilespmem:$0x1FF20];
	v7 =	vmul.f32 v11, v20;
	v29 =	vadd.f32 v50, v9;
	v25 =	vmul.f32 $2.000000030e-01, v56;
	[tilespmem:v26+s13+$0x0] =	vst.idx.msk $0xffff, v8  }
0x109: {  	v12 =	vmovc v40;
	v40 =	vld [tilespmem:$0x1FF60];
	v8 =	vmul.f32 v0, v17;
	v26 =	vmul.f32 v0, v57;
	v57 =	vmovc v35;
	v35 =	vmax.f32 v39, $0.0e+00  }
0x10a: {  	v17 =	vmovc v36;
	v36 =	vadd.f32 v47, v24;
	v39 =	vmin.f32 v39, $0.0e+00;
	[tilespmem:v63+s13+$0x0] =	vst.idx.msk $0xffff, v7;
	v7 =	vmax.f32 v13, $0.0e+00  }
0x10b: {  	v63 =	vmin.f32 v49, $0.0e+00;
	v47 =	vmin.f32 v13, $0.0e+00;
	v28 =	vmul.f32 v6, v28  }
0x10c: {  	v21 =	vmovc v9;
	v23 =	vmovc v15;
	v27 =	vadd.f32 v27, v15;
	v9 =	vmul.f32 $2.000000030e-01, v39;
	v15 =	vmax.f32 v49, $0.0e+00  }
0x10d: {  	[tilespmem:v19+s13+$0x0] =	vst.idx.msk $0xffff, v22;
	v44 =	vmovc v45;
	v49 =	vlaneseq.u32;
	v45 =	vmax.f32 v29, $0.0e+00;
	v14 =	vmul.f32 v0, v58  }
0x10e: {  	[tilespmem:$0x1FF50] =	vst v12;
	v56 =	vmin.f32 v36, $0.0e+00;
	v12 =	vmul.f32 v11, v40;
	v40 =	vmax.f32 v42, $0.0e+00  }
0x10f: {  	[tilespmem:v60+s13+$0x0] =	vst.idx.msk $0xffff, v28;
	v28 =	vmax.f32 v48, $0.0e+00;
	v60 =	vmin.f32 v48, $0.0e+00;
	v42 =	vmax.f32 v43, $0.0e+00  }
0x110: {  	[tilespmem:v16+s13+$0x0] =	vst.idx.msk $0xffff, v10;
	v16 =	vld [tilespmem:$0x1FF30];
	v43 =	vmin.f32 v43, $0.0e+00;
	v48 =	vmin.f32 v29, $0.0e+00;
	v29 =	vmul.f32 $2.000000030e-01, v61  }
0x111: {  	[tilespmem:$0x1FF60] =	vst v44;
	v61 =	vmul.f32 $2.000000030e-01, v63;
	v62 =	vmin.f32 v27, $0.0e+00;
	v63 =	vmul.f32 $2.000000030e-01, v46  }
0x112: {  	v9 =	vadd.f32 v9, v35;
	v46 =	vmax.f32 v27, $0.0e+00;
	[tilespmem:v51+s13+$0x0] =	vst.idx.msk $0xffff, v6;
	v6 =	vmax.f32 v53, $0.0e+00  }
0x113: {  	v22 =	vmovc v5;
	v5 =	vmul.f32 $2.000000030e-01, v60;
	v60 =	vmul.f32 $2.000000030e-01, v43;
	[tilespmem:v34+s13+$0x0] =	vst.idx.msk $0xffff, v14;
	v40 =	vadd.f32 v25, v40  }
0x114: {  	v13 =	vmul.f32 $2.000000030e-01, v48;
	v43 =	vmul.f32 $2.000000030e-01, v56;
	[tilespmem:v30+s13+$0x0] =	vst.idx.msk $0xffff, v12;
	v12 =	vmax.f32 v36, $0.0e+00  }
0x115: {  	[tilespmem:v32+s13+$0x0] =	vst.idx.msk $0xffff, v8;
	v6 =	vadd.f32 v29, v6;
	v14 =	vadd.f32 v61, v15;
	v15 =	vmul.f32 $2.000000030e-01, v62  }
0x116: {  	v25 =	vadd.f32 v63, v41;
	[tilespmem:v55+s13+$0x0] =	vst.idx.msk $0xffff, v11;
	v11 =	vmul.f32 $2.000000030e-01, v47;
	v5 =	vadd.f32 v5, v28  }
0x117: {  	[tilespmem:v31+s13+$0x0] =	vst.idx.msk $0xffff, v26;
	v44 =	vadd.f32 v60, v42;
	v13 =	vadd.f32 v13, v45;
	v26 =	vshrl.u32 v9, $0x10  }
0x118: {  	v27 =	vshrl.u32 v40, $0x10;
	[tilespmem:v16+s13+$0x0] =	vst.idx.msk $0xffff, v0;
	v0 =	vadd.f32 v43, v12;
	v26 =	vand.u32 $0x1, v26  }
0x119: {  	v28 =	vshrl.u32 v6, $0x10;
	v27 =	vand.u32 $0x1, v27;
	v30 =	vshrl.u32 v14, $0x10  }
0x11a: {  	v31 =	vshrl.u32 v25, $0x10;
	v7 =	vadd.f32 v11, v7;
	v11 =	vadd.f32 v15, v46  }
0x11b: {  	v47 =	vshrl.u32 v5, $0x10;
	v15 =	vshrl.u32 v1, $0x10;
	v29 =	vshrl.u32 v44, $0x10  }
0x11c: {  	v56 =	vshrl.u32 v13, $0x10;
	v9 =	vadd.s32 v26, v9;
	v26 =	vand.u32 $0x1, v28  }
0x11d: {  	v8 =	vadd.s32 v27, v40;
	v27 =	vand.u32 $0x1, v30;
	v15 =	vand.u32 $0x1, v15  }
0x11e: {  	v12 =	vand.u32 $0x1, v47;
	v60 =	vshrl.u32 v0, $0x10;
	v28 =	vand.u32 $0x1, v29  }
0x11f: {  	v29 =	vand.u32 $0x1, v31;
	v30 =	vand.u32 $0x1, v56;
	v9 =	vadd.s32 $0x7FFF, v9  }
0x120: {  	s23 =	sadd.s32 $0x3, s22;
	v6 =	vadd.s32 v26, v6;
	v8 =	vadd.s32 $0x7FFF, v8;
	v14 =	vadd.s32 v27, v14  }
0x121: {  	v26 =	vmov s23;
	v48 =	vshrl.u32 v7, $0x10;
	v61 =	vshrl.u32 v11, $0x10  }
0x122: {  	v1 =	vadd.s32 v15, v1;
	v5 =	vadd.s32 v12, v5;
	v62 =	vand.u32 $0x1, v60  }
0x123: {  	v10 =	vadd.s32 v28, v44;
	v25 =	vadd.s32 v29, v25;
	v63 =	vshll.u32 v26, $0x6  }
0x124: {  	v18 =	vld [tilespmem:$0x1FF00];
	v58 =	vmovc v37;
	v13 =	vadd.s32 v30, v13;
	v36 =	vand.u32 $0xFFFF0000, v9;
	v37 =	vadd.s32 $0x7FFF, v6  }
0x125: {  	p2 =	slt.u32 s22, $0x7C;
	v54 =	vld [tilespmem:$0x1FF10];
	v28 =	vand.u32 $0xFFFF0000, v8;
	v42 =	vadd.s32 $0x7FFF, v14;
	v27 =	vor.u32 v2, v63  }
.Ltmp3:
0x126: {  	v20 =	vmovc v52;
	v52 =	vld [tilespmem:$0x1FFA0];
	v15 =	vand.u32 $0x1, v48;
	v31 =	vand.u32 $0x1, v61;
	v1 =	vadd.s32 $0x7FFF, v1;
	(pc) =	sbr.rel @p2 .LBB2_5-.Ltmp3, $4  }
0x127: {  	v50 =	vld [tilespmem:$0x1FF80];
	v38 =	vadd.s32 $0x7FFF, v5;
	v39 =	vadd.s32 v62, v0;
	v30 =	vor.u32 v3, v63  }
0x128: {  	v51 =	vld [tilespmem:$0x1FF90];
	v41 =	vadd.s32 $0x7FFF, v10;
	v29 =	vor.u32 v49, v63;
	v34 =	vadd.s32 $0x7FFF, v25  }
0x129: {  	v53 =	vld [tilespmem:$0x1FFB0];
	v32 =	vor.u32 v4, v63;
	v7 =	vadd.s32 v15, v7;
	v40 =	vadd.s32 v31, v11  }
0x12a: {  	s12 =	smov.u32 s22;
	s22 =	sadd.s32 $0x4, s22;
	[tilespmem:$0x1FF70] =	vst v24;
	v55 =	vmovc v33;
	v35 =	vand.u32 $0xFFFF0000, v1;
	v31 =	vadd.s32 $0x7FFF, v13;
	v33 =	vadd.s32 $0x7FFF, v7;
	v25 =	vld.idx.msk [tilespmem:v27+s30+$0x0], $0xffff  }
0x12b: {  	_ =	sdelay $0x3  }
0x12c: {  	v6 =	vld.idx.msk [tilespmem:v27+s31+$0x0], $0xffff  }
0x12d: {  	v9 =	vld.idx.msk [tilespmem:v30+s30+$0x0], $0xffff  }
0x12e: {  	v0 =	vand.u32 $0xFFFF0000, v38;
	v1 =	vadd.s32 $0x7FFF, v39;
	v5 =	vadd.s32 $0x7FFF, v40;
	v13 =	vld.idx.msk [tilespmem:v29+s30+$0x0], $0xffff  }
0x12f: {  	v8 =	vand.u32 $0xFFFF0000, v37;
	v10 =	vand.u32 $0xFFFF0000, v41;
	v11 =	vmul.f32 v28, v52;
	v15 =	vld.idx.msk [tilespmem:v29+s31+$0x0], $0xffff  }
0x130: {  	v12 =	vand.u32 $0xFFFF0000, v42;
	v27 =	vand.u32 $0xFFFF0000, v34;
	v28 =	vld.idx.msk [tilespmem:v32+s30+$0x0], $0xffff;
	v29 =	vand.u32 $0xFFFF0000, v33  }
0x131: {  	v48 =	vld.idx.msk [tilespmem:v32+s31+$0x0], $0xffff;
	v0 =	vmul.f32 v0, v50;
	v1 =	vand.u32 $0xFFFF0000, v1;
	v5 =	vand.u32 $0xFFFF0000, v5  }
0x132: {  	v56 =	vand.u32 $0xFFFF0000, v31;
	v30 =	vld.idx.msk [tilespmem:v30+s31+$0x0], $0xffff;
	v1 =	vmul.f32 v1, v50;
	v5 =	vmul.f32 v5, v50  }
0x133: {  	v12 =	vmul.f32 v12, v52;
	v14 =	vmul.f32 v35, v51;
	v0 =	vadd.f32 $0.0e+00, v0  }
0x134: {  	v27 =	vmul.f32 v27, v52;
	v1 =	vadd.f32 $0.0e+00, v1;
	v5 =	vadd.f32 $0.0e+00, v5  }
0x135: {  	v29 =	vmul.f32 v29, v51;
	v0 =	vadd.f32 v14, v0;
	v60 =	vadd.f32 v15, v13  }
0x136: {  	v14 =	vmul.f32 v56, v51;
	v62 =	vadd.f32 v48, v28;
	v6 =	vadd.f32 v6, v25  }
0x137: {  	v7 =	vmul.f32 v36, v53;
	v2 =	vadd.f32 v30, v9;
	v1 =	vadd.f32 v29, v1  }
0x138: {  	v0 =	vadd.f32 v11, v0;
	v5 =	vadd.f32 v14, v5;
	v61 =	vmin.f32 v60, $0.0e+00  }
0x139: {  	v11 =	vmax.f32 v60, $0.0e+00;
	v29 =	vmin.f32 v62, $0.0e+00;
	v63 =	vmul.f32 $2.000000030e-01, v61  }
0x13a: {  	v30 =	vmax.f32 v6, $0.0e+00;
	v6 =	vmin.f32 v6, $0.0e+00;
	v15 =	vmax.f32 v62, $0.0e+00  }
0x13b: {  	v3 =	vmul.f32 $2.000000030e-01, v29;
	v29 =	vmin.f32 v2, $0.0e+00;
	v11 =	vadd.f32 v63, v11  }
0x13c: {  	v14 =	vmax.f32 v2, $0.0e+00;
	v1 =	vadd.f32 v12, v1;
	v33 =	vmul.f32 $2.000000030e-01, v29  }
0x13d: {  	v6 =	vmul.f32 $2.000000030e-01, v6;
	v12 =	vadd.f32 v3, v15;
	v31 =	vshrl.u32 v11, $0x10  }
0x13e: {  	v8 =	vmul.f32 v8, v53;
	v14 =	vadd.f32 v33, v14;
	v29 =	vand.u32 $0x1, v31  }
0x13f: {  	v6 =	vadd.f32 v6, v30;
	v11 =	vadd.s32 v29, v11;
	v29 =	vshrl.u32 v12, $0x10  }
0x140: {  	v35 =	vshrl.u32 v14, $0x10;
	v11 =	vadd.s32 $0x7FFF, v11;
	v34 =	vand.u32 $0x1, v29  }
0x141: {  	v15 =	vand.u32 $0x1, v35;
	v11 =	vand.u32 $0xFFFF0000, v11;
	v12 =	vadd.s32 v34, v12  }
0x142: {  	v29 =	vshrl.u32 v6, $0x10;
	v11 =	vmul.f32 v11, v50;
	v12 =	vadd.s32 $0x7FFF, v12  }
0x143: {  	v14 =	vadd.s32 v15, v14;
	v36 =	vand.u32 $0x1, v29;
	v12 =	vand.u32 $0xFFFF0000, v12  }
0x144: {  	v14 =	vadd.s32 $0x7FFF, v14;
	v11 =	vadd.f32 $0.0e+00, v11;
	v12 =	vmul.f32 v12, v51  }
0x145: {  	v10 =	vmul.f32 v10, v53;
	v14 =	vand.u32 $0xFFFF0000, v14;
	v6 =	vadd.s32 v36, v6  }
0x146: {  	v37 =	vmul.f32 v14, v52;
	v6 =	vadd.s32 $0x7FFF, v6;
	v11 =	vadd.f32 v12, v11  }
0x147: {  	v0 =	vadd.f32 v7, v0;
	v5 =	vadd.f32 v27, v5;
	v6 =	vand.u32 $0xFFFF0000, v6  }
0x148: {  	v1 =	vadd.f32 v8, v1;
	v6 =	vmul.f32 v6, v53;
	v38 =	vadd.f32 v37, v11  }
0x149: {  	(xrf2) =	vadd.scan.msk.f32 $0xffff, v0;
	v39 =	vadd.f32 v10, v5  }
0x14a: {  	(xrf2) =	vadd.scan.msk.f32 $0xffff, v1;
	v40 =	vadd.f32 v6, v38  }
0x14b: {  	(xrf2) =	vadd.scan.msk.f32 $0xffff, v39  }
0x14c: {  	(xrf2) =	vadd.scan.msk.f32 $0xffff, v40;
	_ =	sdelay $0x6  }
0x14d: {  	v41, _, _ =	vpop (xrf2)  }
0x14e: {  	v42, _, _ =	vpop (xrf2)  }
0x14f: {  	v0 =	vmul.f32 $1.442695020e+00, v41;
	v43, _, _ =	vpop (xrf2)  }
0x150: {  	v1 =	vmul.f32 $1.442695020e+00, v42;
	v44, _, _ =	vpop (xrf2)  }
0x151: {  	v0 =	vbroadcast v0, $0xF;
	v6 =	vmul.f32 $1.442695020e+00, v44  }
0x152: {  	v1 =	vbroadcast v1, $0xF  }
0x153: {  	(erf) = vpow2.f32 v0;
	v6 =	vbroadcast v6, $0xF  }
0x154: {  	(erf) = vpow2.f32 v1  }
0x155: {  	(erf) = vpow2.f32 v6;
	_ =	sdelay $0x4  }
0x156: {  	v2 =	vld [tilespmem:$0x1FFC0]  }
0x157: {  	v3 =	vld [tilespmem:$0x1FFD0]  }
0x158: {  	s12 =	sadd.s32 s12, s19;
	v46 =	vmul.u32 $0x50, v26;
	v5 =	vpop (erf)  }
0x159: {  	p2 =	slt.u32 s12, $0x50910;
	s12 =	simm.f32 $1.000000000e+00;
	v47 =	vpop (erf)  }
0x15a: {  	s12 =	simm.s32 @!p2 $0x0;
	v48 =	vor.u32 v49, v46;
	v56 =	vpop (erf)  }
0x15b: {  	v61 =	vadd.s32 v2, v46;
	v60 =	vmul.f32 s12, v56  }
0x15c: {  	v62 =	vadd.s32 v3, v46  }
0x15d: {  	v4 =	vld [tilespmem:$0x1FFE0];
	v45 =	vmul.f32 $1.442695020e+00, v43;
	v32 =	vmul.f32 v60, v13  }
0x15e: {  	v16 =	vld [tilespmem:$0x1FFF0];
	v34 =	vmul.f32 v60, v28  }
0x15f: {  	v0 =	vbroadcast v45, $0xF;
	v36 =	vmul.f32 v60, v9;
	[tilespmem:v48+s13+$0x0] =	vst.idx.msk $0xffff, v32  }
0x160: {  	[tilespmem:v61+s13+$0x0] =	vst.idx.msk $0xffff, v34  }
0x161: {  	(erf) = vpow2.f32 v0;
	[tilespmem:v62+s13+$0x0] =	vst.idx.msk $0xffff, v36  }
0x162: {  	v63 =	vmul.u32 $0x50, v54;
	v33 =	vadd.s32 v4, v46;
	v14 =	vld [tilespmem:$0x1FF70]  }
0x163: {  	v1 =	vadd.s32 v16, v46  }
0x164: {  	v35 =	vor.u32 v49, v63  }
0x165: {  	v6 =	vmul.f32 s12, v47;
	v38 =	vmul.f32 v60, v25;
	_ =	sdelay $0x1  }
0x166: {  	[tilespmem:v33+s13+$0x0] =	vst.idx.msk $0xffff, v38;
	v14 =	vmul.f32 v6, v14  }
0x167: {  	v40 =	vmul.u32 $0x50, v55;
	[tilespmem:v1+s13+$0x0] =	vst.idx.msk $0xffff, v60  }
0x168: {  	v37 =	vadd.s32 v2, v63;
	[tilespmem:v35+s13+$0x0] =	vst.idx.msk $0xffff, v14  }
0x169: {  	v44 =	vor.u32 v49, v40;
	v45 =	vpop (erf);
	v15 =	vld [tilespmem:$0x1FF50]  }
0x16a: {  	v39 =	vor.u32 v3, v63;
	v1 =	vmul.f32 s12, v45  }
0x16b: {  	v41 =	vadd.s32 v4, v63;
	v43 =	vmul.f32 v6, v22  }
0x16c: {  	v42 =	vadd.s32 v16, v63;
	v56 =	vmul.f32 v1, v23  }
0x16d: {  	v46 =	vmul.f32 v6, v59;
	[tilespmem:v37+s13+$0x0] =	vst.idx.msk $0xffff, v43  }
0x16e: {  	[tilespmem:v44+s13+$0x0] =	vst.idx.msk $0xffff, v56;
	v15 =	vmul.f32 v6, v15  }
0x16f: {  	[tilespmem:v39+s13+$0x0] =	vst.idx.msk $0xffff, v46  }
0x170: {  	[tilespmem:v41+s13+$0x0] =	vst.idx.msk $0xffff, v15  }
0x171: {  	[tilespmem:v42+s13+$0x0] =	vst.idx.msk $0xffff, v6  }
0x172: {  	v47 =	vor.u32 v2, v40;
	v13 =	vld [tilespmem:$0x1FF60]  }
0x173: {  	v48 =	vadd.s32 v3, v40  }
0x174: {  	v55 =	vadd.s32 v4, v40  }
0x175: {  	v59 =	vmul.f32 v1, v21  }
0x176: {  	v61 =	vmul.f32 v1, v20  }
0x177: {  	[tilespmem:v47+s13+$0x0] =	vst.idx.msk $0xffff, v59;
	v13 =	vmul.f32 v1, v13  }
0x178: {  	[tilespmem:v48+s13+$0x0] =	vst.idx.msk $0xffff, v61  }
0x179: {  	v54 =	vmul.u32 $0x50, v18;
	[tilespmem:v55+s13+$0x0] =	vst.idx.msk $0xffff, v13  }
0x17a: {  	v7 =	vadd.s32 v16, v40;
	v12 =	vld [tilespmem:$0x1FF40]  }
0x17b: {  	v60 =	vor.u32 v49, v54  }
0x17c: {  	v5 =	vmul.f32 s12, v5;
	v62 =	vor.u32 v2, v54  }
0x17d: {  	v63 =	vor.u32 v3, v54  }
0x17e: {  	v32 =	vor.u32 v4, v54;
	v33 =	vmul.f32 v5, v58  }
0x17f: {  	v11 =	vadd.s32 v16, v54;
	[tilespmem:v7+s13+$0x0] =	vst.idx.msk $0xffff, v1;
	v12 =	vmul.f32 v5, v12  }
0x180: {  	v34 =	vmul.f32 v5, v17;
	[tilespmem:v60+s13+$0x0] =	vst.idx.msk $0xffff, v33  }
0x181: {  	v35 =	vmul.f32 v5, v57;
	[tilespmem:v62+s13+$0x0] =	vst.idx.msk $0xffff, v12  }
0x182: {  	p2 =	seq.s32 s21, $0x28;
	[tilespmem:v63+s13+$0x0] =	vst.idx.msk $0xffff, v34  }
0x183: {  	s12 =	sadd.s32 @!p2 s9, s17;
	[tilespmem:v32+s13+$0x0] =	vst.idx.msk $0xffff, v35  }
0x184: {  	s2 =	simm.s32 $0xC0;
	s12 =	sshrl.u32 @!p2 s12, $0x3;
	[tilespmem:v11+s13+$0x0] =	vst.idx.msk $0xffff, v5  }
0x185: {  	[spmem:s1] =	stream.indirect.scatter.add.f32 [tilespmem:s13], [sflag:$0x5], $0x50, s2, s29, $0xb8;
	[tilespmem:$0x1D690] =	vst v63  }
0x186: {  	s28 =	simm.s32 @!p2 $0x0;
	s23 =	simm.s32 @!p2 $0x40;
	s22 =	sadd.s32 @!p2 s6, s12  }
0x187: {  	[tilespmem:s23], [sflag:$0x7] =	stream.linear.gather @!p2 [hbm4b:s22+s28], $0x80, $0x38;
	[tilespmem:$0x1D690] =	vst v63  }
0x188: {  	s22 =	simm.s32 @!p2 $0x7  }
0x189: {  	_ =	swait.ge @!p2 [sflag:s22], $0x80  }
0x18a: {  	[sflag:s22] =	ssyncset.done @!p2 $0x0  }
0x18b: {  	s12 =	sadd.s32 @!p2 s7, s12;
	s2 =	simm.s32 @!p2 $0xC0;
	[sflag:s22] =	ssyncadd.s32 @!p2 $0xFFFFFF80  }
0x18c: {  	[tilespmem:s2], [sflag:$0x7] =	stream.linear.gather @!p2 [hbm4b:s12+s28], $0x80, $0x38;
	[tilespmem:$0x1D690] =	vst v63  }
0x18d: {  	_ =	swait.ge @!p2 [sflag:s22], $0x80  }
0x18e: {  	[sflag:s22] =	ssyncset.done @!p2 $0x0  }
0x18f: {  	s12 =	simm.s32 @!p2 $0x80;
	[sflag:s22] =	ssyncadd.s32 @!p2 $0xFFFFFF80;
	s22 =	simm.s32 @!p2 $0x240  }
0x190: {  	[tilespmem:s22], [sflag:$0x1] =	stream.indirect.gather @!p2 [hbm4b:s3+s12], $0x40, s23, s12, $0xb8;
	[tilespmem:$0x1D690] =	vst v63  }
0x191: {  	s22 =	simm.s32 @!p2 $0x2240  }
0x192: {  	[tilespmem:s22], [sflag:$0x2] =	stream.indirect.gather @!p2 [hbm4b:s4+s12], $0x40, s2, s12, $0xb8;
	[tilespmem:$0x1D690] =	vst v63  }
0x193: {  	_ =	swait.ge [sflag:s14], $0x2000  }
0x194: {  	s12 =	simm.s32 $0x0;
	[sflag:s14] =	ssyncset.done $0x0  }
0x195: {  	v45 =	vmov s12;
	[sflag:s14] =	ssyncadd.s32 $0xFFFFE000  }
0x196: {  	v36 =	vshll.u32 v45, $0x6;
	_ =	swait.ge [sflag:s15], $0x2000  }
0x197: {  	v37 =	vor.u32 v4, v36;
	[sflag:s15] =	ssyncset.done $0x0  }
0x198: {  	s2 =	simm.s32 @!p1 $0x6;
	[sflag:s15] =	ssyncadd.s32 $0xFFFFE000  }
0x199: {  	v38 =	vor.u32 v3, v36;
	_ =	swait.ge @!p1 [sflag:s2], $0x2800  }
0x19a: {  	[sflag:s2] =	ssyncset.done @!p1 $0x0  }
0x19b: {  	v39 =	vor.u32 v2, v36;
	[sflag:s2] =	ssyncadd.s32 @!p1 $0xFFFFD800  }
0x19c: {  	s22 =	simm.s32 $0x1;
	v46 =	vld.idx.msk [tilespmem:v37+s8+$0x0], $0xffff  }
0x19d: {  	v57 =	vmov s22;
	v0 =	vor.u32 v49, v36;
	v1 =	vld.idx.msk [tilespmem:v37+s26+$0x0], $0xffff  }
0x19e: {  	s23 =	simm.s32 $0x2;
	v40 =	vshll.u32 v57, $0x6;
	v61 =	vld.idx.msk [tilespmem:v38+s8+$0x0], $0xffff  }
0x19f: {  	v47 =	vmov s23;
	v41 =	vor.u32 v4, v40;
	v5 =	vld.idx.msk [tilespmem:v38+s26+$0x0], $0xffff  }
0x1a0: {  	v43 =	vshll.u32 v47, $0x6;
	v42 =	vld.idx.msk [tilespmem:v39+s8+$0x0], $0xffff  }
0x1a1: {  	v19 =	vor.u32 v4, v43;
	v6 =	vld.idx.msk [tilespmem:v39+s26+$0x0], $0xffff  }
0x1a2: {  	v55 =	vld.idx.msk [tilespmem:v0+s8+$0x0], $0xffff  }
0x1a3: {  	v20 =	vor.u32 v3, v40;
	v0 =	vld.idx.msk [tilespmem:v0+s26+$0x0], $0xffff  }
0x1a4: {  	v44 =	vld.idx.msk [tilespmem:v41+s8+$0x0], $0xffff  }
0x1a5: {  	v21 =	vor.u32 v3, v43;
	v8 =	vld.idx.msk [tilespmem:v41+s26+$0x0], $0xffff  }
0x1a6: {  	v48 =	vld.idx.msk [tilespmem:v19+s8+$0x0], $0xffff  }
0x1a7: {  	v7 =	vor.u32 v49, v40;
	v25 =	vld.idx.msk [tilespmem:v19+s26+$0x0], $0xffff  }
0x1a8: {  	v22 =	vld.idx.msk [tilespmem:v20+s8+$0x0], $0xffff  }
0x1a9: {  	v26 =	vld.idx.msk [tilespmem:v20+s26+$0x0], $0xffff  }
0x1aa: {  	v20 =	vld.idx.msk [tilespmem:v21+s8+$0x0], $0xffff  }
0x1ab: {  	v27 =	vld.idx.msk [tilespmem:v21+s26+$0x0], $0xffff  }
0x1ac: {  	v23 =	vor.u32 v2, v43;
	v54 =	vld.idx.msk [tilespmem:v7+s8+$0x0], $0xffff  }
0x1ad: {  	v19 =	vor.u32 v2, v40;
	v7 =	vld.idx.msk [tilespmem:v7+s26+$0x0], $0xffff  }
0x1ae: {  	v5 =	vadd.f32 v5, v61;
	v1 =	vadd.f32 v1, v46  }
0x1af: {  	v0 =	vadd.f32 v0, v55;
	v6 =	vadd.f32 v6, v42  }
0x1b0: {  	v9 =	vor.u32 v49, v43;
	v8 =	vadd.f32 v8, v44;
	v25 =	vadd.f32 v25, v48  }
0x1b1: {  	v29 =	vld.idx.msk [tilespmem:v23+s26+$0x0], $0xffff;
	v26 =	vadd.f32 v26, v22;
	v27 =	vadd.f32 v27, v20  }
0x1b2: {  	v24 =	vld.idx.msk [tilespmem:v19+s8+$0x0], $0xffff;
	v7 =	vadd.f32 v7, v54;
	v30 =	vmax.f32 v1, $0.0e+00;
	v31 =	vmax.f32 v6, $0.0e+00  }
0x1b3: {  	v28 =	vld.idx.msk [tilespmem:v19+s26+$0x0], $0xffff;
	v56 =	vmax.f32 v5, $0.0e+00;
	v1 =	vmin.f32 v1, $0.0e+00;
	v58 =	vmax.f32 v0, $0.0e+00  }
0x1b4: {  	v19 =	vld.idx.msk [tilespmem:v23+s8+$0x0], $0xffff;
	v6 =	vmin.f32 v6, $0.0e+00;
	v5 =	vmin.f32 v5, $0.0e+00;
	v0 =	vmin.f32 v0, $0.0e+00  }
0x1b5: {  	v23 =	vld.idx.msk [tilespmem:v9+s8+$0x0], $0xffff;
	v59 =	vmax.f32 v8, $0.0e+00;
	v60 =	vmax.f32 v25, $0.0e+00;
	v62 =	vmax.f32 v26, $0.0e+00  }
0x1b6: {  	v9 =	vld.idx.msk [tilespmem:v9+s26+$0x0], $0xffff;
	v8 =	vmin.f32 v8, $0.0e+00;
	v63 =	vmax.f32 v27, $0.0e+00;
	v25 =	vmin.f32 v25, $0.0e+00  }
0x1b7: {  	v26 =	vmin.f32 v26, $0.0e+00;
	v14 =	vmax.f32 v7, $0.0e+00;
	v1 =	vmul.f32 $2.000000030e-01, v1  }
0x1b8: {  	v27 =	vmin.f32 v27, $0.0e+00;
	v5 =	vmul.f32 $2.000000030e-01, v5;
	v6 =	vmul.f32 $2.000000030e-01, v6  }
0x1b9: {  	v7 =	vmin.f32 v7, $0.0e+00;
	v0 =	vmul.f32 $2.000000030e-01, v0;
	v8 =	vmul.f32 $2.000000030e-01, v8  }
0x1ba: {  	v25 =	vmul.f32 $2.000000030e-01, v25;
	v28 =	vadd.f32 v28, v24;
	v29 =	vadd.f32 v29, v19  }
0x1bb: {  	v26 =	vmul.f32 $2.000000030e-01, v26;
	v9 =	vadd.f32 v9, v23;
	v5 =	vadd.f32 v5, v56  }
0x1bc: {  	v27 =	vmul.f32 $2.000000030e-01, v27;
	v1 =	vadd.f32 v1, v30;
	v0 =	vadd.f32 v0, v58  }
0x1bd: {  	v7 =	vmul.f32 $2.000000030e-01, v7;
	v6 =	vadd.f32 v6, v31;
	v8 =	vadd.f32 v8, v59  }
0x1be: {  	v25 =	vadd.f32 v25, v60;
	v26 =	vadd.f32 v26, v62  }
0x1bf: {  	v27 =	vadd.f32 v27, v63;
	v7 =	vadd.f32 v7, v14;
	v12 =	vmax.f32 v28, $0.0e+00  }
0x1c0: {  	v13 =	vmax.f32 v29, $0.0e+00;
	v28 =	vmin.f32 v28, $0.0e+00;
	v29 =	vmin.f32 v29, $0.0e+00  }
0x1c1: {  	v15 =	vmin.f32 v9, $0.0e+00;
	v9 =	vmax.f32 v9, $0.0e+00;
	v31 =	vshrl.u32 v1, $0x10  }
0x1c2: {  	[tilespmem:$0x1FEE0] =	vst v44;
	v43 =	vshrl.u32 v6, $0x10;
	v44 =	vshrl.u32 v5, $0x10;
	v34 =	vshrl.u32 v8, $0x10  }
0x1c3: {  	v35 =	vshrl.u32 v25, $0x10;
	v36 =	vshrl.u32 v26, $0x10;
	v37 =	vshrl.u32 v27, $0x10  }
0x1c4: {  	v40 =	vshrl.u32 v7, $0x10;
	v28 =	vmul.f32 $2.000000030e-01, v28;
	v29 =	vmul.f32 $2.000000030e-01, v29  }
0x1c5: {  	v30 =	vmul.f32 $2.000000030e-01, v15;
	v31 =	vand.u32 $0x1, v31;
	v33 =	vand.u32 $0x1, v44  }
0x1c6: {  	v21 =	vmovc v54;
	v32 =	vand.u32 $0x1, v43;
	v54 =	vand.u32 $0x1, v35;
	v56 =	vand.u32 $0x1, v36  }
0x1c7: {  	v58 =	vand.u32 $0x1, v37;
	v1 =	vadd.s32 v31, v1;
	v31 =	vand.u32 $0x1, v34  }
0x1c8: {  	v5 =	vadd.s32 v33, v5;
	v6 =	vadd.s32 v32, v6;
	v25 =	vadd.s32 v54, v25  }
0x1c9: {  	v63 =	vadd.s32 v58, v27;
	v28 =	vadd.f32 v28, v12;
	v29 =	vadd.f32 v29, v13  }
0x1ca: {  	v9 =	vadd.f32 v30, v9;
	v30 =	vshrl.u32 v0, $0x10;
	v1 =	vadd.s32 $0x7FFF, v1  }
0x1cb: {  	s28 =	simm.s32 $0x3;
	v8 =	vadd.s32 v31, v8;
	v5 =	vadd.s32 $0x7FFF, v5;
	v31 =	vadd.s32 v56, v26  }
0x1cc: {  	v26 =	vmov s28;
	v6 =	vadd.s32 $0x7FFF, v6;
	v41 =	vadd.s32 $0x7FFF, v25  }
0x1cd: {  	v34 =	vadd.s32 $0x7FFF, v63;
	v30 =	vand.u32 $0x1, v30;
	v43 =	vshll.u32 v26, $0x6  }
0x1ce: {  	v36 =	vand.u32 $0xFFFF0000, v1;
	v37 =	vadd.s32 $0x7FFF, v8;
	v35 =	vand.u32 $0xFFFF0000, v6  }
0x1cf: {  	[tilespmem:$0x1FED0] =	vst v42;
	v42 =	vadd.s32 $0x7FFF, v31;
	v38 =	vshrl.u32 v28, $0x10;
	v39 =	vshrl.u32 v29, $0x10  }
0x1d0: {  	[tilespmem:$0x1FEF0] =	vst v48;
	v48 =	vshrl.u32 v9, $0x10;
	v0 =	vadd.s32 v30, v0;
	v27 =	vor.u32 v4, v43  }
0x1d1: {  	v30 =	vand.u32 $0x1, v40;
	v59 =	vand.u32 $0x1, v38;
	v60 =	vand.u32 $0x1, v39  }
0x1d2: {  	v62 =	vand.u32 $0x1, v48;
	v39 =	vadd.s32 v30, v7;
	v30 =	vor.u32 v3, v43  }
0x1d3: {  	v38 =	vadd.s32 $0x7FFF, v0;
	v32 =	vadd.s32 v59, v28;
	v44 =	vadd.s32 v60, v29  }
0x1d4: {  	v40 =	vadd.s32 v62, v9;
	v28 =	vand.u32 $0xFFFF0000, v5;
	v29 =	vor.u32 v49, v43  }
0x1d5: {  	s22 =	simm.s32 $0x4;
	v33 =	vadd.s32 $0x7FFF, v32;
	v31 =	vadd.s32 $0x7FFF, v44;
	v32 =	vor.u32 v2, v43;
	v25 =	vld.idx.msk [tilespmem:v27+s8+$0x0], $0xffff  }
.LBB2_7:
0x1d6: {  	v0 =	vand.u32 $0xFFFF0000, v38;
	v1 =	vadd.s32 $0x7FFF, v39;
	v5 =	vadd.s32 $0x7FFF, v40;
	v6 =	vld.idx.msk [tilespmem:v27+s26+$0x0], $0xffff  }
0x1d7: {  	v8 =	vand.u32 $0xFFFF0000, v37;
	v9 =	vand.u32 $0xFFFF0000, v41;
	v27 =	vld.idx.msk [tilespmem:v30+s8+$0x0], $0xffff;
	v58 =	vand.u32 $0xFFFF0000, v42  }
0x1d8: {  	v34 =	vand.u32 $0xFFFF0000, v34;
	v33 =	vand.u32 $0xFFFF0000, v33;
	v30 =	vld.idx.msk [tilespmem:v30+s26+$0x0], $0xffff;
	v7 =	vmul.f32 v36, v53  }
0x1d9: {  	v59 =	vld.idx.msk [tilespmem:v29+s26+$0x0], $0xffff;
	v1 =	vand.u32 $0xFFFF0000, v1;
	v0 =	vmul.f32 v0, v50;
	v56 =	vmul.f32 v28, v52  }
0x1da: {  	v5 =	vand.u32 $0xFFFF0000, v5;
	v28 =	vld.idx.msk [tilespmem:v29+s8+$0x0], $0xffff;
	v35 =	vmul.f32 v35, v51;
	v1 =	vmul.f32 v1, v50  }
0x1db: {  	v31 =	vand.u32 $0xFFFF0000, v31;
	v60 =	vld.idx.msk [tilespmem:v32+s26+$0x0], $0xffff;
	v5 =	vmul.f32 v5, v50;
	v33 =	vmul.f32 v33, v51  }
0x1dc: {  	v29 =	vld.idx.msk [tilespmem:v32+s8+$0x0], $0xffff;
	v8 =	vmul.f32 v8, v53;
	v31 =	vmul.f32 v31, v51;
	v6 =	vadd.f32 v6, v25  }
0x1dd: {  	v62 =	vmul.f32 v58, v52;
	v30 =	vadd.f32 v30, v27;
	v5 =	vadd.f32 $0.0e+00, v5  }
0x1de: {  	v9 =	vmul.f32 v9, v53;
	v0 =	vadd.f32 $0.0e+00, v0;
	v1 =	vadd.f32 $0.0e+00, v1  }
0x1df: {  	v63 =	vmul.f32 v34, v52;
	v5 =	vadd.f32 v31, v5;
	v31 =	vadd.f32 v59, v28  }
0x1e0: {  	v15 =	vmax.f32 v6, $0.0e+00;
	v6 =	vmin.f32 v6, $0.0e+00;
	v1 =	vadd.f32 v33, v1  }
0x1e1: {  	v36 =	vmin.f32 v30, $0.0e+00;
	v32 =	vadd.f32 v60, v29;
	v12 =	vmin.f32 v31, $0.0e+00  }
0x1e2: {  	v30 =	vmax.f32 v30, $0.0e+00;
	v1 =	vadd.f32 v62, v1;
	v13 =	vmul.f32 $2.000000030e-01, v12  }
0x1e3: {  	v0 =	vadd.f32 v35, v0;
	v31 =	vmax.f32 v31, $0.0e+00;
	v14 =	vmin.f32 v32, $0.0e+00  }
0x1e4: {  	v1 =	vadd.f32 v8, v1;
	v8 =	vadd.f32 v13, v31;
	v31 =	vmul.f32 $2.000000030e-01, v14  }
0x1e5: {  	v6 =	vmul.f32 $2.000000030e-01, v6;
	v38 =	vmul.f32 $2.000000030e-01, v36;
	v32 =	vmax.f32 v32, $0.0e+00  }
0x1e6: {  	v0 =	vadd.f32 v56, v0;
	v37 =	vshrl.u32 v8, $0x10;
	v31 =	vadd.f32 v31, v32  }
0x1e7: {  	v6 =	vadd.f32 v6, v15;
	v30 =	vadd.f32 v38, v30;
	v39 =	vand.u32 $0x1, v37  }
0x1e8: {  	v0 =	vadd.f32 v7, v0;
	v8 =	vadd.s32 v39, v8;
	v40 =	vshrl.u32 v31, $0x10  }
0x1e9: {  	v42 =	vshrl.u32 v6, $0x10;
	v8 =	vadd.s32 $0x7FFF, v8;
	v41 =	vand.u32 $0x1, v40  }
0x1ea: {  	v43 =	vshrl.u32 v30, $0x10;
	v8 =	vand.u32 $0xFFFF0000, v8;
	v31 =	vadd.s32 v41, v31  }
0x1eb: {  	v32 =	vand.u32 $0x1, v43;
	v8 =	vmul.f32 v8, v50;
	v31 =	vadd.s32 $0x7FFF, v31  }
0x1ec: {  	v44 =	vand.u32 $0x1, v42;
	v30 =	vadd.s32 v32, v30;
	v31 =	vand.u32 $0xFFFF0000, v31  }
0x1ed: {  	v30 =	vadd.s32 $0x7FFF, v30;
	v48 =	vadd.f32 $0.0e+00, v8;
	v50 =	vmul.f32 v31, v51  }
0x1ee: {  	v5 =	vadd.f32 v63, v5;
	v6 =	vadd.s32 v44, v6;
	v51 =	vand.u32 $0xFFFF0000, v30  }
0x1ef: {  	(xrf2) =	vadd.scan.msk.f32 $0xffff, v0;
	v6 =	vadd.s32 $0x7FFF, v6;
	v7 =	vmul.f32 v51, v52;
	v0 =	vadd.f32 v50, v48  }
0x1f0: {  	v4 =	vld [tilespmem:$0x1FFE0];
	v54 =	vand.u32 $0xFFFF0000, v6  }
0x1f1: {  	v52 =	vadd.f32 v9, v5;
	v5 =	vmul.f32 v54, v53;
	v0 =	vadd.f32 v7, v0;
	_ =	sdelay $0x1  }
0x1f2: {  	v3 =	vld [tilespmem:$0x1FFD0];
	(xrf2) =	vadd.scan.msk.f32 $0xffff, v1;
	v6 =	vmov s22;
	v2 =	vadd.f32 v5, v0  }
0x1f3: {  	v56 =	vshll.u32 v6, $0x6;
	(xrf2) =	vadd.scan.msk.f32 $0xffff, v52  }
0x1f4: {  	v58 =	vor.u32 v4, v56;
	(xrf2) =	vadd.scan.msk.f32 $0xffff, v2  }
0x1f5: {  	s2 =	sadd.s32 $0x1, s22  }
0x1f6: {  	v63 =	vmov s2  }
0x1f7: {  	v59 =	vor.u32 v3, v56;
	v39 =	vshll.u32 v63, $0x6  }
0x1f8: {  	v15 =	vld [tilespmem:$0x1FFF0];
	v31 =	vor.u32 v4, v39  }
0x1f9: {  	v35 =	vld.idx.msk [tilespmem:v58+s8+$0x0], $0xffff  }
0x1fa: {  	v1 =	vld.idx.msk [tilespmem:v58+s26+$0x0], $0xffff  }
0x1fb: {  	v60, _, _ =	vpop (xrf2);
	v52 =	vor.u32 v3, v39;
	v2 =	vld [tilespmem:$0x1FFC0]  }
0x1fc: {  	s28 =	sadd.s32 $0x2, s22;
	v36 =	vld.idx.msk [tilespmem:v59+s8+$0x0], $0xffff;
	v53 =	vmul.u32 $0x50, v45;
	v30, _, _ =	vpop (xrf2);
	v0 =	vmul.f32 $1.442695020e+00, v60  }
0x1fd: {  	v48 =	vmov s28;
	v30 =	vmul.f32 $1.442695020e+00, v30;
	v7 =	vor.u32 v49, v56;
	v43 =	vld.idx.msk [tilespmem:v31+s8+$0x0], $0xffff;
	v50, _, _ =	vpop (xrf2)  }
0x1fe: {  	v40 =	vshll.u32 v48, $0x6;
	v32 =	vor.u32 v49, v53;
	v11 =	vld.idx.msk [tilespmem:v31+s26+$0x0], $0xffff;
	v12 =	vbroadcast v0, $0xF;
	v13, _, _ =	vpop (xrf2)  }
0x1ff: {  	v51 =	vor.u32 v4, v40;
	v30 =	vbroadcast v30, $0xF;
	v5 =	vld.idx.msk [tilespmem:v59+s26+$0x0], $0xffff;
	v54 =	vmul.f32 $1.442695020e+00, v13  }
0x200: {  	v49 =	vld.idx.msk [tilespmem:v52+s8+$0x0], $0xffff;
	(erf) = vpow2.f32 v12;
	v62 =	vor.u32 v2, v56;
	v31 =	vmul.f32 $1.442695020e+00, v50  }
0x201: {  	v18 =	vmov v61;
	v41 =	vld.idx.msk [tilespmem:v52+s26+$0x0], $0xffff;
	(erf) = vpow2.f32 v30;
	v45 =	vbroadcast v54, $0xF  }
0x202: {  	v26 =	vmul.u32 $0x50, v26;
	v47 =	vmul.u32 $0x50, v47;
	v10 =	vmovc v6;
	v61 =	vmovc v48;
	v37 =	vld.idx.msk [tilespmem:v7+s8+$0x0], $0xffff;
	v48 =	vbroadcast v31, $0xF  }
0x203: {  	v44 =	vmul.u32 $0x50, v57;
	[tilespmem:$0x1FE80] =	vst v10;
	v10 =	vlaneseq.u32;
	v7 =	vld.idx.msk [tilespmem:v7+s26+$0x0], $0xffff;
	(erf) = vpow2.f32 v45  }
0x204: {  	v33 =	vmovc v46;
	v42 =	vor.u32 v10, v39;
	v60 =	vor.u32 v3, v40;
	v46 =	vld.idx.msk [tilespmem:v51+s8+$0x0], $0xffff;
	(erf) = vpow2.f32 v48  }
0x205: {  	v57 =	vmov v63;
	v63 =	vor.u32 v3, v53;
	[tilespmem:$0x1FE90] =	vst v61;
	v61 =	vor.u32 v10, v26;
	v38 =	vld.idx.msk [tilespmem:v62+s8+$0x0], $0xffff  }
0x206: {  	v52 =	vor.u32 v3, v44;
	v16 =	vadd.f32 v11, v43;
	v39 =	vor.u32 v2, v39;
	v8 =	vld.idx.msk [tilespmem:v62+s26+$0x0], $0xffff  }
0x207: {  	v12 =	vor.u32 v4, v53;
	v6 =	vadd.f32 v5, v36;
	v5 =	vadd.f32 v1, v35;
	v62 =	vld.idx.msk [tilespmem:v51+s26+$0x0], $0xffff  }
0x208: {  	s23 =	sadd.s32 s12, s20;
	[tilespmem:$0x1FEB0] =	vst v12;
	v12 =	vadd.s32 v3, v26;
	v34 =	vor.u32 v2, v53;
	v14 =	vor.u32 v2, v40  }
0x209: {  	p3 =	slt.u32 s23, $0x50910;
	s2 =	simm.f32 $1.000000000e+00;
	v9 =	vld.idx.msk [tilespmem:v60+s26+$0x0], $0xffff;
	v40 =	vor.u32 v10, v40;
	v30 =	vor.u32 v2, v47;
	v56 =	vadd.s32 v3, v47;
	v58 =	vpop (erf)  }
0x20a: {  	s2 =	simm.s32 @!p3 $0x0;
	v41 =	vadd.f32 v41, v49;
	v50 =	vor.u32 v10, v44;
	v31 =	vadd.s32 v4, v47;
	v48 =	vld.idx.msk [tilespmem:v60+s8+$0x0], $0xffff;
	v60 =	vpop (erf)  }
0x20b: {  	v51 =	vadd.s32 v2, v44;
	v59 =	vld.idx.msk [tilespmem:v39+s8+$0x0], $0xffff;
	v13 =	vadd.s32 v15, v53;
	v60 =	vmul.f32 s2, v60  }
0x20c: {  	v39 =	vld.idx.msk [tilespmem:v39+s26+$0x0], $0xffff;
	v53 =	vadd.s32 v4, v44;
	v44 =	vadd.s32 v15, v44;
	v17 =	vadd.f32 v62, v46;
	v62 =	vpop (erf)  }
0x20d: {  	v1 =	vld [tilespmem:$0x1FEE0];
	[tilespmem:$0x1FEC0] =	vst v13;
	v54 =	vor.u32 v10, v47;
	v13 =	vmul.f32 v60, v21;
	v24 =	vmul.f32 v60, v24;
	v0 =	vpop (erf)  }
0x20e: {  	[tilespmem:$0x1FEA0] =	vst v63;
	v10 =	vadd.s32 v2, v26;
	v62 =	vmul.f32 s2, v62;
	v11 =	vmul.f32 s2, v0;
	v0 =	vld.idx.msk [tilespmem:v42+s8+$0x0], $0xffff  }
0x20f: {  	v47 =	vadd.s32 v15, v47;
	v22 =	vmul.f32 v60, v22;
	v42 =	vld.idx.msk [tilespmem:v42+s26+$0x0], $0xffff;
	[tilespmem:v50+s16+$0x0] =	vst.idx.msk $0xffff, v13  }
0x210: {  	v63 =	vld.idx.msk [tilespmem:v14+s8+$0x0], $0xffff;
	v8 =	vadd.f32 v8, v38;
	v28 =	vmul.f32 v62, v28;
	[tilespmem:v51+s16+$0x0] =	vst.idx.msk $0xffff, v24  }
0x211: {  	v45 =	vld.idx.msk [tilespmem:v14+s26+$0x0], $0xffff;
	v14 =	vadd.s32 v4, v26;
	v29 =	vmul.f32 v62, v29;
	[tilespmem:v52+s16+$0x0] =	vst.idx.msk $0xffff, v22  }
0x212: {  	v26 =	vadd.s32 v15, v26;
	v15 =	vld.idx.msk [tilespmem:v40+s8+$0x0], $0xffff;
	v23 =	vmul.f32 v11, v23;
	[tilespmem:v61+s16+$0x0] =	vst.idx.msk $0xffff, v28  }
0x213: {  	v7 =	vadd.f32 v7, v37;
	v21 =	vld [tilespmem:$0x1FEF0];
	v27 =	vmul.f32 v62, v27;
	[tilespmem:v10+s16+$0x0] =	vst.idx.msk $0xffff, v29  }
0x214: {  	v13 =	vadd.f32 v39, v59;
	v39 =	vmax.f32 v8, $0.0e+00;
	v8 =	vmin.f32 v8, $0.0e+00;
	v28 =	vld.idx.msk [tilespmem:v40+s26+$0x0], $0xffff;
	[tilespmem:v54+s16+$0x0] =	vst.idx.msk $0xffff, v23  }
0x215: {  	v58 =	vmul.f32 s2, v58;
	v9 =	vadd.f32 v9, v48;
	v8 =	vmul.f32 $2.000000030e-01, v8;
	v10 =	vmovc v43;
	[tilespmem:v12+s16+$0x0] =	vst.idx.msk $0xffff, v27  }
0x216: {  	v40 =	vmul.f32 v60, v1;
	v61 =	vmul.f32 v62, v25;
	v43 =	vmov v46;
	[tilespmem:$0x1FEE0] =	vst v10  }
0x217: {  	v25 =	vmul.f32 v11, v19;
	v8 =	vadd.f32 v8, v39;
	v29 =	vmul.f32 v58, v33;
	[tilespmem:$0x1FEF0] =	vst v43  }
0x218: {  	v22 =	vmovc v49;
	v49 =	vlaneseq.u32;
	v46 =	vmovc v35;
	v35 =	vadd.f32 v45, v63;
	v33 =	vmin.f32 v6, $0.0e+00;
	[tilespmem:v53+s16+$0x0] =	vst.idx.msk $0xffff, v40  }
0x219: {  	v54 =	vmin.f32 v17, $0.0e+00;
	v12 =	vmul.f32 v11, v20;
	v27 =	vmul.f32 v11, v21;
	[tilespmem:v30+s16+$0x0] =	vst.idx.msk $0xffff, v25  }
0x21a: {  	v10 =	vmul.f32 v58, v55;
	v40 =	vmax.f32 v16, $0.0e+00;
	v43 =	vmax.f32 v17, $0.0e+00;
	[tilespmem:v14+s16+$0x0] =	vst.idx.msk $0xffff, v61  }
0x21b: {  	v20 =	vmovc v48;
	v48 =	vmin.f32 v16, $0.0e+00;
	v25 =	vmax.f32 v9, $0.0e+00;
	v9 =	vmin.f32 v9, $0.0e+00;
	[tilespmem:v44+s16+$0x0] =	vst.idx.msk $0xffff, v60  }
0x21c: {  	v24 =	vmovc v59;
	v59 =	vmax.f32 v35, $0.0e+00;
	v60 =	vmin.f32 v13, $0.0e+00;
	v9 =	vmul.f32 $2.000000030e-01, v9;
	[tilespmem:v26+s16+$0x0] =	vst.idx.msk $0xffff, v62  }
0x21d: {  	v61 =	vmovc v38;
	v26 =	vmul.f32 v58, v18;
	v38 =	vadd.f32 v42, v0;
	v42 =	vmax.f32 v6, $0.0e+00  }
0x21e: {  	v55 =	vld [tilespmem:$0x1FED0];
	v62 =	vmin.f32 v5, $0.0e+00;
	[tilespmem:v56+s16+$0x0] =	vst.idx.msk $0xffff, v12;
	v56 =	vmax.f32 v13, $0.0e+00;
	v6 =	vmul.f32 $2.000000030e-01, v48  }
0x21f: {  	v21 =	vmovc v0;
	v0 =	vmul.f32 $2.000000030e-01, v54;
	v28 =	vadd.f32 v28, v15;
	v1 =	vmul.f32 $2.000000030e-01, v62  }
0x220: {  	v16 =	vld [tilespmem:$0x1FEA0];
	v23 =	vmovc v15;
	v15 =	vmax.f32 v41, $0.0e+00;
	v41 =	vmin.f32 v41, $0.0e+00;
	v62 =	vmin.f32 v35, $0.0e+00  }
0x221: {  	v19 =	vmovc v63;
	[tilespmem:v31+s16+$0x0] =	vst.idx.msk $0xffff, v27;
	v27 =	vmax.f32 v38, $0.0e+00;
	v63 =	vmin.f32 v38, $0.0e+00;
	v38 =	vmul.f32 $2.000000030e-01, v41  }
0x222: {  	v9 =	vadd.f32 v9, v25;
	[tilespmem:v47+s16+$0x0] =	vst.idx.msk $0xffff, v11;
	v11 =	vmul.f32 $2.000000030e-01, v60;
	v13 =	vmul.f32 $2.000000030e-01, v62  }
0x223: {  	v6 =	vadd.f32 v6, v40;
	v0 =	vadd.f32 v0, v43;
	v14 =	vmul.f32 v58, v55  }
0x224: {  	[tilespmem:$0x1FED0] =	vst v61;
	v61 =	vmovc v36;
	v36 =	vmax.f32 v5, $0.0e+00;
	v55 =	vmovc v37;
	v37 =	vmax.f32 v7, $0.0e+00;
	v7 =	vmin.f32 v7, $0.0e+00  }
0x225: {  	[tilespmem:v32+s16+$0x0] =	vst.idx.msk $0xffff, v10;
	v5 =	vmul.f32 $2.000000030e-01, v33;
	v41 =	vmin.f32 v28, $0.0e+00;
	v10 =	vmul.f32 $2.000000030e-01, v63  }
0x226: {  	v48 =	vmax.f32 v28, $0.0e+00;
	v31 =	vshrl.u32 v9, $0x10;
	v1 =	vadd.f32 v1, v36  }
0x227: {  	v7 =	vmul.f32 $2.000000030e-01, v7;
	v11 =	vadd.f32 v11, v56;
	v13 =	vadd.f32 v13, v59;
	[tilespmem:v34+s16+$0x0] =	vst.idx.msk $0xffff, v14  }
0x228: {  	v43 =	vmul.f32 $2.000000030e-01, v41;
	v5 =	vadd.f32 v5, v42;
	v14 =	vadd.f32 v38, v15;
	[tilespmem:v16+s16+$0x0] =	vst.idx.msk $0xffff, v26;
	v16 =	vld [tilespmem:$0x1FEB0]  }
0x229: {  	v28 =	vshrl.u32 v6, $0x10;
	v10 =	vadd.f32 v10, v27;
	v7 =	vadd.f32 v7, v37  }
0x22a: {  	v25 =	vshrl.u32 v1, $0x10;
	v12 =	vadd.f32 v43, v48;
	v26 =	vshrl.u32 v8, $0x10  }
0x22b: {  	v56 =	vshrl.u32 v11, $0x10;
	v27 =	vshrl.u32 v5, $0x10;
	v25 =	vand.u32 $0x1, v25  }
0x22c: {  	v30 =	vshrl.u32 v14, $0x10;
	v26 =	vand.u32 $0x1, v26;
	v59 =	vshrl.u32 v10, $0x10  }
0x22d: {  	v54 =	vshrl.u32 v7, $0x10;
	v27 =	vand.u32 $0x1, v27;
	v60 =	vshrl.u32 v12, $0x10  }
0x22e: {  	s28 =	sadd.s32 $0x3, s22;
	v1 =	vadd.s32 v25, v1;
	v25 =	vand.u32 $0x1, v28;
	v8 =	vadd.s32 v26, v8  }
0x22f: {  	v62 =	vand.u32 $0x1, v59;
	v26 =	vmov s28;
	v15 =	vand.u32 $0x1, v54  }
0x230: {  	v5 =	vadd.s32 v27, v5;
	v27 =	vand.u32 $0x1, v30;
	v30 =	vand.u32 $0x1, v56;
	[tilespmem:v16+s16+$0x0] =	vst.idx.msk $0xffff, v29;
	v16 =	vld [tilespmem:$0x1FEC0]  }
0x231: {  	v63 =	vand.u32 $0x1, v60;
	v1 =	vadd.s32 $0x7FFF, v1;
	v6 =	vadd.s32 v25, v6  }
0x232: {  	v8 =	vadd.s32 $0x7FFF, v8;
	v25 =	vshll.u32 v26, $0x6;
	v39 =	vadd.s32 v62, v10  }
0x233: {  	v7 =	vadd.s32 v15, v7;
	v5 =	vadd.s32 $0x7FFF, v5;
	v14 =	vadd.s32 v27, v14  }
0x234: {  	v11 =	vadd.s32 v30, v11;
	v27 =	vor.u32 v4, v25;
	v40 =	vadd.s32 v63, v12  }
0x235: {  	v50 =	vld [tilespmem:$0x1FF80];
	v36 =	vand.u32 $0xFFFF0000, v1;
	v37 =	vadd.s32 $0x7FFF, v6;
	v30 =	vor.u32 v3, v25  }
0x236: {  	p1 =	slt.u32 s22, $0x7C;
	v51 =	vld [tilespmem:$0x1FF90];
	v35 =	vand.u32 $0xFFFF0000, v8;
	v32 =	vor.u32 v2, v25;
	v38 =	vadd.s32 $0x7FFF, v7  }
.Ltmp4:
0x237: {  	v52 =	vld [tilespmem:$0x1FFA0];
	v42 =	vadd.s32 $0x7FFF, v14;
	v33 =	vadd.s32 $0x7FFF, v11;
	v29 =	vshrl.u32 v0, $0x10;
	(pc) =	sbr.rel @p1 .LBB2_7-.Ltmp4, $4  }
0x238: {  	v45 =	vld [tilespmem:$0x1FE80];
	v28 =	vand.u32 $0x1, v29;
	v29 =	vand.u32 $0x1, v31;
	[tilespmem:v16+s16+$0x0] =	vst.idx.msk $0xffff, v58;
	v58 =	vshrl.u32 v13, $0x10  }
0x239: {  	v53 =	vld [tilespmem:$0x1FFB0];
	v0 =	vadd.s32 v28, v0;
	v9 =	vadd.s32 v29, v9;
	v31 =	vand.u32 $0x1, v58  }
0x23a: {  	v47 =	vld [tilespmem:$0x1FE90];
	v28 =	vand.u32 $0xFFFF0000, v5;
	v29 =	vor.u32 v49, v25;
	v13 =	vadd.s32 v31, v13  }
0x23b: {  	s12 =	smov.u32 s22;
	s22 =	sadd.s32 $0x4, s22;
	v25 =	vld.idx.msk [tilespmem:v27+s8+$0x0], $0xffff;
	v41 =	vadd.s32 $0x7FFF, v0;
	v34 =	vadd.s32 $0x7FFF, v9;
	v31 =	vadd.s32 $0x7FFF, v13  }
0x23c: {  	_ =	sdelay $0x3  }
0x23d: {  	v6 =	vld.idx.msk [tilespmem:v27+s26+$0x0], $0xffff  }
0x23e: {  	v9 =	vld.idx.msk [tilespmem:v30+s8+$0x0], $0xffff  }
0x23f: {  	v0 =	vand.u32 $0xFFFF0000, v38;
	v1 =	vadd.s32 $0x7FFF, v39;
	v5 =	vadd.s32 $0x7FFF, v40;
	v13 =	vld.idx.msk [tilespmem:v29+s8+$0x0], $0xffff  }
0x240: {  	v8 =	vand.u32 $0xFFFF0000, v37;
	v10 =	vand.u32 $0xFFFF0000, v41;
	v11 =	vmul.f32 v28, v52;
	v15 =	vld.idx.msk [tilespmem:v29+s26+$0x0], $0xffff  }
0x241: {  	v12 =	vand.u32 $0xFFFF0000, v42;
	v14 =	vmul.f32 v35, v51;
	v42 =	vand.u32 $0xFFFF0000, v34;
	v28 =	vld.idx.msk [tilespmem:v32+s8+$0x0], $0xffff  }
0x242: {  	v43 =	vand.u32 $0xFFFF0000, v33;
	v44 =	vld.idx.msk [tilespmem:v32+s26+$0x0], $0xffff;
	v0 =	vmul.f32 v0, v50;
	v1 =	vand.u32 $0xFFFF0000, v1  }
0x243: {  	v48 =	vand.u32 $0xFFFF0000, v31;
	v54 =	vld.idx.msk [tilespmem:v30+s26+$0x0], $0xffff;
	v5 =	vand.u32 $0xFFFF0000, v5;
	v1 =	vmul.f32 v1, v50  }
0x244: {  	v29 =	vmul.f32 v43, v51;
	v5 =	vmul.f32 v5, v50;
	v0 =	vadd.f32 $0.0e+00, v0  }
0x245: {  	v12 =	vmul.f32 v12, v52;
	v27 =	vmul.f32 v42, v52;
	v1 =	vadd.f32 $0.0e+00, v1  }
0x246: {  	v7 =	vmul.f32 v36, v53;
	v5 =	vadd.f32 $0.0e+00, v5;
	v0 =	vadd.f32 v14, v0  }
0x247: {  	v8 =	vmul.f32 v8, v53;
	v56 =	vadd.f32 v15, v13;
	v15 =	vadd.f32 v44, v28  }
0x248: {  	v14 =	vmul.f32 v48, v51;
	v6 =	vadd.f32 v6, v25;
	v60 =	vadd.f32 v54, v9  }
0x249: {  	v1 =	vadd.f32 v29, v1;
	v0 =	vadd.f32 v11, v0;
	v58 =	vmin.f32 v56, $0.0e+00  }
0x24a: {  	v5 =	vadd.f32 v14, v5;
	v11 =	vmax.f32 v56, $0.0e+00;
	v59 =	vmul.f32 $2.000000030e-01, v58  }
0x24b: {  	v62 =	vmin.f32 v15, $0.0e+00;
	v63 =	vmax.f32 v6, $0.0e+00;
	v6 =	vmin.f32 v6, $0.0e+00  }
0x24c: {  	v15 =	vmax.f32 v15, $0.0e+00;
	v2 =	vmul.f32 $2.000000030e-01, v62;
	v11 =	vadd.f32 v59, v11  }
0x24d: {  	v3 =	vmin.f32 v60, $0.0e+00;
	v1 =	vadd.f32 v12, v1;
	v6 =	vmul.f32 $2.000000030e-01, v6  }
0x24e: {  	v12 =	vadd.f32 v2, v15;
	v15 =	vmul.f32 $2.000000030e-01, v3;
	v4 =	vshrl.u32 v11, $0x10  }
0x24f: {  	v14 =	vmax.f32 v60, $0.0e+00;
	v6 =	vadd.f32 v6, v63;
	v32 =	vand.u32 $0x1, v4  }
0x250: {  	v33 =	vshrl.u32 v12, $0x10;
	v14 =	vadd.f32 v15, v14;
	v11 =	vadd.s32 v32, v11  }
0x251: {  	v34 =	vshrl.u32 v6, $0x10;
	v15 =	vand.u32 $0x1, v33;
	v11 =	vadd.s32 $0x7FFF, v11  }
0x252: {  	v12 =	vadd.s32 v15, v12;
	v15 =	vshrl.u32 v14, $0x10;
	v11 =	vand.u32 $0xFFFF0000, v11  }
0x253: {  	v12 =	vadd.s32 $0x7FFF, v12;
	v15 =	vand.u32 $0x1, v15;
	v11 =	vmul.f32 v11, v50  }
0x254: {  	v12 =	vand.u32 $0xFFFF0000, v12;
	v14 =	vadd.s32 v15, v14;
	v15 =	vand.u32 $0x1, v34  }
0x255: {  	v12 =	vmul.f32 v12, v51;
	v14 =	vadd.s32 $0x7FFF, v14;
	v11 =	vadd.f32 $0.0e+00, v11  }
0x256: {  	v10 =	vmul.f32 v10, v53;
	v6 =	vadd.s32 v15, v6;
	v14 =	vand.u32 $0xFFFF0000, v14  }
0x257: {  	v6 =	vadd.s32 $0x7FFF, v6;
	v35 =	vmul.f32 v14, v52;
	v11 =	vadd.f32 v12, v11  }
0x258: {  	v0 =	vadd.f32 v7, v0;
	v5 =	vadd.f32 v27, v5;
	v6 =	vand.u32 $0xFFFF0000, v6  }
0x259: {  	v1 =	vadd.f32 v8, v1;
	v6 =	vmul.f32 v6, v53;
	v36 =	vadd.f32 v35, v11  }
0x25a: {  	(xrf2) =	vadd.scan.msk.f32 $0xffff, v0;
	v37 =	vadd.f32 v10, v5  }
0x25b: {  	(xrf2) =	vadd.scan.msk.f32 $0xffff, v1;
	v38 =	vadd.f32 v6, v36  }
0x25c: {  	(xrf2) =	vadd.scan.msk.f32 $0xffff, v37  }
0x25d: {  	(xrf2) =	vadd.scan.msk.f32 $0xffff, v38;
	_ =	sdelay $0x6  }
0x25e: {  	v39, _, _ =	vpop (xrf2)  }
0x25f: {  	v40, _, _ =	vpop (xrf2)  }
0x260: {  	v0 =	vmul.f32 $1.442695020e+00, v39;
	v41, _, _ =	vpop (xrf2)  }
0x261: {  	v1 =	vmul.f32 $1.442695020e+00, v40;
	v42, _, _ =	vpop (xrf2)  }
0x262: {  	v0 =	vbroadcast v0, $0xF;
	v6 =	vmul.f32 $1.442695020e+00, v42  }
0x263: {  	v1 =	vbroadcast v1, $0xF  }
0x264: {  	(erf) = vpow2.f32 v0;
	v6 =	vbroadcast v6, $0xF  }
0x265: {  	(erf) = vpow2.f32 v1  }
0x266: {  	(erf) = vpow2.f32 v6;
	_ =	sdelay $0x4  }
0x267: {  	v2 =	vld [tilespmem:$0x1FFC0]  }
0x268: {  	s2 =	sadd.s32 s12, s20;
	v62 =	vmul.u32 $0x50, v57;
	v3 =	vld [tilespmem:$0x1FFD0]  }
0x269: {  	p1 =	slt.u32 s2, $0x50910;
	s2 =	simm.f32 $1.000000000e+00;
	v44 =	vmul.u32 $0x50, v26;
	v4 =	vld [tilespmem:$0x1FFE0];
	v43 =	vmul.f32 $1.442695020e+00, v41;
	v5 =	vpop (erf)  }
0x26a: {  	v16 =	vld [tilespmem:$0x1FFF0];
	s2 =	simm.s32 @!p1 $0x0;
	v15 =	vor.u32 v49, v62;
	v48 =	vpop (erf)  }
0x26b: {  	v54 =	vor.u32 v49, v44;
	v0 =	vbroadcast v43, $0xF;
	v6 =	vmul.f32 s2, v48;
	v56 =	vpop (erf)  }
0x26c: {  	v59 =	vadd.s32 v2, v44;
	v58 =	vmul.f32 s2, v56  }
0x26d: {  	v60 =	vadd.s32 v3, v44;
	(erf) = vpow2.f32 v0;
	v34 =	vmul.f32 v6, v21  }
0x26e: {  	v26 =	vadd.s32 v4, v44;
	v63 =	vmul.f32 v58, v13  }
0x26f: {  	v1 =	vadd.s32 v16, v44;
	[tilespmem:v15+s16+$0x0] =	vst.idx.msk $0xffff, v34;
	v27 =	vmul.f32 v58, v28  }
0x270: {  	v28 =	vmul.f32 v58, v9;
	[tilespmem:v54+s16+$0x0] =	vst.idx.msk $0xffff, v63  }
0x271: {  	v30 =	vmul.f32 v58, v25;
	[tilespmem:v59+s16+$0x0] =	vst.idx.msk $0xffff, v27  }
0x272: {  	[tilespmem:v60+s16+$0x0] =	vst.idx.msk $0xffff, v28  }
0x273: {  	[tilespmem:v26+s16+$0x0] =	vst.idx.msk $0xffff, v30  }
0x274: {  	v32 =	vmul.u32 $0x50, v47;
	v29 =	vadd.s32 v2, v62;
	[tilespmem:v1+s16+$0x0] =	vst.idx.msk $0xffff, v58  }
0x275: {  	v31 =	vor.u32 v3, v62;
	v15 =	vld [tilespmem:$0x1FEE0]  }
0x276: {  	v37 =	vor.u32 v49, v32;
	v38 =	vpop (erf)  }
0x277: {  	v33 =	vadd.s32 v4, v62;
	v36 =	vmul.f32 v6, v24;
	v1 =	vmul.f32 s2, v38  }
0x278: {  	v35 =	vadd.s32 v16, v62;
	v39 =	vmul.f32 v6, v22  }
0x279: {  	[tilespmem:v29+s16+$0x0] =	vst.idx.msk $0xffff, v36;
	v44 =	vmul.f32 v1, v23  }
0x27a: {  	[tilespmem:v31+s16+$0x0] =	vst.idx.msk $0xffff, v39;
	v15 =	vmul.f32 v6, v15  }
0x27b: {  	[tilespmem:v37+s16+$0x0] =	vst.idx.msk $0xffff, v44  }
0x27c: {  	[tilespmem:v33+s16+$0x0] =	vst.idx.msk $0xffff, v15  }
0x27d: {  	[tilespmem:v35+s16+$0x0] =	vst.idx.msk $0xffff, v6  }
0x27e: {  	v40 =	vor.u32 v2, v32;
	v13 =	vld [tilespmem:$0x1FEF0]  }
0x27f: {  	v41 =	vadd.s32 v3, v32  }
0x280: {  	v43 =	vadd.s32 v4, v32  }
0x281: {  	v42 =	vmul.u32 $0x50, v45;
	v45 =	vmul.f32 v1, v19  }
0x282: {  	v48 =	vmul.f32 v1, v20  }
0x283: {  	[tilespmem:v40+s16+$0x0] =	vst.idx.msk $0xffff, v45;
	v13 =	vmul.f32 v1, v13  }
0x284: {  	[tilespmem:v41+s16+$0x0] =	vst.idx.msk $0xffff, v48  }
0x285: {  	[tilespmem:v43+s16+$0x0] =	vst.idx.msk $0xffff, v13  }
0x286: {  	v7 =	vadd.s32 v16, v32;
	v59 =	vld [tilespmem:$0x1FED0]  }
0x287: {  	v47 =	vor.u32 v49, v42  }
0x288: {  	v5 =	vmul.f32 s2, v5;
	v54 =	vor.u32 v2, v42  }
0x289: {  	v56 =	vor.u32 v3, v42  }
0x28a: {  	v57 =	vor.u32 v4, v42;
	v58 =	vmul.f32 v5, v55  }
0x28b: {  	v11 =	vadd.s32 v16, v42;
	[tilespmem:v7+s16+$0x0] =	vst.idx.msk $0xffff, v1;
	v60 =	vmul.f32 v5, v59  }
0x28c: {  	v62 =	vmul.f32 v5, v61;
	[tilespmem:v47+s16+$0x0] =	vst.idx.msk $0xffff, v58  }
.Ltmp5:
0x28d: {  	v63 =	vmul.f32 v5, v46;
	[tilespmem:v54+s16+$0x0] =	vst.idx.msk $0xffff, v60;
	(pc) =	sbr.rel @p2 .LBB2_10-.Ltmp5, $4  }
0x28e: {  	[tilespmem:v56+s16+$0x0] =	vst.idx.msk $0xffff, v62  }
0x28f: {  	[tilespmem:v57+s16+$0x0] =	vst.idx.msk $0xffff, v63  }
0x290: {  	[tilespmem:v11+s16+$0x0] =	vst.idx.msk $0xffff, v5  }
0x291: {  	[spmem:s1] =	stream.indirect.scatter.add.f32 [tilespmem:s16], [sflag:$0x6], $0x50, s5, s29, $0xb8;
	[tilespmem:$0x1D690] =	vst v63  }
0x292: {  	s2 =	rddreg [dreg:$0xc]  }
0x293: {  	s2 =	sadd.s32 s9, s2  }
0x294: {  	s2 =	sshrl.u32 s2, $0x3  }
0x295: {  	s12 =	simm.s32 $0x0;
	s28 =	sadd.s32 s6, s2  }
0x296: {  	[tilespmem:s0], [sflag:$0x7] =	stream.linear.gather [hbm4b:s28+s12], $0x80, $0x38;
	[tilespmem:$0x1D690] =	vst v63  }
0x297: {  	_ =	swait.ge [sflag:s25], $0x80  }
0x298: {  	[sflag:s25] =	ssyncset.done $0x0  }
0x299: {  	s2 =	sadd.s32 s7, s2;
	[sflag:s25] =	ssyncadd.s32 $0xFFFFFF80  }
0x29a: {  	[tilespmem:s5], [sflag:$0x7] =	stream.linear.gather [hbm4b:s2+s12], $0x80, $0x38;
	[tilespmem:$0x1D690] =	vst v63  }
0x29b: {  	_ =	swait.ge [sflag:s25], $0x80  }
.Ltmp6:
0x29c: {  	[sflag:s25] =	ssyncset.done $0x0;
	(pc) =	sbr.rel .LBB2_4-.Ltmp6, $4  }
0x29d: {  	s18 =	simm.s32 $0x0;
	[sflag:s25] =	ssyncadd.s32 $0xFFFFFF80  }
0x29e: {  	[tilespmem:s8], [sflag:$0x3] =	stream.indirect.gather [hbm4b:s3+s29], $0x40, s0, s29, $0xb8;
	[tilespmem:$0x1D690] =	vst v63  }
0x29f: {  	s21 =	sadd.s32 $0x1, s21;
	s19 =	sadd.s32 $0x100, s19;
	s20 =	sadd.s32 $0x100, s20  }
0x2a0: {  	[tilespmem:s26], [sflag:$0x4] =	stream.indirect.gather [hbm4b:s4+s29], $0x40, s5, s29, $0xb8;
	[tilespmem:$0x1D690] =	vst v63  }
.LBB2_11:
0x2a1: {  	_ =	sfence.sel $0x180000  }
0x2a2: {  	[bflag:$0x0] =	sbarrier.arrive $0xFFFF  }
0x2a3: {  	_ =	strace $0x9000004A  }
0x2a4: {  	s0 =	stileid.u32;
	[bflag:$0x2] =	sbarrier.arrive $0xFFFF  }
0x2a5: {  	p0 =	sne.s32 s0, $0x0;
	s0 =	rddreg [dreg:$0x2]  }
0x2a6: {  	s0 =	sadd.s32 @!p0 $0x100000, s0  }
0x2a7: {  	[sflag:s0] =	ssyncadd.tile.s32 @!p0 $0x1;
	_ =	shalt  }
.Lfunc_end2:
_tile_overlayer_lowered:
.L_overlay_start_2:
0x2a8: {  	(tag) =	ssettag $0x2  }
0x2a9: {  	s0 =	rddreg [dreg:$0x0];
	s2 =	stileid.u32  }
0x2aa: {  	s1 =	rddreg [dreg:$0x1];
	p0 =	sne.s32 s2, $0x0  }
0x2ab: {  	s3 =	rddreg [dreg:$0x2];
	[bflag:$0x3] =	sbarrier.arrive $0xFFFF;
	s2 =	simm.s32 @!p0 $0x1C07  }
0x2ac: {  	[timem:s3], [sflag:s2] =	dma.local @!p0 [hbm:s0], s1  }
0x2ad: {  	s0 =	simm.s32 @!p0 $0x7  }
0x2ae: {  	_ =	swait.ge @!p0 [sflag:s0], s1  }
0x2af: {  	s1 =	ssub.s32 @!p0 $0x0, s1;
	[sflag:s0] =	ssyncset.done @!p0 $0x0  }
0x2b0: {  	[sflag:s0] =	ssyncadd.s32 @!p0 s1  }
0x2b1: {  	[bflag:$0x3] =	sbarrier.arrive $0xFFFF  }
0x2b2: {  	_ =	shalt  }

// kernel: kernel.7.cloned.1.call-start
scs
__scs_entry_jumppad:
0x0: {  	(pc) =	sbr.rel $0x88, $3  }
0x1: {  	(tag) =	ssettag $0x0;
	lr =	simm.s32 $0x1  }
0x2: {  	[smem:$0x3F94] =	sst lr;
	_ =	strace $0xD0000000  }
0x3: {  	_ = 	snop  }
0x4: {  	_ = 	snop  }
0x5: {  	_ = 	snop  }
0x6: {  	_ = 	snop  }
0x7: {  	_ = 	snop  }
__scs_overlays_trampoline_lowered:
0x8: {  	[smem:$0x3FA3] =	sst s0  }
0x9: {  	[smem:$0x3FA4] =	sst s1  }
0xa: {  	[smem:$0x3FA5] =	sst s2  }
0xb: {  	[smem:$0x3FA6] =	sst s3  }
0xc: {  	[smem:$0x3FA7] =	sst s4  }
0xd: {  	[smem:$0x3FA8] =	sst s5  }
0xe: {  	[smem:$0x3FA9] =	sst s6  }
0xf: {  	[smem:$0x3FAA] =	sst s7  }
0x10: {  	[smem:$0x3FAB] =	sst s8  }
0x11: {  	[smem:$0x3FAC] =	sst s9;
	s0 =	simm.s32 @!p0 $0x0  }
0x12: {  	s1 =	sld [smem:$0x3F92];
	s0 =	simm.s32 @p0 $0x1  }
0x13: {  	[smem:$0x3FAD] =	sst s0;
	s0 =	simm.s32 @!p1 $0x0  }
0x14: {  	s2 =	sld [smem:$0x3F91];
	s0 =	simm.s32 @p1 $0x1  }
0x15: {  	[smem:$0x3FAE] =	sst s0;
	s0 =	simm.s32 @!p2 $0x0  }
0x16: {  	s3 =	sld [smem:$0x3FDB];
	s0 =	simm.s32 @p2 $0x1  }
0x17: {  	s4 =	simm.s32 $0x1BF5;
	[smem:$0x3FB0] =	sst s0  }
0x18: {  	s0 =	sld [smem:$0x3F93];
	_ =	swait.ge [sflag:s4], $0x0  }
0x19: {  	s7 =	sld [smem:$0x3F94]  }
0x1a: {  	s8 =	sadd.s32 $0xFFFFE003, lr  }
0x1b: {  	s9 =	sadd.s32 $0xFFFFFEF7, lr;
	s5 =	simm.s32 $0xFFFFFFFF;
	p2 =	slt.u32 s8, $0xFFFFF086  }
0x1c: {  	p1 =	slt.u32 s9, $0xF7A;
	s5 =	simm.s32 @!p2 $0x0  }
0x1d: {  	s5 =	simm.s32 @p1 $0x1;
	p0 =	seq.s32 s7, s2  }
0x1e: {  	s7 =	smul.u32 @!p0 $0xF7A, s2;
	p2 =	seq.s32 @!p0 s5, $0x0  }
0x1f: {  	s9 =	smul.u32 $0xF7A, s1;
	s8 =	simm.s32 @!p0 $0x1BF5;
	p2 =	por !p2, p0  }
0x20: {  	[sflag:s8] =	ssyncset.s32 @!p0 $0xFFFFF086;
	s6 =	sadd.s32 @!p0 s3, s7;
	s7 =	simm.s32 @!p0 $0x108  }
0x21: {  	s3 =	sadd.s32 s3, s9;
	s6 =	sadd.s32 @!p0 $0x88, s6;
	s7 =	simm.s32 @p2 $0x1082  }
0x22: {  	[simem:s7], [sflag:s8] =	dma.local @!p0 [hbm:s6], $0xF7A  }
0x23: {  	s9 =	sor.u32 $0xD0000000, s2;
	s6 =	simm.s32 $0x108;
	_ =	swait.ge @!p0 [sflag:s8], $0x0  }
0x24: {  	s3 =	sadd.s32 $0x88, s3;
	s6 =	simm.s32 @!p1 $0x1082;
	[sflag:s4] =	ssyncset.s32 $0xFFFFF086  }
0x25: {  	[simem:s6], [sflag:s4] =	dma.local [hbm:s3], $0xF7A  }
0x26: {  	[smem:$0x3F94] =	sst s1;
	(tag) =	ssettag s2;
	_ =	strace s9  }
0x27: {  	s1 =	sld [smem:$0x3FA4]  }
0x28: {  	s2 =	sld [smem:$0x3FA5]  }
0x29: {  	s4 =	sld [smem:$0x3FA7]  }
0x2a: {  	p0 =	seq.s32 s5, $0x0;
	s5 =	sld [smem:$0x3FA8]  }
0x2b: {  	s6 =	sld [smem:$0x3FA9]  }
0x2c: {  	s7 =	sld [smem:$0x3FAA]  }
0x2d: {  	s3 =	simm.s32 $0x108;
	s8 =	sld [smem:$0x3FAB]  }
0x2e: {  	s3 =	simm.s32 @!p0 $0x1082;
	s9 =	sld [smem:$0x3FAC]  }
0x2f: {  	lr =	sadd.s32 s0, s3;
	s0 =	sld [smem:$0x3FA3]  }
0x30: {  	s3 =	sld [smem:$0x3FA6]  }
0x31: {  	[smem:$0x3FAF] =	sst s10  }
0x32: {  	s10 =	sld [smem:$0x3FAD];
	_ =	sdelay $0x3  }
0x33: {  	p0 =	seq.s32 s10, $0x1;
	s10 =	sld [smem:$0x3FAF];
	_ =	sdelay $0x3  }
0x34: {  	[smem:$0x3FAF] =	sst s10  }
0x35: {  	s10 =	sld [smem:$0x3FAE];
	_ =	sdelay $0x3  }
0x36: {  	p1 =	seq.s32 s10, $0x1;
	s10 =	sld [smem:$0x3FAF];
	_ =	sdelay $0x3  }
0x37: {  	[smem:$0x3FAF] =	sst s10  }
0x38: {  	s10 =	sld [smem:$0x3FB0]  }
0x39: {  	_ = 	snop;
	(pc) =	sbr.ind lr, $3  }
0x3a: {  	_ = 	snop  }
0x3b: {  	_ = 	snop  }
0x3c: {  	p2 =	seq.s32 s10, $0x1;
	s10 =	sld [smem:$0x3FAF]  }
0x3d: {  	_ =	shalt  }
0x3e: {  	_ =	shalt  }
0x3f: {  	_ =	shalt  }
0x40: {  	_ =	shalt  }
0x41: {  	_ =	shalt  }
0x42: {  	_ =	shalt  }
0x43: {  	_ =	shalt  }
0x44: {  	_ =	shalt  }
0x45: {  	_ =	shalt  }
0x46: {  	_ =	shalt  }
0x47: {  	_ =	shalt  }
0x48: {  	_ =	shalt  }
0x49: {  	_ =	shalt  }
0x4a: {  	_ =	shalt  }
0x4b: {  	_ =	shalt  }
0x4c: {  	_ =	shalt  }
0x4d: {  	_ =	shalt  }
0x4e: {  	_ =	shalt  }
0x4f: {  	_ =	shalt  }
0x50: {  	_ =	shalt  }
0x51: {  	_ =	shalt  }
0x52: {  	_ =	shalt  }
0x53: {  	_ =	shalt  }
0x54: {  	_ =	shalt  }
0x55: {  	_ =	shalt  }
0x56: {  	_ =	shalt  }
0x57: {  	_ =	shalt  }
0x58: {  	_ =	shalt  }
0x59: {  	_ =	shalt  }
0x5a: {  	_ =	shalt  }
0x5b: {  	_ =	shalt  }
0x5c: {  	_ =	shalt  }
0x5d: {  	_ =	shalt  }
0x5e: {  	_ =	shalt  }
0x5f: {  	_ =	shalt  }
0x60: {  	_ =	shalt  }
0x61: {  	_ =	shalt  }
0x62: {  	_ =	shalt  }
0x63: {  	_ =	shalt  }
0x64: {  	_ =	shalt  }
0x65: {  	_ =	shalt  }
0x66: {  	_ =	shalt  }
0x67: {  	_ =	shalt  }
0x68: {  	_ =	shalt  }
0x69: {  	_ =	shalt  }
0x6a: {  	_ =	shalt  }
0x6b: {  	_ =	shalt  }
0x6c: {  	_ =	shalt  }
0x6d: {  	_ =	shalt  }
0x6e: {  	_ =	shalt  }
0x6f: {  	_ =	shalt  }
0x70: {  	_ =	shalt  }
0x71: {  	_ =	shalt  }
0x72: {  	_ =	shalt  }
0x73: {  	_ =	shalt  }
0x74: {  	_ =	shalt  }
0x75: {  	_ =	shalt  }
0x76: {  	_ =	shalt  }
0x77: {  	_ =	shalt  }
0x78: {  	_ =	shalt  }
0x79: {  	_ =	shalt  }
0x7a: {  	_ =	shalt  }
0x7b: {  	_ =	shalt  }
0x7c: {  	_ =	shalt  }
0x7d: {  	_ =	shalt  }
0x7e: {  	_ =	shalt  }
0x7f: {  	_ =	shalt  }
0x80: {  	_ =	shalt  }
0x81: {  	_ =	shalt  }
0x82: {  	_ =	shalt  }
0x83: {  	_ =	shalt  }
0x84: {  	_ =	shalt  }
0x85: {  	_ =	shalt  }
0x86: {  	_ =	shalt  }
0x87: {  	_ =	shalt  }
.Lfunc_end0:
.L_simem_size_0:
called_computation_lowered:
.L_overlay_start_0:
0x88: {  	s2 =	sld [smem:$0x3FD9]  }
0x89: {  	s3 =	sld [smem:$0x3FFE];
	_ =	sdelay $0x1  }
0x8a: {  	s1 =	srdreg.scid  }
0x8b: {  	s0 =	sand.u32 $0x1, s1  }
0x8c: {  	s17 =	sshll.u32 s0, $0xA;
	s2 =	sadd.s32 s3, s2  }
0x8d: {  	s2 =	sadd.s32 s2, s17  }
0x8e: {  	[smem:$0x3FBB] =	sst s2  }
0x8f: {  	_ = 	snop  }
0x90: {  	s2 =	sld [smem:$0x3FD0];
	(tm) =	ssettm $0x1  }
0x91: {  	s18 =	sld [smem:$0x3FFB];
	_ =	sdelay $0x3  }
0x92: {  	_ =	strace s18  }
0x93: {  	s3 =	sld [smem:$0x3FFC];
	_ =	sdelay $0x3  }
0x94: {  	_ =	strace s3  }
0x95: {  	s3 =	sld [smem:$0x3FFD];
	_ =	sdelay $0x3  }
0x96: {  	_ =	strace s3  }
0x97: {  	_ =	strace $0x8FFFFFFF  }
0x98: {  	s19 =	sld [smem:$0x3FDB];
	_ =	sdelay $0x1  }
0x99: {  	s4 =	simm.s32 $_scs_section_size  }
0x9a: {  	s5 =	simm.s32 $_size__tile_overlayer_lowered;
	s6 =	simm.s32 $_tile_overlayer_lowered  }
0x9b: {  	s22 =	simm.s32 $0x1BFF;
	s21 =	sshll.u32 s6, $0x1;
	s3 =	sadd.s32 s4, s19  }
0x9c: {  	s7 =	simm.s32 $0x0;
	s20 =	sshll.u32 s5, $0x1;
	s5 =	sadd.s32 s21, s3  }
0x9d: {  	[timem:s7], [sflag:s22] =	dma.local [hbm:s5], s20  }
0x9e: {  	_ =	swait.ge [sflag:s22], s20  }
0x9f: {  	s4 =	ssub.s32 $0x0, s20;
	[sflag:s22] =	ssyncset.done $0x0  }
0xa0: {  	[sflag:s22] =	ssyncadd.s32 s4;
	_ =	sdelay $0x1  }
0xa1: {  	s23 =	simm.s32 $0x1B8B  }
0xa2: {  	_ =	swait.ge [sflag:s23], $0x1  }
0xa3: {  	[sflag:s23] =	ssyncset.done $0x0  }
0xa4: {  	s25 =	simm.s32 $0x1B8E;
	s24 =	sld [smem:$0x3FFE];
	[sflag:s23] =	ssyncadd.s32 $0xFFFFFFFF  }
0xa5: {  	s26 =	simm.s32 $execute0_lowered;
	[smem:$0x3FD2] =	sst s25  }
0xa6: {  	s5 =	sshll.u32 s26, $0x1;
	_ =	strace $0x80000046;
	[dreg:$0x1] =	wrdreg $0xFFFFFFFF  }
0xa7: {  	s28 =	simm.s32 $_size_execute0_lowered;
	s3 =	sadd.s32 s3, s5;
	[dreg:$0x0] =	wrdreg $0x0  }
0xa8: {  	s5 =	sshll.u32 s28, $0x1;
	[dreg:$0x2] =	wrdreg s3  }
0xa9: {  	[dreg:$0x3] =	wrdreg s5  }
0xaa: {  	[dreg:$0x4] =	wrdreg $0xC0  }
0xab: {  	_ =	task [dreg:s7], $0x5FFFF  }
0xac: {  	[dreg:$0x1] =	wrdreg $0xFFFFFFFF  }
0xad: {  	[dreg:$0x0] =	wrdreg $0x60  }
0xae: {  	[dreg:$0x2] =	wrdreg s24  }
0xaf: {  	[dreg:$0x3] =	wrdreg s2  }
0xb0: {  	[dreg:$0x4] =	wrdreg $0x113400  }
0xb1: {  	[dreg:$0x5] =	wrdreg $0x9  }
0xb2: {  	_ =	task.clear_ibuf [dreg:s7], $0x6FFFF;
	_ =	strace $0x90000046  }
0xb3: {  	s29 =	simm.s32 $0x9;
	_ =	strace $0x80000048  }
0xb4: {  	_ =	swait.ge [sflag:s29], $0x1  }
0xb5: {  	[sflag:s29] =	ssyncadd.s32 $0xFFFFFFFF  }
0xb6: {  	_ =	strace $0x90000048  }
0xb7: {  	_ =	sfence  }
0xb8: {  	s30 =	sld [smem:$0x0];
	_ =	sdelay $0x2  }
0xb9: {  	s31 =	sshll.u32 s1, $0xD;
	s1 =	sshrl.u32 s1, $0x2  }
0xba: {  	s3 =	sand.u32 $0x4000, s31;
	s1 =	sadd.s32 s1, s30  }
0xbb: {  	s0 =	sor.u32 s3, s0;
	s1 =	sshll.u32 s1, $0x11  }
0xbc: {  	s0 =	sor.u32 s1, s0  }
0xbd: {  	s0 =	sadd.s32 $0x8F2B, s0  }
0xbe: {  	[sflag:s0] =	ssyncadd.remote.s32 $0x1  }
0xbf: {  	_ =	sfence.sel $0xFFFF  }
0xc0: {  	[dreg:$0x0] =	wrdreg $0xFFFFFFFF;
	(pc) =	sbr.abs _section_cstart, $3  }
0xc1: {  	[dreg:$0x1] =	wrdreg $0xFFFFFFFF  }
0xc2: {  	_ =	task.clear_ibuf [dreg:s7], $0x2FFFF;
	_ =	strace $0x9FFFFFFF  }
0xc3: {  	(tm) =	ssettm $0x7FFFFFFF  }
tec
execute0_lowered:
.L_overlay_start_1:
0x0: {  	(tag) =	ssettag $0x1  }
0x1: {  	s0 =	rddreg [dreg:$0x0]  }
0x2: {  	s2 =	rddreg [dreg:$0x2]  }
0x3: {  	s1 =	simm.s32 $0x0;
	s18 =	simm.s32 $0x0;
	s13 =	srdreg.scid  }
0x4: {  	s3 =	stileid.u32;
	s29 =	simm.s32 $0x80;
	s30 =	simm.s32 $0x240  }
0x5: {  	s31 =	simm.s32 $0x2240;
	[smem:$0x7FF] =	sst s1;
	s4 =	sadd.s32 $0x29C00, s0  }
0x6: {  	s6 =	sadd.s32 $0x16200, s0;
	s7 =	sadd.s32 $0xBE00, s0;
	s8 =	sadd.s32 $0x1A00, s0  }
0x7: {  	s1 =	sand.u32 $0x1, s13;
	s5 =	sshll.u32 s3, $0x1;
	s9 =	smul.u32 $0x30C00, s3  }
0x8: {  	s11 =	smul.u32 $0xC300, s3;
	s0 =	sadd.s32 $0x3D600, s0;
	s20 =	sadd.s32 $0xC3000, s2  }
0x9: {  	s23 =	smul.u32 $0x5200, s3;
	p0 =	sne.s32 s3, $0xF;
	_ =	strace $0x80000047  }
0xa: {  	s10 =	ssub.s32 $0x2, s1;
	s5 =	sor.u32 s1, s5;
	s22 =	smul.u32 $0xC3500, s1  }
0xb: {  	s1 =	smul.u32 $0x2900, s1;
	[dreg:$0x7] =	wrdreg s20;
	s12 =	sshrl.u32 s10, $0x1  }
0xc: {  	s9 =	sshrl.u32 s9, $0x2;
	s5 =	smul.u32 $0x2900, s5;
	s19 =	sadd.s32 s11, s2  }
0xd: {  	s10 =	ssub.s32 s10, s12;
	s9 =	sadd.s32 s9, s2;
	s11 =	sadd.s32 s11, s22  }
0xe: {  	s25 =	sshrl.u32 s22, $0x3;
	s1 =	sadd.s32 s1, s23;
	s12 =	simm.s32 $0x0  }
0xf: {  	[dreg:$0x4] =	wrdreg s19;
	s14 =	sadd.s32 $0x4100, s9;
	s15 =	sshrl.u32 s5, $0x3  }
0x10: {  	s9 =	sadd.s32 $0x8200, s9;
	s24 =	sshrl.u32 s11, $0x3;
	[dreg:$0xe] =	wrdreg s1  }
0x11: {  	s26 =	smax.u32 s10, $0x1;
	s28 =	sor.u32 $0x80, s1;
	[dreg:$0x5] =	wrdreg s14  }
0x12: {  	s1 =	simm.s32 $0x1C0;
	s10 =	simm.s32 $0x1;
	[dreg:$0x6] =	wrdreg s9  }
0x13: {  	s11 =	simm.s32 $0x2;
	s16 =	sadd.s32 s7, s15;
	[dreg:$0x10] =	wrdreg s26  }
0x14: {  	s17 =	sadd.s32 s8, s15;
	s21 =	sor.u32 $0x10, s15;
	[dreg:$0x11] =	wrdreg s28  }
0x15: {  	s26 =	simm.s32 $0x6240;
	s14 =	simm.s32 $0x3;
	[dreg:$0x8] =	wrdreg s16  }
0x16: {  	s15 =	simm.s32 $0x4;
	[dreg:$0x9] =	wrdreg s17;
	s13 =	sadd.s32 s7, s21  }
0x17: {  	v49 =	vlaneseq.u32;
	s9 =	sadd.s32 s8, s21;
	s17 =	sadd.s32 $0x100, s5;
	[dreg:$0xa] =	wrdreg s13  }
.Ltmp0:
0x18: {  	v1 =	vor.u32 $0x10, v49;
	s5 =	sadd.s32 $0x180, s5;
	[dreg:$0xb] =	wrdreg s9;
	(pc) =	sbr.rel .LBB2_1-.Ltmp0, $4  }
0x19: {  	v16 =	vor.u32 $0x40, v49;
	[tilespmem:$0x1FFC0] =	vst v1;
	s16 =	simm.s32 $0xAA40;
	[dreg:$0xc] =	wrdreg s5;
	s5 =	sadd.s32 s0, s24  }
0x1a: {  	v1 =	vor.u32 $0x20, v49;
	[tilespmem:$0x1FFF0] =	vst v16;
	s0 =	sadd.s32 s0, s25;
	s24 =	simm.s32 $0xD240;
	s25 =	simm.s32 $0x7  }
0x1b: {  	[tilespmem:$0x1FFD0] =	vst v1;
	v1 =	vor.u32 $0x30, v49;
	s13 =	simm.s32 $0x8240;
	[dreg:$0xd] =	wrdreg s5;
	s0 =	sadd.s32 $0x18600, s0  }
0x1c: {  	v0 =	vimm.f32 $0.0e+00;
	[tilespmem:$0x1FFE0] =	vst v1;
	s5 =	simm.s32 $0x4240;
	[dreg:$0xf] =	wrdreg s0;
	s0 =	simm.s32 $0x140  }
.LBB2_10:
0x1d: {  	s3 =	simm.s32 $0x5  }
0x1e: {  	_ =	swait.ge [sflag:s3], $0x2800  }
0x1f: {  	[sflag:s3] =	ssyncset.done $0x0  }
0x20: {  	s21 =	simm.s32 $0x6;
	[sflag:s3] =	ssyncadd.s32 $0xFFFFD800  }
0x21: {  	_ =	swait.ge [sflag:s21], $0x2800  }
0x22: {  	[sflag:s21] =	ssyncset.done $0x0  }
0x23: {  	[sflag:s21] =	ssyncadd.s32 $0xFFFFD800  }
0x24: {  	s22 =	stileid.u32;
	[bflag:$0x0] =	sbarrier.arrive $0xFFFF  }
0x25: {  	s3 =	sshll.u32 s22, $0x6;
	s19 =	rddreg [dreg:$0x4]  }
0x26: {  	s3 =	sor.u32 $0x1C07, s3;
	s12 =	rddreg [dreg:$0xd];
	s9 =	sshrl.u32 s19, $0x3  }
0x27: {  	[hbm:s12], [sflag:s3] =	dma.local [spmem:s9], $0x1860  }
0x28: {  	_ =	swait.ge [sflag:s25], $0x1860  }
0x29: {  	[sflag:s25] =	ssyncset.done $0x0;
	s20 =	rddreg [dreg:$0x7]  }
0x2a: {  	s12 =	rddreg [dreg:$0xf];
	[sflag:s25] =	ssyncadd.s32 $0xFFFFE7A0;
	s9 =	sshrl.u32 @!p0 s20, $0x3  }
0x2b: {  	[hbm:s12], [sflag:s3] =	dma.local @!p0 [spmem:s9], $0xA0  }
0x2c: {  	s3 =	simm.s32 @!p0 $0x7  }
0x2d: {  	_ =	swait.ge @!p0 [sflag:s3], $0xA0  }
0x2e: {  	s23 =	rddreg [dreg:$0x12]  }
0x2f: {  	s28 =	rddreg [dreg:$0x10];
	s12 =	sadd.s32 $0x1, s23  }
0x30: {  	p1 =	sne.s32 s12, s28  }
.Ltmp1:
0x31: {  	_ = 	snop;
	(pc) =	sbr.rel @!p1 .LBB2_11-.Ltmp1, $3  }
0x32: {  	_ =	sdelay $0x1  }
0x33: {  	[sflag:s3] =	ssyncset.done @!p0 $0x0  }
0x34: {  	v0 =	vimm.f32 $0.0e+00;
	[sflag:s3] =	ssyncadd.s32 @!p0 $0xFFFFFF60  }
.LBB2_1:
0x35: {  	v6 =	vmov s18;
	v1 =	vld [tilespmem:$0x1FFC0]  }
0x36: {  	v6 =	vmul.u32 $0x50, v6;
	_ =	sdelay $0x1  }
0x37: {  	v7 =	vbroadcast v6, $0x0;
	_ =	sdelay $0x1  }
0x38: {  	v11 =	vadd.s32 v1, v7;
	v1 =	vld [tilespmem:$0x1FFD0];
	_ =	sdelay $0x3  }
0x39: {  	s9 =	simm.s32 $0x1;
	v10 =	vor.u32 v49, v7  }
0x3a: {  	v6 =	vmov s9;
	v8 =	vadd.s32 v1, v7;
	v1 =	vld [tilespmem:$0x1FFE0]  }
0x3b: {  	v6 =	vmul.u32 $0x50, v6;
	_ =	sdelay $0x1  }
0x3c: {  	v6 =	vbroadcast v6, $0x0  }
0x3d: {  	[tilespmem:v10+s24+$0x0] =	vst.idx.msk $0xffff, v0  }
0x3e: {  	[dreg:$0x12] =	wrdreg s12;
	s9 =	simm.s32 $0x2;
	v10 =	vadd.s32 v16, v7;
	v9 =	vadd.s32 v1, v7;
	v7 =	vor.u32 v49, v6  }
.LBB2_2:
0x3f: {  	v1 =	vld [tilespmem:$0x1FFC0];
	_ =	sdelay $0x4  }
0x40: {  	[tilespmem:v11+s24+$0x0] =	vst.idx.msk $0xffff, v0;
	v11 =	vadd.s32 v1, v6;
	v1 =	vld [tilespmem:$0x1FFD0];
	_ =	sdelay $0x4  }
0x41: {  	v12 =	vmov s9;
	p1 =	sne.s32 s9, $0xCF;
	[tilespmem:v8+s24+$0x0] =	vst.idx.msk $0xffff, v0;
	v8 =	vadd.s32 v1, v6;
	v1 =	vld [tilespmem:$0x1FFE0]  }
.Ltmp2:
0x42: {  	v12 =	vmul.u32 $0x50, v12;
	(pc) =	sbr.rel @p1 .LBB2_2-.Ltmp2, $4  }
0x43: {  	_ = 	snop  }
0x44: {  	[tilespmem:v9+s24+$0x0] =	vst.idx.msk $0xffff, v0;
	v12 =	vbroadcast v12, $0x0  }
0x45: {  	[tilespmem:v10+s24+$0x0] =	vst.idx.msk $0xffff, v0;
	v10 =	vadd.s32 v16, v6  }
0x46: {  	s9 =	sadd.s32 $0x1, s9;
	[tilespmem:v7+s24+$0x0] =	vst.idx.msk $0xffff, v0;
	v7 =	vor.u32 v49, v12;
	v9 =	vadd.s32 v1, v6;
	v6 =	vmov v12  }
0x47: {  	v1 =	vld [tilespmem:$0x1FFC0]  }
0x48: {  	v59 =	vld [tilespmem:$0x1FFD0]  }
0x49: {  	v61 =	vld [tilespmem:$0x1FFE0];
	_ =	sdelay $0x2  }
0x4a: {  	[tilespmem:v11+s24+$0x0] =	vst.idx.msk $0xffff, v0;
	v58 =	vadd.s32 v1, v6  }
0x4b: {  	[tilespmem:v8+s24+$0x0] =	vst.idx.msk $0xffff, v0;
	v60 =	vadd.s32 v59, v6  }
0x4c: {  	[tilespmem:v9+s24+$0x0] =	vst.idx.msk $0xffff, v0;
	v62 =	vadd.s32 v61, v6  }
0x4d: {  	v63 =	vadd.s32 v16, v6;
	[tilespmem:v10+s24+$0x0] =	vst.idx.msk $0xffff, v0  }
0x4e: {  	[tilespmem:v7+s24+$0x0] =	vst.idx.msk $0xffff, v0  }
0x4f: {  	[tilespmem:v58+s24+$0x0] =	vst.idx.msk $0xffff, v0  }
0x50: {  	[tilespmem:v60+s24+$0x0] =	vst.idx.msk $0xffff, v0  }
0x51: {  	[tilespmem:v62+s24+$0x0] =	vst.idx.msk $0xffff, v0  }
0x52: {  	[tilespmem:v63+s24+$0x0] =	vst.idx.msk $0xffff, v0  }
0x53: {  	[spmem:s19] =	stream.linear.scatter [tilespmem:s24], [sflag:$0x7], $0x4100, $0x38;
	[tilespmem:$0x1D690] =	vst v63  }
0x54: {  	_ =	swait.ge [sflag:s25], $0x4100  }
0x55: {  	[sflag:s25] =	ssyncset.done $0x0  }
0x56: {  	s3 =	rddreg [dreg:$0x5];
	[sflag:s25] =	ssyncadd.s32 $0xFFFFBF00  }
0x57: {  	[spmem:s3] =	stream.linear.scatter [tilespmem:s24], [sflag:$0x7], $0x4100, $0x38;
	[tilespmem:$0x1D690] =	vst v63  }
0x58: {  	_ =	swait.ge [sflag:s25], $0x4100  }
0x59: {  	[sflag:s25] =	ssyncset.done $0x0  }
0x5a: {  	s9 =	rddreg [dreg:$0x6];
	[sflag:s25] =	ssyncadd.s32 $0xFFFFBF00  }
0x5b: {  	[spmem:s9] =	stream.linear.scatter [tilespmem:s24], [sflag:$0x7], $0x4100, $0x38;
	[tilespmem:$0x1D690] =	vst v63  }
0x5c: {  	_ =	swait.ge [sflag:s25], $0x4100  }
0x5d: {  	[sflag:s25] =	ssyncset.done $0x0  }
0x5e: {  	s9 =	simm.s32 @!p0 $0xD240;
	[sflag:s25] =	ssyncadd.s32 $0xFFFFBF00  }
0x5f: {  	[spmem:s20] =	stream.linear.scatter @!p0 [tilespmem:s9], [sflag:$0x7], $0x500, $0x38;
	[tilespmem:$0x1D690] =	vst v63  }
0x60: {  	s9 =	simm.s32 @!p0 $0x7  }
0x61: {  	_ =	swait.ge @!p0 [sflag:s9], $0x500  }
0x62: {  	[sflag:s9] =	ssyncset.done @!p0 $0x0  }
0x63: {  	[sflag:s9] =	ssyncadd.s32 @!p0 $0xFFFFFB00  }
0x64: {  	[bflag:$0x0] =	sbarrier.arrive $0xFFFF  }
0x65: {  	s19 =	simm.s32 $0x0;
	s12 =	rddreg [dreg:$0x1]  }
0x66: {  	[tilespmem:s19], [sflag:$0x7] =	stream.linear.gather [hbm4b:s12+s19], $0x40, $0x38;
	[tilespmem:$0x1D690] =	vst v63  }
0x67: {  	_ =	swait.ge [sflag:s25], $0x40  }
0x68: {  	[sflag:s25] =	ssyncset.done $0x0  }
0x69: {  	[sflag:s25] =	ssyncadd.s32 $0xFFFFFFC0  }
0x6a: {  	v50 =	vld [tilespmem:$0x0]  }
0x6b: {  	v51 =	vld [tilespmem:$0x10]  }
0x6c: {  	s21 =	simm.s32 $0x40;
	s20 =	rddreg [dreg:$0x8];
	v52 =	vld [tilespmem:$0x20]  }
0x6d: {  	v53 =	vld [tilespmem:$0x30];
	[tilespmem:s21], [sflag:$0x7] =	stream.linear.gather [hbm4b:s20+s19], $0x80, $0x38  }
0x6e: {  	_ =	swait.ge [sflag:s25], $0x80  }
0x6f: {  	[sflag:s25] =	ssyncset.done $0x0  }
0x70: {  	s12 =	simm.s32 $0xC0;
	s22 =	rddreg [dreg:$0x9];
	[sflag:s25] =	ssyncadd.s32 $0xFFFFFF80  }
0x71: {  	[tilespmem:s12], [sflag:$0x7] =	stream.linear.gather [hbm4b:s22+s19], $0x80, $0x38;
	[tilespmem:$0x1D690] =	vst v63  }
0x72: {  	_ =	swait.ge [sflag:s25], $0x80  }
0x73: {  	[sflag:s25] =	ssyncset.done $0x0  }
0x74: {  	[sflag:s25] =	ssyncadd.s32 $0xFFFFFF80  }
0x75: {  	[tilespmem:s30], [sflag:$0x1] =	stream.indirect.gather [hbm4b:s4+s29], $0x40, s21, s29, $0xb8;
	[tilespmem:$0x1D690] =	vst v63  }
0x76: {  	_ = 	snop  }
0x77: {  	[tilespmem:s31], [sflag:$0x2] =	stream.indirect.gather [hbm4b:s6+s29], $0x40, s12, s29, $0xb8;
	[tilespmem:$0x1D690] =	vst v63  }
0x78: {  	s23 =	rddreg [dreg:$0xa]  }
0x79: {  	[tilespmem:s0], [sflag:$0x7] =	stream.linear.gather [hbm4b:s23+s19], $0x80, $0x38;
	[tilespmem:$0x1D690] =	vst v63  }
0x7a: {  	_ =	swait.ge [sflag:s25], $0x80  }
0x7b: {  	[sflag:s25] =	ssyncset.done $0x0  }
0x7c: {  	s28 =	rddreg [dreg:$0xb];
	[sflag:s25] =	ssyncadd.s32 $0xFFFFFF80  }
0x7d: {  	[tilespmem:s1], [sflag:$0x7] =	stream.linear.gather [hbm4b:s28+s19], $0x80, $0x38;
	[tilespmem:$0x1D690] =	vst v63  }
0x7e: {  	_ =	swait.ge [sflag:s25], $0x80  }
0x7f: {  	[tilespmem:$0x1FF80] =	vst v50  }
0x80: {  	[sflag:s25] =	ssyncset.done $0x0;
	[tilespmem:$0x1FF90] =	vst v51  }
0x81: {  	s20 =	rddreg [dreg:$0x11];
	[tilespmem:$0x1FFA0] =	vst v52;
	[sflag:s25] =	ssyncadd.s32 $0xFFFFFF80  }
0x82: {  	[tilespmem:s5], [sflag:$0x3] =	stream.indirect.gather [hbm4b:s4+s29], $0x40, s0, s29, $0xb8;
	[tilespmem:$0x1D690] =	vst v63  }
0x83: {  	s21 =	simm.s32 $0x0;
	s19 =	rddreg [dreg:$0xe];
	[tilespmem:$0x1FFB0] =	vst v53  }
0x84: {  	[tilespmem:s26], [sflag:$0x4] =	stream.indirect.gather [hbm4b:s6+s29], $0x40, s1, s29, $0xb8;
	[tilespmem:$0x1D690] =	vst v63  }
.LBB2_4:
0x85: {  	_ =	swait.ge [sflag:s10], $0x2000  }
0x86: {  	[sflag:s10] =	ssyncset.done $0x0  }
0x87: {  	s3 =	simm.s32 $0x0;
	[sflag:s10] =	ssyncadd.s32 $0xFFFFE000  }
0x88: {  	v18 =	vmov s3;
	_ =	swait.ge [sflag:s11], $0x2000  }
0x89: {  	s22 =	simm.s32 $0x1;
	v11 =	vshll.u32 v18, $0x6;
	v4 =	vld [tilespmem:$0x1FFE0]  }
0x8a: {  	p1 =	seq.s32 s21, $0x0;
	v54 =	vmov s22;
	v16 =	vor.u32 v49, v11;
	[sflag:s11] =	ssyncset.done $0x0  }
0x8b: {  	s9 =	simm.s32 @!p1 $0x5;
	v19 =	vshll.u32 v54, $0x6;
	[sflag:s11] =	ssyncadd.s32 $0xFFFFE000  }
0x8c: {  	v33 =	vor.u32 v49, v19;
	_ =	swait.ge @!p1 [sflag:s9], $0x2800  }
0x8d: {  	v3 =	vld [tilespmem:$0x1FFD0];
	[sflag:s9] =	ssyncset.done @!p1 $0x0  }
0x8e: {  	v2 =	vld [tilespmem:$0x1FFC0];
	[sflag:s9] =	ssyncadd.s32 @!p1 $0xFFFFD800;
	v12 =	vor.u32 v4, v11  }
0x8f: {  	s23 =	simm.s32 $0x2;
	v58 =	vld.idx.msk [tilespmem:v16+s30+$0x0], $0xffff  }
0x90: {  	v55 =	vmov s23;
	v63 =	vor.u32 v4, v19;
	v28 =	vld.idx.msk [tilespmem:v16+s31+$0x0], $0xffff  }
0x91: {  	v21 =	vshll.u32 v55, $0x6;
	v6 =	vld.idx.msk [tilespmem:v33+s30+$0x0], $0xffff  }
0x92: {  	v20 =	vor.u32 v4, v21;
	v33 =	vld.idx.msk [tilespmem:v33+s31+$0x0], $0xffff  }
0x93: {  	v57 =	vld.idx.msk [tilespmem:v12+s30+$0x0], $0xffff  }
0x94: {  	v14 =	vor.u32 v3, v11;
	v25 =	vld.idx.msk [tilespmem:v12+s31+$0x0], $0xffff  }
0x95: {  	v5 =	vld.idx.msk [tilespmem:v63+s30+$0x0], $0xffff  }
0x96: {  	v15 =	vor.u32 v2, v11;
	v29 =	vld.idx.msk [tilespmem:v63+s31+$0x0], $0xffff  }
0x97: {  	v1 =	vld.idx.msk [tilespmem:v20+s30+$0x0], $0xffff  }
0x98: {  	v23 =	vor.u32 v3, v19;
	v30 =	vld.idx.msk [tilespmem:v20+s31+$0x0], $0xffff  }
0x99: {  	v17 =	vld.idx.msk [tilespmem:v14+s30+$0x0], $0xffff  }
0x9a: {  	v24 =	vor.u32 v3, v21;
	v26 =	vld.idx.msk [tilespmem:v14+s31+$0x0], $0xffff  }
0x9b: {  	v0 =	vld.idx.msk [tilespmem:v15+s30+$0x0], $0xffff  }
0x9c: {  	v31 =	vor.u32 v2, v19;
	v28 =	vadd.f32 v28, v58;
	v27 =	vld.idx.msk [tilespmem:v15+s31+$0x0], $0xffff  }
0x9d: {  	v33 =	vadd.f32 v33, v6;
	v59 =	vld.idx.msk [tilespmem:v23+s30+$0x0], $0xffff  }
0x9e: {  	v40 =	vmax.f32 v28, $0.0e+00;
	v28 =	vmin.f32 v28, $0.0e+00;
	v32 =	vld.idx.msk [tilespmem:v23+s31+$0x0], $0xffff  }
0x9f: {  	v47 =	vmax.f32 v33, $0.0e+00;
	v33 =	vmin.f32 v33, $0.0e+00;
	v23 =	vor.u32 v2, v21;
	v20 =	vld.idx.msk [tilespmem:v24+s30+$0x0], $0xffff  }
0xa0: {  	v34 =	vld.idx.msk [tilespmem:v24+s31+$0x0], $0xffff;
	v28 =	vmul.f32 $2.000000030e-01, v28;
	v33 =	vmul.f32 $2.000000030e-01, v33;
	v25 =	vadd.f32 v25, v57  }
0xa1: {  	v22 =	vld.idx.msk [tilespmem:v31+s30+$0x0], $0xffff;
	v29 =	vadd.f32 v29, v5;
	v30 =	vadd.f32 v30, v1  }
0xa2: {  	v35 =	vor.u32 v49, v21;
	v31 =	vld.idx.msk [tilespmem:v31+s31+$0x0], $0xffff;
	v28 =	vadd.f32 v28, v40;
	v33 =	vadd.f32 v33, v47  }
0xa3: {  	v37 =	vmax.f32 v25, $0.0e+00;
	v25 =	vmin.f32 v25, $0.0e+00;
	v41 =	vmax.f32 v29, $0.0e+00  }
0xa4: {  	v42 =	vmax.f32 v30, $0.0e+00;
	v29 =	vmin.f32 v29, $0.0e+00;
	v30 =	vmin.f32 v30, $0.0e+00  }
0xa5: {  	v47 =	vshrl.u32 v33, $0x10;
	v21 =	vld.idx.msk [tilespmem:v23+s30+$0x0], $0xffff;
	v26 =	vadd.f32 v26, v17;
	v27 =	vadd.f32 v27, v0  }
0xa6: {  	v36 =	vld.idx.msk [tilespmem:v23+s31+$0x0], $0xffff;
	v32 =	vadd.f32 v32, v59;
	v34 =	vadd.f32 v34, v20;
	v25 =	vmul.f32 $2.000000030e-01, v25  }
0xa7: {  	v23 =	vld.idx.msk [tilespmem:v35+s30+$0x0], $0xffff;
	v31 =	vadd.f32 v31, v22;
	v29 =	vmul.f32 $2.000000030e-01, v29;
	v30 =	vmul.f32 $2.000000030e-01, v30  }
0xa8: {  	v35 =	vld.idx.msk [tilespmem:v35+s31+$0x0], $0xffff;
	[tilespmem:$0x1FF50] =	vst v5;
	v5 =	vshrl.u32 v28, $0x10;
	v56 =	vand.u32 $0x1, v47;
	v38 =	vmax.f32 v27, $0.0e+00  }
0xa9: {  	v39 =	vmax.f32 v26, $0.0e+00;
	v27 =	vmin.f32 v27, $0.0e+00;
	v26 =	vmin.f32 v26, $0.0e+00  }
0xaa: {  	v43 =	vmax.f32 v32, $0.0e+00;
	v44 =	vmax.f32 v34, $0.0e+00;
	v45 =	vmax.f32 v31, $0.0e+00  }
0xab: {  	v32 =	vmin.f32 v32, $0.0e+00;
	v34 =	vmin.f32 v34, $0.0e+00;
	v31 =	vmin.f32 v31, $0.0e+00  }
0xac: {  	v25 =	vadd.f32 v25, v37;
	v29 =	vadd.f32 v29, v41;
	v26 =	vmul.f32 $2.000000030e-01, v26  }
0xad: {  	v30 =	vadd.f32 v30, v42;
	v27 =	vmul.f32 $2.000000030e-01, v27;
	v32 =	vmul.f32 $2.000000030e-01, v32  }
0xae: {  	v37 =	vand.u32 $0x1, v5;
	v34 =	vmul.f32 $2.000000030e-01, v34;
	v31 =	vmul.f32 $2.000000030e-01, v31  }
0xaf: {  	[tilespmem:$0x1FF60] =	vst v1;
	v28 =	vadd.s32 v37, v28;
	v1 =	vshrl.u32 v25, $0x10;
	v36 =	vadd.f32 v36, v21  }
0xb0: {  	v41 =	vshrl.u32 v29, $0x10;
	v35 =	vadd.f32 v35, v23;
	v26 =	vadd.f32 v26, v39  }
0xb1: {  	v42 =	vshrl.u32 v30, $0x10;
	v27 =	vadd.f32 v27, v38;
	v32 =	vadd.f32 v32, v43  }
0xb2: {  	v34 =	vadd.f32 v34, v44;
	v31 =	vadd.f32 v31, v45;
	v38 =	vand.u32 $0x1, v1  }
0xb3: {  	v9 =	vand.u32 $0x1, v41;
	v10 =	vand.u32 $0x1, v42;
	v25 =	vadd.s32 v38, v25  }
0xb4: {  	v29 =	vadd.s32 v9, v29;
	v41 =	vadd.s32 v10, v30;
	v38 =	vadd.s32 $0x7FFF, v28  }
0xb5: {  	v46 =	vmax.f32 v36, $0.0e+00;
	v36 =	vmin.f32 v36, $0.0e+00;
	v48 =	vmin.f32 v35, $0.0e+00  }
0xb6: {  	[tilespmem:$0x1FF70] =	vst v6;
	v35 =	vmax.f32 v35, $0.0e+00;
	v6 =	vshrl.u32 v27, $0x10;
	v7 =	vshrl.u32 v26, $0x10  }
0xb7: {  	v43 =	vshrl.u32 v32, $0x10;
	v44 =	vshrl.u32 v34, $0x10;
	v45 =	vshrl.u32 v31, $0x10  }
0xb8: {  	v25 =	vadd.s32 $0x7FFF, v25;
	v37 =	vadd.s32 $0x7FFF, v29;
	v41 =	vadd.s32 $0x7FFF, v41  }
0xb9: {  	[tilespmem:$0x1FF40] =	vst v0;
	v36 =	vmul.f32 $2.000000030e-01, v36;
	v0 =	vmul.f32 $2.000000030e-01, v48;
	v40 =	vand.u32 $0x1, v7  }
0xba: {  	v39 =	vand.u32 $0x1, v6;
	v11 =	vand.u32 $0x1, v43;
	v12 =	vand.u32 $0x1, v44  }
0xbb: {  	v13 =	vand.u32 $0x1, v45;
	v26 =	vadd.s32 v40, v26;
	v27 =	vadd.s32 v39, v27  }
0xbc: {  	s28 =	simm.s32 $0x3;
	v32 =	vadd.s32 v11, v32;
	v34 =	vadd.s32 v12, v34;
	v31 =	vadd.s32 v13, v31  }
0xbd: {  	v39 =	vadd.s32 v56, v33;
	v61 =	vadd.s32 $0x7FFF, v26;
	v26 =	vmov s28  }
0xbe: {  	v36 =	vadd.f32 v36, v46;
	v35 =	vadd.f32 v0, v35;
	v63 =	vshll.u32 v26, $0x6  }
0xbf: {  	v62 =	vadd.s32 $0x7FFF, v27;
	v42 =	vadd.s32 $0x7FFF, v32;
	v27 =	vor.u32 v4, v63  }
0xc0: {  	v34 =	vadd.s32 $0x7FFF, v34;
	v33 =	vadd.s32 $0x7FFF, v31;
	v28 =	vand.u32 $0xFFFF0000, v61  }
0xc1: {  	v46 =	vshrl.u32 v36, $0x10;
	v8 =	vshrl.u32 v35, $0x10;
	v30 =	vor.u32 v3, v63  }
0xc2: {  	v29 =	vor.u32 v49, v63;
	v14 =	vand.u32 $0x1, v46;
	v60 =	vand.u32 $0x1, v8  }
0xc3: {  	v32 =	vor.u32 v2, v63;
	v43 =	vadd.s32 v14, v36;
	v40 =	vadd.s32 v60, v35  }
0xc4: {  	s12 =	simm.s32 $0x0;
	s22 =	simm.s32 $0x4;
	s9 =	sshll.u32 s21, $0x8;
	v36 =	vand.u32 $0xFFFF0000, v25;
	v35 =	vand.u32 $0xFFFF0000, v62;
	v31 =	vadd.s32 $0x7FFF, v43;
	v25 =	vld.idx.msk [tilespmem:v27+s30+$0x0], $0xffff  }
.LBB2_5:
0xc5: {  	_ = 	snop  }
0xc6: {  	v38 =	vand.u32 $0xFFFF0000, v38;
	v39 =	vadd.s32 $0x7FFF, v39;
	v40 =	vadd.s32 $0x7FFF, v40;
	v43 =	vld.idx.msk [tilespmem:v27+s31+$0x0], $0xffff  }
0xc7: {  	v37 =	vand.u32 $0xFFFF0000, v37;
	v41 =	vand.u32 $0xFFFF0000, v41;
	v27 =	vld.idx.msk [tilespmem:v30+s30+$0x0], $0xffff;
	v42 =	vand.u32 $0xFFFF0000, v42  }
0xc8: {  	v34 =	vand.u32 $0xFFFF0000, v34;
	v33 =	vand.u32 $0xFFFF0000, v33;
	v30 =	vld.idx.msk [tilespmem:v30+s31+$0x0], $0xffff;
	v36 =	vmul.f32 v36, v53  }
0xc9: {  	v45 =	vld.idx.msk [tilespmem:v29+s31+$0x0], $0xffff;
	v39 =	vand.u32 $0xFFFF0000, v39;
	v38 =	vmul.f32 v38, v50;
	v44 =	vmul.f32 v28, v52  }
0xca: {  	v40 =	vand.u32 $0xFFFF0000, v40;
	v28 =	vld.idx.msk [tilespmem:v29+s30+$0x0], $0xffff;
	v35 =	vmul.f32 v35, v51;
	v39 =	vmul.f32 v39, v50  }
0xcb: {  	v31 =	vand.u32 $0xFFFF0000, v31;
	v63 =	vld.idx.msk [tilespmem:v32+s31+$0x0], $0xffff;
	v40 =	vmul.f32 v40, v50;
	v33 =	vmul.f32 v33, v51  }
0xcc: {  	v29 =	vld.idx.msk [tilespmem:v32+s30+$0x0], $0xffff;
	v37 =	vmul.f32 v37, v53;
	v31 =	vmul.f32 v31, v51;
	v38 =	vadd.f32 $0.0e+00, v38  }
0xcd: {  	v2 =	vmul.f32 v42, v52;
	v6 =	vadd.f32 v43, v25;
	v30 =	vadd.f32 v30, v27  }
0xce: {  	v3 =	vmul.f32 v41, v53;
	v0 =	vadd.f32 $0.0e+00, v39;
	v35 =	vadd.f32 v35, v38  }
0xcf: {  	v34 =	vmul.f32 v34, v52;
	v1 =	vadd.f32 $0.0e+00, v40;
	v4 =	vadd.f32 v45, v28  }
0xd0: {  	v9 =	vmax.f32 v6, $0.0e+00;
	v11 =	vmin.f32 v30, $0.0e+00;
	v35 =	vadd.f32 v44, v35  }
0xd1: {  	v30 =	vmax.f32 v30, $0.0e+00;
	v32 =	vadd.f32 v63, v29;
	v5 =	vmin.f32 v4, $0.0e+00  }
0xd2: {  	v33 =	vadd.f32 v33, v0;
	v35 =	vadd.f32 v36, v35;
	v36 =	vmul.f32 $2.000000030e-01, v5  }
0xd3: {  	v31 =	vadd.f32 v31, v1;
	v7 =	vmax.f32 v4, $0.0e+00;
	v8 =	vmin.f32 v32, $0.0e+00  }
0xd4: {  	v38 =	vmin.f32 v6, $0.0e+00;
	v10 =	vmul.f32 $2.000000030e-01, v8;
	v36 =	vadd.f32 v36, v7  }
0xd5: {  	v13 =	vmul.f32 $2.000000030e-01, v11;
	v38 =	vmul.f32 $2.000000030e-01, v38;
	v32 =	vmax.f32 v32, $0.0e+00  }
0xd6: {  	v33 =	vadd.f32 v2, v33;
	v32 =	vadd.f32 v10, v32;
	v12 =	vshrl.u32 v36, $0x10  }
0xd7: {  	v30 =	vadd.f32 v13, v30;
	v38 =	vadd.f32 v38, v9;
	v14 =	vand.u32 $0x1, v12  }
0xd8: {  	v33 =	vadd.f32 v37, v33;
	v44 =	vshrl.u32 v32, $0x10;
	v36 =	vadd.s32 v14, v36  }
0xd9: {  	v47 =	vshrl.u32 v30, $0x10;
	v45 =	vand.u32 $0x1, v44;
	v36 =	vadd.s32 $0x7FFF, v36  }
0xda: {  	v46 =	vshrl.u32 v38, $0x10;
	v32 =	vadd.s32 v45, v32;
	v36 =	vand.u32 $0xFFFF0000, v36  }
0xdb: {  	v37 =	vand.u32 $0x1, v47;
	v32 =	vadd.s32 $0x7FFF, v32;
	v36 =	vmul.f32 v36, v50  }
0xdc: {  	v30 =	vadd.s32 v37, v30;
	v48 =	vand.u32 $0x1, v46;
	v32 =	vand.u32 $0xFFFF0000, v32  }
0xdd: {  	v2 =	vld [tilespmem:$0x1FFE0];
	v30 =	vadd.s32 $0x7FFF, v30;
	v32 =	vmul.f32 v32, v51;
	v50 =	vadd.f32 $0.0e+00, v36  }
0xde: {  	v31 =	vadd.f32 v34, v31;
	v30 =	vand.u32 $0xFFFF0000, v30;
	v51 =	vadd.s32 v48, v38  }
0xdf: {  	v30 =	vmul.f32 v30, v52;
	v34 =	vadd.s32 $0x7FFF, v51;
	v32 =	vadd.f32 v32, v50  }
0xe0: {  	v56 =	vmov s22;
	v31 =	vadd.f32 v3, v31;
	(xrf2) =	vadd.scan.msk.f32 $0xffff, v35;
	v52 =	vand.u32 $0xFFFF0000, v34  }
0xe1: {  	v62 =	vshll.u32 v56, $0x6;
	(xrf2) =	vadd.scan.msk.f32 $0xffff, v33;
	v61 =	vmul.f32 v52, v53;
	v30 =	vadd.f32 v30, v32  }
0xe2: {  	v3 =	vld [tilespmem:$0x1FFD0];
	(xrf2) =	vadd.scan.msk.f32 $0xffff, v31;
	v31 =	vor.u32 v2, v62  }
0xe3: {  	v0 =	vadd.f32 v61, v30;
	_ =	sdelay $0x1  }
0xe4: {  	v33 =	vor.u32 v49, v62;
	(xrf2) =	vadd.scan.msk.f32 $0xffff, v0  }
0xe5: {  	s23 =	sadd.s32 $0x2, s22  }
0xe6: {  	s28 =	sadd.s32 $0x1, s22;
	v10 =	vmov s23;
	v63 =	vor.u32 v3, v62;
	v35 =	vld.idx.msk [tilespmem:v31+s30+$0x0], $0xffff  }
0xe7: {  	v44 =	vshll.u32 v10, $0x6;
	v39 =	vld.idx.msk [tilespmem:v31+s31+$0x0], $0xffff;
	v31 =	vmov s28  }
0xe8: {  	v4 =	vld [tilespmem:$0x1FFC0];
	v47 =	vor.u32 v2, v44;
	v41 =	vshll.u32 v31, $0x6  }
0xe9: {  	v37 =	vld.idx.msk [tilespmem:v33+s30+$0x0], $0xffff;
	v9 =	vor.u32 v2, v41  }
0xea: {  	v48 =	vld.idx.msk [tilespmem:v33+s31+$0x0], $0xffff  }
0xeb: {  	v42 =	vld.idx.msk [tilespmem:v63+s31+$0x0], $0xffff;
	v30, _, _ =	vpop (xrf2)  }
0xec: {  	v36 =	vld.idx.msk [tilespmem:v63+s30+$0x0], $0xffff;
	v1, _, _ =	vpop (xrf2);
	v30 =	vmul.f32 $1.442695020e+00, v30  }
0xed: {  	v6 =	vor.u32 v3, v44;
	v45 =	vld.idx.msk [tilespmem:v47+s30+$0x0], $0xffff;
	v11, _, _ =	vpop (xrf2);
	v5 =	vmul.f32 $1.442695020e+00, v1  }
0xee: {  	v7 =	vlaneseq.u32;
	v60 =	vor.u32 v3, v41;
	v40 =	vld.idx.msk [tilespmem:v9+s30+$0x0], $0xffff;
	v30 =	vbroadcast v30, $0xF;
	v13, _, _ =	vpop (xrf2)  }
0xef: {  	v63 =	vmovc v31;
	v53 =	vld.idx.msk [tilespmem:v9+s31+$0x0], $0xffff;
	v0 =	vor.u32 v4, v62;
	v31 =	vbroadcast v5, $0xF;
	v62 =	vmul.f32 $1.442695020e+00, v13  }
0xf0: {  	v9 =	vld.idx.msk [tilespmem:v47+s31+$0x0], $0xffff;
	v47 =	vor.u32 v7, v41;
	(erf) = vpow2.f32 v30  }
0xf1: {  	v15 =	vld [tilespmem:$0x1FFF0];
	v51 =	vmul.u32 $0x50, v54;
	(erf) = vpow2.f32 v31;
	v52 =	vbroadcast v62, $0xF  }
0xf2: {  	v55 =	vmul.u32 $0x50, v55;
	v26 =	vmul.u32 $0x50, v26;
	v54 =	vld.idx.msk [tilespmem:v6+s31+$0x0], $0xffff;
	v8 =	vmul.f32 $1.442695020e+00, v11  }
0xf3: {  	[tilespmem:$0x1FF10] =	vst v63;
	v16 =	vadd.s32 v4, v51;
	v19 =	vor.u32 v3, v51;
	v49 =	vld.idx.msk [tilespmem:v60+s31+$0x0], $0xffff;
	(erf) = vpow2.f32 v52  }
0xf4: {  	v63 =	vadd.s32 v3, v55;
	v39 =	vadd.f32 v39, v35;
	v1 =	vmovc v56;
	v56 =	vld.idx.msk [tilespmem:v60+s30+$0x0], $0xffff;
	v11 =	vbroadcast v8, $0xF  }
0xf5: {  	v48 =	vadd.f32 v48, v37;
	v41 =	vor.u32 v4, v41;
	v61 =	vmul.u32 $0x50, v18;
	v24 =	vld.idx.msk [tilespmem:v47+s30+$0x0], $0xffff  }
0xf6: {  	v33 =	vmovc v10;
	v42 =	vadd.f32 v42, v36;
	v18 =	vor.u32 v7, v51;
	v47 =	vld.idx.msk [tilespmem:v47+s31+$0x0], $0xffff;
	(erf) = vpow2.f32 v11  }
0xf7: {  	v10 =	vor.u32 v7, v61;
	v34 =	vor.u32 v4, v61;
	[tilespmem:$0x1FF00] =	vst v1;
	v1 =	vld [tilespmem:$0x1FF70];
	v13 =	vor.u32 v4, v44  }
0xf8: {  	s3 =	sadd.s32 s12, s19;
	v32 =	vor.u32 v3, v61;
	v12 =	vadd.s32 v15, v61;
	[tilespmem:$0x1FF20] =	vst v10;
	v38 =	vld.idx.msk [tilespmem:v0+s30+$0x0], $0xffff  }
0xf9: {  	p3 =	slt.u32 s3, $0x50910;
	s28 =	simm.f32 $1.000000000e+00;
	[tilespmem:$0x1FF30] =	vst v12;
	v10 =	vadd.s32 v4, v26;
	v12 =	vadd.s32 v3, v26;
	v46 =	vld.idx.msk [tilespmem:v0+s31+$0x0], $0xffff;
	v14 =	vpop (erf)  }
0xfa: {  	s28 =	simm.s32 @!p3 $0x0;
	v60 =	vadd.s32 v2, v51;
	v51 =	vadd.s32 v15, v51;
	v53 =	vadd.f32 v53, v40;
	v52 =	vld.idx.msk [tilespmem:v6+s30+$0x0], $0xffff;
	v6 =	vpop (erf)  }
0xfb: {  	v43 =	vadd.f32 v9, v45;
	v5 =	vld.idx.msk [tilespmem:v41+s30+$0x0], $0xffff;
	v31 =	vor.u32 v2, v61;
	v6 =	vmul.f32 s28, v6  }
0xfc: {  	v61 =	vor.u32 v7, v55;
	v44 =	vor.u32 v7, v44;
	v7 =	vor.u32 v7, v26;
	v9 =	vld.idx.msk [tilespmem:v13+s30+$0x0], $0xffff;
	v8 =	vpop (erf)  }
0xfd: {  	v30 =	vadd.s32 v2, v55;
	v50 =	vld.idx.msk [tilespmem:v13+s31+$0x0], $0xffff;
	v13 =	vmul.f32 v6, v1;
	v8 =	vmul.f32 s28, v8  }
0xfe: {  	v41 =	vld.idx.msk [tilespmem:v41+s31+$0x0], $0xffff;
	v49 =	vadd.f32 v49, v56;
	v46 =	vadd.f32 v46, v38;
	v1 =	vmul.f32 v6, v22  }
0xff: {  	v62 =	vor.u32 v4, v55;
	v0 =	vmul.f32 s28, v14;
	[tilespmem:v18+s13+$0x0] =	vst.idx.msk $0xffff, v13;
	v11 =	vpop (erf);
	v28 =	vmul.f32 v8, v28  }
0x100: {  	v55 =	vadd.s32 v15, v55;
	[tilespmem:v16+s13+$0x0] =	vst.idx.msk $0xffff, v1;
	v11 =	vmul.f32 s28, v11;
	v29 =	vmul.f32 v8, v29  }
0x101: {  	v14 =	vadd.s32 v2, v26;
	v26 =	vadd.s32 v15, v26;
	v15 =	vld.idx.msk [tilespmem:v44+s30+$0x0], $0xffff;
	[tilespmem:v7+s13+$0x0] =	vst.idx.msk $0xffff, v28  }
0x102: {  	v22 =	vmul.f32 v6, v59;
	v59 =	vmov v38;
	v23 =	vmul.f32 v11, v23;
	[tilespmem:v10+s13+$0x0] =	vst.idx.msk $0xffff, v29  }
0x103: {  	v54 =	vadd.f32 v54, v52;
	v7 =	vmul.f32 v8, v27;
	v10 =	vmul.f32 v0, v58;
	v58 =	vld [tilespmem:$0x1FF40];
	[tilespmem:$0x1FF40] =	vst v59  }
0x104: {  	v1 =	vmin.f32 v46, $0.0e+00;
	v27 =	vld.idx.msk [tilespmem:v44+s31+$0x0], $0xffff;
	v29 =	vmul.f32 v8, v25;
	[tilespmem:v61+s13+$0x0] =	vst.idx.msk $0xffff, v23  }
0x105: {  	v38 =	vmax.f32 v46, $0.0e+00;
	v1 =	vmul.f32 $2.000000030e-01, v1;
	v25 =	vmul.f32 v11, v21;
	[tilespmem:v12+s13+$0x0] =	vst.idx.msk $0xffff, v7  }
0x106: {  	v13 =	vadd.f32 v41, v5;
	v41 =	vmax.f32 v54, $0.0e+00;
	v46 =	vmin.f32 v54, $0.0e+00;
	v28 =	vld [tilespmem:$0x1FF50];
	[tilespmem:v14+s13+$0x0] =	vst.idx.msk $0xffff, v29  }
0x107: {  	v1 =	vadd.f32 v1, v38;
	v59 =	vmovc v56;
	v56 =	vmin.f32 v42, $0.0e+00;
	v61 =	vmin.f32 v53, $0.0e+00;
	[tilespmem:v62+s13+$0x0] =	vst.idx.msk $0xffff, v25  }
0x108: {  	v16 =	vld [tilespmem:$0x1FF20];
	v7 =	vmul.f32 v11, v20;
	v29 =	vadd.f32 v50, v9;
	v25 =	vmul.f32 $2.000000030e-01, v56;
	[tilespmem:v26+s13+$0x0] =	vst.idx.msk $0xffff, v8  }
0x109: {  	v12 =	vmovc v40;
	v40 =	vld [tilespmem:$0x1FF60];
	v8 =	vmul.f32 v0, v17;
	v26 =	vmul.f32 v0, v57;
	v57 =	vmovc v35;
	v35 =	vmax.f32 v39, $0.0e+00  }
0x10a: {  	v17 =	vmovc v36;
	v36 =	vadd.f32 v47, v24;
	v39 =	vmin.f32 v39, $0.0e+00;
	[tilespmem:v63+s13+$0x0] =	vst.idx.msk $0xffff, v7;
	v7 =	vmax.f32 v13, $0.0e+00  }
0x10b: {  	v63 =	vmin.f32 v49, $0.0e+00;
	v47 =	vmin.f32 v13, $0.0e+00;
	v28 =	vmul.f32 v6, v28  }
0x10c: {  	v21 =	vmovc v9;
	v23 =	vmovc v15;
	v27 =	vadd.f32 v27, v15;
	v9 =	vmul.f32 $2.000000030e-01, v39;
	v15 =	vmax.f32 v49, $0.0e+00  }
0x10d: {  	[tilespmem:v19+s13+$0x0] =	vst.idx.msk $0xffff, v22;
	v44 =	vmovc v45;
	v49 =	vlaneseq.u32;
	v45 =	vmax.f32 v29, $0.0e+00;
	v14 =	vmul.f32 v0, v58  }
0x10e: {  	[tilespmem:$0x1FF50] =	vst v12;
	v56 =	vmin.f32 v36, $0.0e+00;
	v12 =	vmul.f32 v11, v40;
	v40 =	vmax.f32 v42, $0.0e+00  }
0x10f: {  	[tilespmem:v60+s13+$0x0] =	vst.idx.msk $0xffff, v28;
	v28 =	vmax.f32 v48, $0.0e+00;
	v60 =	vmin.f32 v48, $0.0e+00;
	v42 =	vmax.f32 v43, $0.0e+00  }
0x110: {  	[tilespmem:v16+s13+$0x0] =	vst.idx.msk $0xffff, v10;
	v16 =	vld [tilespmem:$0x1FF30];
	v43 =	vmin.f32 v43, $0.0e+00;
	v48 =	vmin.f32 v29, $0.0e+00;
	v29 =	vmul.f32 $2.000000030e-01, v61  }
0x111: {  	[tilespmem:$0x1FF60] =	vst v44;
	v61 =	vmul.f32 $2.000000030e-01, v63;
	v62 =	vmin.f32 v27, $0.0e+00;
	v63 =	vmul.f32 $2.000000030e-01, v46  }
0x112: {  	v9 =	vadd.f32 v9, v35;
	v46 =	vmax.f32 v27, $0.0e+00;
	[tilespmem:v51+s13+$0x0] =	vst.idx.msk $0xffff, v6;
	v6 =	vmax.f32 v53, $0.0e+00  }
0x113: {  	v22 =	vmovc v5;
	v5 =	vmul.f32 $2.000000030e-01, v60;
	v60 =	vmul.f32 $2.000000030e-01, v43;
	[tilespmem:v34+s13+$0x0] =	vst.idx.msk $0xffff, v14;
	v40 =	vadd.f32 v25, v40  }
0x114: {  	v13 =	vmul.f32 $2.000000030e-01, v48;
	v43 =	vmul.f32 $2.000000030e-01, v56;
	[tilespmem:v30+s13+$0x0] =	vst.idx.msk $0xffff, v12;
	v12 =	vmax.f32 v36, $0.0e+00  }
0x115: {  	[tilespmem:v32+s13+$0x0] =	vst.idx.msk $0xffff, v8;
	v6 =	vadd.f32 v29, v6;
	v14 =	vadd.f32 v61, v15;
	v15 =	vmul.f32 $2.000000030e-01, v62  }
0x116: {  	v25 =	vadd.f32 v63, v41;
	[tilespmem:v55+s13+$0x0] =	vst.idx.msk $0xffff, v11;
	v11 =	vmul.f32 $2.000000030e-01, v47;
	v5 =	vadd.f32 v5, v28  }
0x117: {  	[tilespmem:v31+s13+$0x0] =	vst.idx.msk $0xffff, v26;
	v44 =	vadd.f32 v60, v42;
	v13 =	vadd.f32 v13, v45;
	v26 =	vshrl.u32 v9, $0x10  }
0x118: {  	v27 =	vshrl.u32 v40, $0x10;
	[tilespmem:v16+s13+$0x0] =	vst.idx.msk $0xffff, v0;
	v0 =	vadd.f32 v43, v12;
	v26 =	vand.u32 $0x1, v26  }
0x119: {  	v28 =	vshrl.u32 v6, $0x10;
	v27 =	vand.u32 $0x1, v27;
	v30 =	vshrl.u32 v14, $0x10  }
0x11a: {  	v31 =	vshrl.u32 v25, $0x10;
	v7 =	vadd.f32 v11, v7;
	v11 =	vadd.f32 v15, v46  }
0x11b: {  	v47 =	vshrl.u32 v5, $0x10;
	v15 =	vshrl.u32 v1, $0x10;
	v29 =	vshrl.u32 v44, $0x10  }
0x11c: {  	v56 =	vshrl.u32 v13, $0x10;
	v9 =	vadd.s32 v26, v9;
	v26 =	vand.u32 $0x1, v28  }
0x11d: {  	v8 =	vadd.s32 v27, v40;
	v27 =	vand.u32 $0x1, v30;
	v15 =	vand.u32 $0x1, v15  }
0x11e: {  	v12 =	vand.u32 $0x1, v47;
	v60 =	vshrl.u32 v0, $0x10;
	v28 =	vand.u32 $0x1, v29  }
0x11f: {  	v29 =	vand.u32 $0x1, v31;
	v30 =	vand.u32 $0x1, v56;
	v9 =	vadd.s32 $0x7FFF, v9  }
0x120: {  	s23 =	sadd.s32 $0x3, s22;
	v6 =	vadd.s32 v26, v6;
	v8 =	vadd.s32 $0x7FFF, v8;
	v14 =	vadd.s32 v27, v14  }
0x121: {  	v26 =	vmov s23;
	v48 =	vshrl.u32 v7, $0x10;
	v61 =	vshrl.u32 v11, $0x10  }
0x122: {  	v1 =	vadd.s32 v15, v1;
	v5 =	vadd.s32 v12, v5;
	v62 =	vand.u32 $0x1, v60  }
0x123: {  	v10 =	vadd.s32 v28, v44;
	v25 =	vadd.s32 v29, v25;
	v63 =	vshll.u32 v26, $0x6  }
0x124: {  	v18 =	vld [tilespmem:$0x1FF00];
	v58 =	vmovc v37;
	v13 =	vadd.s32 v30, v13;
	v36 =	vand.u32 $0xFFFF0000, v9;
	v37 =	vadd.s32 $0x7FFF, v6  }
0x125: {  	p2 =	slt.u32 s22, $0x7C;
	v54 =	vld [tilespmem:$0x1FF10];
	v28 =	vand.u32 $0xFFFF0000, v8;
	v42 =	vadd.s32 $0x7FFF, v14;
	v27 =	vor.u32 v2, v63  }
.Ltmp3:
0x126: {  	v20 =	vmovc v52;
	v52 =	vld [tilespmem:$0x1FFA0];
	v15 =	vand.u32 $0x1, v48;
	v31 =	vand.u32 $0x1, v61;
	v1 =	vadd.s32 $0x7FFF, v1;
	(pc) =	sbr.rel @p2 .LBB2_5-.Ltmp3, $4  }
0x127: {  	v50 =	vld [tilespmem:$0x1FF80];
	v38 =	vadd.s32 $0x7FFF, v5;
	v39 =	vadd.s32 v62, v0;
	v30 =	vor.u32 v3, v63  }
0x128: {  	v51 =	vld [tilespmem:$0x1FF90];
	v41 =	vadd.s32 $0x7FFF, v10;
	v29 =	vor.u32 v49, v63;
	v34 =	vadd.s32 $0x7FFF, v25  }
0x129: {  	v53 =	vld [tilespmem:$0x1FFB0];
	v32 =	vor.u32 v4, v63;
	v7 =	vadd.s32 v15, v7;
	v40 =	vadd.s32 v31, v11  }
0x12a: {  	s12 =	smov.u32 s22;
	s22 =	sadd.s32 $0x4, s22;
	[tilespmem:$0x1FF70] =	vst v24;
	v55 =	vmovc v33;
	v35 =	vand.u32 $0xFFFF0000, v1;
	v31 =	vadd.s32 $0x7FFF, v13;
	v33 =	vadd.s32 $0x7FFF, v7;
	v25 =	vld.idx.msk [tilespmem:v27+s30+$0x0], $0xffff  }
0x12b: {  	_ =	sdelay $0x3  }
0x12c: {  	v6 =	vld.idx.msk [tilespmem:v27+s31+$0x0], $0xffff  }
0x12d: {  	v9 =	vld.idx.msk [tilespmem:v30+s30+$0x0], $0xffff  }
0x12e: {  	v0 =	vand.u32 $0xFFFF0000, v38;
	v1 =	vadd.s32 $0x7FFF, v39;
	v5 =	vadd.s32 $0x7FFF, v40;
	v13 =	vld.idx.msk [tilespmem:v29+s30+$0x0], $0xffff  }
0x12f: {  	v8 =	vand.u32 $0xFFFF0000, v37;
	v10 =	vand.u32 $0xFFFF0000, v41;
	v11 =	vmul.f32 v28, v52;
	v15 =	vld.idx.msk [tilespmem:v29+s31+$0x0], $0xffff  }
0x130: {  	v12 =	vand.u32 $0xFFFF0000, v42;
	v27 =	vand.u32 $0xFFFF0000, v34;
	v28 =	vld.idx.msk [tilespmem:v32+s30+$0x0], $0xffff;
	v29 =	vand.u32 $0xFFFF0000, v33  }
0x131: {  	v48 =	vld.idx.msk [tilespmem:v32+s31+$0x0], $0xffff;
	v0 =	vmul.f32 v0, v50;
	v1 =	vand.u32 $0xFFFF0000, v1;
	v5 =	vand.u32 $0xFFFF0000, v5  }
0x132: {  	v56 =	vand.u32 $0xFFFF0000, v31;
	v30 =	vld.idx.msk [tilespmem:v30+s31+$0x0], $0xffff;
	v1 =	vmul.f32 v1, v50;
	v5 =	vmul.f32 v5, v50  }
0x133: {  	v12 =	vmul.f32 v12, v52;
	v14 =	vmul.f32 v35, v51;
	v0 =	vadd.f32 $0.0e+00, v0  }
0x134: {  	v27 =	vmul.f32 v27, v52;
	v1 =	vadd.f32 $0.0e+00, v1;
	v5 =	vadd.f32 $0.0e+00, v5  }
0x135: {  	v29 =	vmul.f32 v29, v51;
	v0 =	vadd.f32 v14, v0;
	v60 =	vadd.f32 v15, v13  }
0x136: {  	v14 =	vmul.f32 v56, v51;
	v62 =	vadd.f32 v48, v28;
	v6 =	vadd.f32 v6, v25  }
0x137: {  	v7 =	vmul.f32 v36, v53;
	v2 =	vadd.f32 v30, v9;
	v1 =	vadd.f32 v29, v1  }
0x138: {  	v0 =	vadd.f32 v11, v0;
	v5 =	vadd.f32 v14, v5;
	v61 =	vmin.f32 v60, $0.0e+00  }
0x139: {  	v11 =	vmax.f32 v60, $0.0e+00;
	v29 =	vmin.f32 v62, $0.0e+00;
	v63 =	vmul.f32 $2.000000030e-01, v61  }
0x13a: {  	v30 =	vmax.f32 v6, $0.0e+00;
	v6 =	vmin.f32 v6, $0.0e+00;
	v15 =	vmax.f32 v62, $0.0e+00  }
0x13b: {  	v3 =	vmul.f32 $2.000000030e-01, v29;
	v29 =	vmin.f32 v2, $0.0e+00;
	v11 =	vadd.f32 v63, v11  }
0x13c: {  	v14 =	vmax.f32 v2, $0.0e+00;
	v1 =	vadd.f32 v12, v1;
	v33 =	vmul.f32 $2.000000030e-01, v29  }
0x13d: {  	v6 =	vmul.f32 $2.000000030e-01, v6;
	v12 =	vadd.f32 v3, v15;
	v31 =	vshrl.u32 v11, $0x10  }
0x13e: {  	v8 =	vmul.f32 v8, v53;
	v14 =	vadd.f32 v33, v14;
	v29 =	vand.u32 $0x1, v31  }
0x13f: {  	v6 =	vadd.f32 v6, v30;
	v11 =	vadd.s32 v29, v11;
	v29 =	vshrl.u32 v12, $0x10  }
0x140: {  	v35 =	vshrl.u32 v14, $0x10;
	v11 =	vadd.s32 $0x7FFF, v11;
	v34 =	vand.u32 $0x1, v29  }
0x141: {  	v15 =	vand.u32 $0x1, v35;
	v11 =	vand.u32 $0xFFFF0000, v11;
	v12 =	vadd.s32 v34, v12  }
0x142: {  	v29 =	vshrl.u32 v6, $0x10;
	v11 =	vmul.f32 v11, v50;
	v12 =	vadd.s32 $0x7FFF, v12  }
0x143: {  	v14 =	vadd.s32 v15, v14;
	v36 =	vand.u32 $0x1, v29;
	v12 =	vand.u32 $0xFFFF0000, v12  }
0x144: {  	v14 =	vadd.s32 $0x7FFF, v14;
	v11 =	vadd.f32 $0.0e+00, v11;
	v12 =	vmul.f32 v12, v51  }
0x145: {  	v10 =	vmul.f32 v10, v53;
	v14 =	vand.u32 $0xFFFF0000, v14;
	v6 =	vadd.s32 v36, v6  }
0x146: {  	v37 =	vmul.f32 v14, v52;
	v6 =	vadd.s32 $0x7FFF, v6;
	v11 =	vadd.f32 v12, v11  }
0x147: {  	v0 =	vadd.f32 v7, v0;
	v5 =	vadd.f32 v27, v5;
	v6 =	vand.u32 $0xFFFF0000, v6  }
0x148: {  	v1 =	vadd.f32 v8, v1;
	v6 =	vmul.f32 v6, v53;
	v38 =	vadd.f32 v37, v11  }
0x149: {  	(xrf2) =	vadd.scan.msk.f32 $0xffff, v0;
	v39 =	vadd.f32 v10, v5  }
0x14a: {  	(xrf2) =	vadd.scan.msk.f32 $0xffff, v1;
	v40 =	vadd.f32 v6, v38  }
0x14b: {  	(xrf2) =	vadd.scan.msk.f32 $0xffff, v39  }
0x14c: {  	(xrf2) =	vadd.scan.msk.f32 $0xffff, v40;
	_ =	sdelay $0x6  }
0x14d: {  	v41, _, _ =	vpop (xrf2)  }
0x14e: {  	v42, _, _ =	vpop (xrf2)  }
0x14f: {  	v0 =	vmul.f32 $1.442695020e+00, v41;
	v43, _, _ =	vpop (xrf2)  }
0x150: {  	v1 =	vmul.f32 $1.442695020e+00, v42;
	v44, _, _ =	vpop (xrf2)  }
0x151: {  	v0 =	vbroadcast v0, $0xF;
	v6 =	vmul.f32 $1.442695020e+00, v44  }
0x152: {  	v1 =	vbroadcast v1, $0xF  }
0x153: {  	(erf) = vpow2.f32 v0;
	v6 =	vbroadcast v6, $0xF  }
0x154: {  	(erf) = vpow2.f32 v1  }
0x155: {  	(erf) = vpow2.f32 v6;
	_ =	sdelay $0x4  }
0x156: {  	v2 =	vld [tilespmem:$0x1FFC0]  }
0x157: {  	v3 =	vld [tilespmem:$0x1FFD0]  }
0x158: {  	s12 =	sadd.s32 s12, s19;
	v46 =	vmul.u32 $0x50, v26;
	v5 =	vpop (erf)  }
0x159: {  	p2 =	slt.u32 s12, $0x50910;
	s12 =	simm.f32 $1.000000000e+00;
	v47 =	vpop (erf)  }
0x15a: {  	s12 =	simm.s32 @!p2 $0x0;
	v48 =	vor.u32 v49, v46;
	v56 =	vpop (erf)  }
0x15b: {  	v61 =	vadd.s32 v2, v46;
	v60 =	vmul.f32 s12, v56  }
0x15c: {  	v62 =	vadd.s32 v3, v46  }
0x15d: {  	v4 =	vld [tilespmem:$0x1FFE0];
	v45 =	vmul.f32 $1.442695020e+00, v43;
	v32 =	vmul.f32 v60, v13  }
0x15e: {  	v16 =	vld [tilespmem:$0x1FFF0];
	v34 =	vmul.f32 v60, v28  }
0x15f: {  	v0 =	vbroadcast v45, $0xF;
	v36 =	vmul.f32 v60, v9;
	[tilespmem:v48+s13+$0x0] =	vst.idx.msk $0xffff, v32  }
0x160: {  	[tilespmem:v61+s13+$0x0] =	vst.idx.msk $0xffff, v34  }
0x161: {  	(erf) = vpow2.f32 v0;
	[tilespmem:v62+s13+$0x0] =	vst.idx.msk $0xffff, v36  }
0x162: {  	v63 =	vmul.u32 $0x50, v54;
	v33 =	vadd.s32 v4, v46;
	v14 =	vld [tilespmem:$0x1FF70]  }
0x163: {  	v1 =	vadd.s32 v16, v46  }
0x164: {  	v35 =	vor.u32 v49, v63  }
0x165: {  	v6 =	vmul.f32 s12, v47;
	v38 =	vmul.f32 v60, v25;
	_ =	sdelay $0x1  }
0x166: {  	[tilespmem:v33+s13+$0x0] =	vst.idx.msk $0xffff, v38;
	v14 =	vmul.f32 v6, v14  }
0x167: {  	v40 =	vmul.u32 $0x50, v55;
	[tilespmem:v1+s13+$0x0] =	vst.idx.msk $0xffff, v60  }
0x168: {  	v37 =	vadd.s32 v2, v63;
	[tilespmem:v35+s13+$0x0] =	vst.idx.msk $0xffff, v14  }
0x169: {  	v44 =	vor.u32 v49, v40;
	v45 =	vpop (erf);
	v15 =	vld [tilespmem:$0x1FF50]  }
0x16a: {  	v39 =	vor.u32 v3, v63;
	v1 =	vmul.f32 s12, v45  }
0x16b: {  	v41 =	vadd.s32 v4, v63;
	v43 =	vmul.f32 v6, v22  }
0x16c: {  	v42 =	vadd.s32 v16, v63;
	v56 =	vmul.f32 v1, v23  }
0x16d: {  	v46 =	vmul.f32 v6, v59;
	[tilespmem:v37+s13+$0x0] =	vst.idx.msk $0xffff, v43  }
0x16e: {  	[tilespmem:v44+s13+$0x0] =	vst.idx.msk $0xffff, v56;
	v15 =	vmul.f32 v6, v15  }
0x16f: {  	[tilespmem:v39+s13+$0x0] =	vst.idx.msk $0xffff, v46  }
0x170: {  	[tilespmem:v41+s13+$0x0] =	vst.idx.msk $0xffff, v15  }
0x171: {  	[tilespmem:v42+s13+$0x0] =	vst.idx.msk $0xffff, v6  }
0x172: {  	v47 =	vor.u32 v2, v40;
	v13 =	vld [tilespmem:$0x1FF60]  }
0x173: {  	v48 =	vadd.s32 v3, v40  }
0x174: {  	v55 =	vadd.s32 v4, v40  }
0x175: {  	v59 =	vmul.f32 v1, v21  }
0x176: {  	v61 =	vmul.f32 v1, v20  }
0x177: {  	[tilespmem:v47+s13+$0x0] =	vst.idx.msk $0xffff, v59;
	v13 =	vmul.f32 v1, v13  }
0x178: {  	[tilespmem:v48+s13+$0x0] =	vst.idx.msk $0xffff, v61  }
0x179: {  	v54 =	vmul.u32 $0x50, v18;
	[tilespmem:v55+s13+$0x0] =	vst.idx.msk $0xffff, v13  }
0x17a: {  	v7 =	vadd.s32 v16, v40;
	v12 =	vld [tilespmem:$0x1FF40]  }
0x17b: {  	v60 =	vor.u32 v49, v54  }
0x17c: {  	v5 =	vmul.f32 s12, v5;
	v62 =	vor.u32 v2, v54  }
0x17d: {  	v63 =	vor.u32 v3, v54  }
0x17e: {  	v32 =	vor.u32 v4, v54;
	v33 =	vmul.f32 v5, v58  }
0x17f: {  	v11 =	vadd.s32 v16, v54;
	[tilespmem:v7+s13+$0x0] =	vst.idx.msk $0xffff, v1;
	v12 =	vmul.f32 v5, v12  }
0x180: {  	v34 =	vmul.f32 v5, v17;
	[tilespmem:v60+s13+$0x0] =	vst.idx.msk $0xffff, v33  }
0x181: {  	v35 =	vmul.f32 v5, v57;
	[tilespmem:v62+s13+$0x0] =	vst.idx.msk $0xffff, v12  }
0x182: {  	p2 =	seq.s32 s21, $0x28;
	[tilespmem:v63+s13+$0x0] =	vst.idx.msk $0xffff, v34  }
0x183: {  	s12 =	sadd.s32 @!p2 s9, s17;
	[tilespmem:v32+s13+$0x0] =	vst.idx.msk $0xffff, v35  }
0x184: {  	s3 =	simm.s32 $0xC0;
	s12 =	sshrl.u32 @!p2 s12, $0x3;
	[tilespmem:v11+s13+$0x0] =	vst.idx.msk $0xffff, v5  }
0x185: {  	[spmem:s2] =	stream.indirect.scatter.add.f32 [tilespmem:s13], [sflag:$0x5], $0x50, s3, s29, $0xb8;
	[tilespmem:$0x1D690] =	vst v63  }
0x186: {  	s28 =	simm.s32 @!p2 $0x0;
	s23 =	simm.s32 @!p2 $0x40;
	s22 =	sadd.s32 @!p2 s7, s12  }
0x187: {  	[tilespmem:s23], [sflag:$0x7] =	stream.linear.gather @!p2 [hbm4b:s22+s28], $0x80, $0x38;
	[tilespmem:$0x1D690] =	vst v63  }
0x188: {  	s22 =	simm.s32 @!p2 $0x7  }
0x189: {  	_ =	swait.ge @!p2 [sflag:s22], $0x80  }
0x18a: {  	[sflag:s22] =	ssyncset.done @!p2 $0x0  }
0x18b: {  	s12 =	sadd.s32 @!p2 s8, s12;
	s3 =	simm.s32 @!p2 $0xC0;
	[sflag:s22] =	ssyncadd.s32 @!p2 $0xFFFFFF80  }
0x18c: {  	[tilespmem:s3], [sflag:$0x7] =	stream.linear.gather @!p2 [hbm4b:s12+s28], $0x80, $0x38;
	[tilespmem:$0x1D690] =	vst v63  }
0x18d: {  	_ =	swait.ge @!p2 [sflag:s22], $0x80  }
0x18e: {  	[sflag:s22] =	ssyncset.done @!p2 $0x0  }
0x18f: {  	s12 =	simm.s32 @!p2 $0x80;
	[sflag:s22] =	ssyncadd.s32 @!p2 $0xFFFFFF80;
	s22 =	simm.s32 @!p2 $0x240  }
0x190: {  	[tilespmem:s22], [sflag:$0x1] =	stream.indirect.gather @!p2 [hbm4b:s4+s12], $0x40, s23, s12, $0xb8;
	[tilespmem:$0x1D690] =	vst v63  }
0x191: {  	s22 =	simm.s32 @!p2 $0x2240  }
0x192: {  	[tilespmem:s22], [sflag:$0x2] =	stream.indirect.gather @!p2 [hbm4b:s6+s12], $0x40, s3, s12, $0xb8;
	[tilespmem:$0x1D690] =	vst v63  }
0x193: {  	_ =	swait.ge [sflag:s14], $0x2000  }
0x194: {  	s12 =	simm.s32 $0x0;
	[sflag:s14] =	ssyncset.done $0x0  }
0x195: {  	v45 =	vmov s12;
	[sflag:s14] =	ssyncadd.s32 $0xFFFFE000  }
0x196: {  	v36 =	vshll.u32 v45, $0x6;
	_ =	swait.ge [sflag:s15], $0x2000  }
0x197: {  	v37 =	vor.u32 v4, v36;
	[sflag:s15] =	ssyncset.done $0x0  }
0x198: {  	s3 =	simm.s32 @!p1 $0x6;
	[sflag:s15] =	ssyncadd.s32 $0xFFFFE000  }
0x199: {  	v38 =	vor.u32 v3, v36;
	_ =	swait.ge @!p1 [sflag:s3], $0x2800  }
0x19a: {  	[sflag:s3] =	ssyncset.done @!p1 $0x0  }
0x19b: {  	v39 =	vor.u32 v2, v36;
	[sflag:s3] =	ssyncadd.s32 @!p1 $0xFFFFD800  }
0x19c: {  	s22 =	simm.s32 $0x1;
	v46 =	vld.idx.msk [tilespmem:v37+s5+$0x0], $0xffff  }
0x19d: {  	v57 =	vmov s22;
	v0 =	vor.u32 v49, v36;
	v1 =	vld.idx.msk [tilespmem:v37+s26+$0x0], $0xffff  }
0x19e: {  	s23 =	simm.s32 $0x2;
	v40 =	vshll.u32 v57, $0x6;
	v61 =	vld.idx.msk [tilespmem:v38+s5+$0x0], $0xffff  }
0x19f: {  	v47 =	vmov s23;
	v41 =	vor.u32 v4, v40;
	v5 =	vld.idx.msk [tilespmem:v38+s26+$0x0], $0xffff  }
0x1a0: {  	v43 =	vshll.u32 v47, $0x6;
	v42 =	vld.idx.msk [tilespmem:v39+s5+$0x0], $0xffff  }
0x1a1: {  	v19 =	vor.u32 v4, v43;
	v6 =	vld.idx.msk [tilespmem:v39+s26+$0x0], $0xffff  }
0x1a2: {  	v55 =	vld.idx.msk [tilespmem:v0+s5+$0x0], $0xffff  }
0x1a3: {  	v20 =	vor.u32 v3, v40;
	v0 =	vld.idx.msk [tilespmem:v0+s26+$0x0], $0xffff  }
0x1a4: {  	v44 =	vld.idx.msk [tilespmem:v41+s5+$0x0], $0xffff  }
0x1a5: {  	v21 =	vor.u32 v3, v43;
	v8 =	vld.idx.msk [tilespmem:v41+s26+$0x0], $0xffff  }
0x1a6: {  	v48 =	vld.idx.msk [tilespmem:v19+s5+$0x0], $0xffff  }
0x1a7: {  	v7 =	vor.u32 v49, v40;
	v25 =	vld.idx.msk [tilespmem:v19+s26+$0x0], $0xffff  }
0x1a8: {  	v22 =	vld.idx.msk [tilespmem:v20+s5+$0x0], $0xffff  }
0x1a9: {  	v26 =	vld.idx.msk [tilespmem:v20+s26+$0x0], $0xffff  }
0x1aa: {  	v20 =	vld.idx.msk [tilespmem:v21+s5+$0x0], $0xffff  }
0x1ab: {  	v27 =	vld.idx.msk [tilespmem:v21+s26+$0x0], $0xffff  }
0x1ac: {  	v23 =	vor.u32 v2, v43;
	v54 =	vld.idx.msk [tilespmem:v7+s5+$0x0], $0xffff  }
0x1ad: {  	v19 =	vor.u32 v2, v40;
	v7 =	vld.idx.msk [tilespmem:v7+s26+$0x0], $0xffff  }
0x1ae: {  	v5 =	vadd.f32 v5, v61;
	v1 =	vadd.f32 v1, v46  }
0x1af: {  	v0 =	vadd.f32 v0, v55;
	v6 =	vadd.f32 v6, v42  }
0x1b0: {  	v9 =	vor.u32 v49, v43;
	v8 =	vadd.f32 v8, v44;
	v25 =	vadd.f32 v25, v48  }
0x1b1: {  	v29 =	vld.idx.msk [tilespmem:v23+s26+$0x0], $0xffff;
	v26 =	vadd.f32 v26, v22;
	v27 =	vadd.f32 v27, v20  }
0x1b2: {  	v24 =	vld.idx.msk [tilespmem:v19+s5+$0x0], $0xffff;
	v7 =	vadd.f32 v7, v54;
	v30 =	vmax.f32 v1, $0.0e+00;
	v31 =	vmax.f32 v6, $0.0e+00  }
0x1b3: {  	v28 =	vld.idx.msk [tilespmem:v19+s26+$0x0], $0xffff;
	v56 =	vmax.f32 v5, $0.0e+00;
	v1 =	vmin.f32 v1, $0.0e+00;
	v58 =	vmax.f32 v0, $0.0e+00  }
0x1b4: {  	v19 =	vld.idx.msk [tilespmem:v23+s5+$0x0], $0xffff;
	v6 =	vmin.f32 v6, $0.0e+00;
	v5 =	vmin.f32 v5, $0.0e+00;
	v0 =	vmin.f32 v0, $0.0e+00  }
0x1b5: {  	v23 =	vld.idx.msk [tilespmem:v9+s5+$0x0], $0xffff;
	v59 =	vmax.f32 v8, $0.0e+00;
	v60 =	vmax.f32 v25, $0.0e+00;
	v62 =	vmax.f32 v26, $0.0e+00  }
0x1b6: {  	v9 =	vld.idx.msk [tilespmem:v9+s26+$0x0], $0xffff;
	v8 =	vmin.f32 v8, $0.0e+00;
	v63 =	vmax.f32 v27, $0.0e+00;
	v25 =	vmin.f32 v25, $0.0e+00  }
0x1b7: {  	v26 =	vmin.f32 v26, $0.0e+00;
	v14 =	vmax.f32 v7, $0.0e+00;
	v1 =	vmul.f32 $2.000000030e-01, v1  }
0x1b8: {  	v27 =	vmin.f32 v27, $0.0e+00;
	v5 =	vmul.f32 $2.000000030e-01, v5;
	v6 =	vmul.f32 $2.000000030e-01, v6  }
0x1b9: {  	v7 =	vmin.f32 v7, $0.0e+00;
	v0 =	vmul.f32 $2.000000030e-01, v0;
	v8 =	vmul.f32 $2.000000030e-01, v8  }
0x1ba: {  	v25 =	vmul.f32 $2.000000030e-01, v25;
	v28 =	vadd.f32 v28, v24;
	v29 =	vadd.f32 v29, v19  }
0x1bb: {  	v26 =	vmul.f32 $2.000000030e-01, v26;
	v9 =	vadd.f32 v9, v23;
	v5 =	vadd.f32 v5, v56  }
0x1bc: {  	v27 =	vmul.f32 $2.000000030e-01, v27;
	v1 =	vadd.f32 v1, v30;
	v0 =	vadd.f32 v0, v58  }
0x1bd: {  	v7 =	vmul.f32 $2.000000030e-01, v7;
	v6 =	vadd.f32 v6, v31;
	v8 =	vadd.f32 v8, v59  }
0x1be: {  	v25 =	vadd.f32 v25, v60;
	v26 =	vadd.f32 v26, v62  }
0x1bf: {  	v27 =	vadd.f32 v27, v63;
	v7 =	vadd.f32 v7, v14;
	v12 =	vmax.f32 v28, $0.0e+00  }
0x1c0: {  	v13 =	vmax.f32 v29, $0.0e+00;
	v28 =	vmin.f32 v28, $0.0e+00;
	v29 =	vmin.f32 v29, $0.0e+00  }
0x1c1: {  	v15 =	vmin.f32 v9, $0.0e+00;
	v9 =	vmax.f32 v9, $0.0e+00;
	v31 =	vshrl.u32 v1, $0x10  }
0x1c2: {  	[tilespmem:$0x1FEE0] =	vst v44;
	v43 =	vshrl.u32 v6, $0x10;
	v44 =	vshrl.u32 v5, $0x10;
	v34 =	vshrl.u32 v8, $0x10  }
0x1c3: {  	v35 =	vshrl.u32 v25, $0x10;
	v36 =	vshrl.u32 v26, $0x10;
	v37 =	vshrl.u32 v27, $0x10  }
0x1c4: {  	v40 =	vshrl.u32 v7, $0x10;
	v28 =	vmul.f32 $2.000000030e-01, v28;
	v29 =	vmul.f32 $2.000000030e-01, v29  }
0x1c5: {  	v30 =	vmul.f32 $2.000000030e-01, v15;
	v31 =	vand.u32 $0x1, v31;
	v33 =	vand.u32 $0x1, v44  }
0x1c6: {  	v21 =	vmovc v54;
	v32 =	vand.u32 $0x1, v43;
	v54 =	vand.u32 $0x1, v35;
	v56 =	vand.u32 $0x1, v36  }
0x1c7: {  	v58 =	vand.u32 $0x1, v37;
	v1 =	vadd.s32 v31, v1;
	v31 =	vand.u32 $0x1, v34  }
0x1c8: {  	v5 =	vadd.s32 v33, v5;
	v6 =	vadd.s32 v32, v6;
	v25 =	vadd.s32 v54, v25  }
0x1c9: {  	v63 =	vadd.s32 v58, v27;
	v28 =	vadd.f32 v28, v12;
	v29 =	vadd.f32 v29, v13  }
0x1ca: {  	v9 =	vadd.f32 v30, v9;
	v30 =	vshrl.u32 v0, $0x10;
	v1 =	vadd.s32 $0x7FFF, v1  }
0x1cb: {  	s28 =	simm.s32 $0x3;
	v8 =	vadd.s32 v31, v8;
	v5 =	vadd.s32 $0x7FFF, v5;
	v31 =	vadd.s32 v56, v26  }
0x1cc: {  	v26 =	vmov s28;
	v6 =	vadd.s32 $0x7FFF, v6;
	v41 =	vadd.s32 $0x7FFF, v25  }
0x1cd: {  	v34 =	vadd.s32 $0x7FFF, v63;
	v30 =	vand.u32 $0x1, v30;
	v43 =	vshll.u32 v26, $0x6  }
0x1ce: {  	v36 =	vand.u32 $0xFFFF0000, v1;
	v37 =	vadd.s32 $0x7FFF, v8;
	v35 =	vand.u32 $0xFFFF0000, v6  }
0x1cf: {  	[tilespmem:$0x1FED0] =	vst v42;
	v42 =	vadd.s32 $0x7FFF, v31;
	v38 =	vshrl.u32 v28, $0x10;
	v39 =	vshrl.u32 v29, $0x10  }
0x1d0: {  	[tilespmem:$0x1FEF0] =	vst v48;
	v48 =	vshrl.u32 v9, $0x10;
	v0 =	vadd.s32 v30, v0;
	v27 =	vor.u32 v4, v43  }
0x1d1: {  	v30 =	vand.u32 $0x1, v40;
	v59 =	vand.u32 $0x1, v38;
	v60 =	vand.u32 $0x1, v39  }
0x1d2: {  	v62 =	vand.u32 $0x1, v48;
	v39 =	vadd.s32 v30, v7;
	v30 =	vor.u32 v3, v43  }
0x1d3: {  	v38 =	vadd.s32 $0x7FFF, v0;
	v32 =	vadd.s32 v59, v28;
	v44 =	vadd.s32 v60, v29  }
0x1d4: {  	v40 =	vadd.s32 v62, v9;
	v28 =	vand.u32 $0xFFFF0000, v5;
	v29 =	vor.u32 v49, v43  }
0x1d5: {  	s22 =	simm.s32 $0x4;
	v33 =	vadd.s32 $0x7FFF, v32;
	v31 =	vadd.s32 $0x7FFF, v44;
	v32 =	vor.u32 v2, v43;
	v25 =	vld.idx.msk [tilespmem:v27+s5+$0x0], $0xffff  }
.LBB2_7:
0x1d6: {  	v0 =	vand.u32 $0xFFFF0000, v38;
	v1 =	vadd.s32 $0x7FFF, v39;
	v5 =	vadd.s32 $0x7FFF, v40;
	v6 =	vld.idx.msk [tilespmem:v27+s26+$0x0], $0xffff  }
0x1d7: {  	v8 =	vand.u32 $0xFFFF0000, v37;
	v9 =	vand.u32 $0xFFFF0000, v41;
	v27 =	vld.idx.msk [tilespmem:v30+s5+$0x0], $0xffff;
	v58 =	vand.u32 $0xFFFF0000, v42  }
0x1d8: {  	v34 =	vand.u32 $0xFFFF0000, v34;
	v33 =	vand.u32 $0xFFFF0000, v33;
	v30 =	vld.idx.msk [tilespmem:v30+s26+$0x0], $0xffff;
	v7 =	vmul.f32 v36, v53  }
0x1d9: {  	v59 =	vld.idx.msk [tilespmem:v29+s26+$0x0], $0xffff;
	v1 =	vand.u32 $0xFFFF0000, v1;
	v0 =	vmul.f32 v0, v50;
	v56 =	vmul.f32 v28, v52  }
0x1da: {  	v5 =	vand.u32 $0xFFFF0000, v5;
	v28 =	vld.idx.msk [tilespmem:v29+s5+$0x0], $0xffff;
	v35 =	vmul.f32 v35, v51;
	v1 =	vmul.f32 v1, v50  }
0x1db: {  	v31 =	vand.u32 $0xFFFF0000, v31;
	v60 =	vld.idx.msk [tilespmem:v32+s26+$0x0], $0xffff;
	v5 =	vmul.f32 v5, v50;
	v33 =	vmul.f32 v33, v51  }
0x1dc: {  	v29 =	vld.idx.msk [tilespmem:v32+s5+$0x0], $0xffff;
	v8 =	vmul.f32 v8, v53;
	v31 =	vmul.f32 v31, v51;
	v6 =	vadd.f32 v6, v25  }
0x1dd: {  	v62 =	vmul.f32 v58, v52;
	v30 =	vadd.f32 v30, v27;
	v5 =	vadd.f32 $0.0e+00, v5  }
0x1de: {  	v9 =	vmul.f32 v9, v53;
	v0 =	vadd.f32 $0.0e+00, v0;
	v1 =	vadd.f32 $0.0e+00, v1  }
0x1df: {  	v63 =	vmul.f32 v34, v52;
	v5 =	vadd.f32 v31, v5;
	v31 =	vadd.f32 v59, v28  }
0x1e0: {  	v15 =	vmax.f32 v6, $0.0e+00;
	v6 =	vmin.f32 v6, $0.0e+00;
	v1 =	vadd.f32 v33, v1  }
0x1e1: {  	v36 =	vmin.f32 v30, $0.0e+00;
	v32 =	vadd.f32 v60, v29;
	v12 =	vmin.f32 v31, $0.0e+00  }
0x1e2: {  	v30 =	vmax.f32 v30, $0.0e+00;
	v1 =	vadd.f32 v62, v1;
	v13 =	vmul.f32 $2.000000030e-01, v12  }
0x1e3: {  	v0 =	vadd.f32 v35, v0;
	v31 =	vmax.f32 v31, $0.0e+00;
	v14 =	vmin.f32 v32, $0.0e+00  }
0x1e4: {  	v1 =	vadd.f32 v8, v1;
	v8 =	vadd.f32 v13, v31;
	v31 =	vmul.f32 $2.000000030e-01, v14  }
0x1e5: {  	v6 =	vmul.f32 $2.000000030e-01, v6;
	v38 =	vmul.f32 $2.000000030e-01, v36;
	v32 =	vmax.f32 v32, $0.0e+00  }
0x1e6: {  	v0 =	vadd.f32 v56, v0;
	v37 =	vshrl.u32 v8, $0x10;
	v31 =	vadd.f32 v31, v32  }
0x1e7: {  	v6 =	vadd.f32 v6, v15;
	v30 =	vadd.f32 v38, v30;
	v39 =	vand.u32 $0x1, v37  }
0x1e8: {  	v0 =	vadd.f32 v7, v0;
	v8 =	vadd.s32 v39, v8;
	v40 =	vshrl.u32 v31, $0x10  }
0x1e9: {  	v42 =	vshrl.u32 v6, $0x10;
	v8 =	vadd.s32 $0x7FFF, v8;
	v41 =	vand.u32 $0x1, v40  }
0x1ea: {  	v43 =	vshrl.u32 v30, $0x10;
	v8 =	vand.u32 $0xFFFF0000, v8;
	v31 =	vadd.s32 v41, v31  }
0x1eb: {  	v32 =	vand.u32 $0x1, v43;
	v8 =	vmul.f32 v8, v50;
	v31 =	vadd.s32 $0x7FFF, v31  }
0x1ec: {  	v44 =	vand.u32 $0x1, v42;
	v30 =	vadd.s32 v32, v30;
	v31 =	vand.u32 $0xFFFF0000, v31  }
0x1ed: {  	v30 =	vadd.s32 $0x7FFF, v30;
	v48 =	vadd.f32 $0.0e+00, v8;
	v50 =	vmul.f32 v31, v51  }
0x1ee: {  	v5 =	vadd.f32 v63, v5;
	v6 =	vadd.s32 v44, v6;
	v51 =	vand.u32 $0xFFFF0000, v30  }
0x1ef: {  	(xrf2) =	vadd.scan.msk.f32 $0xffff, v0;
	v6 =	vadd.s32 $0x7FFF, v6;
	v7 =	vmul.f32 v51, v52;
	v0 =	vadd.f32 v50, v48  }
0x1f0: {  	v4 =	vld [tilespmem:$0x1FFE0];
	v54 =	vand.u32 $0xFFFF0000, v6  }
0x1f1: {  	v52 =	vadd.f32 v9, v5;
	v5 =	vmul.f32 v54, v53;
	v0 =	vadd.f32 v7, v0;
	_ =	sdelay $0x1  }
0x1f2: {  	v3 =	vld [tilespmem:$0x1FFD0];
	(xrf2) =	vadd.scan.msk.f32 $0xffff, v1;
	v6 =	vmov s22;
	v2 =	vadd.f32 v5, v0  }
0x1f3: {  	v56 =	vshll.u32 v6, $0x6;
	(xrf2) =	vadd.scan.msk.f32 $0xffff, v52  }
0x1f4: {  	v58 =	vor.u32 v4, v56;
	(xrf2) =	vadd.scan.msk.f32 $0xffff, v2  }
0x1f5: {  	s3 =	sadd.s32 $0x1, s22  }
0x1f6: {  	v63 =	vmov s3  }
0x1f7: {  	v59 =	vor.u32 v3, v56;
	v39 =	vshll.u32 v63, $0x6  }
0x1f8: {  	v15 =	vld [tilespmem:$0x1FFF0];
	v31 =	vor.u32 v4, v39  }
0x1f9: {  	v35 =	vld.idx.msk [tilespmem:v58+s5+$0x0], $0xffff  }
0x1fa: {  	v1 =	vld.idx.msk [tilespmem:v58+s26+$0x0], $0xffff  }
0x1fb: {  	v60, _, _ =	vpop (xrf2);
	v52 =	vor.u32 v3, v39;
	v2 =	vld [tilespmem:$0x1FFC0]  }
0x1fc: {  	s28 =	sadd.s32 $0x2, s22;
	v36 =	vld.idx.msk [tilespmem:v59+s5+$0x0], $0xffff;
	v53 =	vmul.u32 $0x50, v45;
	v30, _, _ =	vpop (xrf2);
	v0 =	vmul.f32 $1.442695020e+00, v60  }
0x1fd: {  	v48 =	vmov s28;
	v30 =	vmul.f32 $1.442695020e+00, v30;
	v7 =	vor.u32 v49, v56;
	v43 =	vld.idx.msk [tilespmem:v31+s5+$0x0], $0xffff;
	v50, _, _ =	vpop (xrf2)  }
0x1fe: {  	v40 =	vshll.u32 v48, $0x6;
	v32 =	vor.u32 v49, v53;
	v11 =	vld.idx.msk [tilespmem:v31+s26+$0x0], $0xffff;
	v12 =	vbroadcast v0, $0xF;
	v13, _, _ =	vpop (xrf2)  }
0x1ff: {  	v51 =	vor.u32 v4, v40;
	v30 =	vbroadcast v30, $0xF;
	v5 =	vld.idx.msk [tilespmem:v59+s26+$0x0], $0xffff;
	v54 =	vmul.f32 $1.442695020e+00, v13  }
0x200: {  	v49 =	vld.idx.msk [tilespmem:v52+s5+$0x0], $0xffff;
	(erf) = vpow2.f32 v12;
	v62 =	vor.u32 v2, v56;
	v31 =	vmul.f32 $1.442695020e+00, v50  }
0x201: {  	v18 =	vmov v61;
	v41 =	vld.idx.msk [tilespmem:v52+s26+$0x0], $0xffff;
	(erf) = vpow2.f32 v30;
	v45 =	vbroadcast v54, $0xF  }
0x202: {  	v26 =	vmul.u32 $0x50, v26;
	v47 =	vmul.u32 $0x50, v47;
	v10 =	vmovc v6;
	v61 =	vmovc v48;
	v37 =	vld.idx.msk [tilespmem:v7+s5+$0x0], $0xffff;
	v48 =	vbroadcast v31, $0xF  }
0x203: {  	v44 =	vmul.u32 $0x50, v57;
	[tilespmem:$0x1FE80] =	vst v10;
	v10 =	vlaneseq.u32;
	v7 =	vld.idx.msk [tilespmem:v7+s26+$0x0], $0xffff;
	(erf) = vpow2.f32 v45  }
0x204: {  	v33 =	vmovc v46;
	v42 =	vor.u32 v10, v39;
	v60 =	vor.u32 v3, v40;
	v46 =	vld.idx.msk [tilespmem:v51+s5+$0x0], $0xffff;
	(erf) = vpow2.f32 v48  }
0x205: {  	v57 =	vmov v63;
	v63 =	vor.u32 v3, v53;
	[tilespmem:$0x1FE90] =	vst v61;
	v61 =	vor.u32 v10, v26;
	v38 =	vld.idx.msk [tilespmem:v62+s5+$0x0], $0xffff  }
0x206: {  	v52 =	vor.u32 v3, v44;
	v16 =	vadd.f32 v11, v43;
	v39 =	vor.u32 v2, v39;
	v8 =	vld.idx.msk [tilespmem:v62+s26+$0x0], $0xffff  }
0x207: {  	v12 =	vor.u32 v4, v53;
	v6 =	vadd.f32 v5, v36;
	v5 =	vadd.f32 v1, v35;
	v62 =	vld.idx.msk [tilespmem:v51+s26+$0x0], $0xffff  }
0x208: {  	s23 =	sadd.s32 s12, s20;
	[tilespmem:$0x1FEB0] =	vst v12;
	v12 =	vadd.s32 v3, v26;
	v34 =	vor.u32 v2, v53;
	v14 =	vor.u32 v2, v40  }
0x209: {  	p3 =	slt.u32 s23, $0x50910;
	s3 =	simm.f32 $1.000000000e+00;
	v9 =	vld.idx.msk [tilespmem:v60+s26+$0x0], $0xffff;
	v40 =	vor.u32 v10, v40;
	v30 =	vor.u32 v2, v47;
	v56 =	vadd.s32 v3, v47;
	v58 =	vpop (erf)  }
0x20a: {  	s3 =	simm.s32 @!p3 $0x0;
	v41 =	vadd.f32 v41, v49;
	v50 =	vor.u32 v10, v44;
	v31 =	vadd.s32 v4, v47;
	v48 =	vld.idx.msk [tilespmem:v60+s5+$0x0], $0xffff;
	v60 =	vpop (erf)  }
0x20b: {  	v51 =	vadd.s32 v2, v44;
	v59 =	vld.idx.msk [tilespmem:v39+s5+$0x0], $0xffff;
	v13 =	vadd.s32 v15, v53;
	v60 =	vmul.f32 s3, v60  }
0x20c: {  	v39 =	vld.idx.msk [tilespmem:v39+s26+$0x0], $0xffff;
	v53 =	vadd.s32 v4, v44;
	v44 =	vadd.s32 v15, v44;
	v17 =	vadd.f32 v62, v46;
	v62 =	vpop (erf)  }
0x20d: {  	v1 =	vld [tilespmem:$0x1FEE0];
	[tilespmem:$0x1FEC0] =	vst v13;
	v54 =	vor.u32 v10, v47;
	v13 =	vmul.f32 v60, v21;
	v24 =	vmul.f32 v60, v24;
	v0 =	vpop (erf)  }
0x20e: {  	[tilespmem:$0x1FEA0] =	vst v63;
	v10 =	vadd.s32 v2, v26;
	v62 =	vmul.f32 s3, v62;
	v11 =	vmul.f32 s3, v0;
	v0 =	vld.idx.msk [tilespmem:v42+s5+$0x0], $0xffff  }
0x20f: {  	v47 =	vadd.s32 v15, v47;
	v22 =	vmul.f32 v60, v22;
	v42 =	vld.idx.msk [tilespmem:v42+s26+$0x0], $0xffff;
	[tilespmem:v50+s16+$0x0] =	vst.idx.msk $0xffff, v13  }
0x210: {  	v63 =	vld.idx.msk [tilespmem:v14+s5+$0x0], $0xffff;
	v8 =	vadd.f32 v8, v38;
	v28 =	vmul.f32 v62, v28;
	[tilespmem:v51+s16+$0x0] =	vst.idx.msk $0xffff, v24  }
0x211: {  	v45 =	vld.idx.msk [tilespmem:v14+s26+$0x0], $0xffff;
	v14 =	vadd.s32 v4, v26;
	v29 =	vmul.f32 v62, v29;
	[tilespmem:v52+s16+$0x0] =	vst.idx.msk $0xffff, v22  }
0x212: {  	v26 =	vadd.s32 v15, v26;
	v15 =	vld.idx.msk [tilespmem:v40+s5+$0x0], $0xffff;
	v23 =	vmul.f32 v11, v23;
	[tilespmem:v61+s16+$0x0] =	vst.idx.msk $0xffff, v28  }
0x213: {  	v7 =	vadd.f32 v7, v37;
	v21 =	vld [tilespmem:$0x1FEF0];
	v27 =	vmul.f32 v62, v27;
	[tilespmem:v10+s16+$0x0] =	vst.idx.msk $0xffff, v29  }
0x214: {  	v13 =	vadd.f32 v39, v59;
	v39 =	vmax.f32 v8, $0.0e+00;
	v8 =	vmin.f32 v8, $0.0e+00;
	v28 =	vld.idx.msk [tilespmem:v40+s26+$0x0], $0xffff;
	[tilespmem:v54+s16+$0x0] =	vst.idx.msk $0xffff, v23  }
0x215: {  	v58 =	vmul.f32 s3, v58;
	v9 =	vadd.f32 v9, v48;
	v8 =	vmul.f32 $2.000000030e-01, v8;
	v10 =	vmovc v43;
	[tilespmem:v12+s16+$0x0] =	vst.idx.msk $0xffff, v27  }
0x216: {  	v40 =	vmul.f32 v60, v1;
	v61 =	vmul.f32 v62, v25;
	v43 =	vmov v46;
	[tilespmem:$0x1FEE0] =	vst v10  }
0x217: {  	v25 =	vmul.f32 v11, v19;
	v8 =	vadd.f32 v8, v39;
	v29 =	vmul.f32 v58, v33;
	[tilespmem:$0x1FEF0] =	vst v43  }
0x218: {  	v22 =	vmovc v49;
	v49 =	vlaneseq.u32;
	v46 =	vmovc v35;
	v35 =	vadd.f32 v45, v63;
	v33 =	vmin.f32 v6, $0.0e+00;
	[tilespmem:v53+s16+$0x0] =	vst.idx.msk $0xffff, v40  }
0x219: {  	v54 =	vmin.f32 v17, $0.0e+00;
	v12 =	vmul.f32 v11, v20;
	v27 =	vmul.f32 v11, v21;
	[tilespmem:v30+s16+$0x0] =	vst.idx.msk $0xffff, v25  }
0x21a: {  	v10 =	vmul.f32 v58, v55;
	v40 =	vmax.f32 v16, $0.0e+00;
	v43 =	vmax.f32 v17, $0.0e+00;
	[tilespmem:v14+s16+$0x0] =	vst.idx.msk $0xffff, v61  }
0x21b: {  	v20 =	vmovc v48;
	v48 =	vmin.f32 v16, $0.0e+00;
	v25 =	vmax.f32 v9, $0.0e+00;
	v9 =	vmin.f32 v9, $0.0e+00;
	[tilespmem:v44+s16+$0x0] =	vst.idx.msk $0xffff, v60  }
0x21c: {  	v24 =	vmovc v59;
	v59 =	vmax.f32 v35, $0.0e+00;
	v60 =	vmin.f32 v13, $0.0e+00;
	v9 =	vmul.f32 $2.000000030e-01, v9;
	[tilespmem:v26+s16+$0x0] =	vst.idx.msk $0xffff, v62  }
0x21d: {  	v61 =	vmovc v38;
	v26 =	vmul.f32 v58, v18;
	v38 =	vadd.f32 v42, v0;
	v42 =	vmax.f32 v6, $0.0e+00  }
0x21e: {  	v55 =	vld [tilespmem:$0x1FED0];
	v62 =	vmin.f32 v5, $0.0e+00;
	[tilespmem:v56+s16+$0x0] =	vst.idx.msk $0xffff, v12;
	v56 =	vmax.f32 v13, $0.0e+00;
	v6 =	vmul.f32 $2.000000030e-01, v48  }
0x21f: {  	v21 =	vmovc v0;
	v0 =	vmul.f32 $2.000000030e-01, v54;
	v28 =	vadd.f32 v28, v15;
	v1 =	vmul.f32 $2.000000030e-01, v62  }
0x220: {  	v16 =	vld [tilespmem:$0x1FEA0];
	v23 =	vmovc v15;
	v15 =	vmax.f32 v41, $0.0e+00;
	v41 =	vmin.f32 v41, $0.0e+00;
	v62 =	vmin.f32 v35, $0.0e+00  }
0x221: {  	v19 =	vmovc v63;
	[tilespmem:v31+s16+$0x0] =	vst.idx.msk $0xffff, v27;
	v27 =	vmax.f32 v38, $0.0e+00;
	v63 =	vmin.f32 v38, $0.0e+00;
	v38 =	vmul.f32 $2.000000030e-01, v41  }
0x222: {  	v9 =	vadd.f32 v9, v25;
	[tilespmem:v47+s16+$0x0] =	vst.idx.msk $0xffff, v11;
	v11 =	vmul.f32 $2.000000030e-01, v60;
	v13 =	vmul.f32 $2.000000030e-01, v62  }
0x223: {  	v6 =	vadd.f32 v6, v40;
	v0 =	vadd.f32 v0, v43;
	v14 =	vmul.f32 v58, v55  }
0x224: {  	[tilespmem:$0x1FED0] =	vst v61;
	v61 =	vmovc v36;
	v36 =	vmax.f32 v5, $0.0e+00;
	v55 =	vmovc v37;
	v37 =	vmax.f32 v7, $0.0e+00;
	v7 =	vmin.f32 v7, $0.0e+00  }
0x225: {  	[tilespmem:v32+s16+$0x0] =	vst.idx.msk $0xffff, v10;
	v5 =	vmul.f32 $2.000000030e-01, v33;
	v41 =	vmin.f32 v28, $0.0e+00;
	v10 =	vmul.f32 $2.000000030e-01, v63  }
0x226: {  	v48 =	vmax.f32 v28, $0.0e+00;
	v31 =	vshrl.u32 v9, $0x10;
	v1 =	vadd.f32 v1, v36  }
0x227: {  	v7 =	vmul.f32 $2.000000030e-01, v7;
	v11 =	vadd.f32 v11, v56;
	v13 =	vadd.f32 v13, v59;
	[tilespmem:v34+s16+$0x0] =	vst.idx.msk $0xffff, v14  }
0x228: {  	v43 =	vmul.f32 $2.000000030e-01, v41;
	v5 =	vadd.f32 v5, v42;
	v14 =	vadd.f32 v38, v15;
	[tilespmem:v16+s16+$0x0] =	vst.idx.msk $0xffff, v26;
	v16 =	vld [tilespmem:$0x1FEB0]  }
0x229: {  	v28 =	vshrl.u32 v6, $0x10;
	v10 =	vadd.f32 v10, v27;
	v7 =	vadd.f32 v7, v37  }
0x22a: {  	v25 =	vshrl.u32 v1, $0x10;
	v12 =	vadd.f32 v43, v48;
	v26 =	vshrl.u32 v8, $0x10  }
0x22b: {  	v56 =	vshrl.u32 v11, $0x10;
	v27 =	vshrl.u32 v5, $0x10;
	v25 =	vand.u32 $0x1, v25  }
0x22c: {  	v30 =	vshrl.u32 v14, $0x10;
	v26 =	vand.u32 $0x1, v26;
	v59 =	vshrl.u32 v10, $0x10  }
0x22d: {  	v54 =	vshrl.u32 v7, $0x10;
	v27 =	vand.u32 $0x1, v27;
	v60 =	vshrl.u32 v12, $0x10  }
0x22e: {  	s28 =	sadd.s32 $0x3, s22;
	v1 =	vadd.s32 v25, v1;
	v25 =	vand.u32 $0x1, v28;
	v8 =	vadd.s32 v26, v8  }
0x22f: {  	v62 =	vand.u32 $0x1, v59;
	v26 =	vmov s28;
	v15 =	vand.u32 $0x1, v54  }
0x230: {  	v5 =	vadd.s32 v27, v5;
	v27 =	vand.u32 $0x1, v30;
	v30 =	vand.u32 $0x1, v56;
	[tilespmem:v16+s16+$0x0] =	vst.idx.msk $0xffff, v29;
	v16 =	vld [tilespmem:$0x1FEC0]  }
0x231: {  	v63 =	vand.u32 $0x1, v60;
	v1 =	vadd.s32 $0x7FFF, v1;
	v6 =	vadd.s32 v25, v6  }
0x232: {  	v8 =	vadd.s32 $0x7FFF, v8;
	v25 =	vshll.u32 v26, $0x6;
	v39 =	vadd.s32 v62, v10  }
0x233: {  	v7 =	vadd.s32 v15, v7;
	v5 =	vadd.s32 $0x7FFF, v5;
	v14 =	vadd.s32 v27, v14  }
0x234: {  	v11 =	vadd.s32 v30, v11;
	v27 =	vor.u32 v4, v25;
	v40 =	vadd.s32 v63, v12  }
0x235: {  	v50 =	vld [tilespmem:$0x1FF80];
	v36 =	vand.u32 $0xFFFF0000, v1;
	v37 =	vadd.s32 $0x7FFF, v6;
	v30 =	vor.u32 v3, v25  }
0x236: {  	p1 =	slt.u32 s22, $0x7C;
	v51 =	vld [tilespmem:$0x1FF90];
	v35 =	vand.u32 $0xFFFF0000, v8;
	v32 =	vor.u32 v2, v25;
	v38 =	vadd.s32 $0x7FFF, v7  }
.Ltmp4:
0x237: {  	v52 =	vld [tilespmem:$0x1FFA0];
	v42 =	vadd.s32 $0x7FFF, v14;
	v33 =	vadd.s32 $0x7FFF, v11;
	v29 =	vshrl.u32 v0, $0x10;
	(pc) =	sbr.rel @p1 .LBB2_7-.Ltmp4, $4  }
0x238: {  	v45 =	vld [tilespmem:$0x1FE80];
	v28 =	vand.u32 $0x1, v29;
	v29 =	vand.u32 $0x1, v31;
	[tilespmem:v16+s16+$0x0] =	vst.idx.msk $0xffff, v58;
	v58 =	vshrl.u32 v13, $0x10  }
0x239: {  	v53 =	vld [tilespmem:$0x1FFB0];
	v0 =	vadd.s32 v28, v0;
	v9 =	vadd.s32 v29, v9;
	v31 =	vand.u32 $0x1, v58  }
0x23a: {  	v47 =	vld [tilespmem:$0x1FE90];
	v28 =	vand.u32 $0xFFFF0000, v5;
	v29 =	vor.u32 v49, v25;
	v13 =	vadd.s32 v31, v13  }
0x23b: {  	s12 =	smov.u32 s22;
	s22 =	sadd.s32 $0x4, s22;
	v25 =	vld.idx.msk [tilespmem:v27+s5+$0x0], $0xffff;
	v41 =	vadd.s32 $0x7FFF, v0;
	v34 =	vadd.s32 $0x7FFF, v9;
	v31 =	vadd.s32 $0x7FFF, v13  }
0x23c: {  	_ =	sdelay $0x3  }
0x23d: {  	v6 =	vld.idx.msk [tilespmem:v27+s26+$0x0], $0xffff  }
0x23e: {  	v9 =	vld.idx.msk [tilespmem:v30+s5+$0x0], $0xffff  }
0x23f: {  	v0 =	vand.u32 $0xFFFF0000, v38;
	v1 =	vadd.s32 $0x7FFF, v39;
	v5 =	vadd.s32 $0x7FFF, v40;
	v13 =	vld.idx.msk [tilespmem:v29+s5+$0x0], $0xffff  }
0x240: {  	v8 =	vand.u32 $0xFFFF0000, v37;
	v10 =	vand.u32 $0xFFFF0000, v41;
	v11 =	vmul.f32 v28, v52;
	v15 =	vld.idx.msk [tilespmem:v29+s26+$0x0], $0xffff  }
0x241: {  	v12 =	vand.u32 $0xFFFF0000, v42;
	v14 =	vmul.f32 v35, v51;
	v42 =	vand.u32 $0xFFFF0000, v34;
	v28 =	vld.idx.msk [tilespmem:v32+s5+$0x0], $0xffff  }
0x242: {  	v43 =	vand.u32 $0xFFFF0000, v33;
	v44 =	vld.idx.msk [tilespmem:v32+s26+$0x0], $0xffff;
	v0 =	vmul.f32 v0, v50;
	v1 =	vand.u32 $0xFFFF0000, v1  }
0x243: {  	v48 =	vand.u32 $0xFFFF0000, v31;
	v54 =	vld.idx.msk [tilespmem:v30+s26+$0x0], $0xffff;
	v5 =	vand.u32 $0xFFFF0000, v5;
	v1 =	vmul.f32 v1, v50  }
0x244: {  	v29 =	vmul.f32 v43, v51;
	v5 =	vmul.f32 v5, v50;
	v0 =	vadd.f32 $0.0e+00, v0  }
0x245: {  	v12 =	vmul.f32 v12, v52;
	v27 =	vmul.f32 v42, v52;
	v1 =	vadd.f32 $0.0e+00, v1  }
0x246: {  	v7 =	vmul.f32 v36, v53;
	v5 =	vadd.f32 $0.0e+00, v5;
	v0 =	vadd.f32 v14, v0  }
0x247: {  	v8 =	vmul.f32 v8, v53;
	v56 =	vadd.f32 v15, v13;
	v15 =	vadd.f32 v44, v28  }
0x248: {  	v14 =	vmul.f32 v48, v51;
	v6 =	vadd.f32 v6, v25;
	v60 =	vadd.f32 v54, v9  }
0x249: {  	v1 =	vadd.f32 v29, v1;
	v0 =	vadd.f32 v11, v0;
	v58 =	vmin.f32 v56, $0.0e+00  }
0x24a: {  	v5 =	vadd.f32 v14, v5;
	v11 =	vmax.f32 v56, $0.0e+00;
	v59 =	vmul.f32 $2.000000030e-01, v58  }
0x24b: {  	v62 =	vmin.f32 v15, $0.0e+00;
	v63 =	vmax.f32 v6, $0.0e+00;
	v6 =	vmin.f32 v6, $0.0e+00  }
0x24c: {  	v15 =	vmax.f32 v15, $0.0e+00;
	v2 =	vmul.f32 $2.000000030e-01, v62;
	v11 =	vadd.f32 v59, v11  }
0x24d: {  	v3 =	vmin.f32 v60, $0.0e+00;
	v1 =	vadd.f32 v12, v1;
	v6 =	vmul.f32 $2.000000030e-01, v6  }
0x24e: {  	v12 =	vadd.f32 v2, v15;
	v15 =	vmul.f32 $2.000000030e-01, v3;
	v4 =	vshrl.u32 v11, $0x10  }
0x24f: {  	v14 =	vmax.f32 v60, $0.0e+00;
	v6 =	vadd.f32 v6, v63;
	v32 =	vand.u32 $0x1, v4  }
0x250: {  	v33 =	vshrl.u32 v12, $0x10;
	v14 =	vadd.f32 v15, v14;
	v11 =	vadd.s32 v32, v11  }
0x251: {  	v34 =	vshrl.u32 v6, $0x10;
	v15 =	vand.u32 $0x1, v33;
	v11 =	vadd.s32 $0x7FFF, v11  }
0x252: {  	v12 =	vadd.s32 v15, v12;
	v15 =	vshrl.u32 v14, $0x10;
	v11 =	vand.u32 $0xFFFF0000, v11  }
0x253: {  	v12 =	vadd.s32 $0x7FFF, v12;
	v15 =	vand.u32 $0x1, v15;
	v11 =	vmul.f32 v11, v50  }
0x254: {  	v12 =	vand.u32 $0xFFFF0000, v12;
	v14 =	vadd.s32 v15, v14;
	v15 =	vand.u32 $0x1, v34  }
0x255: {  	v12 =	vmul.f32 v12, v51;
	v14 =	vadd.s32 $0x7FFF, v14;
	v11 =	vadd.f32 $0.0e+00, v11  }
0x256: {  	v10 =	vmul.f32 v10, v53;
	v6 =	vadd.s32 v15, v6;
	v14 =	vand.u32 $0xFFFF0000, v14  }
0x257: {  	v6 =	vadd.s32 $0x7FFF, v6;
	v35 =	vmul.f32 v14, v52;
	v11 =	vadd.f32 v12, v11  }
0x258: {  	v0 =	vadd.f32 v7, v0;
	v5 =	vadd.f32 v27, v5;
	v6 =	vand.u32 $0xFFFF0000, v6  }
0x259: {  	v1 =	vadd.f32 v8, v1;
	v6 =	vmul.f32 v6, v53;
	v36 =	vadd.f32 v35, v11  }
0x25a: {  	(xrf2) =	vadd.scan.msk.f32 $0xffff, v0;
	v37 =	vadd.f32 v10, v5  }
0x25b: {  	(xrf2) =	vadd.scan.msk.f32 $0xffff, v1;
	v38 =	vadd.f32 v6, v36  }
0x25c: {  	(xrf2) =	vadd.scan.msk.f32 $0xffff, v37  }
0x25d: {  	(xrf2) =	vadd.scan.msk.f32 $0xffff, v38;
	_ =	sdelay $0x6  }
0x25e: {  	v39, _, _ =	vpop (xrf2)  }
0x25f: {  	v40, _, _ =	vpop (xrf2)  }
0x260: {  	v0 =	vmul.f32 $1.442695020e+00, v39;
	v41, _, _ =	vpop (xrf2)  }
0x261: {  	v1 =	vmul.f32 $1.442695020e+00, v40;
	v42, _, _ =	vpop (xrf2)  }
0x262: {  	v0 =	vbroadcast v0, $0xF;
	v6 =	vmul.f32 $1.442695020e+00, v42  }
0x263: {  	v1 =	vbroadcast v1, $0xF  }
0x264: {  	(erf) = vpow2.f32 v0;
	v6 =	vbroadcast v6, $0xF  }
0x265: {  	(erf) = vpow2.f32 v1  }
0x266: {  	(erf) = vpow2.f32 v6;
	_ =	sdelay $0x4  }
0x267: {  	v2 =	vld [tilespmem:$0x1FFC0]  }
0x268: {  	s3 =	sadd.s32 s12, s20;
	v62 =	vmul.u32 $0x50, v57;
	v3 =	vld [tilespmem:$0x1FFD0]  }
0x269: {  	p1 =	slt.u32 s3, $0x50910;
	s3 =	simm.f32 $1.000000000e+00;
	v44 =	vmul.u32 $0x50, v26;
	v4 =	vld [tilespmem:$0x1FFE0];
	v43 =	vmul.f32 $1.442695020e+00, v41;
	v5 =	vpop (erf)  }
0x26a: {  	v16 =	vld [tilespmem:$0x1FFF0];
	s3 =	simm.s32 @!p1 $0x0;
	v15 =	vor.u32 v49, v62;
	v48 =	vpop (erf)  }
0x26b: {  	v54 =	vor.u32 v49, v44;
	v0 =	vbroadcast v43, $0xF;
	v6 =	vmul.f32 s3, v48;
	v56 =	vpop (erf)  }
0x26c: {  	v59 =	vadd.s32 v2, v44;
	v58 =	vmul.f32 s3, v56  }
0x26d: {  	v60 =	vadd.s32 v3, v44;
	(erf) = vpow2.f32 v0;
	v34 =	vmul.f32 v6, v21  }
0x26e: {  	v26 =	vadd.s32 v4, v44;
	v63 =	vmul.f32 v58, v13  }
0x26f: {  	v1 =	vadd.s32 v16, v44;
	[tilespmem:v15+s16+$0x0] =	vst.idx.msk $0xffff, v34;
	v27 =	vmul.f32 v58, v28  }
0x270: {  	v28 =	vmul.f32 v58, v9;
	[tilespmem:v54+s16+$0x0] =	vst.idx.msk $0xffff, v63  }
0x271: {  	v30 =	vmul.f32 v58, v25;
	[tilespmem:v59+s16+$0x0] =	vst.idx.msk $0xffff, v27  }
0x272: {  	[tilespmem:v60+s16+$0x0] =	vst.idx.msk $0xffff, v28  }
0x273: {  	[tilespmem:v26+s16+$0x0] =	vst.idx.msk $0xffff, v30  }
0x274: {  	v32 =	vmul.u32 $0x50, v47;
	v29 =	vadd.s32 v2, v62;
	[tilespmem:v1+s16+$0x0] =	vst.idx.msk $0xffff, v58  }
0x275: {  	v31 =	vor.u32 v3, v62;
	v15 =	vld [tilespmem:$0x1FEE0]  }
0x276: {  	v37 =	vor.u32 v49, v32;
	v38 =	vpop (erf)  }
0x277: {  	v33 =	vadd.s32 v4, v62;
	v36 =	vmul.f32 v6, v24;
	v1 =	vmul.f32 s3, v38  }
0x278: {  	v35 =	vadd.s32 v16, v62;
	v39 =	vmul.f32 v6, v22  }
0x279: {  	[tilespmem:v29+s16+$0x0] =	vst.idx.msk $0xffff, v36;
	v44 =	vmul.f32 v1, v23  }
0x27a: {  	[tilespmem:v31+s16+$0x0] =	vst.idx.msk $0xffff, v39;
	v15 =	vmul.f32 v6, v15  }
0x27b: {  	[tilespmem:v37+s16+$0x0] =	vst.idx.msk $0xffff, v44  }
0x27c: {  	[tilespmem:v33+s16+$0x0] =	vst.idx.msk $0xffff, v15  }
0x27d: {  	[tilespmem:v35+s16+$0x0] =	vst.idx.msk $0xffff, v6  }
0x27e: {  	v40 =	vor.u32 v2, v32;
	v13 =	vld [tilespmem:$0x1FEF0]  }
0x27f: {  	v41 =	vadd.s32 v3, v32  }
0x280: {  	v43 =	vadd.s32 v4, v32  }
0x281: {  	v42 =	vmul.u32 $0x50, v45;
	v45 =	vmul.f32 v1, v19  }
0x282: {  	v48 =	vmul.f32 v1, v20  }
0x283: {  	[tilespmem:v40+s16+$0x0] =	vst.idx.msk $0xffff, v45;
	v13 =	vmul.f32 v1, v13  }
0x284: {  	[tilespmem:v41+s16+$0x0] =	vst.idx.msk $0xffff, v48  }
0x285: {  	[tilespmem:v43+s16+$0x0] =	vst.idx.msk $0xffff, v13  }
0x286: {  	v7 =	vadd.s32 v16, v32;
	v59 =	vld [tilespmem:$0x1FED0]  }
0x287: {  	v47 =	vor.u32 v49, v42  }
0x288: {  	v5 =	vmul.f32 s3, v5;
	v54 =	vor.u32 v2, v42  }
0x289: {  	v56 =	vor.u32 v3, v42  }
0x28a: {  	v57 =	vor.u32 v4, v42;
	v58 =	vmul.f32 v5, v55  }
0x28b: {  	v11 =	vadd.s32 v16, v42;
	[tilespmem:v7+s16+$0x0] =	vst.idx.msk $0xffff, v1;
	v60 =	vmul.f32 v5, v59  }
0x28c: {  	v62 =	vmul.f32 v5, v61;
	[tilespmem:v47+s16+$0x0] =	vst.idx.msk $0xffff, v58  }
.Ltmp5:
0x28d: {  	v63 =	vmul.f32 v5, v46;
	[tilespmem:v54+s16+$0x0] =	vst.idx.msk $0xffff, v60;
	(pc) =	sbr.rel @p2 .LBB2_10-.Ltmp5, $4  }
0x28e: {  	[tilespmem:v56+s16+$0x0] =	vst.idx.msk $0xffff, v62  }
0x28f: {  	[tilespmem:v57+s16+$0x0] =	vst.idx.msk $0xffff, v63  }
0x290: {  	[tilespmem:v11+s16+$0x0] =	vst.idx.msk $0xffff, v5  }
0x291: {  	[spmem:s2] =	stream.indirect.scatter.add.f32 [tilespmem:s16], [sflag:$0x6], $0x50, s1, s29, $0xb8;
	[tilespmem:$0x1D690] =	vst v63  }
0x292: {  	s3 =	rddreg [dreg:$0xc]  }
0x293: {  	s3 =	sadd.s32 s9, s3  }
0x294: {  	s3 =	sshrl.u32 s3, $0x3  }
0x295: {  	s12 =	simm.s32 $0x0;
	s28 =	sadd.s32 s7, s3  }
0x296: {  	[tilespmem:s0], [sflag:$0x7] =	stream.linear.gather [hbm4b:s28+s12], $0x80, $0x38;
	[tilespmem:$0x1D690] =	vst v63  }
0x297: {  	_ =	swait.ge [sflag:s25], $0x80  }
0x298: {  	[sflag:s25] =	ssyncset.done $0x0  }
0x299: {  	s3 =	sadd.s32 s8, s3;
	[sflag:s25] =	ssyncadd.s32 $0xFFFFFF80  }
0x29a: {  	[tilespmem:s1], [sflag:$0x7] =	stream.linear.gather [hbm4b:s3+s12], $0x80, $0x38;
	[tilespmem:$0x1D690] =	vst v63  }
0x29b: {  	_ =	swait.ge [sflag:s25], $0x80  }
.Ltmp6:
0x29c: {  	[sflag:s25] =	ssyncset.done $0x0;
	(pc) =	sbr.rel .LBB2_4-.Ltmp6, $4  }
0x29d: {  	s18 =	simm.s32 $0x0;
	[sflag:s25] =	ssyncadd.s32 $0xFFFFFF80  }
0x29e: {  	[tilespmem:s5], [sflag:$0x3] =	stream.indirect.gather [hbm4b:s4+s29], $0x40, s0, s29, $0xb8;
	[tilespmem:$0x1D690] =	vst v63  }
0x29f: {  	s21 =	sadd.s32 $0x1, s21;
	s19 =	sadd.s32 $0x100, s19;
	s20 =	sadd.s32 $0x100, s20  }
0x2a0: {  	[tilespmem:s26], [sflag:$0x4] =	stream.indirect.gather [hbm4b:s6+s29], $0x40, s1, s29, $0xb8;
	[tilespmem:$0x1D690] =	vst v63  }
.LBB2_11:
0x2a1: {  	_ =	sfence.sel $0x180000  }
0x2a2: {  	[bflag:$0x0] =	sbarrier.arrive $0xFFFF  }
0x2a3: {  	_ =	strace $0x90000047  }
0x2a4: {  	s0 =	stileid.u32;
	[bflag:$0x2] =	sbarrier.arrive $0xFFFF  }
0x2a5: {  	p0 =	sne.s32 s0, $0x0;
	s0 =	rddreg [dreg:$0x3]  }
0x2a6: {  	s0 =	sadd.s32 @!p0 $0x100000, s0  }
0x2a7: {  	[sflag:s0] =	ssyncadd.tile.s32 @!p0 $0x1;
	_ =	shalt  }
.Lfunc_end2:
_tile_overlayer_lowered:
.L_overlay_start_2:
0x2a8: {  	(tag) =	ssettag $0x2  }
0x2a9: {  	s0 =	rddreg [dreg:$0x0];
	s2 =	stileid.u32  }
0x2aa: {  	s1 =	rddreg [dreg:$0x1];
	p0 =	sne.s32 s2, $0x0  }
0x2ab: {  	s3 =	rddreg [dreg:$0x2];
	[bflag:$0x3] =	sbarrier.arrive $0xFFFF;
	s2 =	simm.s32 @!p0 $0x1C07  }
0x2ac: {  	[timem:s3], [sflag:s2] =	dma.local @!p0 [hbm:s0], s1  }
0x2ad: {  	s0 =	simm.s32 @!p0 $0x7  }
0x2ae: {  	_ =	swait.ge @!p0 [sflag:s0], s1  }
0x2af: {  	s1 =	ssub.s32 @!p0 $0x0, s1;
	[sflag:s0] =	ssyncset.done @!p0 $0x0  }
0x2b0: {  	[sflag:s0] =	ssyncadd.s32 @!p0 s1  }
0x2b1: {  	[bflag:$0x3] =	sbarrier.arrive $0xFFFF  }
0x2b2: {  	_ =	shalt  }

</sc_bundles>
